<compile_context>
chip_gen: v7x
topology: tpu7x:2x2x1
jax: 0.10.2.dev20260603
libtpu: 0.0.44.dev20260713+nightly
codegen_flags: <defaults>
</compile_context>

<pallas_src>
import functools

import jax
import jax.numpy as jnp
from jax import lax
from jax.experimental import pallas as pl
from jax.experimental.pallas import tpu as pltpu
from jax.experimental.pallas import tpu_sc as plsc

EMBED_DIM = 32
BATCH = 16384
VOCAB = 1_000_000

_info = plsc.get_sparse_core_info()
_NC, _NS = _info.num_cores, _info.num_subcores
_NW = _NC * _NS

_NTC_FULL = VOCAB // 128
_TAIL = VOCAB - _NTC_FULL * 128
_ROWS = (_NTC_FULL + 1) * EMBED_DIM
_WLIN_WORDS = _ROWS * 128
_IGNORE = -1


_CH = 6
_NCH = _NTC_FULL // _CH


def _make_reformat(D):
    mesh = plsc.VectorSubcoreMesh(core_axis_name="c", subcore_axis_name="s")
    n_iter = (_NCH + _NW - 1) // _NW

    @functools.partial(
        pl.kernel,
        mesh=mesh,
        out_type=jax.ShapeDtypeStruct((_ROWS, 128), jnp.float32),
        scratch_types=[
            pltpu.VMEM((4, D, _CH * 128), jnp.float32),
            pltpu.VMEM((D, _TAIL), jnp.float32),
            pltpu.SemaphoreType.DMA,
            pltpu.SemaphoreType.DMA,
        ],
    )
    def reformat_kernel(wt_hbm, wlin_hbm, bufs, tail_buf, sem_r, sem_w):
        wid = lax.axis_index("s") * _NC + lax.axis_index("c")

        def ch_of(i):
            return wid + i * _NW

        def read(i, slot):
            ch = ch_of(i)

            @pl.when(ch < _NCH)
            def _():
                pltpu.async_copy(
                    wt_hbm.at[:, pl.ds(ch * _CH * 128, _CH * 128)],
                    bufs.at[slot],
                    sem_r,
                )

        def wait_read(i, slot):
            ch = ch_of(i)

            @pl.when(ch < _NCH)
            def _():
                pltpu.make_async_copy(
                    wt_hbm.at[:, pl.ds(0, _CH * 128)], bufs.at[slot], sem_r
                ).wait()

        def write(i, slot):
            ch = ch_of(i)

            @pl.when(ch < _NCH)
            def _():
                for q in range(_CH):
                    pltpu.async_copy(
                        bufs.at[slot, :, pl.ds(q * 128, 128)],
                        wlin_hbm.at[pl.ds((ch * _CH + q) * D, D), :],
                        sem_w,
                    )

        def wait_write(i, slot):
            ch = ch_of(i)

            @pl.when(ch < _NCH)
            def _():
                for _q in range(_CH):
                    pltpu.make_async_copy(
                        bufs.at[slot, :, pl.ds(0, 128)],
                        wlin_hbm.at[pl.ds(0, D), :],
                        sem_w,
                    ).wait()

        @pl.when(wid == 0)
        def _():
            pltpu.sync_copy(
                wt_hbm.at[:, pl.ds(_NTC_FULL * 128, _TAIL)], tail_buf
            )
            for r in range(D):
                for q in range(_TAIL // 16):
                    bufs[3, r, pl.ds(q * 16, 16)] = tail_buf[r, pl.ds(q * 16, 16)]
            pltpu.sync_copy(
                bufs.at[3, :, pl.ds(0, 128)],
                wlin_hbm.at[pl.ds(_NTC_FULL * D, D), :],
            )

        read(0, 0)
        read(1, 1)
        read(2, 2)

        def body(i, _):
            slot = lax.rem(i, 4)
            wait_read(i, slot)
            write(i, slot)

            @pl.when(i >= 1)
            def _():
                wait_write(i - 1, lax.rem(i - 1, 4))

            @pl.when(i + 3 < n_iter)
            def _():
                read(i + 3, lax.rem(i + 3, 4))

            return 0

        lax.fori_loop(0, n_iter, body, 0, unroll=1)
        wait_write(n_iter - 1, lax.rem(n_iter - 1, 4))

    return reformat_kernel


def _make_gather(D, B):
    b_per_w = B // _NW
    mesh = plsc.VectorSubcoreMesh(core_axis_name="c", subcore_axis_name="s")

    @functools.partial(
        pl.kernel,
        mesh=mesh,
        out_type=jax.ShapeDtypeStruct((D, B), jnp.float32),
        scratch_types=[
            pltpu.VMEM((b_per_w,), jnp.int32),
            pltpu.VMEM((b_per_w,), jnp.int32),
            pltpu.VMEM((D, b_per_w), jnp.float32),
            pltpu.SemaphoreType.DMA,
        ],
        compiler_params=pltpu.CompilerParams(use_tc_tiling_on_sc=False),
    )
    def gather_kernel(idx_hbm, wlin_hbm, out_hbm, idx_v, main_v, stage_v, sem):
        wid = lax.axis_index("s") * _NC + lax.axis_index("c")
        base = wid * b_per_w

        pltpu.sync_copy(idx_hbm.at[pl.ds(base, b_per_w)], idx_v)

        def prep(k, _):
            v = idx_v[pl.ds(k * 16, 16)]
            main_v[pl.ds(k * 16, 16)] = (
                lax.shift_left(lax.shift_right_logical(v, 7), 12)
                + lax.bitwise_and(v, 127)
            )
            return 0

        lax.fori_loop(0, b_per_w // 16, prep, 0, unroll=1)

        for c in range(D):
            pltpu.async_copy(
                wlin_hbm.at[pl.ds(c * 128, _WLIN_WORDS - c * 128)].at[main_v],
                stage_v.at[c],
                sem,
            )
        for c in range(D):
            pltpu.make_async_copy(
                wlin_hbm.at[pl.ds(0, _WLIN_WORDS)].at[main_v],
                stage_v.at[c],
                sem,
            ).wait()

        pltpu.sync_copy(stage_v, out_hbm.at[:, pl.ds(base, b_per_w)])

    return gather_kernel


_reformat = _make_reformat(EMBED_DIM)
_gather = _make_gather(EMBED_DIM, BATCH)


@jax.jit
def kernel(indices, weight):
    wlin = _reformat(weight.T)
    out_t = _gather(indices.astype(jnp.int32), wlin.reshape(-1))
    return out_t.T

# --- scband reference (transcript-rebuilt; emitter-appended) ---
"""Pipeline reference for scband-dynamic-vocab-embedder-35270271434826 (READ-ONLY COPY).

The authoritative reference and input builder live on the scoring server;
editing this copy changes nothing except your own understanding.
"""

import jax, jax.numpy as jnp
import numpy as np

MAX_VOCAB_SIZE = 1000000
EMBED_DIM = 32
BATCH = 16384


def _xavier_uniform(key, shape):
    fan_in, fan_out = shape[1], shape[0]
    bound = float(np.sqrt(6.0 / (fan_in + fan_out)))
    return jax.random.uniform(key, shape, dtype=jnp.float32, minval=-bound, maxval=bound)


def setup_inputs(seed: int = 0) -> dict:
    key = jax.random.key(seed)
    k_idx, k_w = jax.random.split(key)
    # In the torch module, inputs are hashable objects mapped to vocab indices
    # dynamically. For a production-scale benchmark we model the steady state:
    # a batch of already-assigned vocab indices in [0, max_vocab_size).
    indices = jax.random.randint(k_idx, (BATCH,), 0, MAX_VOCAB_SIZE, dtype=jnp.int64)
    # nn.Embedding weight initialized with xavier_uniform_
    weight = _xavier_uniform(k_w, (MAX_VOCAB_SIZE, EMBED_DIM))
    return {"indices": indices, "weight": weight}


def reference(indices, weight):
    # DynamicVocabEmbedder.forward: embeddings = self._embedding(indices)
    return jnp.take(weight, indices, axis=0)

if __name__ == "__main__":
    import jax
    _d = setup_inputs()
    print(jax.jit(kernel)(*tuple(_d.values())))

</pallas_src>

<mosaic_0001>
#map = affine_map<(d0, d1) -> (0, 0)>
module attributes {stable_mosaic.version = 14 : i64} {
  func.func @reformat_kernel(%arg0: i32, %arg1: i32, %arg2: memref<32x1000000xf32, #tpu.memory_space<hbm>>, %arg3: memref<250016x128xf32, #tpu.memory_space<hbm>>, %arg4: memref<4x32x768xf32, #tpu.memory_space<vmem>>, %arg5: memref<32x64xf32, #tpu.memory_space<vmem>>, %arg6: memref<!tpu.dma_semaphore, #tpu.memory_space<semaphore_mem>>, %arg7: memref<!tpu.dma_semaphore, #tpu.memory_space<semaphore_mem>>) attributes {dimension_semantics = [#tpu.dimension_semantics<core_parallel>, #tpu.dimension_semantics<subcore_parallel>], iteration_bounds = array<i64: 2, 16>, scalar_prefetch = 0 : i64, scratch_operands = 4 : i64, tpu.core_type = #tpu.core_type<sc_vector_subcore>, window_params = [{transform_indices = #map}, {transform_indices = #map}]} {
    %mul3A = arith.constant 2 : i32
    %mul3A_0 = arith.muli %arg1, %mul3A : i32
    %add3A = arith.addi %mul3A_0, %arg0 : i32
    %eq3A = arith.constant 0 : i32
    %eq3A_1 = arith.cmpi eq, %add3A, %eq3A : i32
    %convert_element_type3A = arith.extui %eq3A_1 : i1 to i32
    %cond3A = arith.constant 0 : i32
    %cond3A_2 = arith.cmpi ne, %convert_element_type3A, %cond3A : i32
    scf.if %cond3A_2 {
      "tpu.region"() ({
        %run_scoped3A_1700 = tpu.sem_alloc : memref<!tpu.dma_semaphore, #tpu.memory_space<semaphore_mem>>
        %dma_start3A = arith.constant 0 : i32
        %dma_start3A_1701 = arith.constant 999936 : i32
        %dma_start3A_1702 = tpu.memref_slice %arg2[%dma_start3A, %dma_start3A_1701] : memref<32x1000000xf32, #tpu.memory_space<hbm>> -> memref<32x64xf32, #tpu.memory_space<hbm>>
        %dma_start3A_1703 = arith.constant 0 : i32
        %dma_start3A_1704 = arith.constant 999936 : i32
        %dma_start3A_1705 = tpu.memref_slice %arg2[%dma_start3A_1703, %dma_start3A_1704] : memref<32x1000000xf32, #tpu.memory_space<hbm>> -> memref<32x64xf32, #tpu.memory_space<hbm>>
        tpu.enqueue_dma source(%dma_start3A_1705 : memref<32x64xf32, #tpu.memory_space<hbm>>) target(%arg5 : memref<32x64xf32, #tpu.memory_space<vmem>>) target_semaphore(%run_scoped3A_1700 : memref<!tpu.dma_semaphore, #tpu.memory_space<semaphore_mem>>)
        %dma_wait3A = arith.constant 0 : i32
        %dma_wait3A_1706 = arith.constant 999936 : i32
        %dma_wait3A_1707 = tpu.memref_slice %arg2[%dma_wait3A, %dma_wait3A_1706] : memref<32x1000000xf32, #tpu.memory_space<hbm>> -> memref<32x64xf32, #tpu.memory_space<hbm>>
        %dma_wait3A_1708 = arith.constant 0 : i32
        %dma_wait3A_1709 = arith.constant 999936 : i32
        %dma_wait3A_1710 = tpu.memref_slice %arg2[%dma_wait3A_1708, %dma_wait3A_1709] : memref<32x1000000xf32, #tpu.memory_space<hbm>> -> memref<32x64xf32, #tpu.memory_space<hbm>>
        tpu.wait_dma2 semaphore(%run_scoped3A_1700 : memref<!tpu.dma_semaphore, #tpu.memory_space<semaphore_mem>>) src(%dma_wait3A_1710 : memref<32x64xf32, #tpu.memory_space<hbm>>) dst(%arg5 : memref<32x64xf32, #tpu.memory_space<vmem>>)
        tpu.yield
      }) : () -> ()
      %get3A = arith.constant 0 : i32
      %get3A_38 = arith.index_cast %get3A : i32 to index
      %get3A_39 = arith.constant 0 : index
      %get3A_40 = tpu.vector_load %arg5[%get3A_38, %get3A_39] {strides = array<i32>} : memref<32x64xf32, #tpu.memory_space<vmem>>, vector<1x16xf32>,
      %get3A_41 = vector.shape_cast %get3A_40 : vector<1x16xf32> to vector<16xf32>
      %swap3A = arith.constant 3 : i32
      %swap3A_42 = arith.constant 0 : i32
      %swap3A_43 = arith.index_cast %swap3A : i32 to index
      %swap3A_44 = arith.index_cast %swap3A_42 : i32 to index
      %swap3A_45 = arith.constant 0 : index
      %swap3A_46 = tpu.vector_load %arg4[%swap3A_43, %swap3A_44, %swap3A_45] {strides = array<i32>} : memref<4x32x768xf32, #tpu.memory_space<vmem>>, vector<1x1x16xf32>,
      %swap3A_47 = vector.shape_cast %swap3A_46 : vector<1x1x16xf32> to vector<16xf32>
      %swap3A_48 = vector.shape_cast %get3A_41 : vector<16xf32> to vector<1x1x16xf32>
      tpu.vector_store %arg4[%swap3A_43, %swap3A_44, %swap3A_45], %swap3A_48 {strides = array<i32>} : memref<4x32x768xf32, #tpu.memory_space<vmem>>, vector<1x1x16xf32>,
      %get3A_49 = arith.constant 0 : i32
      %get3A_50 = arith.index_cast %get3A_49 : i32 to index
      %get3A_51 = arith.constant 16 : index
      %get3A_52 = tpu.vector_load %arg5[%get3A_50, %get3A_51] {strides = array<i32>} : memref<32x64xf32, #tpu.memory_space<vmem>>, vector<1x16xf32>,
      %get3A_53 = vector.shape_cast %get3A_52 : vector<1x16xf32> to vector<16xf32>
      %swap3A_54 = arith.constant 3 : i32
      %swap3A_55 = arith.constant 0 : i32
      %swap3A_56 = arith.index_cast %swap3A_54 : i32 to index
      %swap3A_57 = arith.index_cast %swap3A_55 : i32 to index
      %swap3A_58 = arith.constant 16 : index
      %swap3A_59 = tpu.vector_load %arg4[%swap3A_56, %swap3A_57, %swap3A_58] {strides = array<i32>} : memref<4x32x768xf32, #tpu.memory_space<vmem>>, vector<1x1x16xf32>,
      %swap3A_60 = vector.shape_cast %swap3A_59 : vector<1x1x16xf32> to vector<16xf32>
      %swap3A_61 = vector.shape_cast %get3A_53 : vector<16xf32> to vector<1x1x16xf32>
      tpu.vector_store %arg4[%swap3A_56, %swap3A_57, %swap3A_58], %swap3A_61 {strides = array<i32>} : memref<4x32x768xf32, #tpu.memory_space<vmem>>, vector<1x1x16xf32>,
      %get3A_62 = arith.constant 0 : i32
      %get3A_63 = arith.index_cast %get3A_62 : i32 to index
      %get3A_64 = arith.constant 32 : index
      %get3A_65 = tpu.vector_load %arg5[%get3A_63, %get3A_64] {strides = array<i32>} : memref<32x64xf32, #tpu.memory_space<vmem>>, vector<1x16xf32>,
      %get3A_66 = vector.shape_cast %get3A_65 : vector<1x16xf32> to vector<16xf32>
      %swap3A_67 = arith.constant 3 : i32
      %swap3A_68 = arith.constant 0 : i32
      %swap3A_69 = arith.index_cast %swap3A_67 : i32 to index
      %swap3A_70 = arith.index_cast %swap3A_68 : i32 to index
      %swap3A_71 = arith.constant 32 : index
      %swap3A_72 = tpu.vector_load %arg4[%swap3A_69, %swap3A_70, %swap3A_71] {strides = array<i32>} : memref<4x32x768xf32, #tpu.memory_space<vmem>>, vector<1x1x16xf32>,
      %swap3A_73 = vector.shape_cast %swap3A_72 : vector<1x1x16xf32> to vector<16xf32>
      %swap3A_74 = vector.shape_cast %get3A_66 : vector<16xf32> to vector<1x1x16xf32>
      tpu.vector_store %arg4[%swap3A_69, %swap3A_70, %swap3A_71], %swap3A_74 {strides = array<i32>} : memref<4x32x768xf32, #tpu.memory_space<vmem>>, vector<1x1x16xf32>,
      %get3A_75 = arith.constant 0 : i32
      %get3A_76 = arith.index_cast %get3A_75 : i32 to index
      %get3A_77 = arith.constant 48 : index
      %get3A_78 = tpu.vector_load %arg5[%get3A_76, %get3A_77] {strides = array<i32>} : memref<32x64xf32, #tpu.memory_space<vmem>>, vector<1x16xf32>,
      %get3A_79 = vector.shape_cast %get3A_78 : vector<1x16xf32> to vector<16xf32>
      %swap3A_80 = arith.constant 3 : i32
      %swap3A_81 = arith.constant 0 : i32
      %swap3A_82 = arith.index_cast %swap3A_80 : i32 to index
      %swap3A_83 = arith.index_cast %swap3A_81 : i32 to index
      %swap3A_84 = arith.constant 48 : index
      %swap3A_85 = tpu.vector_load %arg4[%swap3A_82, %swap3A_83, %swap3A_84] {strides = array<i32>} : memref<4x32x768xf32, #tpu.memory_space<vmem>>, vector<1x1x16xf32>,
      %swap3A_86 = vector.shape_cast %swap3A_85 : vector<1x1x16xf32> to vector<16xf32>
      %swap3A_87 = vector.shape_cast %get3A_79 : vector<16xf32> to vector<1x1x16xf32>
      tpu.vector_store %arg4[%swap3A_82, %swap3A_83, %swap3A_84], %swap3A_87 {strides = array<i32>} : memref<4x32x768xf32, #tpu.memory_space<vmem>>, vector<1x1x16xf32>,
      %get3A_88 = arith.constant 1 : i32
      %get3A_89 = arith.index_cast %get3A_88 : i32 to index
      %get3A_90 = arith.constant 0 : index
      %get3A_91 = tpu.vector_load %arg5[%get3A_89, %get3A_90] {strides = array<i32>} : memref<32x64xf32, #tpu.memory_space<vmem>>, vector<1x16xf32>,
      %get3A_92 = vector.shape_cast %get3A_91 : vector<1x16xf32> to vector<16xf32>
      %swap3A_93 = arith.constant 3 : i32
      %swap3A_94 = arith.constant 1 : i32
      %swap3A_95 = arith.index_cast %swap3A_93 : i32 to index
      %swap3A_96 = arith.index_cast %swap3A_94 : i32 to index
      %swap3A_97 = arith.constant 0 : index
      %swap3A_98 = tpu.vector_load %arg4[%swap3A_95, %swap3A_96, %swap3A_97] {strides = array<i32>} : memref<4x32x768xf32, #tpu.memory_space<vmem>>, vector<1x1x16xf32>,
      %swap3A_99 = vector.shape_cast %swap3A_98 : vector<1x1x16xf32> to vector<16xf32>
      %swap3A_100 = vector.shape_cast %get3A_92 : vector<16xf32> to vector<1x1x16xf32>
      tpu.vector_store %arg4[%swap3A_95, %swap3A_96, %swap3A_97], %swap3A_100 {strides = array<i32>} : memref<4x32x768xf32, #tpu.memory_space<vmem>>, vector<1x1x16xf32>,
      %get3A_101 = arith.constant 1 : i32
      %get3A_102 = arith.index_cast %get3A_101 : i32 to index
      %get3A_103 = arith.constant 16 : index
      %get3A_104 = tpu.vector_load %arg5[%get3A_102, %get3A_103] {strides = array<i32>} : memref<32x64xf32, #tpu.memory_space<vmem>>, vector<1x16xf32>,
      %get3A_105 = vector.shape_cast %get3A_104 : vector<1x16xf32> to vector<16xf32>
      %swap3A_106 = arith.constant 3 : i32
      %swap3A_107 = arith.constant 1 : i32
      %swap3A_108 = arith.index_cast %swap3A_106 : i32 to index
      %swap3A_109 = arith.index_cast %swap3A_107 : i32 to index
      %swap3A_110 = arith.constant 16 : index
      %swap3A_111 = tpu.vector_load %arg4[%swap3A_108, %swap3A_109, %swap3A_110] {strides = array<i32>} : memref<4x32x768xf32, #tpu.memory_space<vmem>>, vector<1x1x16xf32>,
      %swap3A_112 = vector.shape_cast %swap3A_111 : vector<1x1x16xf32> to vector<16xf32>
      %swap3A_113 = vector.shape_cast %get3A_105 : vector<16xf32> to vector<1x1x16xf32>
      tpu.vector_store %arg4[%swap3A_108, %swap3A_109, %swap3A_110], %swap3A_113 {strides = array<i32>} : memref<4x32x768xf32, #tpu.memory_space<vmem>>, vector<1x1x16xf32>,
      %get3A_114 = arith.constant 1 : i32
      %get3A_115 = arith.index_cast %get3A_114 : i32 to index
      %get3A_116 = arith.constant 32 : index
      %get3A_117 = tpu.vector_load %arg5[%get3A_115, %get3A_116] {strides = array<i32>} : memref<32x64xf32, #tpu.memory_space<vmem>>, vector<1x16xf32>,
      %get3A_118 = vector.shape_cast %get3A_117 : vector<1x16xf32> to vector<16xf32>
      %swap3A_119 = arith.constant 3 : i32
      %swap3A_120 = arith.constant 1 : i32
      %swap3A_121 = arith.index_cast %swap3A_119 : i32 to index
      %swap3A_122 = arith.index_cast %swap3A_120 : i32 to index
      %swap3A_123 = arith.constant 32 : index
      %swap3A_124 = tpu.vector_load %arg4[%swap3A_121, %swap3A_122, %swap3A_123] {strides = array<i32>} : memref<4x32x768xf32, #tpu.memory_space<vmem>>, vector<1x1x16xf32>,
      %swap3A_125 = vector.shape_cast %swap3A_124 : vector<1x1x16xf32> to vector<16xf32>
      %swap3A_126 = vector.shape_cast %get3A_118 : vector<16xf32> to vector<1x1x16xf32>
      tpu.vector_store %arg4[%swap3A_121, %swap3A_122, %swap3A_123], %swap3A_126 {strides = array<i32>} : memref<4x32x768xf32, #tpu.memory_space<vmem>>, vector<1x1x16xf32>,
      %get3A_127 = arith.constant 1 : i32
      %get3A_128 = arith.index_cast %get3A_127 : i32 to index
      %get3A_129 = arith.constant 48 : index
      %get3A_130 = tpu.vector_load %arg5[%get3A_128, %get3A_129] {strides = array<i32>} : memref<32x64xf32, #tpu.memory_space<vmem>>, vector<1x16xf32>,
      %get3A_131 = vector.shape_cast %get3A_130 : vector<1x16xf32> to vector<16xf32>
      %swap3A_132 = arith.constant 3 : i32
      %swap3A_133 = arith.constant 1 : i32
      %swap3A_134 = arith.index_cast %swap3A_132 : i32 to index
      %swap3A_135 = arith.index_cast %swap3A_133 : i32 to index
      %swap3A_136 = arith.constant 48 : index
      %swap3A_137 = tpu.vector_load %arg4[%swap3A_134, %swap3A_135, %swap3A_136] {strides = array<i32>} : memref<4x32x768xf32, #tpu.memory_space<vmem>>, vector<1x1x16xf32>,
      %swap3A_138 = vector.shape_cast %swap3A_137 : vector<1x1x16xf32> to vector<16xf32>
      %swap3A_139 = vector.shape_cast %get3A_131 : vector<16xf32> to vector<1x1x16xf32>
      tpu.vector_store %arg4[%swap3A_134, %swap3A_135, %swap3A_136], %swap3A_139 {strides = array<i32>} : memref<4x32x768xf32, #tpu.memory_space<vmem>>, vector<1x1x16xf32>,
      %get3A_140 = arith.constant 2 : i32
      %get3A_141 = arith.index_cast %get3A_140 : i32 to index
      %get3A_142 = arith.constant 0 : index
      %get3A_143 = tpu.vector_load %arg5[%get3A_141, %get3A_142] {strides = array<i32>} : memref<32x64xf32, #tpu.memory_space<vmem>>, vector<1x16xf32>,
      %get3A_144 = vector.shape_cast %get3A_143 : vector<1x16xf32> to vector<16xf32>
      %swap3A_145 = arith.constant 3 : i32
      %swap3A_146 = arith.constant 2 : i32
      %swap3A_147 = arith.index_cast %swap3A_145 : i32 to index
      %swap3A_148 = arith.index_cast %swap3A_146 : i32 to index
      %swap3A_149 = arith.constant 0 : index
      %swap3A_150 = tpu.vector_load %arg4[%swap3A_147, %swap3A_148, %swap3A_149] {strides = array<i32>} : memref<4x32x768xf32, #tpu.memory_space<vmem>>, vector<1x1x16xf32>,
      %swap3A_151 = vector.shape_cast %swap3A_150 : vector<1x1x16xf32> to vector<16xf32>
      %swap3A_152 = vector.shape_cast %get3A_144 : vector<16xf32> to vector<1x1x16xf32>
      tpu.vector_store %arg4[%swap3A_147, %swap3A_148, %swap3A_149], %swap3A_152 {strides = array<i32>} : memref<4x32x768xf32, #tpu.memory_space<vmem>>, vector<1x1x16xf32>,
      %get3A_153 = arith.constant 2 : i32
      %get3A_154 = arith.index_cast %get3A_153 : i32 to index
      %get3A_155 = arith.constant 16 : index
      %get3A_156 = tpu.vector_load %arg5[%get3A_154, %get3A_155] {strides = array<i32>} : memref<32x64xf32, #tpu.memory_space<vmem>>, vector<1x16xf32>,
      %get3A_157 = vector.shape_cast %get3A_156 : vector<1x16xf32> to vector<16xf32>
      %swap3A_158 = arith.constant 3 : i32
      %swap3A_159 = arith.constant 2 : i32
      %swap3A_160 = arith.index_cast %swap3A_158 : i32 to index
      %swap3A_161 = arith.index_cast %swap3A_159 : i32 to index
      %swap3A_162 = arith.constant 16 : index
      %swap3A_163 = tpu.vector_load %arg4[%swap3A_160, %swap3A_161, %swap3A_162] {strides = array<i32>} : memref<4x32x768xf32, #tpu.memory_space<vmem>>, vector<1x1x16xf32>,
      %swap3A_164 = vector.shape_cast %swap3A_163 : vector<1x1x16xf32> to vector<16xf32>
      %swap3A_165 = vector.shape_cast %get3A_157 : vector<16xf32> to vector<1x1x16xf32>
      tpu.vector_store %arg4[%swap3A_160, %swap3A_161, %swap3A_162], %swap3A_165 {strides = array<i32>} : memref<4x32x768xf32, #tpu.memory_space<vmem>>, vector<1x1x16xf32>,
      %get3A_166 = arith.constant 2 : i32
      %get3A_167 = arith.index_cast %get3A_166 : i32 to index
      %get3A_168 = arith.constant 32 : index
      %get3A_169 = tpu.vector_load %arg5[%get3A_167, %get3A_168] {strides = array<i32>} : memref<32x64xf32, #tpu.memory_space<vmem>>, vector<1x16xf32>,
      %get3A_170 = vector.shape_cast %get3A_169 : vector<1x16xf32> to vector<16xf32>
      %swap3A_171 = arith.constant 3 : i32
      %swap3A_172 = arith.constant 2 : i32
      %swap3A_173 = arith.index_cast %swap3A_171 : i32 to index
      %swap3A_174 = arith.index_cast %swap3A_172 : i32 to index
      %swap3A_175 = arith.constant 32 : index
      %swap3A_176 = tpu.vector_load %arg4[%swap3A_173, %swap3A_174, %swap3A_175] {strides = array<i32>} : memref<4x32x768xf32, #tpu.memory_space<vmem>>, vector<1x1x16xf32>,
      %swap3A_177 = vector.shape_cast %swap3A_176 : vector<1x1x16xf32> to vector<16xf32>
      %swap3A_178 = vector.shape_cast %get3A_170 : vector<16xf32> to vector<1x1x16xf32>
      tpu.vector_store %arg4[%swap3A_173, %swap3A_174, %swap3A_175], %swap3A_178 {strides = array<i32>} : memref<4x32x768xf32, #tpu.memory_space<vmem>>, vector<1x1x16xf32>,
      %get3A_179 = arith.constant 2 : i32
      %get3A_180 = arith.index_cast %get3A_179 : i32 to index
      %get3A_181 = arith.constant 48 : index
      %get3A_182 = tpu.vector_load %arg5[%get3A_180, %get3A_181] {strides = array<i32>} : memref<32x64xf32, #tpu.memory_space<vmem>>, vector<1x16xf32>,
      %get3A_183 = vector.shape_cast %get3A_182 : vector<1x16xf32> to vector<16xf32>
      %swap3A_184 = arith.constant 3 : i32
      %swap3A_185 = arith.constant 2 : i32
      %swap3A_186 = arith.index_cast %swap3A_184 : i32 to index
      %swap3A_187 = arith.index_cast %swap3A_185 : i32 to index
      %swap3A_188 = arith.constant 48 : index
      %swap3A_189 = tpu.vector_load %arg4[%swap3A_186, %swap3A_187, %swap3A_188] {strides = array<i32>} : memref<4x32x768xf32, #tpu.memory_space<vmem>>, vector<1x1x16xf32>,
      %swap3A_190 = vector.shape_cast %swap3A_189 : vector<1x1x16xf32> to vector<16xf32>
      %swap3A_191 = vector.shape_cast %get3A_183 : vector<16xf32> to vector<1x1x16xf32>
      tpu.vector_store %arg4[%swap3A_186, %swap3A_187, %swap3A_188], %swap3A_191 {strides = array<i32>} : memref<4x32x768xf32, #tpu.memory_space<vmem>>, vector<1x1x16xf32>,
      %get3A_192 = arith.constant 3 : i32
      %get3A_193 = arith.index_cast %get3A_192 : i32 to index
      %get3A_194 = arith.constant 0 : index
      %get3A_195 = tpu.vector_load %arg5[%get3A_193, %get3A_194] {strides = array<i32>} : memref<32x64xf32, #tpu.memory_space<vmem>>, vector<1x16xf32>,
      %get3A_196 = vector.shape_cast %get3A_195 : vector<1x16xf32> to vector<16xf32>
      %swap3A_197 = arith.constant 3 : i32
      %swap3A_198 = arith.constant 3 : i32
      %swap3A_199 = arith.index_cast %swap3A_197 : i32 to index
      %swap3A_200 = arith.index_cast %swap3A_198 : i32 to index
      %swap3A_201 = arith.constant 0 : index
      %swap3A_202 = tpu.vector_load %arg4[%swap3A_199, %swap3A_200, %swap3A_201] {strides = array<i32>} : memref<4x32x768xf32, #tpu.memory_space<vmem>>, vector<1x1x16xf32>,
      %swap3A_203 = vector.shape_cast %swap3A_202 : vector<1x1x16xf32> to vector<16xf32>
      %swap3A_204 = vector.shape_cast %get3A_196 : vector<16xf32> to vector<1x1x16xf32>
      tpu.vector_store %arg4[%swap3A_199, %swap3A_200, %swap3A_201], %swap3A_204 {strides = array<i32>} : memref<4x32x768xf32, #tpu.memory_space<vmem>>, vector<1x1x16xf32>,
      %get3A_205 = arith.constant 3 : i32
      %get3A_206 = arith.index_cast %get3A_205 : i32 to index
      %get3A_207 = arith.constant 16 : index
      %get3A_208 = tpu.vector_load %arg5[%get3A_206, %get3A_207] {strides = array<i32>} : memref<32x64xf32, #tpu.memory_space<vmem>>, vector<1x16xf32>,
      %get3A_209 = vector.shape_cast %get3A_208 : vector<1x16xf32> to vector<16xf32>
      %swap3A_210 = arith.constant 3 : i32
      %swap3A_211 = arith.constant 3 : i32
      %swap3A_212 = arith.index_cast %swap3A_210 : i32 to index
      %swap3A_213 = arith.index_cast %swap3A_211 : i32 to index
      %swap3A_214 = arith.constant 16 : index
      %swap3A_215 = tpu.vector_load %arg4[%swap3A_212, %swap3A_213, %swap3A_214] {strides = array<i32>} : memref<4x32x768xf32, #tpu.memory_space<vmem>>, vector<1x1x16xf32>,
      %swap3A_216 = vector.shape_cast %swap3A_215 : vector<1x1x16xf32> to vector<16xf32>
      %swap3A_217 = vector.shape_cast %get3A_209 : vector<16xf32> to vector<1x1x16xf32>
      tpu.vector_store %arg4[%swap3A_212, %swap3A_213, %swap3A_214], %swap3A_217 {strides = array<i32>} : memref<4x32x768xf32, #tpu.memory_space<vmem>>, vector<1x1x16xf32>,
      %get3A_218 = arith.constant 3 : i32
      %get3A_219 = arith.index_cast %get3A_218 : i32 to index
      %get3A_220 = arith.constant 32 : index
      %get3A_221 = tpu.vector_load %arg5[%get3A_219, %get3A_220] {strides = array<i32>} : memref<32x64xf32, #tpu.memory_space<vmem>>, vector<1x16xf32>,
      %get3A_222 = vector.shape_cast %get3A_221 : vector<1x16xf32> to vector<16xf32>
      %swap3A_223 = arith.constant 3 : i32
      %swap3A_224 = arith.constant 3 : i32
      %swap3A_225 = arith.index_cast %swap3A_223 : i32 to index
      %swap3A_226 = arith.index_cast %swap3A_224 : i32 to index
      %swap3A_227 = arith.constant 32 : index
      %swap3A_228 = tpu.vector_load %arg4[%swap3A_225, %swap3A_226, %swap3A_227] {strides = array<i32>} : memref<4x32x768xf32, #tpu.memory_space<vmem>>, vector<1x1x16xf32>,
      %swap3A_229 = vector.shape_cast %swap3A_228 : vector<1x1x16xf32> to vector<16xf32>
      %swap3A_230 = vector.shape_cast %get3A_222 : vector<16xf32> to vector<1x1x16xf32>
      tpu.vector_store %arg4[%swap3A_225, %swap3A_226, %swap3A_227], %swap3A_230 {strides = array<i32>} : memref<4x32x768xf32, #tpu.memory_space<vmem>>, vector<1x1x16xf32>,
      %get3A_231 = arith.constant 3 : i32
      %get3A_232 = arith.index_cast %get3A_231 : i32 to index
      %get3A_233 = arith.constant 48 : index
      %get3A_234 = tpu.vector_load %arg5[%get3A_232, %get3A_233] {strides = array<i32>} : memref<32x64xf32, #tpu.memory_space<vmem>>, vector<1x16xf32>,
      %get3A_235 = vector.shape_cast %get3A_234 : vector<1x16xf32> to vector<16xf32>
      %swap3A_236 = arith.constant 3 : i32
      %swap3A_237 = arith.constant 3 : i32
      %swap3A_238 = arith.index_cast %swap3A_236 : i32 to index
      %swap3A_239 = arith.index_cast %swap3A_237 : i32 to index
      %swap3A_240 = arith.constant 48 : index
      %swap3A_241 = tpu.vector_load %arg4[%swap3A_238, %swap3A_239, %swap3A_240] {strides = array<i32>} : memref<4x32x768xf32, #tpu.memory_space<vmem>>, vector<1x1x16xf32>,
      %swap3A_242 = vector.shape_cast %swap3A_241 : vector<1x1x16xf32> to vector<16xf32>
      %swap3A_243 = vector.shape_cast %get3A_235 : vector<16xf32> to vector<1x1x16xf32>
      tpu.vector_store %arg4[%swap3A_238, %swap3A_239, %swap3A_240], %swap3A_243 {strides = array<i32>} : memref<4x32x768xf32, #tpu.memory_space<vmem>>, vector<1x1x16xf32>,
      %get3A_244 = arith.constant 4 : i32
      %get3A_245 = arith.index_cast %get3A_244 : i32 to index
      %get3A_246 = arith.constant 0 : index
      %get3A_247 = tpu.vector_load %arg5[%get3A_245, %get3A_246] {strides = array<i32>} : memref<32x64xf32, #tpu.memory_space<vmem>>, vector<1x16xf32>,
      %get3A_248 = vector.shape_cast %get3A_247 : vector<1x16xf32> to vector<16xf32>
      %swap3A_249 = arith.constant 3 : i32
      %swap3A_250 = arith.constant 4 : i32
      %swap3A_251 = arith.index_cast %swap3A_249 : i32 to index
      %swap3A_252 = arith.index_cast %swap3A_250 : i32 to index
      %swap3A_253 = arith.constant 0 : index
      %swap3A_254 = tpu.vector_load %arg4[%swap3A_251, %swap3A_252, %swap3A_253] {strides = array<i32>} : memref<4x32x768xf32, #tpu.memory_space<vmem>>, vector<1x1x16xf32>,
      %swap3A_255 = vector.shape_cast %swap3A_254 : vector<1x1x16xf32> to vector<16xf32>
      %swap3A_256 = vector.shape_cast %get3A_248 : vector<16xf32> to vector<1x1x16xf32>
      tpu.vector_store %arg4[%swap3A_251, %swap3A_252, %swap3A_253], %swap3A_256 {strides = array<i32>} : memref<4x32x768xf32, #tpu.memory_space<vmem>>, vector<1x1x16xf32>,
      %get3A_257 = arith.constant 4 : i32
      %get3A_258 = arith.index_cast %get3A_257 : i32 to index
      %get3A_259 = arith.constant 16 : index
      %get3A_260 = tpu.vector_load %arg5[%get3A_258, %get3A_259] {strides = array<i32>} : memref<32x64xf32, #tpu.memory_space<vmem>>, vector<1x16xf32>,
      %get3A_261 = vector.shape_cast %get3A_260 : vector<1x16xf32> to vector<16xf32>
      %swap3A_262 = arith.constant 3 : i32
      %swap3A_263 = arith.constant 4 : i32
      %swap3A_264 = arith.index_cast %swap3A_262 : i32 to index
      %swap3A_265 = arith.index_cast %swap3A_263 : i32 to index
      %swap3A_266 = arith.constant 16 : index
      %swap3A_267 = tpu.vector_load %arg4[%swap3A_264, %swap3A_265, %swap3A_266] {strides = array<i32>} : memref<4x32x768xf32, #tpu.memory_space<vmem>>, vector<1x1x16xf32>,
      %swap3A_268 = vector.shape_cast %swap3A_267 : vector<1x1x16xf32> to vector<16xf32>
      %swap3A_269 = vector.shape_cast %get3A_261 : vector<16xf32> to vector<1x1x16xf32>
      tpu.vector_store %arg4[%swap3A_264, %swap3A_265, %swap3A_266], %swap3A_269 {strides = array<i32>} : memref<4x32x768xf32, #tpu.memory_space<vmem>>, vector<1x1x16xf32>,
      %get3A_270 = arith.constant 4 : i32
      %get3A_271 = arith.index_cast %get3A_270 : i32 to index
      %get3A_272 = arith.constant 32 : index
      %get3A_273 = tpu.vector_load %arg5[%get3A_271, %get3A_272] {strides = array<i32>} : memref<32x64xf32, #tpu.memory_space<vmem>>, vector<1x16xf32>,
      %get3A_274 = vector.shape_cast %get3A_273 : vector<1x16xf32> to vector<16xf32>
      %swap3A_275 = arith.constant 3 : i32
      %swap3A_276 = arith.constant 4 : i32
      %swap3A_277 = arith.index_cast %swap3A_275 : i32 to index
      %swap3A_278 = arith.index_cast %swap3A_276 : i32 to index
      %swap3A_279 = arith.constant 32 : index
      %swap3A_280 = tpu.vector_load %arg4[%swap3A_277, %swap3A_278, %swap3A_279] {strides = array<i32>} : memref<4x32x768xf32, #tpu.memory_space<vmem>>, vector<1x1x16xf32>,
      %swap3A_281 = vector.shape_cast %swap3A_280 : vector<1x1x16xf32> to vector<16xf32>
      %swap3A_282 = vector.shape_cast %get3A_274 : vector<16xf32> to vector<1x1x16xf32>
      tpu.vector_store %arg4[%swap3A_277, %swap3A_278, %swap3A_279], %swap3A_282 {strides = array<i32>} : memref<4x32x768xf32, #tpu.memory_space<vmem>>, vector<1x1x16xf32>,
      %get3A_283 = arith.constant 4 : i32
      %get3A_284 = arith.index_cast %get3A_283 : i32 to index
      %get3A_285 = arith.constant 48 : index
      %get3A_286 = tpu.vector_load %arg5[%get3A_284, %get3A_285] {strides = array<i32>} : memref<32x64xf32, #tpu.memory_space<vmem>>, vector<1x16xf32>,
      %get3A_287 = vector.shape_cast %get3A_286 : vector<1x16xf32> to vector<16xf32>
      %swap3A_288 = arith.constant 3 : i32
      %swap3A_289 = arith.constant 4 : i32
      %swap3A_290 = arith.index_cast %swap3A_288 : i32 to index
      %swap3A_291 = arith.index_cast %swap3A_289 : i32 to index
      %swap3A_292 = arith.constant 48 : index
      %swap3A_293 = tpu.vector_load %arg4[%swap3A_290, %swap3A_291, %swap3A_292] {strides = array<i32>} : memref<4x32x768xf32, #tpu.memory_space<vmem>>, vector<1x1x16xf32>,
      %swap3A_294 = vector.shape_cast %swap3A_293 : vector<1x1x16xf32> to vector<16xf32>
      %swap3A_295 = vector.shape_cast %get3A_287 : vector<16xf32> to vector<1x1x16xf32>
      tpu.vector_store %arg4[%swap3A_290, %swap3A_291, %swap3A_292], %swap3A_295 {strides = array<i32>} : memref<4x32x768xf32, #tpu.memory_space<vmem>>, vector<1x1x16xf32>,
      %get3A_296 = arith.constant 5 : i32
      %get3A_297 = arith.index_cast %get3A_296 : i32 to index
      %get3A_298 = arith.constant 0 : index
      %get3A_299 = tpu.vector_load %arg5[%get3A_297, %get3A_298] {strides = array<i32>} : memref<32x64xf32, #tpu.memory_space<vmem>>, vector<1x16xf32>,
      %get3A_300 = vector.shape_cast %get3A_299 : vector<1x16xf32> to vector<16xf32>
      %swap3A_301 = arith.constant 3 : i32
      %swap3A_302 = arith.constant 5 : i32
      %swap3A_303 = arith.index_cast %swap3A_301 : i32 to index
      %swap3A_304 = arith.index_cast %swap3A_302 : i32 to index
      %swap3A_305 = arith.constant 0 : index
      %swap3A_306 = tpu.vector_load %arg4[%swap3A_303, %swap3A_304, %swap3A_305] {strides = array<i32>} : memref<4x32x768xf32, #tpu.memory_space<vmem>>, vector<1x1x16xf32>,
      %swap3A_307 = vector.shape_cast %swap3A_306 : vector<1x1x16xf32> to vector<16xf32>
      %swap3A_308 = vector.shape_cast %get3A_300 : vector<16xf32> to vector<1x1x16xf32>
      tpu.vector_store %arg4[%swap3A_303, %swap3A_304, %swap3A_305], %swap3A_308 {strides = array<i32>} : memref<4x32x768xf32, #tpu.memory_space<vmem>>, vector<1x1x16xf32>,
      %get3A_309 = arith.constant 5 : i32
      %get3A_310 = arith.index_cast %get3A_309 : i32 to index
      %get3A_311 = arith.constant 16 : index
      %get3A_312 = tpu.vector_load %arg5[%get3A_310, %get3A_311] {strides = array<i32>} : memref<32x64xf32, #tpu.memory_space<vmem>>, vector<1x16xf32>,
      %get3A_313 = vector.shape_cast %get3A_312 : vector<1x16xf32> to vector<16xf32>
      %swap3A_314 = arith.constant 3 : i32
      %swap3A_315 = arith.constant 5 : i32
      %swap3A_316 = arith.index_cast %swap3A_314 : i32 to index
      %swap3A_317 = arith.index_cast %swap3A_315 : i32 to index
      %swap3A_318 = arith.constant 16 : index
      %swap3A_319 = tpu.vector_load %arg4[%swap3A_316, %swap3A_317, %swap3A_318] {strides = array<i32>} : memref<4x32x768xf32, #tpu.memory_space<vmem>>, vector<1x1x16xf32>,
      %swap3A_320 = vector.shape_cast %swap3A_319 : vector<1x1x16xf32> to vector<16xf32>
      %swap3A_321 = vector.shape_cast %get3A_313 : vector<16xf32> to vector<1x1x16xf32>
      tpu.vector_store %arg4[%swap3A_316, %swap3A_317, %swap3A_318], %swap3A_321 {strides = array<i32>} : memref<4x32x768xf32, #tpu.memory_space<vmem>>, vector<1x1x16xf32>,
      %get3A_322 = arith.constant 5 : i32
      %get3A_323 = arith.index_cast %get3A_322 : i32 to index
      %get3A_324 = arith.constant 32 : index
      %get3A_325 = tpu.vector_load %arg5[%get3A_323, %get3A_324] {strides = array<i32>} : memref<32x64xf32, #tpu.memory_space<vmem>>, vector<1x16xf32>,
      %get3A_326 = vector.shape_cast %get3A_325 : vector<1x16xf32> to vector<16xf32>
      %swap3A_327 = arith.constant 3 : i32
      %swap3A_328 = arith.constant 5 : i32
      %swap3A_329 = arith.index_cast %swap3A_327 : i32 to index
      %swap3A_330 = arith.index_cast %swap3A_328 : i32 to index
      %swap3A_331 = arith.constant 32 : index
      %swap3A_332 = tpu.vector_load %arg4[%swap3A_329, %swap3A_330, %swap3A_331] {strides = array<i32>} : memref<4x32x768xf32, #tpu.memory_space<vmem>>, vector<1x1x16xf32>,
      %swap3A_333 = vector.shape_cast %swap3A_332 : vector<1x1x16xf32> to vector<16xf32>
      %swap3A_334 = vector.shape_cast %get3A_326 : vector<16xf32> to vector<1x1x16xf32>
      tpu.vector_store %arg4[%swap3A_329, %swap3A_330, %swap3A_331], %swap3A_334 {strides = array<i32>} : memref<4x32x768xf32, #tpu.memory_space<vmem>>, vector<1x1x16xf32>,
      %get3A_335 = arith.constant 5 : i32
      %get3A_336 = arith.index_cast %get3A_335 : i32 to index
      %get3A_337 = arith.constant 48 : index
      %get3A_338 = tpu.vector_load %arg5[%get3A_336, %get3A_337] {strides = array<i32>} : memref<32x64xf32, #tpu.memory_space<vmem>>, vector<1x16xf32>,
      %get3A_339 = vector.shape_cast %get3A_338 : vector<1x16xf32> to vector<16xf32>
      %swap3A_340 = arith.constant 3 : i32
      %swap3A_341 = arith.constant 5 : i32
      %swap3A_342 = arith.index_cast %swap3A_340 : i32 to index
      %swap3A_343 = arith.index_cast %swap3A_341 : i32 to index
      %swap3A_344 = arith.constant 48 : index
      %swap3A_345 = tpu.vector_load %arg4[%swap3A_342, %swap3A_343, %swap3A_344] {strides = array<i32>} : memref<4x32x768xf32, #tpu.memory_space<vmem>>, vector<1x1x16xf32>,
      %swap3A_346 = vector.shape_cast %swap3A_345 : vector<1x1x16xf32> to vector<16xf32>
      %swap3A_347 = vector.shape_cast %get3A_339 : vector<16xf32> to vector<1x1x16xf32>
      tpu.vector_store %arg4[%swap3A_342, %swap3A_343, %swap3A_344], %swap3A_347 {strides = array<i32>} : memref<4x32x768xf32, #tpu.memory_space<vmem>>, vector<1x1x16xf32>,
      %get3A_348 = arith.constant 6 : i32
      %get3A_349 = arith.index_cast %get3A_348 : i32 to index
      %get3A_350 = arith.constant 0 : index
      %get3A_351 = tpu.vector_load %arg5[%get3A_349, %get3A_350] {strides = array<i32>} : memref<32x64xf32, #tpu.memory_space<vmem>>, vector<1x16xf32>,
      %get3A_352 = vector.shape_cast %get3A_351 : vector<1x16xf32> to vector<16xf32>
      %swap3A_353 = arith.constant 3 : i32
      %swap3A_354 = arith.constant 6 : i32
      %swap3A_355 = arith.index_cast %swap3A_353 : i32 to index
      %swap3A_356 = arith.index_cast %swap3A_354 : i32 to index
      %swap3A_357 = arith.constant 0 : index
      %swap3A_358 = tpu.vector_load %arg4[%swap3A_355, %swap3A_356, %swap3A_357] {strides = array<i32>} : memref<4x32x768xf32, #tpu.memory_space<vmem>>, vector<1x1x16xf32>,
      %swap3A_359 = vector.shape_cast %swap3A_358 : vector<1x1x16xf32> to vector<16xf32>
      %swap3A_360 = vector.shape_cast %get3A_352 : vector<16xf32> to vector<1x1x16xf32>
      tpu.vector_store %arg4[%swap3A_355, %swap3A_356, %swap3A_357], %swap3A_360 {strides = array<i32>} : memref<4x32x768xf32, #tpu.memory_space<vmem>>, vector<1x1x16xf32>,
      %get3A_361 = arith.constant 6 : i32
      %get3A_362 = arith.index_cast %get3A_361 : i32 to index
      %get3A_363 = arith.constant 16 : index
      %get3A_364 = tpu.vector_load %arg5[%get3A_362, %get3A_363] {strides = array<i32>} : memref<32x64xf32, #tpu.memory_space<vmem>>, vector<1x16xf32>,
      %get3A_365 = vector.shape_cast %get3A_364 : vector<1x16xf32> to vector<16xf32>
      %swap3A_366 = arith.constant 3 : i32
      %swap3A_367 = arith.constant 6 : i32
      %swap3A_368 = arith.index_cast %swap3A_366 : i32 to index
      %swap3A_369 = arith.index_cast %swap3A_367 : i32 to index
      %swap3A_370 = arith.constant 16 : index
      %swap3A_371 = tpu.vector_load %arg4[%swap3A_368, %swap3A_369, %swap3A_370] {strides = array<i32>} : memref<4x32x768xf32, #tpu.memory_space<vmem>>, vector<1x1x16xf32>,
      %swap3A_372 = vector.shape_cast %swap3A_371 : vector<1x1x16xf32> to vector<16xf32>
      %swap3A_373 = vector.shape_cast %get3A_365 : vector<16xf32> to vector<1x1x16xf32>
      tpu.vector_store %arg4[%swap3A_368, %swap3A_369, %swap3A_370], %swap3A_373 {strides = array<i32>} : memref<4x32x768xf32, #tpu.memory_space<vmem>>, vector<1x1x16xf32>,
      %get3A_374 = arith.constant 6 : i32
      %get3A_375 = arith.index_cast %get3A_374 : i32 to index
      %get3A_376 = arith.constant 32 : index
      %get3A_377 = tpu.vector_load %arg5[%get3A_375, %get3A_376] {strides = array<i32>} : memref<32x64xf32, #tpu.memory_space<vmem>>, vector<1x16xf32>,
      %get3A_378 = vector.shape_cast %get3A_377 : vector<1x16xf32> to vector<16xf32>
      %swap3A_379 = arith.constant 3 : i32
      %swap3A_380 = arith.constant 6 : i32
      %swap3A_381 = arith.index_cast %swap3A_379 : i32 to index
      %swap3A_382 = arith.index_cast %swap3A_380 : i32 to index
      %swap3A_383 = arith.constant 32 : index
      %swap3A_384 = tpu.vector_load %arg4[%swap3A_381, %swap3A_382, %swap3A_383] {strides = array<i32>} : memref<4x32x768xf32, #tpu.memory_space<vmem>>, vector<1x1x16xf32>,
      %swap3A_385 = vector.shape_cast %swap3A_384 : vector<1x1x16xf32> to vector<16xf32>
      %swap3A_386 = vector.shape_cast %get3A_378 : vector<16xf32> to vector<1x1x16xf32>
      tpu.vector_store %arg4[%swap3A_381, %swap3A_382, %swap3A_383], %swap3A_386 {strides = array<i32>} : memref<4x32x768xf32, #tpu.memory_space<vmem>>, vector<1x1x16xf32>,
      %get3A_387 = arith.constant 6 : i32
      %get3A_388 = arith.index_cast %get3A_387 : i32 to index
      %get3A_389 = arith.constant 48 : index
      %get3A_390 = tpu.vector_load %arg5[%get3A_388, %get3A_389] {strides = array<i32>} : memref<32x64xf32, #tpu.memory_space<vmem>>, vector<1x16xf32>,
      %get3A_391 = vector.shape_cast %get3A_390 : vector<1x16xf32> to vector<16xf32>
      %swap3A_392 = arith.constant 3 : i32
      %swap3A_393 = arith.constant 6 : i32
      %swap3A_394 = arith.index_cast %swap3A_392 : i32 to index
      %swap3A_395 = arith.index_cast %swap3A_393 : i32 to index
      %swap3A_396 = arith.constant 48 : index
      %swap3A_397 = tpu.vector_load %arg4[%swap3A_394, %swap3A_395, %swap3A_396] {strides = array<i32>} : memref<4x32x768xf32, #tpu.memory_space<vmem>>, vector<1x1x16xf32>,
      %swap3A_398 = vector.shape_cast %swap3A_397 : vector<1x1x16xf32> to vector<16xf32>
      %swap3A_399 = vector.shape_cast %get3A_391 : vector<16xf32> to vector<1x1x16xf32>
      tpu.vector_store %arg4[%swap3A_394, %swap3A_395, %swap3A_396], %swap3A_399 {strides = array<i32>} : memref<4x32x768xf32, #tpu.memory_space<vmem>>, vector<1x1x16xf32>,
      %get3A_400 = arith.constant 7 : i32
      %get3A_401 = arith.index_cast %get3A_400 : i32 to index
      %get3A_402 = arith.constant 0 : index
      %get3A_403 = tpu.vector_load %arg5[%get3A_401, %get3A_402] {strides = array<i32>} : memref<32x64xf32, #tpu.memory_space<vmem>>, vector<1x16xf32>,
      %get3A_404 = vector.shape_cast %get3A_403 : vector<1x16xf32> to vector<16xf32>
      %swap3A_405 = arith.constant 3 : i32
      %swap3A_406 = arith.constant 7 : i32
      %swap3A_407 = arith.index_cast %swap3A_405 : i32 to index
      %swap3A_408 = arith.index_cast %swap3A_406 : i32 to index
      %swap3A_409 = arith.constant 0 : index
      %swap3A_410 = tpu.vector_load %arg4[%swap3A_407, %swap3A_408, %swap3A_409] {strides = array<i32>} : memref<4x32x768xf32, #tpu.memory_space<vmem>>, vector<1x1x16xf32>,
      %swap3A_411 = vector.shape_cast %swap3A_410 : vector<1x1x16xf32> to vector<16xf32>
      %swap3A_412 = vector.shape_cast %get3A_404 : vector<16xf32> to vector<1x1x16xf32>
      tpu.vector_store %arg4[%swap3A_407, %swap3A_408, %swap3A_409], %swap3A_412 {strides = array<i32>} : memref<4x32x768xf32, #tpu.memory_space<vmem>>, vector<1x1x16xf32>,
      %get3A_413 = arith.constant 7 : i32
      %get3A_414 = arith.index_cast %get3A_413 : i32 to index
      %get3A_415 = arith.constant 16 : index
      %get3A_416 = tpu.vector_load %arg5[%get3A_414, %get3A_415] {strides = array<i32>} : memref<32x64xf32, #tpu.memory_space<vmem>>, vector<1x16xf32>,
      %get3A_417 = vector.shape_cast %get3A_416 : vector<1x16xf32> to vector<16xf32>
      %swap3A_418 = arith.constant 3 : i32
      %swap3A_419 = arith.constant 7 : i32
      %swap3A_420 = arith.index_cast %swap3A_418 : i32 to index
      %swap3A_421 = arith.index_cast %swap3A_419 : i32 to index
      %swap3A_422 = arith.constant 16 : index
      %swap3A_423 = tpu.vector_load %arg4[%swap3A_420, %swap3A_421, %swap3A_422] {strides = array<i32>} : memref<4x32x768xf32, #tpu.memory_space<vmem>>, vector<1x1x16xf32>,
      %swap3A_424 = vector.shape_cast %swap3A_423 : vector<1x1x16xf32> to vector<16xf32>
      %swap3A_425 = vector.shape_cast %get3A_417 : vector<16xf32> to vector<1x1x16xf32>
      tpu.vector_store %arg4[%swap3A_420, %swap3A_421, %swap3A_422], %swap3A_425 {strides = array<i32>} : memref<4x32x768xf32, #tpu.memory_space<vmem>>, vector<1x1x16xf32>,
      %get3A_426 = arith.constant 7 : i32
      %get3A_427 = arith.index_cast %get3A_426 : i32 to index
      %get3A_428 = arith.constant 32 : index
      %get3A_429 = tpu.vector_load %arg5[%get3A_427, %get3A_428] {strides = array<i32>} : memref<32x64xf32, #tpu.memory_space<vmem>>, vector<1x16xf32>,
      %get3A_430 = vector.shape_cast %get3A_429 : vector<1x16xf32> to vector<16xf32>
      %swap3A_431 = arith.constant 3 : i32
      %swap3A_432 = arith.constant 7 : i32
      %swap3A_433 = arith.index_cast %swap3A_431 : i32 to index
      %swap3A_434 = arith.index_cast %swap3A_432 : i32 to index
      %swap3A_435 = arith.constant 32 : index
      %swap3A_436 = tpu.vector_load %arg4[%swap3A_433, %swap3A_434, %swap3A_435] {strides = array<i32>} : memref<4x32x768xf32, #tpu.memory_space<vmem>>, vector<1x1x16xf32>,
      %swap3A_437 = vector.shape_cast %swap3A_436 : vector<1x1x16xf32> to vector<16xf32>
      %swap3A_438 = vector.shape_cast %get3A_430 : vector<16xf32> to vector<1x1x16xf32>
      tpu.vector_store %arg4[%swap3A_433, %swap3A_434, %swap3A_435], %swap3A_438 {strides = array<i32>} : memref<4x32x768xf32, #tpu.memory_space<vmem>>, vector<1x1x16xf32>,
      %get3A_439 = arith.constant 7 : i32
      %get3A_440 = arith.index_cast %get3A_439 : i32 to index
      %get3A_441 = arith.constant 48 : index
      %get3A_442 = tpu.vector_load %arg5[%get3A_440, %get3A_441] {strides = array<i32>} : memref<32x64xf32, #tpu.memory_space<vmem>>, vector<1x16xf32>,
      %get3A_443 = vector.shape_cast %get3A_442 : vector<1x16xf32> to vector<16xf32>
      %swap3A_444 = arith.constant 3 : i32
      %swap3A_445 = arith.constant 7 : i32
      %swap3A_446 = arith.index_cast %swap3A_444 : i32 to index
      %swap3A_447 = arith.index_cast %swap3A_445 : i32 to index
      %swap3A_448 = arith.constant 48 : index
      %swap3A_449 = tpu.vector_load %arg4[%swap3A_446, %swap3A_447, %swap3A_448] {strides = array<i32>} : memref<4x32x768xf32, #tpu.memory_space<vmem>>, vector<1x1x16xf32>,
      %swap3A_450 = vector.shape_cast %swap3A_449 : vector<1x1x16xf32> to vector<16xf32>
      %swap3A_451 = vector.shape_cast %get3A_443 : vector<16xf32> to vector<1x1x16xf32>
      tpu.vector_store %arg4[%swap3A_446, %swap3A_447, %swap3A_448], %swap3A_451 {strides = array<i32>} : memref<4x32x768xf32, #tpu.memory_space<vmem>>, vector<1x1x16xf32>,
      %get3A_452 = arith.constant 8 : i32
      %get3A_453 = arith.index_cast %get3A_452 : i32 to index
      %get3A_454 = arith.constant 0 : index
      %get3A_455 = tpu.vector_load %arg5[%get3A_453, %get3A_454] {strides = array<i32>} : memref<32x64xf32, #tpu.memory_space<vmem>>, vector<1x16xf32>,
      %get3A_456 = vector.shape_cast %get3A_455 : vector<1x16xf32> to vector<16xf32>
      %swap3A_457 = arith.constant 3 : i32
      %swap3A_458 = arith.constant 8 : i32
      %swap3A_459 = arith.index_cast %swap3A_457 : i32 to index
      %swap3A_460 = arith.index_cast %swap3A_458 : i32 to index
      %swap3A_461 = arith.constant 0 : index
      %swap3A_462 = tpu.vector_load %arg4[%swap3A_459, %swap3A_460, %swap3A_461] {strides = array<i32>} : memref<4x32x768xf32, #tpu.memory_space<vmem>>, vector<1x1x16xf32>,
      %swap3A_463 = vector.shape_cast %swap3A_462 : vector<1x1x16xf32> to vector<16xf32>
      %swap3A_464 = vector.shape_cast %get3A_456 : vector<16xf32> to vector<1x1x16xf32>
      tpu.vector_store %arg4[%swap3A_459, %swap3A_460, %swap3A_461], %swap3A_464 {strides = array<i32>} : memref<4x32x768xf32, #tpu.memory_space<vmem>>, vector<1x1x16xf32>,
      %get3A_465 = arith.constant 8 : i32
      %get3A_466 = arith.index_cast %get3A_465 : i32 to index
      %get3A_467 = arith.constant 16 : index
      %get3A_468 = tpu.vector_load %arg5[%get3A_466, %get3A_467] {strides = array<i32>} : memref<32x64xf32, #tpu.memory_space<vmem>>, vector<1x16xf32>,
      %get3A_469 = vector.shape_cast %get3A_468 : vector<1x16xf32> to vector<16xf32>
      %swap3A_470 = arith.constant 3 : i32
      %swap3A_471 = arith.constant 8 : i32
      %swap3A_472 = arith.index_cast %swap3A_470 : i32 to index
      %swap3A_473 = arith.index_cast %swap3A_471 : i32 to index
      %swap3A_474 = arith.constant 16 : index
      %swap3A_475 = tpu.vector_load %arg4[%swap3A_472, %swap3A_473, %swap3A_474] {strides = array<i32>} : memref<4x32x768xf32, #tpu.memory_space<vmem>>, vector<1x1x16xf32>,
      %swap3A_476 = vector.shape_cast %swap3A_475 : vector<1x1x16xf32> to vector<16xf32>
      %swap3A_477 = vector.shape_cast %get3A_469 : vector<16xf32> to vector<1x1x16xf32>
      tpu.vector_store %arg4[%swap3A_472, %swap3A_473, %swap3A_474], %swap3A_477 {strides = array<i32>} : memref<4x32x768xf32, #tpu.memory_space<vmem>>, vector<1x1x16xf32>,
      %get3A_478 = arith.constant 8 : i32
      %get3A_479 = arith.index_cast %get3A_478 : i32 to index
      %get3A_480 = arith.constant 32 : index
      %get3A_481 = tpu.vector_load %arg5[%get3A_479, %get3A_480] {strides = array<i32>} : memref<32x64xf32, #tpu.memory_space<vmem>>, vector<1x16xf32>,
      %get3A_482 = vector.shape_cast %get3A_481 : vector<1x16xf32> to vector<16xf32>
      %swap3A_483 = arith.constant 3 : i32
      %swap3A_484 = arith.constant 8 : i32
      %swap3A_485 = arith.index_cast %swap3A_483 : i32 to index
      %swap3A_486 = arith.index_cast %swap3A_484 : i32 to index
      %swap3A_487 = arith.constant 32 : index
      %swap3A_488 = tpu.vector_load %arg4[%swap3A_485, %swap3A_486, %swap3A_487] {strides = array<i32>} : memref<4x32x768xf32, #tpu.memory_space<vmem>>, vector<1x1x16xf32>,
      %swap3A_489 = vector.shape_cast %swap3A_488 : vector<1x1x16xf32> to vector<16xf32>
      %swap3A_490 = vector.shape_cast %get3A_482 : vector<16xf32> to vector<1x1x16xf32>
      tpu.vector_store %arg4[%swap3A_485, %swap3A_486, %swap3A_487], %swap3A_490 {strides = array<i32>} : memref<4x32x768xf32, #tpu.memory_space<vmem>>, vector<1x1x16xf32>,
      %get3A_491 = arith.constant 8 : i32
      %get3A_492 = arith.index_cast %get3A_491 : i32 to index
      %get3A_493 = arith.constant 48 : index
      %get3A_494 = tpu.vector_load %arg5[%get3A_492, %get3A_493] {strides = array<i32>} : memref<32x64xf32, #tpu.memory_space<vmem>>, vector<1x16xf32>,
      %get3A_495 = vector.shape_cast %get3A_494 : vector<1x16xf32> to vector<16xf32>
      %swap3A_496 = arith.constant 3 : i32
      %swap3A_497 = arith.constant 8 : i32
      %swap3A_498 = arith.index_cast %swap3A_496 : i32 to index
      %swap3A_499 = arith.index_cast %swap3A_497 : i32 to index
      %swap3A_500 = arith.constant 48 : index
      %swap3A_501 = tpu.vector_load %arg4[%swap3A_498, %swap3A_499, %swap3A_500] {strides = array<i32>} : memref<4x32x768xf32, #tpu.memory_space<vmem>>, vector<1x1x16xf32>,
      %swap3A_502 = vector.shape_cast %swap3A_501 : vector<1x1x16xf32> to vector<16xf32>
      %swap3A_503 = vector.shape_cast %get3A_495 : vector<16xf32> to vector<1x1x16xf32>
      tpu.vector_store %arg4[%swap3A_498, %swap3A_499, %swap3A_500], %swap3A_503 {strides = array<i32>} : memref<4x32x768xf32, #tpu.memory_space<vmem>>, vector<1x1x16xf32>,
      %get3A_504 = arith.constant 9 : i32
      %get3A_505 = arith.index_cast %get3A_504 : i32 to index
      %get3A_506 = arith.constant 0 : index
      %get3A_507 = tpu.vector_load %arg5[%get3A_505, %get3A_506] {strides = array<i32>} : memref<32x64xf32, #tpu.memory_space<vmem>>, vector<1x16xf32>,
      %get3A_508 = vector.shape_cast %get3A_507 : vector<1x16xf32> to vector<16xf32>
      %swap3A_509 = arith.constant 3 : i32
      %swap3A_510 = arith.constant 9 : i32
      %swap3A_511 = arith.index_cast %swap3A_509 : i32 to index
      %swap3A_512 = arith.index_cast %swap3A_510 : i32 to index
      %swap3A_513 = arith.constant 0 : index
      %swap3A_514 = tpu.vector_load %arg4[%swap3A_511, %swap3A_512, %swap3A_513] {strides = array<i32>} : memref<4x32x768xf32, #tpu.memory_space<vmem>>, vector<1x1x16xf32>,
      %swap3A_515 = vector.shape_cast %swap3A_514 : vector<1x1x16xf32> to vector<16xf32>
      %swap3A_516 = vector.shape_cast %get3A_508 : vector<16xf32> to vector<1x1x16xf32>
      tpu.vector_store %arg4[%swap3A_511, %swap3A_512, %swap3A_513], %swap3A_516 {strides = array<i32>} : memref<4x32x768xf32, #tpu.memory_space<vmem>>, vector<1x1x16xf32>,
      %get3A_517 = arith.constant 9 : i32
      %get3A_518 = arith.index_cast %get3A_517 : i32 to index
      %get3A_519 = arith.constant 16 : index
      %get3A_520 = tpu.vector_load %arg5[%get3A_518, %get3A_519] {strides = array<i32>} : memref<32x64xf32, #tpu.memory_space<vmem>>, vector<1x16xf32>,
      %get3A_521 = vector.shape_cast %get3A_520 : vector<1x16xf32> to vector<16xf32>
      %swap3A_522 = arith.constant 3 : i32
      %swap3A_523 = arith.constant 9 : i32
      %swap3A_524 = arith.index_cast %swap3A_522 : i32 to index
      %swap3A_525 = arith.index_cast %swap3A_523 : i32 to index
      %swap3A_526 = arith.constant 16 : index
      %swap3A_527 = tpu.vector_load %arg4[%swap3A_524, %swap3A_525, %swap3A_526] {strides = array<i32>} : memref<4x32x768xf32, #tpu.memory_space<vmem>>, vector<1x1x16xf32>,
      %swap3A_528 = vector.shape_cast %swap3A_527 : vector<1x1x16xf32> to vector<16xf32>
      %swap3A_529 = vector.shape_cast %get3A_521 : vector<16xf32> to vector<1x1x16xf32>
      tpu.vector_store %arg4[%swap3A_524, %swap3A_525, %swap3A_526], %swap3A_529 {strides = array<i32>} : memref<4x32x768xf32, #tpu.memory_space<vmem>>, vector<1x1x16xf32>,
      %get3A_530 = arith.constant 9 : i32
      %get3A_531 = arith.index_cast %get3A_530 : i32 to index
      %get3A_532 = arith.constant 32 : index
      %get3A_533 = tpu.vector_load %arg5[%get3A_531, %get3A_532] {strides = array<i32>} : memref<32x64xf32, #tpu.memory_space<vmem>>, vector<1x16xf32>,
      %get3A_534 = vector.shape_cast %get3A_533 : vector<1x16xf32> to vector<16xf32>
      %swap3A_535 = arith.constant 3 : i32
      %swap3A_536 = arith.constant 9 : i32
      %swap3A_537 = arith.index_cast %swap3A_535 : i32 to index
      %swap3A_538 = arith.index_cast %swap3A_536 : i32 to index
      %swap3A_539 = arith.constant 32 : index
      %swap3A_540 = tpu.vector_load %arg4[%swap3A_537, %swap3A_538, %swap3A_539] {strides = array<i32>} : memref<4x32x768xf32, #tpu.memory_space<vmem>>, vector<1x1x16xf32>,
      %swap3A_541 = vector.shape_cast %swap3A_540 : vector<1x1x16xf32> to vector<16xf32>
      %swap3A_542 = vector.shape_cast %get3A_534 : vector<16xf32> to vector<1x1x16xf32>
      tpu.vector_store %arg4[%swap3A_537, %swap3A_538, %swap3A_539], %swap3A_542 {strides = array<i32>} : memref<4x32x768xf32, #tpu.memory_space<vmem>>, vector<1x1x16xf32>,
      %get3A_543 = arith.constant 9 : i32
      %get3A_544 = arith.index_cast %get3A_543 : i32 to index
      %get3A_545 = arith.constant 48 : index
      %get3A_546 = tpu.vector_load %arg5[%get3A_544, %get3A_545] {strides = array<i32>} : memref<32x64xf32, #tpu.memory_space<vmem>>, vector<1x16xf32>,
      %get3A_547 = vector.shape_cast %get3A_546 : vector<1x16xf32> to vector<16xf32>
      %swap3A_548 = arith.constant 3 : i32
      %swap3A_549 = arith.constant 9 : i32
      %swap3A_550 = arith.index_cast %swap3A_548 : i32 to index
      %swap3A_551 = arith.index_cast %swap3A_549 : i32 to index
      %swap3A_552 = arith.constant 48 : index
      %swap3A_553 = tpu.vector_load %arg4[%swap3A_550, %swap3A_551, %swap3A_552] {strides = array<i32>} : memref<4x32x768xf32, #tpu.memory_space<vmem>>, vector<1x1x16xf32>,
      %swap3A_554 = vector.shape_cast %swap3A_553 : vector<1x1x16xf32> to vector<16xf32>
      %swap3A_555 = vector.shape_cast %get3A_547 : vector<16xf32> to vector<1x1x16xf32>
      tpu.vector_store %arg4[%swap3A_550, %swap3A_551, %swap3A_552], %swap3A_555 {strides = array<i32>} : memref<4x32x768xf32, #tpu.memory_space<vmem>>, vector<1x1x16xf32>,
      %get3A_556 = arith.constant 10 : i32
      %get3A_557 = arith.index_cast %get3A_556 : i32 to index
      %get3A_558 = arith.constant 0 : index
      %get3A_559 = tpu.vector_load %arg5[%get3A_557, %get3A_558] {strides = array<i32>} : memref<32x64xf32, #tpu.memory_space<vmem>>, vector<1x16xf32>,
      %get3A_560 = vector.shape_cast %get3A_559 : vector<1x16xf32> to vector<16xf32>
      %swap3A_561 = arith.constant 3 : i32
      %swap3A_562 = arith.constant 10 : i32
      %swap3A_563 = arith.index_cast %swap3A_561 : i32 to index
      %swap3A_564 = arith.index_cast %swap3A_562 : i32 to index
      %swap3A_565 = arith.constant 0 : index
      %swap3A_566 = tpu.vector_load %arg4[%swap3A_563, %swap3A_564, %swap3A_565] {strides = array<i32>} : memref<4x32x768xf32, #tpu.memory_space<vmem>>, vector<1x1x16xf32>,
      %swap3A_567 = vector.shape_cast %swap3A_566 : vector<1x1x16xf32> to vector<16xf32>
      %swap3A_568 = vector.shape_cast %get3A_560 : vector<16xf32> to vector<1x1x16xf32>
      tpu.vector_store %arg4[%swap3A_563, %swap3A_564, %swap3A_565], %swap3A_568 {strides = array<i32>} : memref<4x32x768xf32, #tpu.memory_space<vmem>>, vector<1x1x16xf32>,
      %get3A_569 = arith.constant 10 : i32
      %get3A_570 = arith.index_cast %get3A_569 : i32 to index
      %get3A_571 = arith.constant 16 : index
      %get3A_572 = tpu.vector_load %arg5[%get3A_570, %get3A_571] {strides = array<i32>} : memref<32x64xf32, #tpu.memory_space<vmem>>, vector<1x16xf32>,
      %get3A_573 = vector.shape_cast %get3A_572 : vector<1x16xf32> to vector<16xf32>
      %swap3A_574 = arith.constant 3 : i32
      %swap3A_575 = arith.constant 10 : i32
      %swap3A_576 = arith.index_cast %swap3A_574 : i32 to index
      %swap3A_577 = arith.index_cast %swap3A_575 : i32 to index
      %swap3A_578 = arith.constant 16 : index
      %swap3A_579 = tpu.vector_load %arg4[%swap3A_576, %swap3A_577, %swap3A_578] {strides = array<i32>} : memref<4x32x768xf32, #tpu.memory_space<vmem>>, vector<1x1x16xf32>,
      %swap3A_580 = vector.shape_cast %swap3A_579 : vector<1x1x16xf32> to vector<16xf32>
      %swap3A_581 = vector.shape_cast %get3A_573 : vector<16xf32> to vector<1x1x16xf32>
      tpu.vector_store %arg4[%swap3A_576, %swap3A_577, %swap3A_578], %swap3A_581 {strides = array<i32>} : memref<4x32x768xf32, #tpu.memory_space<vmem>>, vector<1x1x16xf32>,
      %get3A_582 = arith.constant 10 : i32
      %get3A_583 = arith.index_cast %get3A_582 : i32 to index
      %get3A_584 = arith.constant 32 : index
      %get3A_585 = tpu.vector_load %arg5[%get3A_583, %get3A_584] {strides = array<i32>} : memref<32x64xf32, #tpu.memory_space<vmem>>, vector<1x16xf32>,
      %get3A_586 = vector.shape_cast %get3A_585 : vector<1x16xf32> to vector<16xf32>
      %swap3A_587 = arith.constant 3 : i32
      %swap3A_588 = arith.constant 10 : i32
      %swap3A_589 = arith.index_cast %swap3A_587 : i32 to index
      %swap3A_590 = arith.index_cast %swap3A_588 : i32 to index
      %swap3A_591 = arith.constant 32 : index
      %swap3A_592 = tpu.vector_load %arg4[%swap3A_589, %swap3A_590, %swap3A_591] {strides = array<i32>} : memref<4x32x768xf32, #tpu.memory_space<vmem>>, vector<1x1x16xf32>,
      %swap3A_593 = vector.shape_cast %swap3A_592 : vector<1x1x16xf32> to vector<16xf32>
      %swap3A_594 = vector.shape_cast %get3A_586 : vector<16xf32> to vector<1x1x16xf32>
      tpu.vector_store %arg4[%swap3A_589, %swap3A_590, %swap3A_591], %swap3A_594 {strides = array<i32>} : memref<4x32x768xf32, #tpu.memory_space<vmem>>, vector<1x1x16xf32>,
      %get3A_595 = arith.constant 10 : i32
      %get3A_596 = arith.index_cast %get3A_595 : i32 to index
      %get3A_597 = arith.constant 48 : index
      %get3A_598 = tpu.vector_load %arg5[%get3A_596, %get3A_597] {strides = array<i32>} : memref<32x64xf32, #tpu.memory_space<vmem>>, vector<1x16xf32>,
      %get3A_599 = vector.shape_cast %get3A_598 : vector<1x16xf32> to vector<16xf32>
      %swap3A_600 = arith.constant 3 : i32
      %swap3A_601 = arith.constant 10 : i32
      %swap3A_602 = arith.index_cast %swap3A_600 : i32 to index
      %swap3A_603 = arith.index_cast %swap3A_601 : i32 to index
      %swap3A_604 = arith.constant 48 : index
      %swap3A_605 = tpu.vector_load %arg4[%swap3A_602, %swap3A_603, %swap3A_604] {strides = array<i32>} : memref<4x32x768xf32, #tpu.memory_space<vmem>>, vector<1x1x16xf32>,
      %swap3A_606 = vector.shape_cast %swap3A_605 : vector<1x1x16xf32> to vector<16xf32>
      %swap3A_607 = vector.shape_cast %get3A_599 : vector<16xf32> to vector<1x1x16xf32>
      tpu.vector_store %arg4[%swap3A_602, %swap3A_603, %swap3A_604], %swap3A_607 {strides = array<i32>} : memref<4x32x768xf32, #tpu.memory_space<vmem>>, vector<1x1x16xf32>,
      %get3A_608 = arith.constant 11 : i32
      %get3A_609 = arith.index_cast %get3A_608 : i32 to index
      %get3A_610 = arith.constant 0 : index
      %get3A_611 = tpu.vector_load %arg5[%get3A_609, %get3A_610] {strides = array<i32>} : memref<32x64xf32, #tpu.memory_space<vmem>>, vector<1x16xf32>,
      %get3A_612 = vector.shape_cast %get3A_611 : vector<1x16xf32> to vector<16xf32>
      %swap3A_613 = arith.constant 3 : i32
      %swap3A_614 = arith.constant 11 : i32
      %swap3A_615 = arith.index_cast %swap3A_613 : i32 to index
      %swap3A_616 = arith.index_cast %swap3A_614 : i32 to index
      %swap3A_617 = arith.constant 0 : index
      %swap3A_618 = tpu.vector_load %arg4[%swap3A_615, %swap3A_616, %swap3A_617] {strides = array<i32>} : memref<4x32x768xf32, #tpu.memory_space<vmem>>, vector<1x1x16xf32>,
      %swap3A_619 = vector.shape_cast %swap3A_618 : vector<1x1x16xf32> to vector<16xf32>
      %swap3A_620 = vector.shape_cast %get3A_612 : vector<16xf32> to vector<1x1x16xf32>
      tpu.vector_store %arg4[%swap3A_615, %swap3A_616, %swap3A_617], %swap3A_620 {strides = array<i32>} : memref<4x32x768xf32, #tpu.memory_space<vmem>>, vector<1x1x16xf32>,
      %get3A_621 = arith.constant 11 : i32
      %get3A_622 = arith.index_cast %get3A_621 : i32 to index
      %get3A_623 = arith.constant 16 : index
      %get3A_624 = tpu.vector_load %arg5[%get3A_622, %get3A_623] {strides = array<i32>} : memref<32x64xf32, #tpu.memory_space<vmem>>, vector<1x16xf32>,
      %get3A_625 = vector.shape_cast %get3A_624 : vector<1x16xf32> to vector<16xf32>
      %swap3A_626 = arith.constant 3 : i32
      %swap3A_627 = arith.constant 11 : i32
      %swap3A_628 = arith.index_cast %swap3A_626 : i32 to index
      %swap3A_629 = arith.index_cast %swap3A_627 : i32 to index
      %swap3A_630 = arith.constant 16 : index
      %swap3A_631 = tpu.vector_load %arg4[%swap3A_628, %swap3A_629, %swap3A_630] {strides = array<i32>} : memref<4x32x768xf32, #tpu.memory_space<vmem>>, vector<1x1x16xf32>,
      %swap3A_632 = vector.shape_cast %swap3A_631 : vector<1x1x16xf32> to vector<16xf32>
      %swap3A_633 = vector.shape_cast %get3A_625 : vector<16xf32> to vector<1x1x16xf32>
      tpu.vector_store %arg4[%swap3A_628, %swap3A_629, %swap3A_630], %swap3A_633 {strides = array<i32>} : memref<4x32x768xf32, #tpu.memory_space<vmem>>, vector<1x1x16xf32>,
      %get3A_634 = arith.constant 11 : i32
      %get3A_635 = arith.index_cast %get3A_634 : i32 to index
      %get3A_636 = arith.constant 32 : index
      %get3A_637 = tpu.vector_load %arg5[%get3A_635, %get3A_636] {strides = array<i32>} : memref<32x64xf32, #tpu.memory_space<vmem>>, vector<1x16xf32>,
      %get3A_638 = vector.shape_cast %get3A_637 : vector<1x16xf32> to vector<16xf32>
      %swap3A_639 = arith.constant 3 : i32
      %swap3A_640 = arith.constant 11 : i32
      %swap3A_641 = arith.index_cast %swap3A_639 : i32 to index
      %swap3A_642 = arith.index_cast %swap3A_640 : i32 to index
      %swap3A_643 = arith.constant 32 : index
      %swap3A_644 = tpu.vector_load %arg4[%swap3A_641, %swap3A_642, %swap3A_643] {strides = array<i32>} : memref<4x32x768xf32, #tpu.memory_space<vmem>>, vector<1x1x16xf32>,
      %swap3A_645 = vector.shape_cast %swap3A_644 : vector<1x1x16xf32> to vector<16xf32>
      %swap3A_646 = vector.shape_cast %get3A_638 : vector<16xf32> to vector<1x1x16xf32>
      tpu.vector_store %arg4[%swap3A_641, %swap3A_642, %swap3A_643], %swap3A_646 {strides = array<i32>} : memref<4x32x768xf32, #tpu.memory_space<vmem>>, vector<1x1x16xf32>,
      %get3A_647 = arith.constant 11 : i32
      %get3A_648 = arith.index_cast %get3A_647 : i32 to index
      %get3A_649 = arith.constant 48 : index
      %get3A_650 = tpu.vector_load %arg5[%get3A_648, %get3A_649] {strides = array<i32>} : memref<32x64xf32, #tpu.memory_space<vmem>>, vector<1x16xf32>,
      %get3A_651 = vector.shape_cast %get3A_650 : vector<1x16xf32> to vector<16xf32>
      %swap3A_652 = arith.constant 3 : i32
      %swap3A_653 = arith.constant 11 : i32
      %swap3A_654 = arith.index_cast %swap3A_652 : i32 to index
      %swap3A_655 = arith.index_cast %swap3A_653 : i32 to index
      %swap3A_656 = arith.constant 48 : index
      %swap3A_657 = tpu.vector_load %arg4[%swap3A_654, %swap3A_655, %swap3A_656] {strides = array<i32>} : memref<4x32x768xf32, #tpu.memory_space<vmem>>, vector<1x1x16xf32>,
      %swap3A_658 = vector.shape_cast %swap3A_657 : vector<1x1x16xf32> to vector<16xf32>
      %swap3A_659 = vector.shape_cast %get3A_651 : vector<16xf32> to vector<1x1x16xf32>
      tpu.vector_store %arg4[%swap3A_654, %swap3A_655, %swap3A_656], %swap3A_659 {strides = array<i32>} : memref<4x32x768xf32, #tpu.memory_space<vmem>>, vector<1x1x16xf32>,
      %get3A_660 = arith.constant 12 : i32
      %get3A_661 = arith.index_cast %get3A_660 : i32 to index
      %get3A_662 = arith.constant 0 : index
      %get3A_663 = tpu.vector_load %arg5[%get3A_661, %get3A_662] {strides = array<i32>} : memref<32x64xf32, #tpu.memory_space<vmem>>, vector<1x16xf32>,
      %get3A_664 = vector.shape_cast %get3A_663 : vector<1x16xf32> to vector<16xf32>
      %swap3A_665 = arith.constant 3 : i32
      %swap3A_666 = arith.constant 12 : i32
      %swap3A_667 = arith.index_cast %swap3A_665 : i32 to index
      %swap3A_668 = arith.index_cast %swap3A_666 : i32 to index
      %swap3A_669 = arith.constant 0 : index
      %swap3A_670 = tpu.vector_load %arg4[%swap3A_667, %swap3A_668, %swap3A_669] {strides = array<i32>} : memref<4x32x768xf32, #tpu.memory_space<vmem>>, vector<1x1x16xf32>,
      %swap3A_671 = vector.shape_cast %swap3A_670 : vector<1x1x16xf32> to vector<16xf32>
      %swap3A_672 = vector.shape_cast %get3A_664 : vector<16xf32> to vector<1x1x16xf32>
      tpu.vector_store %arg4[%swap3A_667, %swap3A_668, %swap3A_669], %swap3A_672 {strides = array<i32>} : memref<4x32x768xf32, #tpu.memory_space<vmem>>, vector<1x1x16xf32>,
      %get3A_673 = arith.constant 12 : i32
      %get3A_674 = arith.index_cast %get3A_673 : i32 to index
      %get3A_675 = arith.constant 16 : index
      %get3A_676 = tpu.vector_load %arg5[%get3A_674, %get3A_675] {strides = array<i32>} : memref<32x64xf32, #tpu.memory_space<vmem>>, vector<1x16xf32>,
      %get3A_677 = vector.shape_cast %get3A_676 : vector<1x16xf32> to vector<16xf32>
      %swap3A_678 = arith.constant 3 : i32
      %swap3A_679 = arith.constant 12 : i32
      %swap3A_680 = arith.index_cast %swap3A_678 : i32 to index
      %swap3A_681 = arith.index_cast %swap3A_679 : i32 to index
      %swap3A_682 = arith.constant 16 : index
      %swap3A_683 = tpu.vector_load %arg4[%swap3A_680, %swap3A_681, %swap3A_682] {strides = array<i32>} : memref<4x32x768xf32, #tpu.memory_space<vmem>>, vector<1x1x16xf32>,
      %swap3A_684 = vector.shape_cast %swap3A_683 : vector<1x1x16xf32> to vector<16xf32>
      %swap3A_685 = vector.shape_cast %get3A_677 : vector<16xf32> to vector<1x1x16xf32>
      tpu.vector_store %arg4[%swap3A_680, %swap3A_681, %swap3A_682], %swap3A_685 {strides = array<i32>} : memref<4x32x768xf32, #tpu.memory_space<vmem>>, vector<1x1x16xf32>,
      %get3A_686 = arith.constant 12 : i32
      %get3A_687 = arith.index_cast %get3A_686 : i32 to index
      %get3A_688 = arith.constant 32 : index
      %get3A_689 = tpu.vector_load %arg5[%get3A_687, %get3A_688] {strides = array<i32>} : memref<32x64xf32, #tpu.memory_space<vmem>>, vector<1x16xf32>,
      %get3A_690 = vector.shape_cast %get3A_689 : vector<1x16xf32> to vector<16xf32>
      %swap3A_691 = arith.constant 3 : i32
      %swap3A_692 = arith.constant 12 : i32
      %swap3A_693 = arith.index_cast %swap3A_691 : i32 to index
      %swap3A_694 = arith.index_cast %swap3A_692 : i32 to index
      %swap3A_695 = arith.constant 32 : index
      %swap3A_696 = tpu.vector_load %arg4[%swap3A_693, %swap3A_694, %swap3A_695] {strides = array<i32>} : memref<4x32x768xf32, #tpu.memory_space<vmem>>, vector<1x1x16xf32>,
      %swap3A_697 = vector.shape_cast %swap3A_696 : vector<1x1x16xf32> to vector<16xf32>
      %swap3A_698 = vector.shape_cast %get3A_690 : vector<16xf32> to vector<1x1x16xf32>
      tpu.vector_store %arg4[%swap3A_693, %swap3A_694, %swap3A_695], %swap3A_698 {strides = array<i32>} : memref<4x32x768xf32, #tpu.memory_space<vmem>>, vector<1x1x16xf32>,
      %get3A_699 = arith.constant 12 : i32
      %get3A_700 = arith.index_cast %get3A_699 : i32 to index
      %get3A_701 = arith.constant 48 : index
      %get3A_702 = tpu.vector_load %arg5[%get3A_700, %get3A_701] {strides = array<i32>} : memref<32x64xf32, #tpu.memory_space<vmem>>, vector<1x16xf32>,
      %get3A_703 = vector.shape_cast %get3A_702 : vector<1x16xf32> to vector<16xf32>
      %swap3A_704 = arith.constant 3 : i32
      %swap3A_705 = arith.constant 12 : i32
      %swap3A_706 = arith.index_cast %swap3A_704 : i32 to index
      %swap3A_707 = arith.index_cast %swap3A_705 : i32 to index
      %swap3A_708 = arith.constant 48 : index
      %swap3A_709 = tpu.vector_load %arg4[%swap3A_706, %swap3A_707, %swap3A_708] {strides = array<i32>} : memref<4x32x768xf32, #tpu.memory_space<vmem>>, vector<1x1x16xf32>,
      %swap3A_710 = vector.shape_cast %swap3A_709 : vector<1x1x16xf32> to vector<16xf32>
      %swap3A_711 = vector.shape_cast %get3A_703 : vector<16xf32> to vector<1x1x16xf32>
      tpu.vector_store %arg4[%swap3A_706, %swap3A_707, %swap3A_708], %swap3A_711 {strides = array<i32>} : memref<4x32x768xf32, #tpu.memory_space<vmem>>, vector<1x1x16xf32>,
      %get3A_712 = arith.constant 13 : i32
      %get3A_713 = arith.index_cast %get3A_712 : i32 to index
      %get3A_714 = arith.constant 0 : index
      %get3A_715 = tpu.vector_load %arg5[%get3A_713, %get3A_714] {strides = array<i32>} : memref<32x64xf32, #tpu.memory_space<vmem>>, vector<1x16xf32>,
      %get3A_716 = vector.shape_cast %get3A_715 : vector<1x16xf32> to vector<16xf32>
      %swap3A_717 = arith.constant 3 : i32
      %swap3A_718 = arith.constant 13 : i32
      %swap3A_719 = arith.index_cast %swap3A_717 : i32 to index
      %swap3A_720 = arith.index_cast %swap3A_718 : i32 to index
      %swap3A_721 = arith.constant 0 : index
      %swap3A_722 = tpu.vector_load %arg4[%swap3A_719, %swap3A_720, %swap3A_721] {strides = array<i32>} : memref<4x32x768xf32, #tpu.memory_space<vmem>>, vector<1x1x16xf32>,
      %swap3A_723 = vector.shape_cast %swap3A_722 : vector<1x1x16xf32> to vector<16xf32>
      %swap3A_724 = vector.shape_cast %get3A_716 : vector<16xf32> to vector<1x1x16xf32>
      tpu.vector_store %arg4[%swap3A_719, %swap3A_720, %swap3A_721], %swap3A_724 {strides = array<i32>} : memref<4x32x768xf32, #tpu.memory_space<vmem>>, vector<1x1x16xf32>,
      %get3A_725 = arith.constant 13 : i32
      %get3A_726 = arith.index_cast %get3A_725 : i32 to index
      %get3A_727 = arith.constant 16 : index
      %get3A_728 = tpu.vector_load %arg5[%get3A_726, %get3A_727] {strides = array<i32>} : memref<32x64xf32, #tpu.memory_space<vmem>>, vector<1x16xf32>,
      %get3A_729 = vector.shape_cast %get3A_728 : vector<1x16xf32> to vector<16xf32>
      %swap3A_730 = arith.constant 3 : i32
      %swap3A_731 = arith.constant 13 : i32
      %swap3A_732 = arith.index_cast %swap3A_730 : i32 to index
      %swap3A_733 = arith.index_cast %swap3A_731 : i32 to index
      %swap3A_734 = arith.constant 16 : index
      %swap3A_735 = tpu.vector_load %arg4[%swap3A_732, %swap3A_733, %swap3A_734] {strides = array<i32>} : memref<4x32x768xf32, #tpu.memory_space<vmem>>, vector<1x1x16xf32>,
      %swap3A_736 = vector.shape_cast %swap3A_735 : vector<1x1x16xf32> to vector<16xf32>
      %swap3A_737 = vector.shape_cast %get3A_729 : vector<16xf32> to vector<1x1x16xf32>
      tpu.vector_store %arg4[%swap3A_732, %swap3A_733, %swap3A_734], %swap3A_737 {strides = array<i32>} : memref<4x32x768xf32, #tpu.memory_space<vmem>>, vector<1x1x16xf32>,
      %get3A_738 = arith.constant 13 : i32
      %get3A_739 = arith.index_cast %get3A_738 : i32 to index
      %get3A_740 = arith.constant 32 : index
      %get3A_741 = tpu.vector_load %arg5[%get3A_739, %get3A_740] {strides = array<i32>} : memref<32x64xf32, #tpu.memory_space<vmem>>, vector<1x16xf32>,
      %get3A_742 = vector.shape_cast %get3A_741 : vector<1x16xf32> to vector<16xf32>
      %swap3A_743 = arith.constant 3 : i32
      %swap3A_744 = arith.constant 13 : i32
      %swap3A_745 = arith.index_cast %swap3A_743 : i32 to index
      %swap3A_746 = arith.index_cast %swap3A_744 : i32 to index
      %swap3A_747 = arith.constant 32 : index
      %swap3A_748 = tpu.vector_load %arg4[%swap3A_745, %swap3A_746, %swap3A_747] {strides = array<i32>} : memref<4x32x768xf32, #tpu.memory_space<vmem>>, vector<1x1x16xf32>,
      %swap3A_749 = vector.shape_cast %swap3A_748 : vector<1x1x16xf32> to vector<16xf32>
      %swap3A_750 = vector.shape_cast %get3A_742 : vector<16xf32> to vector<1x1x16xf32>
      tpu.vector_store %arg4[%swap3A_745, %swap3A_746, %swap3A_747], %swap3A_750 {strides = array<i32>} : memref<4x32x768xf32, #tpu.memory_space<vmem>>, vector<1x1x16xf32>,
      %get3A_751 = arith.constant 13 : i32
      %get3A_752 = arith.index_cast %get3A_751 : i32 to index
      %get3A_753 = arith.constant 48 : index
      %get3A_754 = tpu.vector_load %arg5[%get3A_752, %get3A_753] {strides = array<i32>} : memref<32x64xf32, #tpu.memory_space<vmem>>, vector<1x16xf32>,
      %get3A_755 = vector.shape_cast %get3A_754 : vector<1x16xf32> to vector<16xf32>
      %swap3A_756 = arith.constant 3 : i32
      %swap3A_757 = arith.constant 13 : i32
      %swap3A_758 = arith.index_cast %swap3A_756 : i32 to index
      %swap3A_759 = arith.index_cast %swap3A_757 : i32 to index
      %swap3A_760 = arith.constant 48 : index
      %swap3A_761 = tpu.vector_load %arg4[%swap3A_758, %swap3A_759, %swap3A_760] {strides = array<i32>} : memref<4x32x768xf32, #tpu.memory_space<vmem>>, vector<1x1x16xf32>,
      %swap3A_762 = vector.shape_cast %swap3A_761 : vector<1x1x16xf32> to vector<16xf32>
      %swap3A_763 = vector.shape_cast %get3A_755 : vector<16xf32> to vector<1x1x16xf32>
      tpu.vector_store %arg4[%swap3A_758, %swap3A_759, %swap3A_760], %swap3A_763 {strides = array<i32>} : memref<4x32x768xf32, #tpu.memory_space<vmem>>, vector<1x1x16xf32>,
      %get3A_764 = arith.constant 14 : i32
      %get3A_765 = arith.index_cast %get3A_764 : i32 to index
      %get3A_766 = arith.constant 0 : index
      %get3A_767 = tpu.vector_load %arg5[%get3A_765, %get3A_766] {strides = array<i32>} : memref<32x64xf32, #tpu.memory_space<vmem>>, vector<1x16xf32>,
      %get3A_768 = vector.shape_cast %get3A_767 : vector<1x16xf32> to vector<16xf32>
      %swap3A_769 = arith.constant 3 : i32
      %swap3A_770 = arith.constant 14 : i32
      %swap3A_771 = arith.index_cast %swap3A_769 : i32 to index
      %swap3A_772 = arith.index_cast %swap3A_770 : i32 to index
      %swap3A_773 = arith.constant 0 : index
      %swap3A_774 = tpu.vector_load %arg4[%swap3A_771, %swap3A_772, %swap3A_773] {strides = array<i32>} : memref<4x32x768xf32, #tpu.memory_space<vmem>>, vector<1x1x16xf32>,
      %swap3A_775 = vector.shape_cast %swap3A_774 : vector<1x1x16xf32> to vector<16xf32>
      %swap3A_776 = vector.shape_cast %get3A_768 : vector<16xf32> to vector<1x1x16xf32>
      tpu.vector_store %arg4[%swap3A_771, %swap3A_772, %swap3A_773], %swap3A_776 {strides = array<i32>} : memref<4x32x768xf32, #tpu.memory_space<vmem>>, vector<1x1x16xf32>,
      %get3A_777 = arith.constant 14 : i32
      %get3A_778 = arith.index_cast %get3A_777 : i32 to index
      %get3A_779 = arith.constant 16 : index
      %get3A_780 = tpu.vector_load %arg5[%get3A_778, %get3A_779] {strides = array<i32>} : memref<32x64xf32, #tpu.memory_space<vmem>>, vector<1x16xf32>,
      %get3A_781 = vector.shape_cast %get3A_780 : vector<1x16xf32> to vector<16xf32>
      %swap3A_782 = arith.constant 3 : i32
      %swap3A_783 = arith.constant 14 : i32
      %swap3A_784 = arith.index_cast %swap3A_782 : i32 to index
      %swap3A_785 = arith.index_cast %swap3A_783 : i32 to index
      %swap3A_786 = arith.constant 16 : index
      %swap3A_787 = tpu.vector_load %arg4[%swap3A_784, %swap3A_785, %swap3A_786] {strides = array<i32>} : memref<4x32x768xf32, #tpu.memory_space<vmem>>, vector<1x1x16xf32>,
      %swap3A_788 = vector.shape_cast %swap3A_787 : vector<1x1x16xf32> to vector<16xf32>
      %swap3A_789 = vector.shape_cast %get3A_781 : vector<16xf32> to vector<1x1x16xf32>
      tpu.vector_store %arg4[%swap3A_784, %swap3A_785, %swap3A_786], %swap3A_789 {strides = array<i32>} : memref<4x32x768xf32, #tpu.memory_space<vmem>>, vector<1x1x16xf32>,
      %get3A_790 = arith.constant 14 : i32
      %get3A_791 = arith.index_cast %get3A_790 : i32 to index
      %get3A_792 = arith.constant 32 : index
      %get3A_793 = tpu.vector_load %arg5[%get3A_791, %get3A_792] {strides = array<i32>} : memref<32x64xf32, #tpu.memory_space<vmem>>, vector<1x16xf32>,
      %get3A_794 = vector.shape_cast %get3A_793 : vector<1x16xf32> to vector<16xf32>
      %swap3A_795 = arith.constant 3 : i32
      %swap3A_796 = arith.constant 14 : i32
      %swap3A_797 = arith.index_cast %swap3A_795 : i32 to index
      %swap3A_798 = arith.index_cast %swap3A_796 : i32 to index
      %swap3A_799 = arith.constant 32 : index
      %swap3A_800 = tpu.vector_load %arg4[%swap3A_797, %swap3A_798, %swap3A_799] {strides = array<i32>} : memref<4x32x768xf32, #tpu.memory_space<vmem>>, vector<1x1x16xf32>,
      %swap3A_801 = vector.shape_cast %swap3A_800 : vector<1x1x16xf32> to vector<16xf32>
      %swap3A_802 = vector.shape_cast %get3A_794 : vector<16xf32> to vector<1x1x16xf32>
      tpu.vector_store %arg4[%swap3A_797, %swap3A_798, %swap3A_799], %swap3A_802 {strides = array<i32>} : memref<4x32x768xf32, #tpu.memory_space<vmem>>, vector<1x1x16xf32>,
      %get3A_803 = arith.constant 14 : i32
      %get3A_804 = arith.index_cast %get3A_803 : i32 to index
      %get3A_805 = arith.constant 48 : index
      %get3A_806 = tpu.vector_load %arg5[%get3A_804, %get3A_805] {strides = array<i32>} : memref<32x64xf32, #tpu.memory_space<vmem>>, vector<1x16xf32>,
      %get3A_807 = vector.shape_cast %get3A_806 : vector<1x16xf32> to vector<16xf32>
      %swap3A_808 = arith.constant 3 : i32
      %swap3A_809 = arith.constant 14 : i32
      %swap3A_810 = arith.index_cast %swap3A_808 : i32 to index
      %swap3A_811 = arith.index_cast %swap3A_809 : i32 to index
      %swap3A_812 = arith.constant 48 : index
      %swap3A_813 = tpu.vector_load %arg4[%swap3A_810, %swap3A_811, %swap3A_812] {strides = array<i32>} : memref<4x32x768xf32, #tpu.memory_space<vmem>>, vector<1x1x16xf32>,
      %swap3A_814 = vector.shape_cast %swap3A_813 : vector<1x1x16xf32> to vector<16xf32>
      %swap3A_815 = vector.shape_cast %get3A_807 : vector<16xf32> to vector<1x1x16xf32>
      tpu.vector_store %arg4[%swap3A_810, %swap3A_811, %swap3A_812], %swap3A_815 {strides = array<i32>} : memref<4x32x768xf32, #tpu.memory_space<vmem>>, vector<1x1x16xf32>,
      %get3A_816 = arith.constant 15 : i32
      %get3A_817 = arith.index_cast %get3A_816 : i32 to index
      %get3A_818 = arith.constant 0 : index
      %get3A_819 = tpu.vector_load %arg5[%get3A_817, %get3A_818] {strides = array<i32>} : memref<32x64xf32, #tpu.memory_space<vmem>>, vector<1x16xf32>,
      %get3A_820 = vector.shape_cast %get3A_819 : vector<1x16xf32> to vector<16xf32>
      %swap3A_821 = arith.constant 3 : i32
      %swap3A_822 = arith.constant 15 : i32
      %swap3A_823 = arith.index_cast %swap3A_821 : i32 to index
      %swap3A_824 = arith.index_cast %swap3A_822 : i32 to index
      %swap3A_825 = arith.constant 0 : index
      %swap3A_826 = tpu.vector_load %arg4[%swap3A_823, %swap3A_824, %swap3A_825] {strides = array<i32>} : memref<4x32x768xf32, #tpu.memory_space<vmem>>, vector<1x1x16xf32>,
      %swap3A_827 = vector.shape_cast %swap3A_826 : vector<1x1x16xf32> to vector<16xf32>
      %swap3A_828 = vector.shape_cast %get3A_820 : vector<16xf32> to vector<1x1x16xf32>
      tpu.vector_store %arg4[%swap3A_823, %swap3A_824, %swap3A_825], %swap3A_828 {strides = array<i32>} : memref<4x32x768xf32, #tpu.memory_space<vmem>>, vector<1x1x16xf32>,
      %get3A_829 = arith.constant 15 : i32
      %get3A_830 = arith.index_cast %get3A_829 : i32 to index
      %get3A_831 = arith.constant 16 : index
      %get3A_832 = tpu.vector_load %arg5[%get3A_830, %get3A_831] {strides = array<i32>} : memref<32x64xf32, #tpu.memory_space<vmem>>, vector<1x16xf32>,
      %get3A_833 = vector.shape_cast %get3A_832 : vector<1x16xf32> to vector<16xf32>
      %swap3A_834 = arith.constant 3 : i32
      %swap3A_835 = arith.constant 15 : i32
      %swap3A_836 = arith.index_cast %swap3A_834 : i32 to index
      %swap3A_837 = arith.index_cast %swap3A_835 : i32 to index
      %swap3A_838 = arith.constant 16 : index
      %swap3A_839 = tpu.vector_load %arg4[%swap3A_836, %swap3A_837, %swap3A_838] {strides = array<i32>} : memref<4x32x768xf32, #tpu.memory_space<vmem>>, vector<1x1x16xf32>,
      %swap3A_840 = vector.shape_cast %swap3A_839 : vector<1x1x16xf32> to vector<16xf32>
      %swap3A_841 = vector.shape_cast %get3A_833 : vector<16xf32> to vector<1x1x16xf32>
      tpu.vector_store %arg4[%swap3A_836, %swap3A_837, %swap3A_838], %swap3A_841 {strides = array<i32>} : memref<4x32x768xf32, #tpu.memory_space<vmem>>, vector<1x1x16xf32>,
      %get3A_842 = arith.constant 15 : i32
      %get3A_843 = arith.index_cast %get3A_842 : i32 to index
      %get3A_844 = arith.constant 32 : index
      %get3A_845 = tpu.vector_load %arg5[%get3A_843, %get3A_844] {strides = array<i32>} : memref<32x64xf32, #tpu.memory_space<vmem>>, vector<1x16xf32>,
      %get3A_846 = vector.shape_cast %get3A_845 : vector<1x16xf32> to vector<16xf32>
      %swap3A_847 = arith.constant 3 : i32
      %swap3A_848 = arith.constant 15 : i32
      %swap3A_849 = arith.index_cast %swap3A_847 : i32 to index
      %swap3A_850 = arith.index_cast %swap3A_848 : i32 to index
      %swap3A_851 = arith.constant 32 : index
      %swap3A_852 = tpu.vector_load %arg4[%swap3A_849, %swap3A_850, %swap3A_851] {strides = array<i32>} : memref<4x32x768xf32, #tpu.memory_space<vmem>>, vector<1x1x16xf32>,
      %swap3A_853 = vector.shape_cast %swap3A_852 : vector<1x1x16xf32> to vector<16xf32>
      %swap3A_854 = vector.shape_cast %get3A_846 : vector<16xf32> to vector<1x1x16xf32>
      tpu.vector_store %arg4[%swap3A_849, %swap3A_850, %swap3A_851], %swap3A_854 {strides = array<i32>} : memref<4x32x768xf32, #tpu.memory_space<vmem>>, vector<1x1x16xf32>,
      %get3A_855 = arith.constant 15 : i32
      %get3A_856 = arith.index_cast %get3A_855 : i32 to index
      %get3A_857 = arith.constant 48 : index
      %get3A_858 = tpu.vector_load %arg5[%get3A_856, %get3A_857] {strides = array<i32>} : memref<32x64xf32, #tpu.memory_space<vmem>>, vector<1x16xf32>,
      %get3A_859 = vector.shape_cast %get3A_858 : vector<1x16xf32> to vector<16xf32>
      %swap3A_860 = arith.constant 3 : i32
      %swap3A_861 = arith.constant 15 : i32
      %swap3A_862 = arith.index_cast %swap3A_860 : i32 to index
      %swap3A_863 = arith.index_cast %swap3A_861 : i32 to index
      %swap3A_864 = arith.constant 48 : index
      %swap3A_865 = tpu.vector_load %arg4[%swap3A_862, %swap3A_863, %swap3A_864] {strides = array<i32>} : memref<4x32x768xf32, #tpu.memory_space<vmem>>, vector<1x1x16xf32>,
      %swap3A_866 = vector.shape_cast %swap3A_865 : vector<1x1x16xf32> to vector<16xf32>
      %swap3A_867 = vector.shape_cast %get3A_859 : vector<16xf32> to vector<1x1x16xf32>
      tpu.vector_store %arg4[%swap3A_862, %swap3A_863, %swap3A_864], %swap3A_867 {strides = array<i32>} : memref<4x32x768xf32, #tpu.memory_space<vmem>>, vector<1x1x16xf32>,
      %get3A_868 = arith.constant 16 : i32
      %get3A_869 = arith.index_cast %get3A_868 : i32 to index
      %get3A_870 = arith.constant 0 : index
      %get3A_871 = tpu.vector_load %arg5[%get3A_869, %get3A_870] {strides = array<i32>} : memref<32x64xf32, #tpu.memory_space<vmem>>, vector<1x16xf32>,
      %get3A_872 = vector.shape_cast %get3A_871 : vector<1x16xf32> to vector<16xf32>
      %swap3A_873 = arith.constant 3 : i32
      %swap3A_874 = arith.constant 16 : i32
      %swap3A_875 = arith.index_cast %swap3A_873 : i32 to index
      %swap3A_876 = arith.index_cast %swap3A_874 : i32 to index
      %swap3A_877 = arith.constant 0 : index
      %swap3A_878 = tpu.vector_load %arg4[%swap3A_875, %swap3A_876, %swap3A_877] {strides = array<i32>} : memref<4x32x768xf32, #tpu.memory_space<vmem>>, vector<1x1x16xf32>,
      %swap3A_879 = vector.shape_cast %swap3A_878 : vector<1x1x16xf32> to vector<16xf32>
      %swap3A_880 = vector.shape_cast %get3A_872 : vector<16xf32> to vector<1x1x16xf32>
      tpu.vector_store %arg4[%swap3A_875, %swap3A_876, %swap3A_877], %swap3A_880 {strides = array<i32>} : memref<4x32x768xf32, #tpu.memory_space<vmem>>, vector<1x1x16xf32>,
      %get3A_881 = arith.constant 16 : i32
      %get3A_882 = arith.index_cast %get3A_881 : i32 to index
      %get3A_883 = arith.constant 16 : index
      %get3A_884 = tpu.vector_load %arg5[%get3A_882, %get3A_883] {strides = array<i32>} : memref<32x64xf32, #tpu.memory_space<vmem>>, vector<1x16xf32>,
      %get3A_885 = vector.shape_cast %get3A_884 : vector<1x16xf32> to vector<16xf32>
      %swap3A_886 = arith.constant 3 : i32
      %swap3A_887 = arith.constant 16 : i32
      %swap3A_888 = arith.index_cast %swap3A_886 : i32 to index
      %swap3A_889 = arith.index_cast %swap3A_887 : i32 to index
      %swap3A_890 = arith.constant 16 : index
      %swap3A_891 = tpu.vector_load %arg4[%swap3A_888, %swap3A_889, %swap3A_890] {strides = array<i32>} : memref<4x32x768xf32, #tpu.memory_space<vmem>>, vector<1x1x16xf32>,
      %swap3A_892 = vector.shape_cast %swap3A_891 : vector<1x1x16xf32> to vector<16xf32>
      %swap3A_893 = vector.shape_cast %get3A_885 : vector<16xf32> to vector<1x1x16xf32>
      tpu.vector_store %arg4[%swap3A_888, %swap3A_889, %swap3A_890], %swap3A_893 {strides = array<i32>} : memref<4x32x768xf32, #tpu.memory_space<vmem>>, vector<1x1x16xf32>,
      %get3A_894 = arith.constant 16 : i32
      %get3A_895 = arith.index_cast %get3A_894 : i32 to index
      %get3A_896 = arith.constant 32 : index
      %get3A_897 = tpu.vector_load %arg5[%get3A_895, %get3A_896] {strides = array<i32>} : memref<32x64xf32, #tpu.memory_space<vmem>>, vector<1x16xf32>,
      %get3A_898 = vector.shape_cast %get3A_897 : vector<1x16xf32> to vector<16xf32>
      %swap3A_899 = arith.constant 3 : i32
      %swap3A_900 = arith.constant 16 : i32
      %swap3A_901 = arith.index_cast %swap3A_899 : i32 to index
      %swap3A_902 = arith.index_cast %swap3A_900 : i32 to index
      %swap3A_903 = arith.constant 32 : index
      %swap3A_904 = tpu.vector_load %arg4[%swap3A_901, %swap3A_902, %swap3A_903] {strides = array<i32>} : memref<4x32x768xf32, #tpu.memory_space<vmem>>, vector<1x1x16xf32>,
      %swap3A_905 = vector.shape_cast %swap3A_904 : vector<1x1x16xf32> to vector<16xf32>
      %swap3A_906 = vector.shape_cast %get3A_898 : vector<16xf32> to vector<1x1x16xf32>
      tpu.vector_store %arg4[%swap3A_901, %swap3A_902, %swap3A_903], %swap3A_906 {strides = array<i32>} : memref<4x32x768xf32, #tpu.memory_space<vmem>>, vector<1x1x16xf32>,
      %get3A_907 = arith.constant 16 : i32
      %get3A_908 = arith.index_cast %get3A_907 : i32 to index
      %get3A_909 = arith.constant 48 : index
      %get3A_910 = tpu.vector_load %arg5[%get3A_908, %get3A_909] {strides = array<i32>} : memref<32x64xf32, #tpu.memory_space<vmem>>, vector<1x16xf32>,
      %get3A_911 = vector.shape_cast %get3A_910 : vector<1x16xf32> to vector<16xf32>
      %swap3A_912 = arith.constant 3 : i32
      %swap3A_913 = arith.constant 16 : i32
      %swap3A_914 = arith.index_cast %swap3A_912 : i32 to index
      %swap3A_915 = arith.index_cast %swap3A_913 : i32 to index
      %swap3A_916 = arith.constant 48 : index
      %swap3A_917 = tpu.vector_load %arg4[%swap3A_914, %swap3A_915, %swap3A_916] {strides = array<i32>} : memref<4x32x768xf32, #tpu.memory_space<vmem>>, vector<1x1x16xf32>,
      %swap3A_918 = vector.shape_cast %swap3A_917 : vector<1x1x16xf32> to vector<16xf32>
      %swap3A_919 = vector.shape_cast %get3A_911 : vector<16xf32> to vector<1x1x16xf32>
      tpu.vector_store %arg4[%swap3A_914, %swap3A_915, %swap3A_916], %swap3A_919 {strides = array<i32>} : memref<4x32x768xf32, #tpu.memory_space<vmem>>, vector<1x1x16xf32>,
      %get3A_920 = arith.constant 17 : i32
      %get3A_921 = arith.index_cast %get3A_920 : i32 to index
      %get3A_922 = arith.constant 0 : index
      %get3A_923 = tpu.vector_load %arg5[%get3A_921, %get3A_922] {strides = array<i32>} : memref<32x64xf32, #tpu.memory_space<vmem>>, vector<1x16xf32>,
      %get3A_924 = vector.shape_cast %get3A_923 : vector<1x16xf32> to vector<16xf32>
      %swap3A_925 = arith.constant 3 : i32
      %swap3A_926 = arith.constant 17 : i32
      %swap3A_927 = arith.index_cast %swap3A_925 : i32 to index
      %swap3A_928 = arith.index_cast %swap3A_926 : i32 to index
      %swap3A_929 = arith.constant 0 : index
      %swap3A_930 = tpu.vector_load %arg4[%swap3A_927, %swap3A_928, %swap3A_929] {strides = array<i32>} : memref<4x32x768xf32, #tpu.memory_space<vmem>>, vector<1x1x16xf32>,
      %swap3A_931 = vector.shape_cast %swap3A_930 : vector<1x1x16xf32> to vector<16xf32>
      %swap3A_932 = vector.shape_cast %get3A_924 : vector<16xf32> to vector<1x1x16xf32>
      tpu.vector_store %arg4[%swap3A_927, %swap3A_928, %swap3A_929], %swap3A_932 {strides = array<i32>} : memref<4x32x768xf32, #tpu.memory_space<vmem>>, vector<1x1x16xf32>,
      %get3A_933 = arith.constant 17 : i32
      %get3A_934 = arith.index_cast %get3A_933 : i32 to index
      %get3A_935 = arith.constant 16 : index
      %get3A_936 = tpu.vector_load %arg5[%get3A_934, %get3A_935] {strides = array<i32>} : memref<32x64xf32, #tpu.memory_space<vmem>>, vector<1x16xf32>,
      %get3A_937 = vector.shape_cast %get3A_936 : vector<1x16xf32> to vector<16xf32>
      %swap3A_938 = arith.constant 3 : i32
      %swap3A_939 = arith.constant 17 : i32
      %swap3A_940 = arith.index_cast %swap3A_938 : i32 to index
      %swap3A_941 = arith.index_cast %swap3A_939 : i32 to index
      %swap3A_942 = arith.constant 16 : index
      %swap3A_943 = tpu.vector_load %arg4[%swap3A_940, %swap3A_941, %swap3A_942] {strides = array<i32>} : memref<4x32x768xf32, #tpu.memory_space<vmem>>, vector<1x1x16xf32>,
      %swap3A_944 = vector.shape_cast %swap3A_943 : vector<1x1x16xf32> to vector<16xf32>
      %swap3A_945 = vector.shape_cast %get3A_937 : vector<16xf32> to vector<1x1x16xf32>
      tpu.vector_store %arg4[%swap3A_940, %swap3A_941, %swap3A_942], %swap3A_945 {strides = array<i32>} : memref<4x32x768xf32, #tpu.memory_space<vmem>>, vector<1x1x16xf32>,
      %get3A_946 = arith.constant 17 : i32
      %get3A_947 = arith.index_cast %get3A_946 : i32 to index
      %get3A_948 = arith.constant 32 : index
      %get3A_949 = tpu.vector_load %arg5[%get3A_947, %get3A_948] {strides = array<i32>} : memref<32x64xf32, #tpu.memory_space<vmem>>, vector<1x16xf32>,
      %get3A_950 = vector.shape_cast %get3A_949 : vector<1x16xf32> to vector<16xf32>
      %swap3A_951 = arith.constant 3 : i32
      %swap3A_952 = arith.constant 17 : i32
      %swap3A_953 = arith.index_cast %swap3A_951 : i32 to index
      %swap3A_954 = arith.index_cast %swap3A_952 : i32 to index
      %swap3A_955 = arith.constant 32 : index
      %swap3A_956 = tpu.vector_load %arg4[%swap3A_953, %swap3A_954, %swap3A_955] {strides = array<i32>} : memref<4x32x768xf32, #tpu.memory_space<vmem>>, vector<1x1x16xf32>,
      %swap3A_957 = vector.shape_cast %swap3A_956 : vector<1x1x16xf32> to vector<16xf32>
      %swap3A_958 = vector.shape_cast %get3A_950 : vector<16xf32> to vector<1x1x16xf32>
      tpu.vector_store %arg4[%swap3A_953, %swap3A_954, %swap3A_955], %swap3A_958 {strides = array<i32>} : memref<4x32x768xf32, #tpu.memory_space<vmem>>, vector<1x1x16xf32>,
      %get3A_959 = arith.constant 17 : i32
      %get3A_960 = arith.index_cast %get3A_959 : i32 to index
      %get3A_961 = arith.constant 48 : index
      %get3A_962 = tpu.vector_load %arg5[%get3A_960, %get3A_961] {strides = array<i32>} : memref<32x64xf32, #tpu.memory_space<vmem>>, vector<1x16xf32>,
      %get3A_963 = vector.shape_cast %get3A_962 : vector<1x16xf32> to vector<16xf32>
      %swap3A_964 = arith.constant 3 : i32
      %swap3A_965 = arith.constant 17 : i32
      %swap3A_966 = arith.index_cast %swap3A_964 : i32 to index
      %swap3A_967 = arith.index_cast %swap3A_965 : i32 to index
      %swap3A_968 = arith.constant 48 : index
      %swap3A_969 = tpu.vector_load %arg4[%swap3A_966, %swap3A_967, %swap3A_968] {strides = array<i32>} : memref<4x32x768xf32, #tpu.memory_space<vmem>>, vector<1x1x16xf32>,
      %swap3A_970 = vector.shape_cast %swap3A_969 : vector<1x1x16xf32> to vector<16xf32>
      %swap3A_971 = vector.shape_cast %get3A_963 : vector<16xf32> to vector<1x1x16xf32>
      tpu.vector_store %arg4[%swap3A_966, %swap3A_967, %swap3A_968], %swap3A_971 {strides = array<i32>} : memref<4x32x768xf32, #tpu.memory_space<vmem>>, vector<1x1x16xf32>,
      %get3A_972 = arith.constant 18 : i32
      %get3A_973 = arith.index_cast %get3A_972 : i32 to index
      %get3A_974 = arith.constant 0 : index
      %get3A_975 = tpu.vector_load %arg5[%get3A_973, %get3A_974] {strides = array<i32>} : memref<32x64xf32, #tpu.memory_space<vmem>>, vector<1x16xf32>,
      %get3A_976 = vector.shape_cast %get3A_975 : vector<1x16xf32> to vector<16xf32>
      %swap3A_977 = arith.constant 3 : i32
      %swap3A_978 = arith.constant 18 : i32
      %swap3A_979 = arith.index_cast %swap3A_977 : i32 to index
      %swap3A_980 = arith.index_cast %swap3A_978 : i32 to index
      %swap3A_981 = arith.constant 0 : index
      %swap3A_982 = tpu.vector_load %arg4[%swap3A_979, %swap3A_980, %swap3A_981] {strides = array<i32>} : memref<4x32x768xf32, #tpu.memory_space<vmem>>, vector<1x1x16xf32>,
      %swap3A_983 = vector.shape_cast %swap3A_982 : vector<1x1x16xf32> to vector<16xf32>
      %swap3A_984 = vector.shape_cast %get3A_976 : vector<16xf32> to vector<1x1x16xf32>
      tpu.vector_store %arg4[%swap3A_979, %swap3A_980, %swap3A_981], %swap3A_984 {strides = array<i32>} : memref<4x32x768xf32, #tpu.memory_space<vmem>>, vector<1x1x16xf32>,
      %get3A_985 = arith.constant 18 : i32
      %get3A_986 = arith.index_cast %get3A_985 : i32 to index
      %get3A_987 = arith.constant 16 : index
      %get3A_988 = tpu.vector_load %arg5[%get3A_986, %get3A_987] {strides = array<i32>} : memref<32x64xf32, #tpu.memory_space<vmem>>, vector<1x16xf32>,
      %get3A_989 = vector.shape_cast %get3A_988 : vector<1x16xf32> to vector<16xf32>
      %swap3A_990 = arith.constant 3 : i32
      %swap3A_991 = arith.constant 18 : i32
      %swap3A_992 = arith.index_cast %swap3A_990 : i32 to index
      %swap3A_993 = arith.index_cast %swap3A_991 : i32 to index
      %swap3A_994 = arith.constant 16 : index
      %swap3A_995 = tpu.vector_load %arg4[%swap3A_992, %swap3A_993, %swap3A_994] {strides = array<i32>} : memref<4x32x768xf32, #tpu.memory_space<vmem>>, vector<1x1x16xf32>,
      %swap3A_996 = vector.shape_cast %swap3A_995 : vector<1x1x16xf32> to vector<16xf32>
      %swap3A_997 = vector.shape_cast %get3A_989 : vector<16xf32> to vector<1x1x16xf32>
      tpu.vector_store %arg4[%swap3A_992, %swap3A_993, %swap3A_994], %swap3A_997 {strides = array<i32>} : memref<4x32x768xf32, #tpu.memory_space<vmem>>, vector<1x1x16xf32>,
      %get3A_998 = arith.constant 18 : i32
      %get3A_999 = arith.index_cast %get3A_998 : i32 to index
      %get3A_1000 = arith.constant 32 : index
      %get3A_1001 = tpu.vector_load %arg5[%get3A_999, %get3A_1000] {strides = array<i32>} : memref<32x64xf32, #tpu.memory_space<vmem>>, vector<1x16xf32>,
      %get3A_1002 = vector.shape_cast %get3A_1001 : vector<1x16xf32> to vector<16xf32>
      %swap3A_1003 = arith.constant 3 : i32
      %swap3A_1004 = arith.constant 18 : i32
      %swap3A_1005 = arith.index_cast %swap3A_1003 : i32 to index
      %swap3A_1006 = arith.index_cast %swap3A_1004 : i32 to index
      %swap3A_1007 = arith.constant 32 : index
      %swap3A_1008 = tpu.vector_load %arg4[%swap3A_1005, %swap3A_1006, %swap3A_1007] {strides = array<i32>} : memref<4x32x768xf32, #tpu.memory_space<vmem>>, vector<1x1x16xf32>,
      %swap3A_1009 = vector.shape_cast %swap3A_1008 : vector<1x1x16xf32> to vector<16xf32>
      %swap3A_1010 = vector.shape_cast %get3A_1002 : vector<16xf32> to vector<1x1x16xf32>
      tpu.vector_store %arg4[%swap3A_1005, %swap3A_1006, %swap3A_1007], %swap3A_1010 {strides = array<i32>} : memref<4x32x768xf32, #tpu.memory_space<vmem>>, vector<1x1x16xf32>,
      %get3A_1011 = arith.constant 18 : i32
      %get3A_1012 = arith.index_cast %get3A_1011 : i32 to index
      %get3A_1013 = arith.constant 48 : index
      %get3A_1014 = tpu.vector_load %arg5[%get3A_1012, %get3A_1013] {strides = array<i32>} : memref<32x64xf32, #tpu.memory_space<vmem>>, vector<1x16xf32>,
      %get3A_1015 = vector.shape_cast %get3A_1014 : vector<1x16xf32> to vector<16xf32>
      %swap3A_1016 = arith.constant 3 : i32
      %swap3A_1017 = arith.constant 18 : i32
      %swap3A_1018 = arith.index_cast %swap3A_1016 : i32 to index
      %swap3A_1019 = arith.index_cast %swap3A_1017 : i32 to index
      %swap3A_1020 = arith.constant 48 : index
      %swap3A_1021 = tpu.vector_load %arg4[%swap3A_1018, %swap3A_1019, %swap3A_1020] {strides = array<i32>} : memref<4x32x768xf32, #tpu.memory_space<vmem>>, vector<1x1x16xf32>,
      %swap3A_1022 = vector.shape_cast %swap3A_1021 : vector<1x1x16xf32> to vector<16xf32>
      %swap3A_1023 = vector.shape_cast %get3A_1015 : vector<16xf32> to vector<1x1x16xf32>
      tpu.vector_store %arg4[%swap3A_1018, %swap3A_1019, %swap3A_1020], %swap3A_1023 {strides = array<i32>} : memref<4x32x768xf32, #tpu.memory_space<vmem>>, vector<1x1x16xf32>,
      %get3A_1024 = arith.constant 19 : i32
      %get3A_1025 = arith.index_cast %get3A_1024 : i32 to index
      %get3A_1026 = arith.constant 0 : index
      %get3A_1027 = tpu.vector_load %arg5[%get3A_1025, %get3A_1026] {strides = array<i32>} : memref<32x64xf32, #tpu.memory_space<vmem>>, vector<1x16xf32>,
      %get3A_1028 = vector.shape_cast %get3A_1027 : vector<1x16xf32> to vector<16xf32>
      %swap3A_1029 = arith.constant 3 : i32
      %swap3A_1030 = arith.constant 19 : i32
      %swap3A_1031 = arith.index_cast %swap3A_1029 : i32 to index
      %swap3A_1032 = arith.index_cast %swap3A_1030 : i32 to index
      %swap3A_1033 = arith.constant 0 : index
      %swap3A_1034 = tpu.vector_load %arg4[%swap3A_1031, %swap3A_1032, %swap3A_1033] {strides = array<i32>} : memref<4x32x768xf32, #tpu.memory_space<vmem>>, vector<1x1x16xf32>,
      %swap3A_1035 = vector.shape_cast %swap3A_1034 : vector<1x1x16xf32> to vector<16xf32>
      %swap3A_1036 = vector.shape_cast %get3A_1028 : vector<16xf32> to vector<1x1x16xf32>
      tpu.vector_store %arg4[%swap3A_1031, %swap3A_1032, %swap3A_1033], %swap3A_1036 {strides = array<i32>} : memref<4x32x768xf32, #tpu.memory_space<vmem>>, vector<1x1x16xf32>,
      %get3A_1037 = arith.constant 19 : i32
      %get3A_1038 = arith.index_cast %get3A_1037 : i32 to index
      %get3A_1039 = arith.constant 16 : index
      %get3A_1040 = tpu.vector_load %arg5[%get3A_1038, %get3A_1039] {strides = array<i32>} : memref<32x64xf32, #tpu.memory_space<vmem>>, vector<1x16xf32>,
      %get3A_1041 = vector.shape_cast %get3A_1040 : vector<1x16xf32> to vector<16xf32>
      %swap3A_1042 = arith.constant 3 : i32
      %swap3A_1043 = arith.constant 19 : i32
      %swap3A_1044 = arith.index_cast %swap3A_1042 : i32 to index
      %swap3A_1045 = arith.index_cast %swap3A_1043 : i32 to index
      %swap3A_1046 = arith.constant 16 : index
      %swap3A_1047 = tpu.vector_load %arg4[%swap3A_1044, %swap3A_1045, %swap3A_1046] {strides = array<i32>} : memref<4x32x768xf32, #tpu.memory_space<vmem>>, vector<1x1x16xf32>,
      %swap3A_1048 = vector.shape_cast %swap3A_1047 : vector<1x1x16xf32> to vector<16xf32>
      %swap3A_1049 = vector.shape_cast %get3A_1041 : vector<16xf32> to vector<1x1x16xf32>
      tpu.vector_store %arg4[%swap3A_1044, %swap3A_1045, %swap3A_1046], %swap3A_1049 {strides = array<i32>} : memref<4x32x768xf32, #tpu.memory_space<vmem>>, vector<1x1x16xf32>,
      %get3A_1050 = arith.constant 19 : i32
      %get3A_1051 = arith.index_cast %get3A_1050 : i32 to index
      %get3A_1052 = arith.constant 32 : index
      %get3A_1053 = tpu.vector_load %arg5[%get3A_1051, %get3A_1052] {strides = array<i32>} : memref<32x64xf32, #tpu.memory_space<vmem>>, vector<1x16xf32>,
      %get3A_1054 = vector.shape_cast %get3A_1053 : vector<1x16xf32> to vector<16xf32>
      %swap3A_1055 = arith.constant 3 : i32
      %swap3A_1056 = arith.constant 19 : i32
      %swap3A_1057 = arith.index_cast %swap3A_1055 : i32 to index
      %swap3A_1058 = arith.index_cast %swap3A_1056 : i32 to index
      %swap3A_1059 = arith.constant 32 : index
      %swap3A_1060 = tpu.vector_load %arg4[%swap3A_1057, %swap3A_1058, %swap3A_1059] {strides = array<i32>} : memref<4x32x768xf32, #tpu.memory_space<vmem>>, vector<1x1x16xf32>,
      %swap3A_1061 = vector.shape_cast %swap3A_1060 : vector<1x1x16xf32> to vector<16xf32>
      %swap3A_1062 = vector.shape_cast %get3A_1054 : vector<16xf32> to vector<1x1x16xf32>
      tpu.vector_store %arg4[%swap3A_1057, %swap3A_1058, %swap3A_1059], %swap3A_1062 {strides = array<i32>} : memref<4x32x768xf32, #tpu.memory_space<vmem>>, vector<1x1x16xf32>,
      %get3A_1063 = arith.constant 19 : i32
      %get3A_1064 = arith.index_cast %get3A_1063 : i32 to index
      %get3A_1065 = arith.constant 48 : index
      %get3A_1066 = tpu.vector_load %arg5[%get3A_1064, %get3A_1065] {strides = array<i32>} : memref<32x64xf32, #tpu.memory_space<vmem>>, vector<1x16xf32>,
      %get3A_1067 = vector.shape_cast %get3A_1066 : vector<1x16xf32> to vector<16xf32>
      %swap3A_1068 = arith.constant 3 : i32
      %swap3A_1069 = arith.constant 19 : i32
      %swap3A_1070 = arith.index_cast %swap3A_1068 : i32 to index
      %swap3A_1071 = arith.index_cast %swap3A_1069 : i32 to index
      %swap3A_1072 = arith.constant 48 : index
      %swap3A_1073 = tpu.vector_load %arg4[%swap3A_1070, %swap3A_1071, %swap3A_1072] {strides = array<i32>} : memref<4x32x768xf32, #tpu.memory_space<vmem>>, vector<1x1x16xf32>,
      %swap3A_1074 = vector.shape_cast %swap3A_1073 : vector<1x1x16xf32> to vector<16xf32>
      %swap3A_1075 = vector.shape_cast %get3A_1067 : vector<16xf32> to vector<1x1x16xf32>
      tpu.vector_store %arg4[%swap3A_1070, %swap3A_1071, %swap3A_1072], %swap3A_1075 {strides = array<i32>} : memref<4x32x768xf32, #tpu.memory_space<vmem>>, vector<1x1x16xf32>,
      %get3A_1076 = arith.constant 20 : i32
      %get3A_1077 = arith.index_cast %get3A_1076 : i32 to index
      %get3A_1078 = arith.constant 0 : index
      %get3A_1079 = tpu.vector_load %arg5[%get3A_1077, %get3A_1078] {strides = array<i32>} : memref<32x64xf32, #tpu.memory_space<vmem>>, vector<1x16xf32>,
      %get3A_1080 = vector.shape_cast %get3A_1079 : vector<1x16xf32> to vector<16xf32>
      %swap3A_1081 = arith.constant 3 : i32
      %swap3A_1082 = arith.constant 20 : i32
      %swap3A_1083 = arith.index_cast %swap3A_1081 : i32 to index
      %swap3A_1084 = arith.index_cast %swap3A_1082 : i32 to index
      %swap3A_1085 = arith.constant 0 : index
      %swap3A_1086 = tpu.vector_load %arg4[%swap3A_1083, %swap3A_1084, %swap3A_1085] {strides = array<i32>} : memref<4x32x768xf32, #tpu.memory_space<vmem>>, vector<1x1x16xf32>,
      %swap3A_1087 = vector.shape_cast %swap3A_1086 : vector<1x1x16xf32> to vector<16xf32>
      %swap3A_1088 = vector.shape_cast %get3A_1080 : vector<16xf32> to vector<1x1x16xf32>
      tpu.vector_store %arg4[%swap3A_1083, %swap3A_1084, %swap3A_1085], %swap3A_1088 {strides = array<i32>} : memref<4x32x768xf32, #tpu.memory_space<vmem>>, vector<1x1x16xf32>,
      %get3A_1089 = arith.constant 20 : i32
      %get3A_1090 = arith.index_cast %get3A_1089 : i32 to index
      %get3A_1091 = arith.constant 16 : index
      %get3A_1092 = tpu.vector_load %arg5[%get3A_1090, %get3A_1091] {strides = array<i32>} : memref<32x64xf32, #tpu.memory_space<vmem>>, vector<1x16xf32>,
      %get3A_1093 = vector.shape_cast %get3A_1092 : vector<1x16xf32> to vector<16xf32>
      %swap3A_1094 = arith.constant 3 : i32
      %swap3A_1095 = arith.constant 20 : i32
      %swap3A_1096 = arith.index_cast %swap3A_1094 : i32 to index
      %swap3A_1097 = arith.index_cast %swap3A_1095 : i32 to index
      %swap3A_1098 = arith.constant 16 : index
      %swap3A_1099 = tpu.vector_load %arg4[%swap3A_1096, %swap3A_1097, %swap3A_1098] {strides = array<i32>} : memref<4x32x768xf32, #tpu.memory_space<vmem>>, vector<1x1x16xf32>,
      %swap3A_1100 = vector.shape_cast %swap3A_1099 : vector<1x1x16xf32> to vector<16xf32>
      %swap3A_1101 = vector.shape_cast %get3A_1093 : vector<16xf32> to vector<1x1x16xf32>
      tpu.vector_store %arg4[%swap3A_1096, %swap3A_1097, %swap3A_1098], %swap3A_1101 {strides = array<i32>} : memref<4x32x768xf32, #tpu.memory_space<vmem>>, vector<1x1x16xf32>,
      %get3A_1102 = arith.constant 20 : i32
      %get3A_1103 = arith.index_cast %get3A_1102 : i32 to index
      %get3A_1104 = arith.constant 32 : index
      %get3A_1105 = tpu.vector_load %arg5[%get3A_1103, %get3A_1104] {strides = array<i32>} : memref<32x64xf32, #tpu.memory_space<vmem>>, vector<1x16xf32>,
      %get3A_1106 = vector.shape_cast %get3A_1105 : vector<1x16xf32> to vector<16xf32>
      %swap3A_1107 = arith.constant 3 : i32
      %swap3A_1108 = arith.constant 20 : i32
      %swap3A_1109 = arith.index_cast %swap3A_1107 : i32 to index
      %swap3A_1110 = arith.index_cast %swap3A_1108 : i32 to index
      %swap3A_1111 = arith.constant 32 : index
      %swap3A_1112 = tpu.vector_load %arg4[%swap3A_1109, %swap3A_1110, %swap3A_1111] {strides = array<i32>} : memref<4x32x768xf32, #tpu.memory_space<vmem>>, vector<1x1x16xf32>,
      %swap3A_1113 = vector.shape_cast %swap3A_1112 : vector<1x1x16xf32> to vector<16xf32>
      %swap3A_1114 = vector.shape_cast %get3A_1106 : vector<16xf32> to vector<1x1x16xf32>
      tpu.vector_store %arg4[%swap3A_1109, %swap3A_1110, %swap3A_1111], %swap3A_1114 {strides = array<i32>} : memref<4x32x768xf32, #tpu.memory_space<vmem>>, vector<1x1x16xf32>,
      %get3A_1115 = arith.constant 20 : i32
      %get3A_1116 = arith.index_cast %get3A_1115 : i32 to index
      %get3A_1117 = arith.constant 48 : index
      %get3A_1118 = tpu.vector_load %arg5[%get3A_1116, %get3A_1117] {strides = array<i32>} : memref<32x64xf32, #tpu.memory_space<vmem>>, vector<1x16xf32>,
      %get3A_1119 = vector.shape_cast %get3A_1118 : vector<1x16xf32> to vector<16xf32>
      %swap3A_1120 = arith.constant 3 : i32
      %swap3A_1121 = arith.constant 20 : i32
      %swap3A_1122 = arith.index_cast %swap3A_1120 : i32 to index
      %swap3A_1123 = arith.index_cast %swap3A_1121 : i32 to index
      %swap3A_1124 = arith.constant 48 : index
      %swap3A_1125 = tpu.vector_load %arg4[%swap3A_1122, %swap3A_1123, %swap3A_1124] {strides = array<i32>} : memref<4x32x768xf32, #tpu.memory_space<vmem>>, vector<1x1x16xf32>,
      %swap3A_1126 = vector.shape_cast %swap3A_1125 : vector<1x1x16xf32> to vector<16xf32>
      %swap3A_1127 = vector.shape_cast %get3A_1119 : vector<16xf32> to vector<1x1x16xf32>
      tpu.vector_store %arg4[%swap3A_1122, %swap3A_1123, %swap3A_1124], %swap3A_1127 {strides = array<i32>} : memref<4x32x768xf32, #tpu.memory_space<vmem>>, vector<1x1x16xf32>,
      %get3A_1128 = arith.constant 21 : i32
      %get3A_1129 = arith.index_cast %get3A_1128 : i32 to index
      %get3A_1130 = arith.constant 0 : index
      %get3A_1131 = tpu.vector_load %arg5[%get3A_1129, %get3A_1130] {strides = array<i32>} : memref<32x64xf32, #tpu.memory_space<vmem>>, vector<1x16xf32>,
      %get3A_1132 = vector.shape_cast %get3A_1131 : vector<1x16xf32> to vector<16xf32>
      %swap3A_1133 = arith.constant 3 : i32
      %swap3A_1134 = arith.constant 21 : i32
      %swap3A_1135 = arith.index_cast %swap3A_1133 : i32 to index
      %swap3A_1136 = arith.index_cast %swap3A_1134 : i32 to index
      %swap3A_1137 = arith.constant 0 : index
      %swap3A_1138 = tpu.vector_load %arg4[%swap3A_1135, %swap3A_1136, %swap3A_1137] {strides = array<i32>} : memref<4x32x768xf32, #tpu.memory_space<vmem>>, vector<1x1x16xf32>,
      %swap3A_1139 = vector.shape_cast %swap3A_1138 : vector<1x1x16xf32> to vector<16xf32>
      %swap3A_1140 = vector.shape_cast %get3A_1132 : vector<16xf32> to vector<1x1x16xf32>
      tpu.vector_store %arg4[%swap3A_1135, %swap3A_1136, %swap3A_1137], %swap3A_1140 {strides = array<i32>} : memref<4x32x768xf32, #tpu.memory_space<vmem>>, vector<1x1x16xf32>,
      %get3A_1141 = arith.constant 21 : i32
      %get3A_1142 = arith.index_cast %get3A_1141 : i32 to index
      %get3A_1143 = arith.constant 16 : index
      %get3A_1144 = tpu.vector_load %arg5[%get3A_1142, %get3A_1143] {strides = array<i32>} : memref<32x64xf32, #tpu.memory_space<vmem>>, vector<1x16xf32>,
      %get3A_1145 = vector.shape_cast %get3A_1144 : vector<1x16xf32> to vector<16xf32>
      %swap3A_1146 = arith.constant 3 : i32
      %swap3A_1147 = arith.constant 21 : i32
      %swap3A_1148 = arith.index_cast %swap3A_1146 : i32 to index
      %swap3A_1149 = arith.index_cast %swap3A_1147 : i32 to index
      %swap3A_1150 = arith.constant 16 : index
      %swap3A_1151 = tpu.vector_load %arg4[%swap3A_1148, %swap3A_1149, %swap3A_1150] {strides = array<i32>} : memref<4x32x768xf32, #tpu.memory_space<vmem>>, vector<1x1x16xf32>,
      %swap3A_1152 = vector.shape_cast %swap3A_1151 : vector<1x1x16xf32> to vector<16xf32>
      %swap3A_1153 = vector.shape_cast %get3A_1145 : vector<16xf32> to vector<1x1x16xf32>
      tpu.vector_store %arg4[%swap3A_1148, %swap3A_1149, %swap3A_1150], %swap3A_1153 {strides = array<i32>} : memref<4x32x768xf32, #tpu.memory_space<vmem>>, vector<1x1x16xf32>,
      %get3A_1154 = arith.constant 21 : i32
      %get3A_1155 = arith.index_cast %get3A_1154 : i32 to index
      %get3A_1156 = arith.constant 32 : index
      %get3A_1157 = tpu.vector_load %arg5[%get3A_1155, %get3A_1156] {strides = array<i32>} : memref<32x64xf32, #tpu.memory_space<vmem>>, vector<1x16xf32>,
      %get3A_1158 = vector.shape_cast %get3A_1157 : vector<1x16xf32> to vector<16xf32>
      %swap3A_1159 = arith.constant 3 : i32
      %swap3A_1160 = arith.constant 21 : i32
      %swap3A_1161 = arith.index_cast %swap3A_1159 : i32 to index
      %swap3A_1162 = arith.index_cast %swap3A_1160 : i32 to index
      %swap3A_1163 = arith.constant 32 : index
      %swap3A_1164 = tpu.vector_load %arg4[%swap3A_1161, %swap3A_1162, %swap3A_1163] {strides = array<i32>} : memref<4x32x768xf32, #tpu.memory_space<vmem>>, vector<1x1x16xf32>,
      %swap3A_1165 = vector.shape_cast %swap3A_1164 : vector<1x1x16xf32> to vector<16xf32>
      %swap3A_1166 = vector.shape_cast %get3A_1158 : vector<16xf32> to vector<1x1x16xf32>
      tpu.vector_store %arg4[%swap3A_1161, %swap3A_1162, %swap3A_1163], %swap3A_1166 {strides = array<i32>} : memref<4x32x768xf32, #tpu.memory_space<vmem>>, vector<1x1x16xf32>,
      %get3A_1167 = arith.constant 21 : i32
      %get3A_1168 = arith.index_cast %get3A_1167 : i32 to index
      %get3A_1169 = arith.constant 48 : index
      %get3A_1170 = tpu.vector_load %arg5[%get3A_1168, %get3A_1169] {strides = array<i32>} : memref<32x64xf32, #tpu.memory_space<vmem>>, vector<1x16xf32>,
      %get3A_1171 = vector.shape_cast %get3A_1170 : vector<1x16xf32> to vector<16xf32>
      %swap3A_1172 = arith.constant 3 : i32
      %swap3A_1173 = arith.constant 21 : i32
      %swap3A_1174 = arith.index_cast %swap3A_1172 : i32 to index
      %swap3A_1175 = arith.index_cast %swap3A_1173 : i32 to index
      %swap3A_1176 = arith.constant 48 : index
      %swap3A_1177 = tpu.vector_load %arg4[%swap3A_1174, %swap3A_1175, %swap3A_1176] {strides = array<i32>} : memref<4x32x768xf32, #tpu.memory_space<vmem>>, vector<1x1x16xf32>,
      %swap3A_1178 = vector.shape_cast %swap3A_1177 : vector<1x1x16xf32> to vector<16xf32>
      %swap3A_1179 = vector.shape_cast %get3A_1171 : vector<16xf32> to vector<1x1x16xf32>
      tpu.vector_store %arg4[%swap3A_1174, %swap3A_1175, %swap3A_1176], %swap3A_1179 {strides = array<i32>} : memref<4x32x768xf32, #tpu.memory_space<vmem>>, vector<1x1x16xf32>,
      %get3A_1180 = arith.constant 22 : i32
      %get3A_1181 = arith.index_cast %get3A_1180 : i32 to index
      %get3A_1182 = arith.constant 0 : index
      %get3A_1183 = tpu.vector_load %arg5[%get3A_1181, %get3A_1182] {strides = array<i32>} : memref<32x64xf32, #tpu.memory_space<vmem>>, vector<1x16xf32>,
      %get3A_1184 = vector.shape_cast %get3A_1183 : vector<1x16xf32> to vector<16xf32>
      %swap3A_1185 = arith.constant 3 : i32
      %swap3A_1186 = arith.constant 22 : i32
      %swap3A_1187 = arith.index_cast %swap3A_1185 : i32 to index
      %swap3A_1188 = arith.index_cast %swap3A_1186 : i32 to index
      %swap3A_1189 = arith.constant 0 : index
      %swap3A_1190 = tpu.vector_load %arg4[%swap3A_1187, %swap3A_1188, %swap3A_1189] {strides = array<i32>} : memref<4x32x768xf32, #tpu.memory_space<vmem>>, vector<1x1x16xf32>,
      %swap3A_1191 = vector.shape_cast %swap3A_1190 : vector<1x1x16xf32> to vector<16xf32>
      %swap3A_1192 = vector.shape_cast %get3A_1184 : vector<16xf32> to vector<1x1x16xf32>
      tpu.vector_store %arg4[%swap3A_1187, %swap3A_1188, %swap3A_1189], %swap3A_1192 {strides = array<i32>} : memref<4x32x768xf32, #tpu.memory_space<vmem>>, vector<1x1x16xf32>,
      %get3A_1193 = arith.constant 22 : i32
      %get3A_1194 = arith.index_cast %get3A_1193 : i32 to index
      %get3A_1195 = arith.constant 16 : index
      %get3A_1196 = tpu.vector_load %arg5[%get3A_1194, %get3A_1195] {strides = array<i32>} : memref<32x64xf32, #tpu.memory_space<vmem>>, vector<1x16xf32>,
      %get3A_1197 = vector.shape_cast %get3A_1196 : vector<1x16xf32> to vector<16xf32>
      %swap3A_1198 = arith.constant 3 : i32
      %swap3A_1199 = arith.constant 22 : i32
      %swap3A_1200 = arith.index_cast %swap3A_1198 : i32 to index
      %swap3A_1201 = arith.index_cast %swap3A_1199 : i32 to index
      %swap3A_1202 = arith.constant 16 : index
      %swap3A_1203 = tpu.vector_load %arg4[%swap3A_1200, %swap3A_1201, %swap3A_1202] {strides = array<i32>} : memref<4x32x768xf32, #tpu.memory_space<vmem>>, vector<1x1x16xf32>,
      %swap3A_1204 = vector.shape_cast %swap3A_1203 : vector<1x1x16xf32> to vector<16xf32>
      %swap3A_1205 = vector.shape_cast %get3A_1197 : vector<16xf32> to vector<1x1x16xf32>
      tpu.vector_store %arg4[%swap3A_1200, %swap3A_1201, %swap3A_1202], %swap3A_1205 {strides = array<i32>} : memref<4x32x768xf32, #tpu.memory_space<vmem>>, vector<1x1x16xf32>,
      %get3A_1206 = arith.constant 22 : i32
      %get3A_1207 = arith.index_cast %get3A_1206 : i32 to index
      %get3A_1208 = arith.constant 32 : index
      %get3A_1209 = tpu.vector_load %arg5[%get3A_1207, %get3A_1208] {strides = array<i32>} : memref<32x64xf32, #tpu.memory_space<vmem>>, vector<1x16xf32>,
      %get3A_1210 = vector.shape_cast %get3A_1209 : vector<1x16xf32> to vector<16xf32>
      %swap3A_1211 = arith.constant 3 : i32
      %swap3A_1212 = arith.constant 22 : i32
      %swap3A_1213 = arith.index_cast %swap3A_1211 : i32 to index
      %swap3A_1214 = arith.index_cast %swap3A_1212 : i32 to index
      %swap3A_1215 = arith.constant 32 : index
      %swap3A_1216 = tpu.vector_load %arg4[%swap3A_1213, %swap3A_1214, %swap3A_1215] {strides = array<i32>} : memref<4x32x768xf32, #tpu.memory_space<vmem>>, vector<1x1x16xf32>,
      %swap3A_1217 = vector.shape_cast %swap3A_1216 : vector<1x1x16xf32> to vector<16xf32>
      %swap3A_1218 = vector.shape_cast %get3A_1210 : vector<16xf32> to vector<1x1x16xf32>
      tpu.vector_store %arg4[%swap3A_1213, %swap3A_1214, %swap3A_1215], %swap3A_1218 {strides = array<i32>} : memref<4x32x768xf32, #tpu.memory_space<vmem>>, vector<1x1x16xf32>,
      %get3A_1219 = arith.constant 22 : i32
      %get3A_1220 = arith.index_cast %get3A_1219 : i32 to index
      %get3A_1221 = arith.constant 48 : index
      %get3A_1222 = tpu.vector_load %arg5[%get3A_1220, %get3A_1221] {strides = array<i32>} : memref<32x64xf32, #tpu.memory_space<vmem>>, vector<1x16xf32>,
      %get3A_1223 = vector.shape_cast %get3A_1222 : vector<1x16xf32> to vector<16xf32>
      %swap3A_1224 = arith.constant 3 : i32
      %swap3A_1225 = arith.constant 22 : i32
      %swap3A_1226 = arith.index_cast %swap3A_1224 : i32 to index
      %swap3A_1227 = arith.index_cast %swap3A_1225 : i32 to index
      %swap3A_1228 = arith.constant 48 : index
      %swap3A_1229 = tpu.vector_load %arg4[%swap3A_1226, %swap3A_1227, %swap3A_1228] {strides = array<i32>} : memref<4x32x768xf32, #tpu.memory_space<vmem>>, vector<1x1x16xf32>,
      %swap3A_1230 = vector.shape_cast %swap3A_1229 : vector<1x1x16xf32> to vector<16xf32>
      %swap3A_1231 = vector.shape_cast %get3A_1223 : vector<16xf32> to vector<1x1x16xf32>
      tpu.vector_store %arg4[%swap3A_1226, %swap3A_1227, %swap3A_1228], %swap3A_1231 {strides = array<i32>} : memref<4x32x768xf32, #tpu.memory_space<vmem>>, vector<1x1x16xf32>,
      %get3A_1232 = arith.constant 23 : i32
      %get3A_1233 = arith.index_cast %get3A_1232 : i32 to index
      %get3A_1234 = arith.constant 0 : index
      %get3A_1235 = tpu.vector_load %arg5[%get3A_1233, %get3A_1234] {strides = array<i32>} : memref<32x64xf32, #tpu.memory_space<vmem>>, vector<1x16xf32>,
      %get3A_1236 = vector.shape_cast %get3A_1235 : vector<1x16xf32> to vector<16xf32>
      %swap3A_1237 = arith.constant 3 : i32
      %swap3A_1238 = arith.constant 23 : i32
      %swap3A_1239 = arith.index_cast %swap3A_1237 : i32 to index
      %swap3A_1240 = arith.index_cast %swap3A_1238 : i32 to index
      %swap3A_1241 = arith.constant 0 : index
      %swap3A_1242 = tpu.vector_load %arg4[%swap3A_1239, %swap3A_1240, %swap3A_1241] {strides = array<i32>} : memref<4x32x768xf32, #tpu.memory_space<vmem>>, vector<1x1x16xf32>,
      %swap3A_1243 = vector.shape_cast %swap3A_1242 : vector<1x1x16xf32> to vector<16xf32>
      %swap3A_1244 = vector.shape_cast %get3A_1236 : vector<16xf32> to vector<1x1x16xf32>
      tpu.vector_store %arg4[%swap3A_1239, %swap3A_1240, %swap3A_1241], %swap3A_1244 {strides = array<i32>} : memref<4x32x768xf32, #tpu.memory_space<vmem>>, vector<1x1x16xf32>,
      %get3A_1245 = arith.constant 23 : i32
      %get3A_1246 = arith.index_cast %get3A_1245 : i32 to index
      %get3A_1247 = arith.constant 16 : index
      %get3A_1248 = tpu.vector_load %arg5[%get3A_1246, %get3A_1247] {strides = array<i32>} : memref<32x64xf32, #tpu.memory_space<vmem>>, vector<1x16xf32>,
      %get3A_1249 = vector.shape_cast %get3A_1248 : vector<1x16xf32> to vector<16xf32>
      %swap3A_1250 = arith.constant 3 : i32
      %swap3A_1251 = arith.constant 23 : i32
      %swap3A_1252 = arith.index_cast %swap3A_1250 : i32 to index
      %swap3A_1253 = arith.index_cast %swap3A_1251 : i32 to index
      %swap3A_1254 = arith.constant 16 : index
      %swap3A_1255 = tpu.vector_load %arg4[%swap3A_1252, %swap3A_1253, %swap3A_1254] {strides = array<i32>} : memref<4x32x768xf32, #tpu.memory_space<vmem>>, vector<1x1x16xf32>,
      %swap3A_1256 = vector.shape_cast %swap3A_1255 : vector<1x1x16xf32> to vector<16xf32>
      %swap3A_1257 = vector.shape_cast %get3A_1249 : vector<16xf32> to vector<1x1x16xf32>
      tpu.vector_store %arg4[%swap3A_1252, %swap3A_1253, %swap3A_1254], %swap3A_1257 {strides = array<i32>} : memref<4x32x768xf32, #tpu.memory_space<vmem>>, vector<1x1x16xf32>,
      %get3A_1258 = arith.constant 23 : i32
      %get3A_1259 = arith.index_cast %get3A_1258 : i32 to index
      %get3A_1260 = arith.constant 32 : index
      %get3A_1261 = tpu.vector_load %arg5[%get3A_1259, %get3A_1260] {strides = array<i32>} : memref<32x64xf32, #tpu.memory_space<vmem>>, vector<1x16xf32>,
      %get3A_1262 = vector.shape_cast %get3A_1261 : vector<1x16xf32> to vector<16xf32>
      %swap3A_1263 = arith.constant 3 : i32
      %swap3A_1264 = arith.constant 23 : i32
      %swap3A_1265 = arith.index_cast %swap3A_1263 : i32 to index
      %swap3A_1266 = arith.index_cast %swap3A_1264 : i32 to index
      %swap3A_1267 = arith.constant 32 : index
      %swap3A_1268 = tpu.vector_load %arg4[%swap3A_1265, %swap3A_1266, %swap3A_1267] {strides = array<i32>} : memref<4x32x768xf32, #tpu.memory_space<vmem>>, vector<1x1x16xf32>,
      %swap3A_1269 = vector.shape_cast %swap3A_1268 : vector<1x1x16xf32> to vector<16xf32>
      %swap3A_1270 = vector.shape_cast %get3A_1262 : vector<16xf32> to vector<1x1x16xf32>
      tpu.vector_store %arg4[%swap3A_1265, %swap3A_1266, %swap3A_1267], %swap3A_1270 {strides = array<i32>} : memref<4x32x768xf32, #tpu.memory_space<vmem>>, vector<1x1x16xf32>,
      %get3A_1271 = arith.constant 23 : i32
      %get3A_1272 = arith.index_cast %get3A_1271 : i32 to index
      %get3A_1273 = arith.constant 48 : index
      %get3A_1274 = tpu.vector_load %arg5[%get3A_1272, %get3A_1273] {strides = array<i32>} : memref<32x64xf32, #tpu.memory_space<vmem>>, vector<1x16xf32>,
      %get3A_1275 = vector.shape_cast %get3A_1274 : vector<1x16xf32> to vector<16xf32>
      %swap3A_1276 = arith.constant 3 : i32
      %swap3A_1277 = arith.constant 23 : i32
      %swap3A_1278 = arith.index_cast %swap3A_1276 : i32 to index
      %swap3A_1279 = arith.index_cast %swap3A_1277 : i32 to index
      %swap3A_1280 = arith.constant 48 : index
      %swap3A_1281 = tpu.vector_load %arg4[%swap3A_1278, %swap3A_1279, %swap3A_1280] {strides = array<i32>} : memref<4x32x768xf32, #tpu.memory_space<vmem>>, vector<1x1x16xf32>,
      %swap3A_1282 = vector.shape_cast %swap3A_1281 : vector<1x1x16xf32> to vector<16xf32>
      %swap3A_1283 = vector.shape_cast %get3A_1275 : vector<16xf32> to vector<1x1x16xf32>
      tpu.vector_store %arg4[%swap3A_1278, %swap3A_1279, %swap3A_1280], %swap3A_1283 {strides = array<i32>} : memref<4x32x768xf32, #tpu.memory_space<vmem>>, vector<1x1x16xf32>,
      %get3A_1284 = arith.constant 24 : i32
      %get3A_1285 = arith.index_cast %get3A_1284 : i32 to index
      %get3A_1286 = arith.constant 0 : index
      %get3A_1287 = tpu.vector_load %arg5[%get3A_1285, %get3A_1286] {strides = array<i32>} : memref<32x64xf32, #tpu.memory_space<vmem>>, vector<1x16xf32>,
      %get3A_1288 = vector.shape_cast %get3A_1287 : vector<1x16xf32> to vector<16xf32>
      %swap3A_1289 = arith.constant 3 : i32
      %swap3A_1290 = arith.constant 24 : i32
      %swap3A_1291 = arith.index_cast %swap3A_1289 : i32 to index
      %swap3A_1292 = arith.index_cast %swap3A_1290 : i32 to index
      %swap3A_1293 = arith.constant 0 : index
      %swap3A_1294 = tpu.vector_load %arg4[%swap3A_1291, %swap3A_1292, %swap3A_1293] {strides = array<i32>} : memref<4x32x768xf32, #tpu.memory_space<vmem>>, vector<1x1x16xf32>,
      %swap3A_1295 = vector.shape_cast %swap3A_1294 : vector<1x1x16xf32> to vector<16xf32>
      %swap3A_1296 = vector.shape_cast %get3A_1288 : vector<16xf32> to vector<1x1x16xf32>
      tpu.vector_store %arg4[%swap3A_1291, %swap3A_1292, %swap3A_1293], %swap3A_1296 {strides = array<i32>} : memref<4x32x768xf32, #tpu.memory_space<vmem>>, vector<1x1x16xf32>,
      %get3A_1297 = arith.constant 24 : i32
      %get3A_1298 = arith.index_cast %get3A_1297 : i32 to index
      %get3A_1299 = arith.constant 16 : index
      %get3A_1300 = tpu.vector_load %arg5[%get3A_1298, %get3A_1299] {strides = array<i32>} : memref<32x64xf32, #tpu.memory_space<vmem>>, vector<1x16xf32>,
      %get3A_1301 = vector.shape_cast %get3A_1300 : vector<1x16xf32> to vector<16xf32>
      %swap3A_1302 = arith.constant 3 : i32
      %swap3A_1303 = arith.constant 24 : i32
      %swap3A_1304 = arith.index_cast %swap3A_1302 : i32 to index
      %swap3A_1305 = arith.index_cast %swap3A_1303 : i32 to index
      %swap3A_1306 = arith.constant 16 : index
      %swap3A_1307 = tpu.vector_load %arg4[%swap3A_1304, %swap3A_1305, %swap3A_1306] {strides = array<i32>} : memref<4x32x768xf32, #tpu.memory_space<vmem>>, vector<1x1x16xf32>,
      %swap3A_1308 = vector.shape_cast %swap3A_1307 : vector<1x1x16xf32> to vector<16xf32>
      %swap3A_1309 = vector.shape_cast %get3A_1301 : vector<16xf32> to vector<1x1x16xf32>
      tpu.vector_store %arg4[%swap3A_1304, %swap3A_1305, %swap3A_1306], %swap3A_1309 {strides = array<i32>} : memref<4x32x768xf32, #tpu.memory_space<vmem>>, vector<1x1x16xf32>,
      %get3A_1310 = arith.constant 24 : i32
      %get3A_1311 = arith.index_cast %get3A_1310 : i32 to index
      %get3A_1312 = arith.constant 32 : index
      %get3A_1313 = tpu.vector_load %arg5[%get3A_1311, %get3A_1312] {strides = array<i32>} : memref<32x64xf32, #tpu.memory_space<vmem>>, vector<1x16xf32>,
      %get3A_1314 = vector.shape_cast %get3A_1313 : vector<1x16xf32> to vector<16xf32>
      %swap3A_1315 = arith.constant 3 : i32
      %swap3A_1316 = arith.constant 24 : i32
      %swap3A_1317 = arith.index_cast %swap3A_1315 : i32 to index
      %swap3A_1318 = arith.index_cast %swap3A_1316 : i32 to index
      %swap3A_1319 = arith.constant 32 : index
      %swap3A_1320 = tpu.vector_load %arg4[%swap3A_1317, %swap3A_1318, %swap3A_1319] {strides = array<i32>} : memref<4x32x768xf32, #tpu.memory_space<vmem>>, vector<1x1x16xf32>,
      %swap3A_1321 = vector.shape_cast %swap3A_1320 : vector<1x1x16xf32> to vector<16xf32>
      %swap3A_1322 = vector.shape_cast %get3A_1314 : vector<16xf32> to vector<1x1x16xf32>
      tpu.vector_store %arg4[%swap3A_1317, %swap3A_1318, %swap3A_1319], %swap3A_1322 {strides = array<i32>} : memref<4x32x768xf32, #tpu.memory_space<vmem>>, vector<1x1x16xf32>,
      %get3A_1323 = arith.constant 24 : i32
      %get3A_1324 = arith.index_cast %get3A_1323 : i32 to index
      %get3A_1325 = arith.constant 48 : index
      %get3A_1326 = tpu.vector_load %arg5[%get3A_1324, %get3A_1325] {strides = array<i32>} : memref<32x64xf32, #tpu.memory_space<vmem>>, vector<1x16xf32>,
      %get3A_1327 = vector.shape_cast %get3A_1326 : vector<1x16xf32> to vector<16xf32>
      %swap3A_1328 = arith.constant 3 : i32
      %swap3A_1329 = arith.constant 24 : i32
      %swap3A_1330 = arith.index_cast %swap3A_1328 : i32 to index
      %swap3A_1331 = arith.index_cast %swap3A_1329 : i32 to index
      %swap3A_1332 = arith.constant 48 : index
      %swap3A_1333 = tpu.vector_load %arg4[%swap3A_1330, %swap3A_1331, %swap3A_1332] {strides = array<i32>} : memref<4x32x768xf32, #tpu.memory_space<vmem>>, vector<1x1x16xf32>,
      %swap3A_1334 = vector.shape_cast %swap3A_1333 : vector<1x1x16xf32> to vector<16xf32>
      %swap3A_1335 = vector.shape_cast %get3A_1327 : vector<16xf32> to vector<1x1x16xf32>
      tpu.vector_store %arg4[%swap3A_1330, %swap3A_1331, %swap3A_1332], %swap3A_1335 {strides = array<i32>} : memref<4x32x768xf32, #tpu.memory_space<vmem>>, vector<1x1x16xf32>,
      %get3A_1336 = arith.constant 25 : i32
      %get3A_1337 = arith.index_cast %get3A_1336 : i32 to index
      %get3A_1338 = arith.constant 0 : index
      %get3A_1339 = tpu.vector_load %arg5[%get3A_1337, %get3A_1338] {strides = array<i32>} : memref<32x64xf32, #tpu.memory_space<vmem>>, vector<1x16xf32>,
      %get3A_1340 = vector.shape_cast %get3A_1339 : vector<1x16xf32> to vector<16xf32>
      %swap3A_1341 = arith.constant 3 : i32
      %swap3A_1342 = arith.constant 25 : i32
      %swap3A_1343 = arith.index_cast %swap3A_1341 : i32 to index
      %swap3A_1344 = arith.index_cast %swap3A_1342 : i32 to index
      %swap3A_1345 = arith.constant 0 : index
      %swap3A_1346 = tpu.vector_load %arg4[%swap3A_1343, %swap3A_1344, %swap3A_1345] {strides = array<i32>} : memref<4x32x768xf32, #tpu.memory_space<vmem>>, vector<1x1x16xf32>,
      %swap3A_1347 = vector.shape_cast %swap3A_1346 : vector<1x1x16xf32> to vector<16xf32>
      %swap3A_1348 = vector.shape_cast %get3A_1340 : vector<16xf32> to vector<1x1x16xf32>
      tpu.vector_store %arg4[%swap3A_1343, %swap3A_1344, %swap3A_1345], %swap3A_1348 {strides = array<i32>} : memref<4x32x768xf32, #tpu.memory_space<vmem>>, vector<1x1x16xf32>,
      %get3A_1349 = arith.constant 25 : i32
      %get3A_1350 = arith.index_cast %get3A_1349 : i32 to index
      %get3A_1351 = arith.constant 16 : index
      %get3A_1352 = tpu.vector_load %arg5[%get3A_1350, %get3A_1351] {strides = array<i32>} : memref<32x64xf32, #tpu.memory_space<vmem>>, vector<1x16xf32>,
      %get3A_1353 = vector.shape_cast %get3A_1352 : vector<1x16xf32> to vector<16xf32>
      %swap3A_1354 = arith.constant 3 : i32
      %swap3A_1355 = arith.constant 25 : i32
      %swap3A_1356 = arith.index_cast %swap3A_1354 : i32 to index
      %swap3A_1357 = arith.index_cast %swap3A_1355 : i32 to index
      %swap3A_1358 = arith.constant 16 : index
      %swap3A_1359 = tpu.vector_load %arg4[%swap3A_1356, %swap3A_1357, %swap3A_1358] {strides = array<i32>} : memref<4x32x768xf32, #tpu.memory_space<vmem>>, vector<1x1x16xf32>,
      %swap3A_1360 = vector.shape_cast %swap3A_1359 : vector<1x1x16xf32> to vector<16xf32>
      %swap3A_1361 = vector.shape_cast %get3A_1353 : vector<16xf32> to vector<1x1x16xf32>
      tpu.vector_store %arg4[%swap3A_1356, %swap3A_1357, %swap3A_1358], %swap3A_1361 {strides = array<i32>} : memref<4x32x768xf32, #tpu.memory_space<vmem>>, vector<1x1x16xf32>,
      %get3A_1362 = arith.constant 25 : i32
      %get3A_1363 = arith.index_cast %get3A_1362 : i32 to index
      %get3A_1364 = arith.constant 32 : index
      %get3A_1365 = tpu.vector_load %arg5[%get3A_1363, %get3A_1364] {strides = array<i32>} : memref<32x64xf32, #tpu.memory_space<vmem>>, vector<1x16xf32>,
      %get3A_1366 = vector.shape_cast %get3A_1365 : vector<1x16xf32> to vector<16xf32>
      %swap3A_1367 = arith.constant 3 : i32
      %swap3A_1368 = arith.constant 25 : i32
      %swap3A_1369 = arith.index_cast %swap3A_1367 : i32 to index
      %swap3A_1370 = arith.index_cast %swap3A_1368 : i32 to index
      %swap3A_1371 = arith.constant 32 : index
      %swap3A_1372 = tpu.vector_load %arg4[%swap3A_1369, %swap3A_1370, %swap3A_1371] {strides = array<i32>} : memref<4x32x768xf32, #tpu.memory_space<vmem>>, vector<1x1x16xf32>,
      %swap3A_1373 = vector.shape_cast %swap3A_1372 : vector<1x1x16xf32> to vector<16xf32>
      %swap3A_1374 = vector.shape_cast %get3A_1366 : vector<16xf32> to vector<1x1x16xf32>
      tpu.vector_store %arg4[%swap3A_1369, %swap3A_1370, %swap3A_1371], %swap3A_1374 {strides = array<i32>} : memref<4x32x768xf32, #tpu.memory_space<vmem>>, vector<1x1x16xf32>,
      %get3A_1375 = arith.constant 25 : i32
      %get3A_1376 = arith.index_cast %get3A_1375 : i32 to index
      %get3A_1377 = arith.constant 48 : index
      %get3A_1378 = tpu.vector_load %arg5[%get3A_1376, %get3A_1377] {strides = array<i32>} : memref<32x64xf32, #tpu.memory_space<vmem>>, vector<1x16xf32>,
      %get3A_1379 = vector.shape_cast %get3A_1378 : vector<1x16xf32> to vector<16xf32>
      %swap3A_1380 = arith.constant 3 : i32
      %swap3A_1381 = arith.constant 25 : i32
      %swap3A_1382 = arith.index_cast %swap3A_1380 : i32 to index
      %swap3A_1383 = arith.index_cast %swap3A_1381 : i32 to index
      %swap3A_1384 = arith.constant 48 : index
      %swap3A_1385 = tpu.vector_load %arg4[%swap3A_1382, %swap3A_1383, %swap3A_1384] {strides = array<i32>} : memref<4x32x768xf32, #tpu.memory_space<vmem>>, vector<1x1x16xf32>,
      %swap3A_1386 = vector.shape_cast %swap3A_1385 : vector<1x1x16xf32> to vector<16xf32>
      %swap3A_1387 = vector.shape_cast %get3A_1379 : vector<16xf32> to vector<1x1x16xf32>
      tpu.vector_store %arg4[%swap3A_1382, %swap3A_1383, %swap3A_1384], %swap3A_1387 {strides = array<i32>} : memref<4x32x768xf32, #tpu.memory_space<vmem>>, vector<1x1x16xf32>,
      %get3A_1388 = arith.constant 26 : i32
      %get3A_1389 = arith.index_cast %get3A_1388 : i32 to index
      %get3A_1390 = arith.constant 0 : index
      %get3A_1391 = tpu.vector_load %arg5[%get3A_1389, %get3A_1390] {strides = array<i32>} : memref<32x64xf32, #tpu.memory_space<vmem>>, vector<1x16xf32>,
      %get3A_1392 = vector.shape_cast %get3A_1391 : vector<1x16xf32> to vector<16xf32>
      %swap3A_1393 = arith.constant 3 : i32
      %swap3A_1394 = arith.constant 26 : i32
      %swap3A_1395 = arith.index_cast %swap3A_1393 : i32 to index
      %swap3A_1396 = arith.index_cast %swap3A_1394 : i32 to index
      %swap3A_1397 = arith.constant 0 : index
      %swap3A_1398 = tpu.vector_load %arg4[%swap3A_1395, %swap3A_1396, %swap3A_1397] {strides = array<i32>} : memref<4x32x768xf32, #tpu.memory_space<vmem>>, vector<1x1x16xf32>,
      %swap3A_1399 = vector.shape_cast %swap3A_1398 : vector<1x1x16xf32> to vector<16xf32>
      %swap3A_1400 = vector.shape_cast %get3A_1392 : vector<16xf32> to vector<1x1x16xf32>
      tpu.vector_store %arg4[%swap3A_1395, %swap3A_1396, %swap3A_1397], %swap3A_1400 {strides = array<i32>} : memref<4x32x768xf32, #tpu.memory_space<vmem>>, vector<1x1x16xf32>,
      %get3A_1401 = arith.constant 26 : i32
      %get3A_1402 = arith.index_cast %get3A_1401 : i32 to index
      %get3A_1403 = arith.constant 16 : index
      %get3A_1404 = tpu.vector_load %arg5[%get3A_1402, %get3A_1403] {strides = array<i32>} : memref<32x64xf32, #tpu.memory_space<vmem>>, vector<1x16xf32>,
      %get3A_1405 = vector.shape_cast %get3A_1404 : vector<1x16xf32> to vector<16xf32>
      %swap3A_1406 = arith.constant 3 : i32
      %swap3A_1407 = arith.constant 26 : i32
      %swap3A_1408 = arith.index_cast %swap3A_1406 : i32 to index
      %swap3A_1409 = arith.index_cast %swap3A_1407 : i32 to index
      %swap3A_1410 = arith.constant 16 : index
      %swap3A_1411 = tpu.vector_load %arg4[%swap3A_1408, %swap3A_1409, %swap3A_1410] {strides = array<i32>} : memref<4x32x768xf32, #tpu.memory_space<vmem>>, vector<1x1x16xf32>,
      %swap3A_1412 = vector.shape_cast %swap3A_1411 : vector<1x1x16xf32> to vector<16xf32>
      %swap3A_1413 = vector.shape_cast %get3A_1405 : vector<16xf32> to vector<1x1x16xf32>
      tpu.vector_store %arg4[%swap3A_1408, %swap3A_1409, %swap3A_1410], %swap3A_1413 {strides = array<i32>} : memref<4x32x768xf32, #tpu.memory_space<vmem>>, vector<1x1x16xf32>,
      %get3A_1414 = arith.constant 26 : i32
      %get3A_1415 = arith.index_cast %get3A_1414 : i32 to index
      %get3A_1416 = arith.constant 32 : index
      %get3A_1417 = tpu.vector_load %arg5[%get3A_1415, %get3A_1416] {strides = array<i32>} : memref<32x64xf32, #tpu.memory_space<vmem>>, vector<1x16xf32>,
      %get3A_1418 = vector.shape_cast %get3A_1417 : vector<1x16xf32> to vector<16xf32>
      %swap3A_1419 = arith.constant 3 : i32
      %swap3A_1420 = arith.constant 26 : i32
      %swap3A_1421 = arith.index_cast %swap3A_1419 : i32 to index
      %swap3A_1422 = arith.index_cast %swap3A_1420 : i32 to index
      %swap3A_1423 = arith.constant 32 : index
      %swap3A_1424 = tpu.vector_load %arg4[%swap3A_1421, %swap3A_1422, %swap3A_1423] {strides = array<i32>} : memref<4x32x768xf32, #tpu.memory_space<vmem>>, vector<1x1x16xf32>,
      %swap3A_1425 = vector.shape_cast %swap3A_1424 : vector<1x1x16xf32> to vector<16xf32>
      %swap3A_1426 = vector.shape_cast %get3A_1418 : vector<16xf32> to vector<1x1x16xf32>
      tpu.vector_store %arg4[%swap3A_1421, %swap3A_1422, %swap3A_1423], %swap3A_1426 {strides = array<i32>} : memref<4x32x768xf32, #tpu.memory_space<vmem>>, vector<1x1x16xf32>,
      %get3A_1427 = arith.constant 26 : i32
      %get3A_1428 = arith.index_cast %get3A_1427 : i32 to index
      %get3A_1429 = arith.constant 48 : index
      %get3A_1430 = tpu.vector_load %arg5[%get3A_1428, %get3A_1429] {strides = array<i32>} : memref<32x64xf32, #tpu.memory_space<vmem>>, vector<1x16xf32>,
      %get3A_1431 = vector.shape_cast %get3A_1430 : vector<1x16xf32> to vector<16xf32>
      %swap3A_1432 = arith.constant 3 : i32
      %swap3A_1433 = arith.constant 26 : i32
      %swap3A_1434 = arith.index_cast %swap3A_1432 : i32 to index
      %swap3A_1435 = arith.index_cast %swap3A_1433 : i32 to index
      %swap3A_1436 = arith.constant 48 : index
      %swap3A_1437 = tpu.vector_load %arg4[%swap3A_1434, %swap3A_1435, %swap3A_1436] {strides = array<i32>} : memref<4x32x768xf32, #tpu.memory_space<vmem>>, vector<1x1x16xf32>,
      %swap3A_1438 = vector.shape_cast %swap3A_1437 : vector<1x1x16xf32> to vector<16xf32>
      %swap3A_1439 = vector.shape_cast %get3A_1431 : vector<16xf32> to vector<1x1x16xf32>
      tpu.vector_store %arg4[%swap3A_1434, %swap3A_1435, %swap3A_1436], %swap3A_1439 {strides = array<i32>} : memref<4x32x768xf32, #tpu.memory_space<vmem>>, vector<1x1x16xf32>,
      %get3A_1440 = arith.constant 27 : i32
      %get3A_1441 = arith.index_cast %get3A_1440 : i32 to index
      %get3A_1442 = arith.constant 0 : index
      %get3A_1443 = tpu.vector_load %arg5[%get3A_1441, %get3A_1442] {strides = array<i32>} : memref<32x64xf32, #tpu.memory_space<vmem>>, vector<1x16xf32>,
      %get3A_1444 = vector.shape_cast %get3A_1443 : vector<1x16xf32> to vector<16xf32>
      %swap3A_1445 = arith.constant 3 : i32
      %swap3A_1446 = arith.constant 27 : i32
      %swap3A_1447 = arith.index_cast %swap3A_1445 : i32 to index
      %swap3A_1448 = arith.index_cast %swap3A_1446 : i32 to index
      %swap3A_1449 = arith.constant 0 : index
      %swap3A_1450 = tpu.vector_load %arg4[%swap3A_1447, %swap3A_1448, %swap3A_1449] {strides = array<i32>} : memref<4x32x768xf32, #tpu.memory_space<vmem>>, vector<1x1x16xf32>,
      %swap3A_1451 = vector.shape_cast %swap3A_1450 : vector<1x1x16xf32> to vector<16xf32>
      %swap3A_1452 = vector.shape_cast %get3A_1444 : vector<16xf32> to vector<1x1x16xf32>
      tpu.vector_store %arg4[%swap3A_1447, %swap3A_1448, %swap3A_1449], %swap3A_1452 {strides = array<i32>} : memref<4x32x768xf32, #tpu.memory_space<vmem>>, vector<1x1x16xf32>,
      %get3A_1453 = arith.constant 27 : i32
      %get3A_1454 = arith.index_cast %get3A_1453 : i32 to index
      %get3A_1455 = arith.constant 16 : index
      %get3A_1456 = tpu.vector_load %arg5[%get3A_1454, %get3A_1455] {strides = array<i32>} : memref<32x64xf32, #tpu.memory_space<vmem>>, vector<1x16xf32>,
      %get3A_1457 = vector.shape_cast %get3A_1456 : vector<1x16xf32> to vector<16xf32>
      %swap3A_1458 = arith.constant 3 : i32
      %swap3A_1459 = arith.constant 27 : i32
      %swap3A_1460 = arith.index_cast %swap3A_1458 : i32 to index
      %swap3A_1461 = arith.index_cast %swap3A_1459 : i32 to index
      %swap3A_1462 = arith.constant 16 : index
      %swap3A_1463 = tpu.vector_load %arg4[%swap3A_1460, %swap3A_1461, %swap3A_1462] {strides = array<i32>} : memref<4x32x768xf32, #tpu.memory_space<vmem>>, vector<1x1x16xf32>,
      %swap3A_1464 = vector.shape_cast %swap3A_1463 : vector<1x1x16xf32> to vector<16xf32>
      %swap3A_1465 = vector.shape_cast %get3A_1457 : vector<16xf32> to vector<1x1x16xf32>
      tpu.vector_store %arg4[%swap3A_1460, %swap3A_1461, %swap3A_1462], %swap3A_1465 {strides = array<i32>} : memref<4x32x768xf32, #tpu.memory_space<vmem>>, vector<1x1x16xf32>,
      %get3A_1466 = arith.constant 27 : i32
      %get3A_1467 = arith.index_cast %get3A_1466 : i32 to index
      %get3A_1468 = arith.constant 32 : index
      %get3A_1469 = tpu.vector_load %arg5[%get3A_1467, %get3A_1468] {strides = array<i32>} : memref<32x64xf32, #tpu.memory_space<vmem>>, vector<1x16xf32>,
      %get3A_1470 = vector.shape_cast %get3A_1469 : vector<1x16xf32> to vector<16xf32>
      %swap3A_1471 = arith.constant 3 : i32
      %swap3A_1472 = arith.constant 27 : i32
      %swap3A_1473 = arith.index_cast %swap3A_1471 : i32 to index
      %swap3A_1474 = arith.index_cast %swap3A_1472 : i32 to index
      %swap3A_1475 = arith.constant 32 : index
      %swap3A_1476 = tpu.vector_load %arg4[%swap3A_1473, %swap3A_1474, %swap3A_1475] {strides = array<i32>} : memref<4x32x768xf32, #tpu.memory_space<vmem>>, vector<1x1x16xf32>,
      %swap3A_1477 = vector.shape_cast %swap3A_1476 : vector<1x1x16xf32> to vector<16xf32>
      %swap3A_1478 = vector.shape_cast %get3A_1470 : vector<16xf32> to vector<1x1x16xf32>
      tpu.vector_store %arg4[%swap3A_1473, %swap3A_1474, %swap3A_1475], %swap3A_1478 {strides = array<i32>} : memref<4x32x768xf32, #tpu.memory_space<vmem>>, vector<1x1x16xf32>,
      %get3A_1479 = arith.constant 27 : i32
      %get3A_1480 = arith.index_cast %get3A_1479 : i32 to index
      %get3A_1481 = arith.constant 48 : index
      %get3A_1482 = tpu.vector_load %arg5[%get3A_1480, %get3A_1481] {strides = array<i32>} : memref<32x64xf32, #tpu.memory_space<vmem>>, vector<1x16xf32>,
      %get3A_1483 = vector.shape_cast %get3A_1482 : vector<1x16xf32> to vector<16xf32>
      %swap3A_1484 = arith.constant 3 : i32
      %swap3A_1485 = arith.constant 27 : i32
      %swap3A_1486 = arith.index_cast %swap3A_1484 : i32 to index
      %swap3A_1487 = arith.index_cast %swap3A_1485 : i32 to index
      %swap3A_1488 = arith.constant 48 : index
      %swap3A_1489 = tpu.vector_load %arg4[%swap3A_1486, %swap3A_1487, %swap3A_1488] {strides = array<i32>} : memref<4x32x768xf32, #tpu.memory_space<vmem>>, vector<1x1x16xf32>,
      %swap3A_1490 = vector.shape_cast %swap3A_1489 : vector<1x1x16xf32> to vector<16xf32>
      %swap3A_1491 = vector.shape_cast %get3A_1483 : vector<16xf32> to vector<1x1x16xf32>
      tpu.vector_store %arg4[%swap3A_1486, %swap3A_1487, %swap3A_1488], %swap3A_1491 {strides = array<i32>} : memref<4x32x768xf32, #tpu.memory_space<vmem>>, vector<1x1x16xf32>,
      %get3A_1492 = arith.constant 28 : i32
      %get3A_1493 = arith.index_cast %get3A_1492 : i32 to index
      %get3A_1494 = arith.constant 0 : index
      %get3A_1495 = tpu.vector_load %arg5[%get3A_1493, %get3A_1494] {strides = array<i32>} : memref<32x64xf32, #tpu.memory_space<vmem>>, vector<1x16xf32>,
      %get3A_1496 = vector.shape_cast %get3A_1495 : vector<1x16xf32> to vector<16xf32>
      %swap3A_1497 = arith.constant 3 : i32
      %swap3A_1498 = arith.constant 28 : i32
      %swap3A_1499 = arith.index_cast %swap3A_1497 : i32 to index
      %swap3A_1500 = arith.index_cast %swap3A_1498 : i32 to index
      %swap3A_1501 = arith.constant 0 : index
      %swap3A_1502 = tpu.vector_load %arg4[%swap3A_1499, %swap3A_1500, %swap3A_1501] {strides = array<i32>} : memref<4x32x768xf32, #tpu.memory_space<vmem>>, vector<1x1x16xf32>,
      %swap3A_1503 = vector.shape_cast %swap3A_1502 : vector<1x1x16xf32> to vector<16xf32>
      %swap3A_1504 = vector.shape_cast %get3A_1496 : vector<16xf32> to vector<1x1x16xf32>
      tpu.vector_store %arg4[%swap3A_1499, %swap3A_1500, %swap3A_1501], %swap3A_1504 {strides = array<i32>} : memref<4x32x768xf32, #tpu.memory_space<vmem>>, vector<1x1x16xf32>,
      %get3A_1505 = arith.constant 28 : i32
      %get3A_1506 = arith.index_cast %get3A_1505 : i32 to index
      %get3A_1507 = arith.constant 16 : index
      %get3A_1508 = tpu.vector_load %arg5[%get3A_1506, %get3A_1507] {strides = array<i32>} : memref<32x64xf32, #tpu.memory_space<vmem>>, vector<1x16xf32>,
      %get3A_1509 = vector.shape_cast %get3A_1508 : vector<1x16xf32> to vector<16xf32>
      %swap3A_1510 = arith.constant 3 : i32
      %swap3A_1511 = arith.constant 28 : i32
      %swap3A_1512 = arith.index_cast %swap3A_1510 : i32 to index
      %swap3A_1513 = arith.index_cast %swap3A_1511 : i32 to index
      %swap3A_1514 = arith.constant 16 : index
      %swap3A_1515 = tpu.vector_load %arg4[%swap3A_1512, %swap3A_1513, %swap3A_1514] {strides = array<i32>} : memref<4x32x768xf32, #tpu.memory_space<vmem>>, vector<1x1x16xf32>,
      %swap3A_1516 = vector.shape_cast %swap3A_1515 : vector<1x1x16xf32> to vector<16xf32>
      %swap3A_1517 = vector.shape_cast %get3A_1509 : vector<16xf32> to vector<1x1x16xf32>
      tpu.vector_store %arg4[%swap3A_1512, %swap3A_1513, %swap3A_1514], %swap3A_1517 {strides = array<i32>} : memref<4x32x768xf32, #tpu.memory_space<vmem>>, vector<1x1x16xf32>,
      %get3A_1518 = arith.constant 28 : i32
      %get3A_1519 = arith.index_cast %get3A_1518 : i32 to index
      %get3A_1520 = arith.constant 32 : index
      %get3A_1521 = tpu.vector_load %arg5[%get3A_1519, %get3A_1520] {strides = array<i32>} : memref<32x64xf32, #tpu.memory_space<vmem>>, vector<1x16xf32>,
      %get3A_1522 = vector.shape_cast %get3A_1521 : vector<1x16xf32> to vector<16xf32>
      %swap3A_1523 = arith.constant 3 : i32
      %swap3A_1524 = arith.constant 28 : i32
      %swap3A_1525 = arith.index_cast %swap3A_1523 : i32 to index
      %swap3A_1526 = arith.index_cast %swap3A_1524 : i32 to index
      %swap3A_1527 = arith.constant 32 : index
      %swap3A_1528 = tpu.vector_load %arg4[%swap3A_1525, %swap3A_1526, %swap3A_1527] {strides = array<i32>} : memref<4x32x768xf32, #tpu.memory_space<vmem>>, vector<1x1x16xf32>,
      %swap3A_1529 = vector.shape_cast %swap3A_1528 : vector<1x1x16xf32> to vector<16xf32>
      %swap3A_1530 = vector.shape_cast %get3A_1522 : vector<16xf32> to vector<1x1x16xf32>
      tpu.vector_store %arg4[%swap3A_1525, %swap3A_1526, %swap3A_1527], %swap3A_1530 {strides = array<i32>} : memref<4x32x768xf32, #tpu.memory_space<vmem>>, vector<1x1x16xf32>,
      %get3A_1531 = arith.constant 28 : i32
      %get3A_1532 = arith.index_cast %get3A_1531 : i32 to index
      %get3A_1533 = arith.constant 48 : index
      %get3A_1534 = tpu.vector_load %arg5[%get3A_1532, %get3A_1533] {strides = array<i32>} : memref<32x64xf32, #tpu.memory_space<vmem>>, vector<1x16xf32>,
      %get3A_1535 = vector.shape_cast %get3A_1534 : vector<1x16xf32> to vector<16xf32>
      %swap3A_1536 = arith.constant 3 : i32
      %swap3A_1537 = arith.constant 28 : i32
      %swap3A_1538 = arith.index_cast %swap3A_1536 : i32 to index
      %swap3A_1539 = arith.index_cast %swap3A_1537 : i32 to index
      %swap3A_1540 = arith.constant 48 : index
      %swap3A_1541 = tpu.vector_load %arg4[%swap3A_1538, %swap3A_1539, %swap3A_1540] {strides = array<i32>} : memref<4x32x768xf32, #tpu.memory_space<vmem>>, vector<1x1x16xf32>,
      %swap3A_1542 = vector.shape_cast %swap3A_1541 : vector<1x1x16xf32> to vector<16xf32>
      %swap3A_1543 = vector.shape_cast %get3A_1535 : vector<16xf32> to vector<1x1x16xf32>
      tpu.vector_store %arg4[%swap3A_1538, %swap3A_1539, %swap3A_1540], %swap3A_1543 {strides = array<i32>} : memref<4x32x768xf32, #tpu.memory_space<vmem>>, vector<1x1x16xf32>,
      %get3A_1544 = arith.constant 29 : i32
      %get3A_1545 = arith.index_cast %get3A_1544 : i32 to index
      %get3A_1546 = arith.constant 0 : index
      %get3A_1547 = tpu.vector_load %arg5[%get3A_1545, %get3A_1546] {strides = array<i32>} : memref<32x64xf32, #tpu.memory_space<vmem>>, vector<1x16xf32>,
      %get3A_1548 = vector.shape_cast %get3A_1547 : vector<1x16xf32> to vector<16xf32>
      %swap3A_1549 = arith.constant 3 : i32
      %swap3A_1550 = arith.constant 29 : i32
      %swap3A_1551 = arith.index_cast %swap3A_1549 : i32 to index
      %swap3A_1552 = arith.index_cast %swap3A_1550 : i32 to index
      %swap3A_1553 = arith.constant 0 : index
      %swap3A_1554 = tpu.vector_load %arg4[%swap3A_1551, %swap3A_1552, %swap3A_1553] {strides = array<i32>} : memref<4x32x768xf32, #tpu.memory_space<vmem>>, vector<1x1x16xf32>,
      %swap3A_1555 = vector.shape_cast %swap3A_1554 : vector<1x1x16xf32> to vector<16xf32>
      %swap3A_1556 = vector.shape_cast %get3A_1548 : vector<16xf32> to vector<1x1x16xf32>
      tpu.vector_store %arg4[%swap3A_1551, %swap3A_1552, %swap3A_1553], %swap3A_1556 {strides = array<i32>} : memref<4x32x768xf32, #tpu.memory_space<vmem>>, vector<1x1x16xf32>,
      %get3A_1557 = arith.constant 29 : i32
      %get3A_1558 = arith.index_cast %get3A_1557 : i32 to index
      %get3A_1559 = arith.constant 16 : index
      %get3A_1560 = tpu.vector_load %arg5[%get3A_1558, %get3A_1559] {strides = array<i32>} : memref<32x64xf32, #tpu.memory_space<vmem>>, vector<1x16xf32>,
      %get3A_1561 = vector.shape_cast %get3A_1560 : vector<1x16xf32> to vector<16xf32>
      %swap3A_1562 = arith.constant 3 : i32
      %swap3A_1563 = arith.constant 29 : i32
      %swap3A_1564 = arith.index_cast %swap3A_1562 : i32 to index
      %swap3A_1565 = arith.index_cast %swap3A_1563 : i32 to index
      %swap3A_1566 = arith.constant 16 : index
      %swap3A_1567 = tpu.vector_load %arg4[%swap3A_1564, %swap3A_1565, %swap3A_1566] {strides = array<i32>} : memref<4x32x768xf32, #tpu.memory_space<vmem>>, vector<1x1x16xf32>,
      %swap3A_1568 = vector.shape_cast %swap3A_1567 : vector<1x1x16xf32> to vector<16xf32>
      %swap3A_1569 = vector.shape_cast %get3A_1561 : vector<16xf32> to vector<1x1x16xf32>
      tpu.vector_store %arg4[%swap3A_1564, %swap3A_1565, %swap3A_1566], %swap3A_1569 {strides = array<i32>} : memref<4x32x768xf32, #tpu.memory_space<vmem>>, vector<1x1x16xf32>,
      %get3A_1570 = arith.constant 29 : i32
      %get3A_1571 = arith.index_cast %get3A_1570 : i32 to index
      %get3A_1572 = arith.constant 32 : index
      %get3A_1573 = tpu.vector_load %arg5[%get3A_1571, %get3A_1572] {strides = array<i32>} : memref<32x64xf32, #tpu.memory_space<vmem>>, vector<1x16xf32>,
      %get3A_1574 = vector.shape_cast %get3A_1573 : vector<1x16xf32> to vector<16xf32>
      %swap3A_1575 = arith.constant 3 : i32
      %swap3A_1576 = arith.constant 29 : i32
      %swap3A_1577 = arith.index_cast %swap3A_1575 : i32 to index
      %swap3A_1578 = arith.index_cast %swap3A_1576 : i32 to index
      %swap3A_1579 = arith.constant 32 : index
      %swap3A_1580 = tpu.vector_load %arg4[%swap3A_1577, %swap3A_1578, %swap3A_1579] {strides = array<i32>} : memref<4x32x768xf32, #tpu.memory_space<vmem>>, vector<1x1x16xf32>,
      %swap3A_1581 = vector.shape_cast %swap3A_1580 : vector<1x1x16xf32> to vector<16xf32>
      %swap3A_1582 = vector.shape_cast %get3A_1574 : vector<16xf32> to vector<1x1x16xf32>
      tpu.vector_store %arg4[%swap3A_1577, %swap3A_1578, %swap3A_1579], %swap3A_1582 {strides = array<i32>} : memref<4x32x768xf32, #tpu.memory_space<vmem>>, vector<1x1x16xf32>,
      %get3A_1583 = arith.constant 29 : i32
      %get3A_1584 = arith.index_cast %get3A_1583 : i32 to index
      %get3A_1585 = arith.constant 48 : index
      %get3A_1586 = tpu.vector_load %arg5[%get3A_1584, %get3A_1585] {strides = array<i32>} : memref<32x64xf32, #tpu.memory_space<vmem>>, vector<1x16xf32>,
      %get3A_1587 = vector.shape_cast %get3A_1586 : vector<1x16xf32> to vector<16xf32>
      %swap3A_1588 = arith.constant 3 : i32
      %swap3A_1589 = arith.constant 29 : i32
      %swap3A_1590 = arith.index_cast %swap3A_1588 : i32 to index
      %swap3A_1591 = arith.index_cast %swap3A_1589 : i32 to index
      %swap3A_1592 = arith.constant 48 : index
      %swap3A_1593 = tpu.vector_load %arg4[%swap3A_1590, %swap3A_1591, %swap3A_1592] {strides = array<i32>} : memref<4x32x768xf32, #tpu.memory_space<vmem>>, vector<1x1x16xf32>,
      %swap3A_1594 = vector.shape_cast %swap3A_1593 : vector<1x1x16xf32> to vector<16xf32>
      %swap3A_1595 = vector.shape_cast %get3A_1587 : vector<16xf32> to vector<1x1x16xf32>
      tpu.vector_store %arg4[%swap3A_1590, %swap3A_1591, %swap3A_1592], %swap3A_1595 {strides = array<i32>} : memref<4x32x768xf32, #tpu.memory_space<vmem>>, vector<1x1x16xf32>,
      %get3A_1596 = arith.constant 30 : i32
      %get3A_1597 = arith.index_cast %get3A_1596 : i32 to index
      %get3A_1598 = arith.constant 0 : index
      %get3A_1599 = tpu.vector_load %arg5[%get3A_1597, %get3A_1598] {strides = array<i32>} : memref<32x64xf32, #tpu.memory_space<vmem>>, vector<1x16xf32>,
      %get3A_1600 = vector.shape_cast %get3A_1599 : vector<1x16xf32> to vector<16xf32>
      %swap3A_1601 = arith.constant 3 : i32
      %swap3A_1602 = arith.constant 30 : i32
      %swap3A_1603 = arith.index_cast %swap3A_1601 : i32 to index
      %swap3A_1604 = arith.index_cast %swap3A_1602 : i32 to index
      %swap3A_1605 = arith.constant 0 : index
      %swap3A_1606 = tpu.vector_load %arg4[%swap3A_1603, %swap3A_1604, %swap3A_1605] {strides = array<i32>} : memref<4x32x768xf32, #tpu.memory_space<vmem>>, vector<1x1x16xf32>,
      %swap3A_1607 = vector.shape_cast %swap3A_1606 : vector<1x1x16xf32> to vector<16xf32>
      %swap3A_1608 = vector.shape_cast %get3A_1600 : vector<16xf32> to vector<1x1x16xf32>
      tpu.vector_store %arg4[%swap3A_1603, %swap3A_1604, %swap3A_1605], %swap3A_1608 {strides = array<i32>} : memref<4x32x768xf32, #tpu.memory_space<vmem>>, vector<1x1x16xf32>,
      %get3A_1609 = arith.constant 30 : i32
      %get3A_1610 = arith.index_cast %get3A_1609 : i32 to index
      %get3A_1611 = arith.constant 16 : index
      %get3A_1612 = tpu.vector_load %arg5[%get3A_1610, %get3A_1611] {strides = array<i32>} : memref<32x64xf32, #tpu.memory_space<vmem>>, vector<1x16xf32>,
      %get3A_1613 = vector.shape_cast %get3A_1612 : vector<1x16xf32> to vector<16xf32>
      %swap3A_1614 = arith.constant 3 : i32
      %swap3A_1615 = arith.constant 30 : i32
      %swap3A_1616 = arith.index_cast %swap3A_1614 : i32 to index
      %swap3A_1617 = arith.index_cast %swap3A_1615 : i32 to index
      %swap3A_1618 = arith.constant 16 : index
      %swap3A_1619 = tpu.vector_load %arg4[%swap3A_1616, %swap3A_1617, %swap3A_1618] {strides = array<i32>} : memref<4x32x768xf32, #tpu.memory_space<vmem>>, vector<1x1x16xf32>,
      %swap3A_1620 = vector.shape_cast %swap3A_1619 : vector<1x1x16xf32> to vector<16xf32>
      %swap3A_1621 = vector.shape_cast %get3A_1613 : vector<16xf32> to vector<1x1x16xf32>
      tpu.vector_store %arg4[%swap3A_1616, %swap3A_1617, %swap3A_1618], %swap3A_1621 {strides = array<i32>} : memref<4x32x768xf32, #tpu.memory_space<vmem>>, vector<1x1x16xf32>,
      %get3A_1622 = arith.constant 30 : i32
      %get3A_1623 = arith.index_cast %get3A_1622 : i32 to index
      %get3A_1624 = arith.constant 32 : index
      %get3A_1625 = tpu.vector_load %arg5[%get3A_1623, %get3A_1624] {strides = array<i32>} : memref<32x64xf32, #tpu.memory_space<vmem>>, vector<1x16xf32>,
      %get3A_1626 = vector.shape_cast %get3A_1625 : vector<1x16xf32> to vector<16xf32>
      %swap3A_1627 = arith.constant 3 : i32
      %swap3A_1628 = arith.constant 30 : i32
      %swap3A_1629 = arith.index_cast %swap3A_1627 : i32 to index
      %swap3A_1630 = arith.index_cast %swap3A_1628 : i32 to index
      %swap3A_1631 = arith.constant 32 : index
      %swap3A_1632 = tpu.vector_load %arg4[%swap3A_1629, %swap3A_1630, %swap3A_1631] {strides = array<i32>} : memref<4x32x768xf32, #tpu.memory_space<vmem>>, vector<1x1x16xf32>,
      %swap3A_1633 = vector.shape_cast %swap3A_1632 : vector<1x1x16xf32> to vector<16xf32>
      %swap3A_1634 = vector.shape_cast %get3A_1626 : vector<16xf32> to vector<1x1x16xf32>
      tpu.vector_store %arg4[%swap3A_1629, %swap3A_1630, %swap3A_1631], %swap3A_1634 {strides = array<i32>} : memref<4x32x768xf32, #tpu.memory_space<vmem>>, vector<1x1x16xf32>,
      %get3A_1635 = arith.constant 30 : i32
      %get3A_1636 = arith.index_cast %get3A_1635 : i32 to index
      %get3A_1637 = arith.constant 48 : index
      %get3A_1638 = tpu.vector_load %arg5[%get3A_1636, %get3A_1637] {strides = array<i32>} : memref<32x64xf32, #tpu.memory_space<vmem>>, vector<1x16xf32>,
      %get3A_1639 = vector.shape_cast %get3A_1638 : vector<1x16xf32> to vector<16xf32>
      %swap3A_1640 = arith.constant 3 : i32
      %swap3A_1641 = arith.constant 30 : i32
      %swap3A_1642 = arith.index_cast %swap3A_1640 : i32 to index
      %swap3A_1643 = arith.index_cast %swap3A_1641 : i32 to index
      %swap3A_1644 = arith.constant 48 : index
      %swap3A_1645 = tpu.vector_load %arg4[%swap3A_1642, %swap3A_1643, %swap3A_1644] {strides = array<i32>} : memref<4x32x768xf32, #tpu.memory_space<vmem>>, vector<1x1x16xf32>,
      %swap3A_1646 = vector.shape_cast %swap3A_1645 : vector<1x1x16xf32> to vector<16xf32>
      %swap3A_1647 = vector.shape_cast %get3A_1639 : vector<16xf32> to vector<1x1x16xf32>
      tpu.vector_store %arg4[%swap3A_1642, %swap3A_1643, %swap3A_1644], %swap3A_1647 {strides = array<i32>} : memref<4x32x768xf32, #tpu.memory_space<vmem>>, vector<1x1x16xf32>,
      %get3A_1648 = arith.constant 31 : i32
      %get3A_1649 = arith.index_cast %get3A_1648 : i32 to index
      %get3A_1650 = arith.constant 0 : index
      %get3A_1651 = tpu.vector_load %arg5[%get3A_1649, %get3A_1650] {strides = array<i32>} : memref<32x64xf32, #tpu.memory_space<vmem>>, vector<1x16xf32>,
      %get3A_1652 = vector.shape_cast %get3A_1651 : vector<1x16xf32> to vector<16xf32>
      %swap3A_1653 = arith.constant 3 : i32
      %swap3A_1654 = arith.constant 31 : i32
      %swap3A_1655 = arith.index_cast %swap3A_1653 : i32 to index
      %swap3A_1656 = arith.index_cast %swap3A_1654 : i32 to index
      %swap3A_1657 = arith.constant 0 : index
      %swap3A_1658 = tpu.vector_load %arg4[%swap3A_1655, %swap3A_1656, %swap3A_1657] {strides = array<i32>} : memref<4x32x768xf32, #tpu.memory_space<vmem>>, vector<1x1x16xf32>,
      %swap3A_1659 = vector.shape_cast %swap3A_1658 : vector<1x1x16xf32> to vector<16xf32>
      %swap3A_1660 = vector.shape_cast %get3A_1652 : vector<16xf32> to vector<1x1x16xf32>
      tpu.vector_store %arg4[%swap3A_1655, %swap3A_1656, %swap3A_1657], %swap3A_1660 {strides = array<i32>} : memref<4x32x768xf32, #tpu.memory_space<vmem>>, vector<1x1x16xf32>,
      %get3A_1661 = arith.constant 31 : i32
      %get3A_1662 = arith.index_cast %get3A_1661 : i32 to index
      %get3A_1663 = arith.constant 16 : index
      %get3A_1664 = tpu.vector_load %arg5[%get3A_1662, %get3A_1663] {strides = array<i32>} : memref<32x64xf32, #tpu.memory_space<vmem>>, vector<1x16xf32>,
      %get3A_1665 = vector.shape_cast %get3A_1664 : vector<1x16xf32> to vector<16xf32>
      %swap3A_1666 = arith.constant 3 : i32
      %swap3A_1667 = arith.constant 31 : i32
      %swap3A_1668 = arith.index_cast %swap3A_1666 : i32 to index
      %swap3A_1669 = arith.index_cast %swap3A_1667 : i32 to index
      %swap3A_1670 = arith.constant 16 : index
      %swap3A_1671 = tpu.vector_load %arg4[%swap3A_1668, %swap3A_1669, %swap3A_1670] {strides = array<i32>} : memref<4x32x768xf32, #tpu.memory_space<vmem>>, vector<1x1x16xf32>,
      %swap3A_1672 = vector.shape_cast %swap3A_1671 : vector<1x1x16xf32> to vector<16xf32>
      %swap3A_1673 = vector.shape_cast %get3A_1665 : vector<16xf32> to vector<1x1x16xf32>
      tpu.vector_store %arg4[%swap3A_1668, %swap3A_1669, %swap3A_1670], %swap3A_1673 {strides = array<i32>} : memref<4x32x768xf32, #tpu.memory_space<vmem>>, vector<1x1x16xf32>,
      %get3A_1674 = arith.constant 31 : i32
      %get3A_1675 = arith.index_cast %get3A_1674 : i32 to index
      %get3A_1676 = arith.constant 32 : index
      %get3A_1677 = tpu.vector_load %arg5[%get3A_1675, %get3A_1676] {strides = array<i32>} : memref<32x64xf32, #tpu.memory_space<vmem>>, vector<1x16xf32>,
      %get3A_1678 = vector.shape_cast %get3A_1677 : vector<1x16xf32> to vector<16xf32>
      %swap3A_1679 = arith.constant 3 : i32
      %swap3A_1680 = arith.constant 31 : i32
      %swap3A_1681 = arith.index_cast %swap3A_1679 : i32 to index
      %swap3A_1682 = arith.index_cast %swap3A_1680 : i32 to index
      %swap3A_1683 = arith.constant 32 : index
      %swap3A_1684 = tpu.vector_load %arg4[%swap3A_1681, %swap3A_1682, %swap3A_1683] {strides = array<i32>} : memref<4x32x768xf32, #tpu.memory_space<vmem>>, vector<1x1x16xf32>,
      %swap3A_1685 = vector.shape_cast %swap3A_1684 : vector<1x1x16xf32> to vector<16xf32>
      %swap3A_1686 = vector.shape_cast %get3A_1678 : vector<16xf32> to vector<1x1x16xf32>
      tpu.vector_store %arg4[%swap3A_1681, %swap3A_1682, %swap3A_1683], %swap3A_1686 {strides = array<i32>} : memref<4x32x768xf32, #tpu.memory_space<vmem>>, vector<1x1x16xf32>,
      %get3A_1687 = arith.constant 31 : i32
      %get3A_1688 = arith.index_cast %get3A_1687 : i32 to index
      %get3A_1689 = arith.constant 48 : index
      %get3A_1690 = tpu.vector_load %arg5[%get3A_1688, %get3A_1689] {strides = array<i32>} : memref<32x64xf32, #tpu.memory_space<vmem>>, vector<1x16xf32>,
      %get3A_1691 = vector.shape_cast %get3A_1690 : vector<1x16xf32> to vector<16xf32>
      %swap3A_1692 = arith.constant 3 : i32
      %swap3A_1693 = arith.constant 31 : i32
      %swap3A_1694 = arith.index_cast %swap3A_1692 : i32 to index
      %swap3A_1695 = arith.index_cast %swap3A_1693 : i32 to index
      %swap3A_1696 = arith.constant 48 : index
      %swap3A_1697 = tpu.vector_load %arg4[%swap3A_1694, %swap3A_1695, %swap3A_1696] {strides = array<i32>} : memref<4x32x768xf32, #tpu.memory_space<vmem>>, vector<1x1x16xf32>,
      %swap3A_1698 = vector.shape_cast %swap3A_1697 : vector<1x1x16xf32> to vector<16xf32>
      %swap3A_1699 = vector.shape_cast %get3A_1691 : vector<16xf32> to vector<1x1x16xf32>
      tpu.vector_store %arg4[%swap3A_1694, %swap3A_1695, %swap3A_1696], %swap3A_1699 {strides = array<i32>} : memref<4x32x768xf32, #tpu.memory_space<vmem>>, vector<1x1x16xf32>,
      %run_scoped3A = arith.constant 3 : i32
      "tpu.region"() ({
        %run_scoped3A_1700 = tpu.sem_alloc : memref<!tpu.dma_semaphore, #tpu.memory_space<semaphore_mem>>
        %dma_start3A = arith.constant 0 : i32
        %dma_start3A_1701 = arith.constant 0 : i32
        %dma_start3A_1702 = tpu.memref_slice %arg4[%run_scoped3A, %dma_start3A, %dma_start3A_1701] : memref<4x32x768xf32, #tpu.memory_space<vmem>> -> memref<1x32x128xf32, #tpu.memory_space<vmem>>
        %dma_start3A_1703 = tpu.memref_squeeze %dma_start3A_1702 : memref<1x32x128xf32, #tpu.memory_space<vmem>> -> memref<32x128xf32, #tpu.memory_space<vmem>>
        %dma_start3A_1704 = arith.constant 249984 : i32
        %dma_start3A_1705 = arith.constant 0 : i32
        %dma_start3A_1706 = tpu.memref_slice %arg3[%dma_start3A_1704, %dma_start3A_1705] : memref<250016x128xf32, #tpu.memory_space<hbm>> -> memref<32x128xf32, #tpu.memory_space<hbm>>
        %dma_start3A_1707 = arith.constant 249984 : i32
        %dma_start3A_1708 = arith.constant 0 : i32
        %dma_start3A_1709 = tpu.memref_slice %arg3[%dma_start3A_1707, %dma_start3A_1708] : memref<250016x128xf32, #tpu.memory_space<hbm>> -> memref<32x128xf32, #tpu.memory_space<hbm>>
        %dma_start3A_1710 = arith.constant 0 : i32
        %dma_start3A_1711 = arith.constant 0 : i32
        %dma_start3A_1712 = tpu.memref_slice %arg4[%run_scoped3A, %dma_start3A_1710, %dma_start3A_1711] : memref<4x32x768xf32, #tpu.memory_space<vmem>> -> memref<1x32x128xf32, #tpu.memory_space<vmem>>
        %dma_start3A_1713 = tpu.memref_squeeze %dma_start3A_1712 : memref<1x32x128xf32, #tpu.memory_space<vmem>> -> memref<32x128xf32, #tpu.memory_space<vmem>>
        tpu.enqueue_dma source(%dma_start3A_1713 : memref<32x128xf32, #tpu.memory_space<vmem>>) target(%dma_start3A_1709 : memref<32x128xf32, #tpu.memory_space<hbm>>) target_semaphore(%run_scoped3A_1700 : memref<!tpu.dma_semaphore, #tpu.memory_space<semaphore_mem>>)
        %dma_wait3A = arith.constant 0 : i32
        %dma_wait3A_1714 = arith.constant 0 : i32
        %dma_wait3A_1715 = tpu.memref_slice %arg4[%run_scoped3A, %dma_wait3A, %dma_wait3A_1714] : memref<4x32x768xf32, #tpu.memory_space<vmem>> -> memref<1x32x128xf32, #tpu.memory_space<vmem>>
        %dma_wait3A_1716 = tpu.memref_squeeze %dma_wait3A_1715 : memref<1x32x128xf32, #tpu.memory_space<vmem>> -> memref<32x128xf32, #tpu.memory_space<vmem>>
        %dma_wait3A_1717 = arith.constant 249984 : i32
        %dma_wait3A_1718 = arith.constant 0 : i32
        %dma_wait3A_1719 = tpu.memref_slice %arg3[%dma_wait3A_1717, %dma_wait3A_1718] : memref<250016x128xf32, #tpu.memory_space<hbm>> -> memref<32x128xf32, #tpu.memory_space<hbm>>
        %dma_wait3A_1720 = arith.constant 249984 : i32
        %dma_wait3A_1721 = arith.constant 0 : i32
        %dma_wait3A_1722 = tpu.memref_slice %arg3[%dma_wait3A_1720, %dma_wait3A_1721] : memref<250016x128xf32, #tpu.memory_space<hbm>> -> memref<32x128xf32, #tpu.memory_space<hbm>>
        %dma_wait3A_1723 = arith.constant 0 : i32
        %dma_wait3A_1724 = arith.constant 0 : i32
        %dma_wait3A_1725 = tpu.memref_slice %arg4[%run_scoped3A, %dma_wait3A_1723, %dma_wait3A_1724] : memref<4x32x768xf32, #tpu.memory_space<vmem>> -> memref<1x32x128xf32, #tpu.memory_space<vmem>>
        %dma_wait3A_1726 = tpu.memref_squeeze %dma_wait3A_1725 : memref<1x32x128xf32, #tpu.memory_space<vmem>> -> memref<32x128xf32, #tpu.memory_space<vmem>>
        tpu.wait_dma2 semaphore(%run_scoped3A_1700 : memref<!tpu.dma_semaphore, #tpu.memory_space<semaphore_mem>>) src(%dma_wait3A_1726 : memref<32x128xf32, #tpu.memory_space<vmem>>) dst(%dma_wait3A_1722 : memref<32x128xf32, #tpu.memory_space<hbm>>)
        tpu.yield
      }) : () -> ()
    } else {
    }
    %add3A_3 = arith.constant 0 : i32
    %add3A_4 = arith.addi %add3A, %add3A_3 : i32
    %lt3A = arith.constant 1302 : i32
    %lt3A_5 = arith.cmpi slt, %add3A_4, %lt3A : i32
    %convert_element_type3A_6 = arith.extui %lt3A_5 : i1 to i32
    %cond3A_7 = arith.constant 0 : i32
    %cond3A_8 = arith.cmpi ne, %convert_element_type3A_6, %cond3A_7 : i32
    scf.if %cond3A_8 {
      %mul3A_38 = arith.constant 6 : i32
      %mul3A_39 = arith.muli %add3A_4, %mul3A_38 : i32
      %mul3A_40 = arith.constant 128 : i32
      %mul3A_41 = arith.muli %mul3A_39, %mul3A_40 : i32
      %dma_start3A = arith.constant 0 : i32
      %dma_start3A_42 = arith.constant 0 : i32
      %dma_start3A_43 = arith.constant 0 : i32
      %dma_start3A_44 = tpu.memref_slice %arg4[%dma_start3A, %dma_start3A_42, %dma_start3A_43] : memref<4x32x768xf32, #tpu.memory_space<vmem>> -> memref<1x32x768xf32, #tpu.memory_space<vmem>>
      %dma_start3A_45 = tpu.memref_squeeze %dma_start3A_44 : memref<1x32x768xf32, #tpu.memory_space<vmem>> -> memref<32x768xf32, #tpu.memory_space<vmem>>
      %dma_start3A_46 = arith.constant 0 : i32
      %dma_start3A_47 = tpu.memref_slice %arg2[%dma_start3A_46, %mul3A_41] : memref<32x1000000xf32, #tpu.memory_space<hbm>> -> memref<32x768xf32, #tpu.memory_space<hbm>>
      %dma_start3A_48 = arith.constant 0 : i32
      %dma_start3A_49 = arith.constant 0 : i32
      %dma_start3A_50 = tpu.memref_slice %arg4[%dma_start3A, %dma_start3A_48, %dma_start3A_49] : memref<4x32x768xf32, #tpu.memory_space<vmem>> -> memref<1x32x768xf32, #tpu.memory_space<vmem>>
      %dma_start3A_51 = tpu.memref_squeeze %dma_start3A_50 : memref<1x32x768xf32, #tpu.memory_space<vmem>> -> memref<32x768xf32, #tpu.memory_space<vmem>>
      %dma_start3A_52 = arith.constant 0 : i32
      %dma_start3A_53 = tpu.memref_slice %arg2[%dma_start3A_52, %mul3A_41] : memref<32x1000000xf32, #tpu.memory_space<hbm>> -> memref<32x768xf32, #tpu.memory_space<hbm>>
      tpu.enqueue_dma source(%dma_start3A_53 : memref<32x768xf32, #tpu.memory_space<hbm>>) target(%dma_start3A_51 : memref<32x768xf32, #tpu.memory_space<vmem>>) target_semaphore(%arg6 : memref<!tpu.dma_semaphore, #tpu.memory_space<semaphore_mem>>)
    } else {
    }
    %add3A_9 = arith.constant 32 : i32
    %add3A_10 = arith.addi %add3A, %add3A_9 : i32
    %lt3A_11 = arith.constant 1302 : i32
    %lt3A_12 = arith.cmpi slt, %add3A_10, %lt3A_11 : i32
    %convert_element_type3A_13 = arith.extui %lt3A_12 : i1 to i32
    %cond3A_14 = arith.constant 0 : i32
    %cond3A_15 = arith.cmpi ne, %convert_element_type3A_13, %cond3A_14 : i32
    scf.if %cond3A_15 {
      %mul3A_38 = arith.constant 6 : i32
      %mul3A_39 = arith.muli %add3A_10, %mul3A_38 : i32
      %mul3A_40 = arith.constant 128 : i32
      %mul3A_41 = arith.muli %mul3A_39, %mul3A_40 : i32
      %dma_start3A = arith.constant 1 : i32
      %dma_start3A_42 = arith.constant 0 : i32
      %dma_start3A_43 = arith.constant 0 : i32
      %dma_start3A_44 = tpu.memref_slice %arg4[%dma_start3A, %dma_start3A_42, %dma_start3A_43] : memref<4x32x768xf32, #tpu.memory_space<vmem>> -> memref<1x32x768xf32, #tpu.memory_space<vmem>>
      %dma_start3A_45 = tpu.memref_squeeze %dma_start3A_44 : memref<1x32x768xf32, #tpu.memory_space<vmem>> -> memref<32x768xf32, #tpu.memory_space<vmem>>
      %dma_start3A_46 = arith.constant 0 : i32
      %dma_start3A_47 = tpu.memref_slice %arg2[%dma_start3A_46, %mul3A_41] : memref<32x1000000xf32, #tpu.memory_space<hbm>> -> memref<32x768xf32, #tpu.memory_space<hbm>>
      %dma_start3A_48 = arith.constant 0 : i32
      %dma_start3A_49 = arith.constant 0 : i32
      %dma_start3A_50 = tpu.memref_slice %arg4[%dma_start3A, %dma_start3A_48, %dma_start3A_49] : memref<4x32x768xf32, #tpu.memory_space<vmem>> -> memref<1x32x768xf32, #tpu.memory_space<vmem>>
      %dma_start3A_51 = tpu.memref_squeeze %dma_start3A_50 : memref<1x32x768xf32, #tpu.memory_space<vmem>> -> memref<32x768xf32, #tpu.memory_space<vmem>>
      %dma_start3A_52 = arith.constant 0 : i32
      %dma_start3A_53 = tpu.memref_slice %arg2[%dma_start3A_52, %mul3A_41] : memref<32x1000000xf32, #tpu.memory_space<hbm>> -> memref<32x768xf32, #tpu.memory_space<hbm>>
      tpu.enqueue_dma source(%dma_start3A_53 : memref<32x768xf32, #tpu.memory_space<hbm>>) target(%dma_start3A_51 : memref<32x768xf32, #tpu.memory_space<vmem>>) target_semaphore(%arg6 : memref<!tpu.dma_semaphore, #tpu.memory_space<semaphore_mem>>)
    } else {
    }
    %add3A_16 = arith.constant 64 : i32
    %add3A_17 = arith.addi %add3A, %add3A_16 : i32
    %lt3A_18 = arith.constant 1302 : i32
    %lt3A_19 = arith.cmpi slt, %add3A_17, %lt3A_18 : i32
    %convert_element_type3A_20 = arith.extui %lt3A_19 : i1 to i32
    %cond3A_21 = arith.constant 0 : i32
    %cond3A_22 = arith.cmpi ne, %convert_element_type3A_20, %cond3A_21 : i32
    scf.if %cond3A_22 {
      %mul3A_38 = arith.constant 6 : i32
      %mul3A_39 = arith.muli %add3A_17, %mul3A_38 : i32
      %mul3A_40 = arith.constant 128 : i32
      %mul3A_41 = arith.muli %mul3A_39, %mul3A_40 : i32
      %dma_start3A = arith.constant 2 : i32
      %dma_start3A_42 = arith.constant 0 : i32
      %dma_start3A_43 = arith.constant 0 : i32
      %dma_start3A_44 = tpu.memref_slice %arg4[%dma_start3A, %dma_start3A_42, %dma_start3A_43] : memref<4x32x768xf32, #tpu.memory_space<vmem>> -> memref<1x32x768xf32, #tpu.memory_space<vmem>>
      %dma_start3A_45 = tpu.memref_squeeze %dma_start3A_44 : memref<1x32x768xf32, #tpu.memory_space<vmem>> -> memref<32x768xf32, #tpu.memory_space<vmem>>
      %dma_start3A_46 = arith.constant 0 : i32
      %dma_start3A_47 = tpu.memref_slice %arg2[%dma_start3A_46, %mul3A_41] : memref<32x1000000xf32, #tpu.memory_space<hbm>> -> memref<32x768xf32, #tpu.memory_space<hbm>>
      %dma_start3A_48 = arith.constant 0 : i32
      %dma_start3A_49 = arith.constant 0 : i32
      %dma_start3A_50 = tpu.memref_slice %arg4[%dma_start3A, %dma_start3A_48, %dma_start3A_49] : memref<4x32x768xf32, #tpu.memory_space<vmem>> -> memref<1x32x768xf32, #tpu.memory_space<vmem>>
      %dma_start3A_51 = tpu.memref_squeeze %dma_start3A_50 : memref<1x32x768xf32, #tpu.memory_space<vmem>> -> memref<32x768xf32, #tpu.memory_space<vmem>>
      %dma_start3A_52 = arith.constant 0 : i32
      %dma_start3A_53 = tpu.memref_slice %arg2[%dma_start3A_52, %mul3A_41] : memref<32x1000000xf32, #tpu.memory_space<hbm>> -> memref<32x768xf32, #tpu.memory_space<hbm>>
      tpu.enqueue_dma source(%dma_start3A_53 : memref<32x768xf32, #tpu.memory_space<hbm>>) target(%dma_start3A_51 : memref<32x768xf32, #tpu.memory_space<vmem>>) target_semaphore(%arg6 : memref<!tpu.dma_semaphore, #tpu.memory_space<semaphore_mem>>)
    } else {
    }
    %scan3A = arith.constant 0 : i32
    %scan3A_23 = arith.constant 0 : i32
    %scan3A_24 = arith.constant 41 : i32
    %scan3A_25 = arith.addi %scan3A_23, %scan3A_24 : i32
    %scan3A_26 = arith.constant 1 : i32
    %scan3A_27 = scf.for %scan3A_38 = %scan3A_23 to %scan3A_25 step %scan3A_26 iter_args(%scan3A_39 = %scan3A) -> (i32)  : i32 {
      %rem3A_40 = arith.constant 4 : i32
      %rem3A_41 = arith.remsi %scan3A_38, %rem3A_40 : i32
      %mul3A_42 = arith.constant 32 : i32
      %mul3A_43 = arith.muli %scan3A_38, %mul3A_42 : i32
      %add3A_44 = arith.addi %add3A, %mul3A_43 : i32
      %lt3A_45 = arith.constant 1302 : i32
      %lt3A_46 = arith.cmpi slt, %add3A_44, %lt3A_45 : i32
      %convert_element_type3A_47 = arith.extui %lt3A_46 : i1 to i32
      %cond3A_48 = arith.constant 0 : i32
      %cond3A_49 = arith.cmpi ne, %convert_element_type3A_47, %cond3A_48 : i32
      scf.if %cond3A_49 {
        %dma_wait3A = arith.constant 0 : i32
        %dma_wait3A_70 = arith.constant 0 : i32
        %dma_wait3A_71 = tpu.memref_slice %arg4[%rem3A_41, %dma_wait3A, %dma_wait3A_70] : memref<4x32x768xf32, #tpu.memory_space<vmem>> -> memref<1x32x768xf32, #tpu.memory_space<vmem>>
        %dma_wait3A_72 = tpu.memref_squeeze %dma_wait3A_71 : memref<1x32x768xf32, #tpu.memory_space<vmem>> -> memref<32x768xf32, #tpu.memory_space<vmem>>
        %dma_wait3A_73 = arith.constant 0 : i32
        %dma_wait3A_74 = arith.constant 0 : i32
        %dma_wait3A_75 = tpu.memref_slice %arg2[%dma_wait3A_73, %dma_wait3A_74] : memref<32x1000000xf32, #tpu.memory_space<hbm>> -> memref<32x768xf32, #tpu.memory_space<hbm>>
        %dma_wait3A_76 = arith.constant 0 : i32
        %dma_wait3A_77 = arith.constant 0 : i32
        %dma_wait3A_78 = tpu.memref_slice %arg4[%rem3A_41, %dma_wait3A_76, %dma_wait3A_77] : memref<4x32x768xf32, #tpu.memory_space<vmem>> -> memref<1x32x768xf32, #tpu.memory_space<vmem>>
        %dma_wait3A_79 = tpu.memref_squeeze %dma_wait3A_78 : memref<1x32x768xf32, #tpu.memory_space<vmem>> -> memref<32x768xf32, #tpu.memory_space<vmem>>
        %dma_wait3A_80 = arith.constant 0 : i32
        %dma_wait3A_81 = arith.constant 0 : i32
        %dma_wait3A_82 = tpu.memref_slice %arg2[%dma_wait3A_80, %dma_wait3A_81] : memref<32x1000000xf32, #tpu.memory_space<hbm>> -> memref<32x768xf32, #tpu.memory_space<hbm>>
        tpu.wait_dma2 semaphore(%arg6 : memref<!tpu.dma_semaphore, #tpu.memory_space<semaphore_mem>>) src(%dma_wait3A_82 : memref<32x768xf32, #tpu.memory_space<hbm>>) dst(%dma_wait3A_79 : memref<32x768xf32, #tpu.memory_space<vmem>>)
      } else {
      }
      %mul3A_50 = arith.constant 32 : i32
      %mul3A_51 = arith.muli %scan3A_38, %mul3A_50 : i32
      %add3A_52 = arith.addi %add3A, %mul3A_51 : i32
      %lt3A_53 = arith.constant 1302 : i32
      %lt3A_54 = arith.cmpi slt, %add3A_52, %lt3A_53 : i32
      %convert_element_type3A_55 = arith.extui %lt3A_54 : i1 to i32
      %cond3A_56 = arith.constant 0 : i32
      %cond3A_57 = arith.cmpi ne, %convert_element_type3A_55, %cond3A_56 : i32
      scf.if %cond3A_57 {
        %mul3A_70 = arith.constant 6 : i32
        %mul3A_71 = arith.muli %add3A_52, %mul3A_70 : i32
        %add3A_72 = arith.constant 0 : i32
        %add3A_73 = arith.addi %mul3A_71, %add3A_72 : i32
        %mul3A_74 = arith.constant 32 : i32
        %mul3A_75 = arith.muli %add3A_73, %mul3A_74 : i32
        %dma_start3A = arith.constant 0 : i32
        %dma_start3A_76 = arith.constant 0 : i32
        %dma_start3A_77 = tpu.memref_slice %arg4[%rem3A_41, %dma_start3A, %dma_start3A_76] : memref<4x32x768xf32, #tpu.memory_space<vmem>> -> memref<1x32x128xf32, #tpu.memory_space<vmem>>
        %dma_start3A_78 = tpu.memref_squeeze %dma_start3A_77 : memref<1x32x128xf32, #tpu.memory_space<vmem>> -> memref<32x128xf32, #tpu.memory_space<vmem>>
        %dma_start3A_79 = arith.constant 0 : i32
        %dma_start3A_80 = tpu.memref_slice %arg3[%mul3A_75, %dma_start3A_79] : memref<250016x128xf32, #tpu.memory_space<hbm>> -> memref<32x128xf32, #tpu.memory_space<hbm>>
        %dma_start3A_81 = arith.constant 0 : i32
        %dma_start3A_82 = tpu.memref_slice %arg3[%mul3A_75, %dma_start3A_81] : memref<250016x128xf32, #tpu.memory_space<hbm>> -> memref<32x128xf32, #tpu.memory_space<hbm>>
        %dma_start3A_83 = arith.constant 0 : i32
        %dma_start3A_84 = arith.constant 0 : i32
        %dma_start3A_85 = tpu.memref_slice %arg4[%rem3A_41, %dma_start3A_83, %dma_start3A_84] : memref<4x32x768xf32, #tpu.memory_space<vmem>> -> memref<1x32x128xf32, #tpu.memory_space<vmem>>
        %dma_start3A_86 = tpu.memref_squeeze %dma_start3A_85 : memref<1x32x128xf32, #tpu.memory_space<vmem>> -> memref<32x128xf32, #tpu.memory_space<vmem>>
        tpu.enqueue_dma source(%dma_start3A_86 : memref<32x128xf32, #tpu.memory_space<vmem>>) target(%dma_start3A_82 : memref<32x128xf32, #tpu.memory_space<hbm>>) target_semaphore(%arg7 : memref<!tpu.dma_semaphore, #tpu.memory_space<semaphore_mem>>)
        %mul3A_87 = arith.constant 6 : i32
        %mul3A_88 = arith.muli %add3A_52, %mul3A_87 : i32
        %add3A_89 = arith.constant 1 : i32
        %add3A_90 = arith.addi %mul3A_88, %add3A_89 : i32
        %mul3A_91 = arith.constant 32 : i32
        %mul3A_92 = arith.muli %add3A_90, %mul3A_91 : i32
        %dma_start3A_93 = arith.constant 0 : i32
        %dma_start3A_94 = arith.constant 128 : i32
        %dma_start3A_95 = tpu.memref_slice %arg4[%rem3A_41, %dma_start3A_93, %dma_start3A_94] : memref<4x32x768xf32, #tpu.memory_space<vmem>> -> memref<1x32x128xf32, #tpu.memory_space<vmem>>
        %dma_start3A_96 = tpu.memref_squeeze %dma_start3A_95 : memref<1x32x128xf32, #tpu.memory_space<vmem>> -> memref<32x128xf32, #tpu.memory_space<vmem>>
        %dma_start3A_97 = arith.constant 0 : i32
        %dma_start3A_98 = tpu.memref_slice %arg3[%mul3A_92, %dma_start3A_97] : memref<250016x128xf32, #tpu.memory_space<hbm>> -> memref<32x128xf32, #tpu.memory_space<hbm>>
        %dma_start3A_99 = arith.constant 0 : i32
        %dma_start3A_100 = tpu.memref_slice %arg3[%mul3A_92, %dma_start3A_99] : memref<250016x128xf32, #tpu.memory_space<hbm>> -> memref<32x128xf32, #tpu.memory_space<hbm>>
        %dma_start3A_101 = arith.constant 0 : i32
        %dma_start3A_102 = arith.constant 128 : i32
        %dma_start3A_103 = tpu.memref_slice %arg4[%rem3A_41, %dma_start3A_101, %dma_start3A_102] : memref<4x32x768xf32, #tpu.memory_space<vmem>> -> memref<1x32x128xf32, #tpu.memory_space<vmem>>
        %dma_start3A_104 = tpu.memref_squeeze %dma_start3A_103 : memref<1x32x128xf32, #tpu.memory_space<vmem>> -> memref<32x128xf32, #tpu.memory_space<vmem>>
        tpu.enqueue_dma source(%dma_start3A_104 : memref<32x128xf32, #tpu.memory_space<vmem>>) target(%dma_start3A_100 : memref<32x128xf32, #tpu.memory_space<hbm>>) target_semaphore(%arg7 : memref<!tpu.dma_semaphore, #tpu.memory_space<semaphore_mem>>)
        %mul3A_105 = arith.constant 6 : i32
        %mul3A_106 = arith.muli %add3A_52, %mul3A_105 : i32
        %add3A_107 = arith.constant 2 : i32
        %add3A_108 = arith.addi %mul3A_106, %add3A_107 : i32
        %mul3A_109 = arith.constant 32 : i32
        %mul3A_110 = arith.muli %add3A_108, %mul3A_109 : i32
        %dma_start3A_111 = arith.constant 0 : i32
        %dma_start3A_112 = arith.constant 256 : i32
        %dma_start3A_113 = tpu.memref_slice %arg4[%rem3A_41, %dma_start3A_111, %dma_start3A_112] : memref<4x32x768xf32, #tpu.memory_space<vmem>> -> memref<1x32x128xf32, #tpu.memory_space<vmem>>
        %dma_start3A_114 = tpu.memref_squeeze %dma_start3A_113 : memref<1x32x128xf32, #tpu.memory_space<vmem>> -> memref<32x128xf32, #tpu.memory_space<vmem>>
        %dma_start3A_115 = arith.constant 0 : i32
        %dma_start3A_116 = tpu.memref_slice %arg3[%mul3A_110, %dma_start3A_115] : memref<250016x128xf32, #tpu.memory_space<hbm>> -> memref<32x128xf32, #tpu.memory_space<hbm>>
        %dma_start3A_117 = arith.constant 0 : i32
        %dma_start3A_118 = tpu.memref_slice %arg3[%mul3A_110, %dma_start3A_117] : memref<250016x128xf32, #tpu.memory_space<hbm>> -> memref<32x128xf32, #tpu.memory_space<hbm>>
        %dma_start3A_119 = arith.constant 0 : i32
        %dma_start3A_120 = arith.constant 256 : i32
        %dma_start3A_121 = tpu.memref_slice %arg4[%rem3A_41, %dma_start3A_119, %dma_start3A_120] : memref<4x32x768xf32, #tpu.memory_space<vmem>> -> memref<1x32x128xf32, #tpu.memory_space<vmem>>
        %dma_start3A_122 = tpu.memref_squeeze %dma_start3A_121 : memref<1x32x128xf32, #tpu.memory_space<vmem>> -> memref<32x128xf32, #tpu.memory_space<vmem>>
        tpu.enqueue_dma source(%dma_start3A_122 : memref<32x128xf32, #tpu.memory_space<vmem>>) target(%dma_start3A_118 : memref<32x128xf32, #tpu.memory_space<hbm>>) target_semaphore(%arg7 : memref<!tpu.dma_semaphore, #tpu.memory_space<semaphore_mem>>)
        %mul3A_123 = arith.constant 6 : i32
        %mul3A_124 = arith.muli %add3A_52, %mul3A_123 : i32
        %add3A_125 = arith.constant 3 : i32
        %add3A_126 = arith.addi %mul3A_124, %add3A_125 : i32
        %mul3A_127 = arith.constant 32 : i32
        %mul3A_128 = arith.muli %add3A_126, %mul3A_127 : i32
        %dma_start3A_129 = arith.constant 0 : i32
        %dma_start3A_130 = arith.constant 384 : i32
        %dma_start3A_131 = tpu.memref_slice %arg4[%rem3A_41, %dma_start3A_129, %dma_start3A_130] : memref<4x32x768xf32, #tpu.memory_space<vmem>> -> memref<1x32x128xf32, #tpu.memory_space<vmem>>
        %dma_start3A_132 = tpu.memref_squeeze %dma_start3A_131 : memref<1x32x128xf32, #tpu.memory_space<vmem>> -> memref<32x128xf32, #tpu.memory_space<vmem>>
        %dma_start3A_133 = arith.constant 0 : i32
        %dma_start3A_134 = tpu.memref_slice %arg3[%mul3A_128, %dma_start3A_133] : memref<250016x128xf32, #tpu.memory_space<hbm>> -> memref<32x128xf32, #tpu.memory_space<hbm>>
        %dma_start3A_135 = arith.constant 0 : i32
        %dma_start3A_136 = tpu.memref_slice %arg3[%mul3A_128, %dma_start3A_135] : memref<250016x128xf32, #tpu.memory_space<hbm>> -> memref<32x128xf32, #tpu.memory_space<hbm>>
        %dma_start3A_137 = arith.constant 0 : i32
        %dma_start3A_138 = arith.constant 384 : i32
        %dma_start3A_139 = tpu.memref_slice %arg4[%rem3A_41, %dma_start3A_137, %dma_start3A_138] : memref<4x32x768xf32, #tpu.memory_space<vmem>> -> memref<1x32x128xf32, #tpu.memory_space<vmem>>
        %dma_start3A_140 = tpu.memref_squeeze %dma_start3A_139 : memref<1x32x128xf32, #tpu.memory_space<vmem>> -> memref<32x128xf32, #tpu.memory_space<vmem>>
        tpu.enqueue_dma source(%dma_start3A_140 : memref<32x128xf32, #tpu.memory_space<vmem>>) target(%dma_start3A_136 : memref<32x128xf32, #tpu.memory_space<hbm>>) target_semaphore(%arg7 : memref<!tpu.dma_semaphore, #tpu.memory_space<semaphore_mem>>)
        %mul3A_141 = arith.constant 6 : i32
        %mul3A_142 = arith.muli %add3A_52, %mul3A_141 : i32
        %add3A_143 = arith.constant 4 : i32
        %add3A_144 = arith.addi %mul3A_142, %add3A_143 : i32
        %mul3A_145 = arith.constant 32 : i32
        %mul3A_146 = arith.muli %add3A_144, %mul3A_145 : i32
        %dma_start3A_147 = arith.constant 0 : i32
        %dma_start3A_148 = arith.constant 512 : i32
        %dma_start3A_149 = tpu.memref_slice %arg4[%rem3A_41, %dma_start3A_147, %dma_start3A_148] : memref<4x32x768xf32, #tpu.memory_space<vmem>> -> memref<1x32x128xf32, #tpu.memory_space<vmem>>
        %dma_start3A_150 = tpu.memref_squeeze %dma_start3A_149 : memref<1x32x128xf32, #tpu.memory_space<vmem>> -> memref<32x128xf32, #tpu.memory_space<vmem>>
        %dma_start3A_151 = arith.constant 0 : i32
        %dma_start3A_152 = tpu.memref_slice %arg3[%mul3A_146, %dma_start3A_151] : memref<250016x128xf32, #tpu.memory_space<hbm>> -> memref<32x128xf32, #tpu.memory_space<hbm>>
        %dma_start3A_153 = arith.constant 0 : i32
        %dma_start3A_154 = tpu.memref_slice %arg3[%mul3A_146, %dma_start3A_153] : memref<250016x128xf32, #tpu.memory_space<hbm>> -> memref<32x128xf32, #tpu.memory_space<hbm>>
        %dma_start3A_155 = arith.constant 0 : i32
        %dma_start3A_156 = arith.constant 512 : i32
        %dma_start3A_157 = tpu.memref_slice %arg4[%rem3A_41, %dma_start3A_155, %dma_start3A_156] : memref<4x32x768xf32, #tpu.memory_space<vmem>> -> memref<1x32x128xf32, #tpu.memory_space<vmem>>
        %dma_start3A_158 = tpu.memref_squeeze %dma_start3A_157 : memref<1x32x128xf32, #tpu.memory_space<vmem>> -> memref<32x128xf32, #tpu.memory_space<vmem>>
        tpu.enqueue_dma source(%dma_start3A_158 : memref<32x128xf32, #tpu.memory_space<vmem>>) target(%dma_start3A_154 : memref<32x128xf32, #tpu.memory_space<hbm>>) target_semaphore(%arg7 : memref<!tpu.dma_semaphore, #tpu.memory_space<semaphore_mem>>)
        %mul3A_159 = arith.constant 6 : i32
        %mul3A_160 = arith.muli %add3A_52, %mul3A_159 : i32
        %add3A_161 = arith.constant 5 : i32
        %add3A_162 = arith.addi %mul3A_160, %add3A_161 : i32
        %mul3A_163 = arith.constant 32 : i32
        %mul3A_164 = arith.muli %add3A_162, %mul3A_163 : i32
        %dma_start3A_165 = arith.constant 0 : i32
        %dma_start3A_166 = arith.constant 640 : i32
        %dma_start3A_167 = tpu.memref_slice %arg4[%rem3A_41, %dma_start3A_165, %dma_start3A_166] : memref<4x32x768xf32, #tpu.memory_space<vmem>> -> memref<1x32x128xf32, #tpu.memory_space<vmem>>
        %dma_start3A_168 = tpu.memref_squeeze %dma_start3A_167 : memref<1x32x128xf32, #tpu.memory_space<vmem>> -> memref<32x128xf32, #tpu.memory_space<vmem>>
        %dma_start3A_169 = arith.constant 0 : i32
        %dma_start3A_170 = tpu.memref_slice %arg3[%mul3A_164, %dma_start3A_169] : memref<250016x128xf32, #tpu.memory_space<hbm>> -> memref<32x128xf32, #tpu.memory_space<hbm>>
        %dma_start3A_171 = arith.constant 0 : i32
        %dma_start3A_172 = tpu.memref_slice %arg3[%mul3A_164, %dma_start3A_171] : memref<250016x128xf32, #tpu.memory_space<hbm>> -> memref<32x128xf32, #tpu.memory_space<hbm>>
        %dma_start3A_173 = arith.constant 0 : i32
        %dma_start3A_174 = arith.constant 640 : i32
        %dma_start3A_175 = tpu.memref_slice %arg4[%rem3A_41, %dma_start3A_173, %dma_start3A_174] : memref<4x32x768xf32, #tpu.memory_space<vmem>> -> memref<1x32x128xf32, #tpu.memory_space<vmem>>
        %dma_start3A_176 = tpu.memref_squeeze %dma_start3A_175 : memref<1x32x128xf32, #tpu.memory_space<vmem>> -> memref<32x128xf32, #tpu.memory_space<vmem>>
        tpu.enqueue_dma source(%dma_start3A_176 : memref<32x128xf32, #tpu.memory_space<vmem>>) target(%dma_start3A_172 : memref<32x128xf32, #tpu.memory_space<hbm>>) target_semaphore(%arg7 : memref<!tpu.dma_semaphore, #tpu.memory_space<semaphore_mem>>)
      } else {
      }
      %ge3A = arith.constant 1 : i32
      %ge3A_58 = arith.cmpi sge, %scan3A_38, %ge3A : i32
      %convert_element_type3A_59 = arith.extui %ge3A_58 : i1 to i32
      %cond3A_60 = arith.constant 0 : i32
      %cond3A_61 = arith.cmpi ne, %convert_element_type3A_59, %cond3A_60 : i32
      scf.if %cond3A_61 {
        %sub3A = arith.constant 1 : i32
        %sub3A_70 = arith.subi %scan3A_38, %sub3A : i32
        %sub3A_71 = arith.constant 1 : i32
        %sub3A_72 = arith.subi %scan3A_38, %sub3A_71 : i32
        %rem3A_73 = arith.constant 4 : i32
        %rem3A_74 = arith.remsi %sub3A_72, %rem3A_73 : i32
        %mul3A_75 = arith.constant 32 : i32
        %mul3A_76 = arith.muli %sub3A_70, %mul3A_75 : i32
        %add3A_77 = arith.addi %add3A, %mul3A_76 : i32
        %lt3A_78 = arith.constant 1302 : i32
        %lt3A_79 = arith.cmpi slt, %add3A_77, %lt3A_78 : i32
        %convert_element_type3A_80 = arith.extui %lt3A_79 : i1 to i32
        %cond3A_81 = arith.constant 0 : i32
        %cond3A_82 = arith.cmpi ne, %convert_element_type3A_80, %cond3A_81 : i32
        scf.if %cond3A_82 {
          %dma_wait3A = arith.constant 0 : i32
          %dma_wait3A_83 = arith.constant 0 : i32
          %dma_wait3A_84 = tpu.memref_slice %arg4[%rem3A_74, %dma_wait3A, %dma_wait3A_83] : memref<4x32x768xf32, #tpu.memory_space<vmem>> -> memref<1x32x128xf32, #tpu.memory_space<vmem>>
          %dma_wait3A_85 = tpu.memref_squeeze %dma_wait3A_84 : memref<1x32x128xf32, #tpu.memory_space<vmem>> -> memref<32x128xf32, #tpu.memory_space<vmem>>
          %dma_wait3A_86 = arith.constant 0 : i32
          %dma_wait3A_87 = arith.constant 0 : i32
          %dma_wait3A_88 = tpu.memref_slice %arg3[%dma_wait3A_86, %dma_wait3A_87] : memref<250016x128xf32, #tpu.memory_space<hbm>> -> memref<32x128xf32, #tpu.memory_space<hbm>>
          %dma_wait3A_89 = arith.constant 0 : i32
          %dma_wait3A_90 = arith.constant 0 : i32
          %dma_wait3A_91 = tpu.memref_slice %arg3[%dma_wait3A_89, %dma_wait3A_90] : memref<250016x128xf32, #tpu.memory_space<hbm>> -> memref<32x128xf32, #tpu.memory_space<hbm>>
          %dma_wait3A_92 = arith.constant 0 : i32
          %dma_wait3A_93 = arith.constant 0 : i32
          %dma_wait3A_94 = tpu.memref_slice %arg4[%rem3A_74, %dma_wait3A_92, %dma_wait3A_93] : memref<4x32x768xf32, #tpu.memory_space<vmem>> -> memref<1x32x128xf32, #tpu.memory_space<vmem>>
          %dma_wait3A_95 = tpu.memref_squeeze %dma_wait3A_94 : memref<1x32x128xf32, #tpu.memory_space<vmem>> -> memref<32x128xf32, #tpu.memory_space<vmem>>
          tpu.wait_dma2 semaphore(%arg7 : memref<!tpu.dma_semaphore, #tpu.memory_space<semaphore_mem>>) src(%dma_wait3A_95 : memref<32x128xf32, #tpu.memory_space<vmem>>) dst(%dma_wait3A_91 : memref<32x128xf32, #tpu.memory_space<hbm>>)
          %dma_wait3A_96 = arith.constant 0 : i32
          %dma_wait3A_97 = arith.constant 0 : i32
          %dma_wait3A_98 = tpu.memref_slice %arg4[%rem3A_74, %dma_wait3A_96, %dma_wait3A_97] : memref<4x32x768xf32, #tpu.memory_space<vmem>> -> memref<1x32x128xf32, #tpu.memory_space<vmem>>
          %dma_wait3A_99 = tpu.memref_squeeze %dma_wait3A_98 : memref<1x32x128xf32, #tpu.memory_space<vmem>> -> memref<32x128xf32, #tpu.memory_space<vmem>>
          %dma_wait3A_100 = arith.constant 0 : i32
          %dma_wait3A_101 = arith.constant 0 : i32
          %dma_wait3A_102 = tpu.memref_slice %arg3[%dma_wait3A_100, %dma_wait3A_101] : memref<250016x128xf32, #tpu.memory_space<hbm>> -> memref<32x128xf32, #tpu.memory_space<hbm>>
          %dma_wait3A_103 = arith.constant 0 : i32
          %dma_wait3A_104 = arith.constant 0 : i32
          %dma_wait3A_105 = tpu.memref_slice %arg3[%dma_wait3A_103, %dma_wait3A_104] : memref<250016x128xf32, #tpu.memory_space<hbm>> -> memref<32x128xf32, #tpu.memory_space<hbm>>
          %dma_wait3A_106 = arith.constant 0 : i32
          %dma_wait3A_107 = arith.constant 0 : i32
          %dma_wait3A_108 = tpu.memref_slice %arg4[%rem3A_74, %dma_wait3A_106, %dma_wait3A_107] : memref<4x32x768xf32, #tpu.memory_space<vmem>> -> memref<1x32x128xf32, #tpu.memory_space<vmem>>
          %dma_wait3A_109 = tpu.memref_squeeze %dma_wait3A_108 : memref<1x32x128xf32, #tpu.memory_space<vmem>> -> memref<32x128xf32, #tpu.memory_space<vmem>>
          tpu.wait_dma2 semaphore(%arg7 : memref<!tpu.dma_semaphore, #tpu.memory_space<semaphore_mem>>) src(%dma_wait3A_109 : memref<32x128xf32, #tpu.memory_space<vmem>>) dst(%dma_wait3A_105 : memref<32x128xf32, #tpu.memory_space<hbm>>)
          %dma_wait3A_110 = arith.constant 0 : i32
          %dma_wait3A_111 = arith.constant 0 : i32
          %dma_wait3A_112 = tpu.memref_slice %arg4[%rem3A_74, %dma_wait3A_110, %dma_wait3A_111] : memref<4x32x768xf32, #tpu.memory_space<vmem>> -> memref<1x32x128xf32, #tpu.memory_space<vmem>>
          %dma_wait3A_113 = tpu.memref_squeeze %dma_wait3A_112 : memref<1x32x128xf32, #tpu.memory_space<vmem>> -> memref<32x128xf32, #tpu.memory_space<vmem>>
          %dma_wait3A_114 = arith.constant 0 : i32
          %dma_wait3A_115 = arith.constant 0 : i32
          %dma_wait3A_116 = tpu.memref_slice %arg3[%dma_wait3A_114, %dma_wait3A_115] : memref<250016x128xf32, #tpu.memory_space<hbm>> -> memref<32x128xf32, #tpu.memory_space<hbm>>
          %dma_wait3A_117 = arith.constant 0 : i32
          %dma_wait3A_118 = arith.constant 0 : i32
          %dma_wait3A_119 = tpu.memref_slice %arg3[%dma_wait3A_117, %dma_wait3A_118] : memref<250016x128xf32, #tpu.memory_space<hbm>> -> memref<32x128xf32, #tpu.memory_space<hbm>>
          %dma_wait3A_120 = arith.constant 0 : i32
          %dma_wait3A_121 = arith.constant 0 : i32
          %dma_wait3A_122 = tpu.memref_slice %arg4[%rem3A_74, %dma_wait3A_120, %dma_wait3A_121] : memref<4x32x768xf32, #tpu.memory_space<vmem>> -> memref<1x32x128xf32, #tpu.memory_space<vmem>>
          %dma_wait3A_123 = tpu.memref_squeeze %dma_wait3A_122 : memref<1x32x128xf32, #tpu.memory_space<vmem>> -> memref<32x128xf32, #tpu.memory_space<vmem>>
          tpu.wait_dma2 semaphore(%arg7 : memref<!tpu.dma_semaphore, #tpu.memory_space<semaphore_mem>>) src(%dma_wait3A_123 : memref<32x128xf32, #tpu.memory_space<vmem>>) dst(%dma_wait3A_119 : memref<32x128xf32, #tpu.memory_space<hbm>>)
          %dma_wait3A_124 = arith.constant 0 : i32
          %dma_wait3A_125 = arith.constant 0 : i32
          %dma_wait3A_126 = tpu.memref_slice %arg4[%rem3A_74, %dma_wait3A_124, %dma_wait3A_125] : memref<4x32x768xf32, #tpu.memory_space<vmem>> -> memref<1x32x128xf32, #tpu.memory_space<vmem>>
          %dma_wait3A_127 = tpu.memref_squeeze %dma_wait3A_126 : memref<1x32x128xf32, #tpu.memory_space<vmem>> -> memref<32x128xf32, #tpu.memory_space<vmem>>
          %dma_wait3A_128 = arith.constant 0 : i32
          %dma_wait3A_129 = arith.constant 0 : i32
          %dma_wait3A_130 = tpu.memref_slice %arg3[%dma_wait3A_128, %dma_wait3A_129] : memref<250016x128xf32, #tpu.memory_space<hbm>> -> memref<32x128xf32, #tpu.memory_space<hbm>>
          %dma_wait3A_131 = arith.constant 0 : i32
          %dma_wait3A_132 = arith.constant 0 : i32
          %dma_wait3A_133 = tpu.memref_slice %arg3[%dma_wait3A_131, %dma_wait3A_132] : memref<250016x128xf32, #tpu.memory_space<hbm>> -> memref<32x128xf32, #tpu.memory_space<hbm>>
          %dma_wait3A_134 = arith.constant 0 : i32
          %dma_wait3A_135 = arith.constant 0 : i32
          %dma_wait3A_136 = tpu.memref_slice %arg4[%rem3A_74, %dma_wait3A_134, %dma_wait3A_135] : memref<4x32x768xf32, #tpu.memory_space<vmem>> -> memref<1x32x128xf32, #tpu.memory_space<vmem>>
          %dma_wait3A_137 = tpu.memref_squeeze %dma_wait3A_136 : memref<1x32x128xf32, #tpu.memory_space<vmem>> -> memref<32x128xf32, #tpu.memory_space<vmem>>
          tpu.wait_dma2 semaphore(%arg7 : memref<!tpu.dma_semaphore, #tpu.memory_space<semaphore_mem>>) src(%dma_wait3A_137 : memref<32x128xf32, #tpu.memory_space<vmem>>) dst(%dma_wait3A_133 : memref<32x128xf32, #tpu.memory_space<hbm>>)
          %dma_wait3A_138 = arith.constant 0 : i32
          %dma_wait3A_139 = arith.constant 0 : i32
          %dma_wait3A_140 = tpu.memref_slice %arg4[%rem3A_74, %dma_wait3A_138, %dma_wait3A_139] : memref<4x32x768xf32, #tpu.memory_space<vmem>> -> memref<1x32x128xf32, #tpu.memory_space<vmem>>
          %dma_wait3A_141 = tpu.memref_squeeze %dma_wait3A_140 : memref<1x32x128xf32, #tpu.memory_space<vmem>> -> memref<32x128xf32, #tpu.memory_space<vmem>>
          %dma_wait3A_142 = arith.constant 0 : i32
          %dma_wait3A_143 = arith.constant 0 : i32
          %dma_wait3A_144 = tpu.memref_slice %arg3[%dma_wait3A_142, %dma_wait3A_143] : memref<250016x128xf32, #tpu.memory_space<hbm>> -> memref<32x128xf32, #tpu.memory_space<hbm>>
          %dma_wait3A_145 = arith.constant 0 : i32
          %dma_wait3A_146 = arith.constant 0 : i32
          %dma_wait3A_147 = tpu.memref_slice %arg3[%dma_wait3A_145, %dma_wait3A_146] : memref<250016x128xf32, #tpu.memory_space<hbm>> -> memref<32x128xf32, #tpu.memory_space<hbm>>
          %dma_wait3A_148 = arith.constant 0 : i32
          %dma_wait3A_149 = arith.constant 0 : i32
          %dma_wait3A_150 = tpu.memref_slice %arg4[%rem3A_74, %dma_wait3A_148, %dma_wait3A_149] : memref<4x32x768xf32, #tpu.memory_space<vmem>> -> memref<1x32x128xf32, #tpu.memory_space<vmem>>
          %dma_wait3A_151 = tpu.memref_squeeze %dma_wait3A_150 : memref<1x32x128xf32, #tpu.memory_space<vmem>> -> memref<32x128xf32, #tpu.memory_space<vmem>>
          tpu.wait_dma2 semaphore(%arg7 : memref<!tpu.dma_semaphore, #tpu.memory_space<semaphore_mem>>) src(%dma_wait3A_151 : memref<32x128xf32, #tpu.memory_space<vmem>>) dst(%dma_wait3A_147 : memref<32x128xf32, #tpu.memory_space<hbm>>)
          %dma_wait3A_152 = arith.constant 0 : i32
          %dma_wait3A_153 = arith.constant 0 : i32
          %dma_wait3A_154 = tpu.memref_slice %arg4[%rem3A_74, %dma_wait3A_152, %dma_wait3A_153] : memref<4x32x768xf32, #tpu.memory_space<vmem>> -> memref<1x32x128xf32, #tpu.memory_space<vmem>>
          %dma_wait3A_155 = tpu.memref_squeeze %dma_wait3A_154 : memref<1x32x128xf32, #tpu.memory_space<vmem>> -> memref<32x128xf32, #tpu.memory_space<vmem>>
          %dma_wait3A_156 = arith.constant 0 : i32
          %dma_wait3A_157 = arith.constant 0 : i32
          %dma_wait3A_158 = tpu.memref_slice %arg3[%dma_wait3A_156, %dma_wait3A_157] : memref<250016x128xf32, #tpu.memory_space<hbm>> -> memref<32x128xf32, #tpu.memory_space<hbm>>
          %dma_wait3A_159 = arith.constant 0 : i32
          %dma_wait3A_160 = arith.constant 0 : i32
          %dma_wait3A_161 = tpu.memref_slice %arg3[%dma_wait3A_159, %dma_wait3A_160] : memref<250016x128xf32, #tpu.memory_space<hbm>> -> memref<32x128xf32, #tpu.memory_space<hbm>>
          %dma_wait3A_162 = arith.constant 0 : i32
          %dma_wait3A_163 = arith.constant 0 : i32
          %dma_wait3A_164 = tpu.memref_slice %arg4[%rem3A_74, %dma_wait3A_162, %dma_wait3A_163] : memref<4x32x768xf32, #tpu.memory_space<vmem>> -> memref<1x32x128xf32, #tpu.memory_space<vmem>>
          %dma_wait3A_165 = tpu.memref_squeeze %dma_wait3A_164 : memref<1x32x128xf32, #tpu.memory_space<vmem>> -> memref<32x128xf32, #tpu.memory_space<vmem>>
          tpu.wait_dma2 semaphore(%arg7 : memref<!tpu.dma_semaphore, #tpu.memory_space<semaphore_mem>>) src(%dma_wait3A_165 : memref<32x128xf32, #tpu.memory_space<vmem>>) dst(%dma_wait3A_161 : memref<32x128xf32, #tpu.memory_space<hbm>>)
        } else {
        }
      } else {
      }
      %add3A_62 = arith.constant 3 : i32
      %add3A_63 = arith.addi %scan3A_38, %add3A_62 : i32
      %lt3A_64 = arith.constant 41 : i32
      %lt3A_65 = arith.cmpi slt, %add3A_63, %lt3A_64 : i32
      %convert_element_type3A_66 = arith.extui %lt3A_65 : i1 to i32
      %cond3A_67 = arith.constant 0 : i32
      %cond3A_68 = arith.cmpi ne, %convert_element_type3A_66, %cond3A_67 : i32
      scf.if %cond3A_68 {
        %add3A_70 = arith.constant 3 : i32
        %add3A_71 = arith.addi %scan3A_38, %add3A_70 : i32
        %add3A_72 = arith.constant 3 : i32
        %add3A_73 = arith.addi %scan3A_38, %add3A_72 : i32
        %rem3A_74 = arith.constant 4 : i32
        %rem3A_75 = arith.remsi %add3A_73, %rem3A_74 : i32
        %mul3A_76 = arith.constant 32 : i32
        %mul3A_77 = arith.muli %add3A_71, %mul3A_76 : i32
        %add3A_78 = arith.addi %add3A, %mul3A_77 : i32
        %lt3A_79 = arith.constant 1302 : i32
        %lt3A_80 = arith.cmpi slt, %add3A_78, %lt3A_79 : i32
        %convert_element_type3A_81 = arith.extui %lt3A_80 : i1 to i32
        %cond3A_82 = arith.constant 0 : i32
        %cond3A_83 = arith.cmpi ne, %convert_element_type3A_81, %cond3A_82 : i32
        scf.if %cond3A_83 {
          %mul3A_84 = arith.constant 6 : i32
          %mul3A_85 = arith.muli %add3A_78, %mul3A_84 : i32
          %mul3A_86 = arith.constant 128 : i32
          %mul3A_87 = arith.muli %mul3A_85, %mul3A_86 : i32
          %dma_start3A = arith.constant 0 : i32
          %dma_start3A_88 = arith.constant 0 : i32
          %dma_start3A_89 = tpu.memref_slice %arg4[%rem3A_75, %dma_start3A, %dma_start3A_88] : memref<4x32x768xf32, #tpu.memory_space<vmem>> -> memref<1x32x768xf32, #tpu.memory_space<vmem>>
          %dma_start3A_90 = tpu.memref_squeeze %dma_start3A_89 : memref<1x32x768xf32, #tpu.memory_space<vmem>> -> memref<32x768xf32, #tpu.memory_space<vmem>>
          %dma_start3A_91 = arith.constant 0 : i32
          %dma_start3A_92 = tpu.memref_slice %arg2[%dma_start3A_91, %mul3A_87] : memref<32x1000000xf32, #tpu.memory_space<hbm>> -> memref<32x768xf32, #tpu.memory_space<hbm>>
          %dma_start3A_93 = arith.constant 0 : i32
          %dma_start3A_94 = arith.constant 0 : i32
          %dma_start3A_95 = tpu.memref_slice %arg4[%rem3A_75, %dma_start3A_93, %dma_start3A_94] : memref<4x32x768xf32, #tpu.memory_space<vmem>> -> memref<1x32x768xf32, #tpu.memory_space<vmem>>
          %dma_start3A_96 = tpu.memref_squeeze %dma_start3A_95 : memref<1x32x768xf32, #tpu.memory_space<vmem>> -> memref<32x768xf32, #tpu.memory_space<vmem>>
          %dma_start3A_97 = arith.constant 0 : i32
          %dma_start3A_98 = tpu.memref_slice %arg2[%dma_start3A_97, %mul3A_87] : memref<32x1000000xf32, #tpu.memory_space<hbm>> -> memref<32x768xf32, #tpu.memory_space<hbm>>
          tpu.enqueue_dma source(%dma_start3A_98 : memref<32x768xf32, #tpu.memory_space<hbm>>) target(%dma_start3A_96 : memref<32x768xf32, #tpu.memory_space<vmem>>) target_semaphore(%arg6 : memref<!tpu.dma_semaphore, #tpu.memory_space<semaphore_mem>>)
        } else {
        }
      } else {
      }
      %scan3A_69 = arith.constant 0 : i32
      scf.yield %scan3A_69 : i32
    }
    %scan3A_28 = arith.constant 41 : i32
    %rem3A = arith.constant 40 : i32
    %rem3A_29 = arith.constant 4 : i32
    %rem3A_30 = arith.remsi %rem3A, %rem3A_29 : i32
    %add3A_31 = arith.constant 1280 : i32
    %add3A_32 = arith.addi %add3A, %add3A_31 : i32
    %lt3A_33 = arith.constant 1302 : i32
    %lt3A_34 = arith.cmpi slt, %add3A_32, %lt3A_33 : i32
    %convert_element_type3A_35 = arith.extui %lt3A_34 : i1 to i32
    %cond3A_36 = arith.constant 0 : i32
    %cond3A_37 = arith.cmpi ne, %convert_element_type3A_35, %cond3A_36 : i32
    scf.if %cond3A_37 {
      %dma_wait3A = arith.constant 0 : i32
      %dma_wait3A_38 = arith.constant 0 : i32
      %dma_wait3A_39 = tpu.memref_slice %arg4[%rem3A_30, %dma_wait3A, %dma_wait3A_38] : memref<4x32x768xf32, #tpu.memory_space<vmem>> -> memref<1x32x128xf32, #tpu.memory_space<vmem>>
      %dma_wait3A_40 = tpu.memref_squeeze %dma_wait3A_39 : memref<1x32x128xf32, #tpu.memory_space<vmem>> -> memref<32x128xf32, #tpu.memory_space<vmem>>
      %dma_wait3A_41 = arith.constant 0 : i32
      %dma_wait3A_42 = arith.constant 0 : i32
      %dma_wait3A_43 = tpu.memref_slice %arg3[%dma_wait3A_41, %dma_wait3A_42] : memref<250016x128xf32, #tpu.memory_space<hbm>> -> memref<32x128xf32, #tpu.memory_space<hbm>>
      %dma_wait3A_44 = arith.constant 0 : i32
      %dma_wait3A_45 = arith.constant 0 : i32
      %dma_wait3A_46 = tpu.memref_slice %arg3[%dma_wait3A_44, %dma_wait3A_45] : memref<250016x128xf32, #tpu.memory_space<hbm>> -> memref<32x128xf32, #tpu.memory_space<hbm>>
      %dma_wait3A_47 = arith.constant 0 : i32
      %dma_wait3A_48 = arith.constant 0 : i32
      %dma_wait3A_49 = tpu.memref_slice %arg4[%rem3A_30, %dma_wait3A_47, %dma_wait3A_48] : memref<4x32x768xf32, #tpu.memory_space<vmem>> -> memref<1x32x128xf32, #tpu.memory_space<vmem>>
      %dma_wait3A_50 = tpu.memref_squeeze %dma_wait3A_49 : memref<1x32x128xf32, #tpu.memory_space<vmem>> -> memref<32x128xf32, #tpu.memory_space<vmem>>
      tpu.wait_dma2 semaphore(%arg7 : memref<!tpu.dma_semaphore, #tpu.memory_space<semaphore_mem>>) src(%dma_wait3A_50 : memref<32x128xf32, #tpu.memory_space<vmem>>) dst(%dma_wait3A_46 : memref<32x128xf32, #tpu.memory_space<hbm>>)
      %dma_wait3A_51 = arith.constant 0 : i32
      %dma_wait3A_52 = arith.constant 0 : i32
      %dma_wait3A_53 = tpu.memref_slice %arg4[%rem3A_30, %dma_wait3A_51, %dma_wait3A_52] : memref<4x32x768xf32, #tpu.memory_space<vmem>> -> memref<1x32x128xf32, #tpu.memory_space<vmem>>
      %dma_wait3A_54 = tpu.memref_squeeze %dma_wait3A_53 : memref<1x32x128xf32, #tpu.memory_space<vmem>> -> memref<32x128xf32, #tpu.memory_space<vmem>>
      %dma_wait3A_55 = arith.constant 0 : i32
      %dma_wait3A_56 = arith.constant 0 : i32
      %dma_wait3A_57 = tpu.memref_slice %arg3[%dma_wait3A_55, %dma_wait3A_56] : memref<250016x128xf32, #tpu.memory_space<hbm>> -> memref<32x128xf32, #tpu.memory_space<hbm>>
      %dma_wait3A_58 = arith.constant 0 : i32
      %dma_wait3A_59 = arith.constant 0 : i32
      %dma_wait3A_60 = tpu.memref_slice %arg3[%dma_wait3A_58, %dma_wait3A_59] : memref<250016x128xf32, #tpu.memory_space<hbm>> -> memref<32x128xf32, #tpu.memory_space<hbm>>
      %dma_wait3A_61 = arith.constant 0 : i32
      %dma_wait3A_62 = arith.constant 0 : i32
      %dma_wait3A_63 = tpu.memref_slice %arg4[%rem3A_30, %dma_wait3A_61, %dma_wait3A_62] : memref<4x32x768xf32, #tpu.memory_space<vmem>> -> memref<1x32x128xf32, #tpu.memory_space<vmem>>
      %dma_wait3A_64 = tpu.memref_squeeze %dma_wait3A_63 : memref<1x32x128xf32, #tpu.memory_space<vmem>> -> memref<32x128xf32, #tpu.memory_space<vmem>>
      tpu.wait_dma2 semaphore(%arg7 : memref<!tpu.dma_semaphore, #tpu.memory_space<semaphore_mem>>) src(%dma_wait3A_64 : memref<32x128xf32, #tpu.memory_space<vmem>>) dst(%dma_wait3A_60 : memref<32x128xf32, #tpu.memory_space<hbm>>)
      %dma_wait3A_65 = arith.constant 0 : i32
      %dma_wait3A_66 = arith.constant 0 : i32
      %dma_wait3A_67 = tpu.memref_slice %arg4[%rem3A_30, %dma_wait3A_65, %dma_wait3A_66] : memref<4x32x768xf32, #tpu.memory_space<vmem>> -> memref<1x32x128xf32, #tpu.memory_space<vmem>>
      %dma_wait3A_68 = tpu.memref_squeeze %dma_wait3A_67 : memref<1x32x128xf32, #tpu.memory_space<vmem>> -> memref<32x128xf32, #tpu.memory_space<vmem>>
      %dma_wait3A_69 = arith.constant 0 : i32
      %dma_wait3A_70 = arith.constant 0 : i32
      %dma_wait3A_71 = tpu.memref_slice %arg3[%dma_wait3A_69, %dma_wait3A_70] : memref<250016x128xf32, #tpu.memory_space<hbm>> -> memref<32x128xf32, #tpu.memory_space<hbm>>
      %dma_wait3A_72 = arith.constant 0 : i32
      %dma_wait3A_73 = arith.constant 0 : i32
      %dma_wait3A_74 = tpu.memref_slice %arg3[%dma_wait3A_72, %dma_wait3A_73] : memref<250016x128xf32, #tpu.memory_space<hbm>> -> memref<32x128xf32, #tpu.memory_space<hbm>>
      %dma_wait3A_75 = arith.constant 0 : i32
      %dma_wait3A_76 = arith.constant 0 : i32
      %dma_wait3A_77 = tpu.memref_slice %arg4[%rem3A_30, %dma_wait3A_75, %dma_wait3A_76] : memref<4x32x768xf32, #tpu.memory_space<vmem>> -> memref<1x32x128xf32, #tpu.memory_space<vmem>>
      %dma_wait3A_78 = tpu.memref_squeeze %dma_wait3A_77 : memref<1x32x128xf32, #tpu.memory_space<vmem>> -> memref<32x128xf32, #tpu.memory_space<vmem>>
      tpu.wait_dma2 semaphore(%arg7 : memref<!tpu.dma_semaphore, #tpu.memory_space<semaphore_mem>>) src(%dma_wait3A_78 : memref<32x128xf32, #tpu.memory_space<vmem>>) dst(%dma_wait3A_74 : memref<32x128xf32, #tpu.memory_space<hbm>>)
      %dma_wait3A_79 = arith.constant 0 : i32
      %dma_wait3A_80 = arith.constant 0 : i32
      %dma_wait3A_81 = tpu.memref_slice %arg4[%rem3A_30, %dma_wait3A_79, %dma_wait3A_80] : memref<4x32x768xf32, #tpu.memory_space<vmem>> -> memref<1x32x128xf32, #tpu.memory_space<vmem>>
      %dma_wait3A_82 = tpu.memref_squeeze %dma_wait3A_81 : memref<1x32x128xf32, #tpu.memory_space<vmem>> -> memref<32x128xf32, #tpu.memory_space<vmem>>
      %dma_wait3A_83 = arith.constant 0 : i32
      %dma_wait3A_84 = arith.constant 0 : i32
      %dma_wait3A_85 = tpu.memref_slice %arg3[%dma_wait3A_83, %dma_wait3A_84] : memref<250016x128xf32, #tpu.memory_space<hbm>> -> memref<32x128xf32, #tpu.memory_space<hbm>>
      %dma_wait3A_86 = arith.constant 0 : i32
      %dma_wait3A_87 = arith.constant 0 : i32
      %dma_wait3A_88 = tpu.memref_slice %arg3[%dma_wait3A_86, %dma_wait3A_87] : memref<250016x128xf32, #tpu.memory_space<hbm>> -> memref<32x128xf32, #tpu.memory_space<hbm>>
      %dma_wait3A_89 = arith.constant 0 : i32
      %dma_wait3A_90 = arith.constant 0 : i32
      %dma_wait3A_91 = tpu.memref_slice %arg4[%rem3A_30, %dma_wait3A_89, %dma_wait3A_90] : memref<4x32x768xf32, #tpu.memory_space<vmem>> -> memref<1x32x128xf32, #tpu.memory_space<vmem>>
      %dma_wait3A_92 = tpu.memref_squeeze %dma_wait3A_91 : memref<1x32x128xf32, #tpu.memory_space<vmem>> -> memref<32x128xf32, #tpu.memory_space<vmem>>
      tpu.wait_dma2 semaphore(%arg7 : memref<!tpu.dma_semaphore, #tpu.memory_space<semaphore_mem>>) src(%dma_wait3A_92 : memref<32x128xf32, #tpu.memory_space<vmem>>) dst(%dma_wait3A_88 : memref<32x128xf32, #tpu.memory_space<hbm>>)
      %dma_wait3A_93 = arith.constant 0 : i32
      %dma_wait3A_94 = arith.constant 0 : i32
      %dma_wait3A_95 = tpu.memref_slice %arg4[%rem3A_30, %dma_wait3A_93, %dma_wait3A_94] : memref<4x32x768xf32, #tpu.memory_space<vmem>> -> memref<1x32x128xf32, #tpu.memory_space<vmem>>
      %dma_wait3A_96 = tpu.memref_squeeze %dma_wait3A_95 : memref<1x32x128xf32, #tpu.memory_space<vmem>> -> memref<32x128xf32, #tpu.memory_space<vmem>>
      %dma_wait3A_97 = arith.constant 0 : i32
      %dma_wait3A_98 = arith.constant 0 : i32
      %dma_wait3A_99 = tpu.memref_slice %arg3[%dma_wait3A_97, %dma_wait3A_98] : memref<250016x128xf32, #tpu.memory_space<hbm>> -> memref<32x128xf32, #tpu.memory_space<hbm>>
      %dma_wait3A_100 = arith.constant 0 : i32
      %dma_wait3A_101 = arith.constant 0 : i32
      %dma_wait3A_102 = tpu.memref_slice %arg3[%dma_wait3A_100, %dma_wait3A_101] : memref<250016x128xf32, #tpu.memory_space<hbm>> -> memref<32x128xf32, #tpu.memory_space<hbm>>
      %dma_wait3A_103 = arith.constant 0 : i32
      %dma_wait3A_104 = arith.constant 0 : i32
      %dma_wait3A_105 = tpu.memref_slice %arg4[%rem3A_30, %dma_wait3A_103, %dma_wait3A_104] : memref<4x32x768xf32, #tpu.memory_space<vmem>> -> memref<1x32x128xf32, #tpu.memory_space<vmem>>
      %dma_wait3A_106 = tpu.memref_squeeze %dma_wait3A_105 : memref<1x32x128xf32, #tpu.memory_space<vmem>> -> memref<32x128xf32, #tpu.memory_space<vmem>>
      tpu.wait_dma2 semaphore(%arg7 : memref<!tpu.dma_semaphore, #tpu.memory_space<semaphore_mem>>) src(%dma_wait3A_106 : memref<32x128xf32, #tpu.memory_space<vmem>>) dst(%dma_wait3A_102 : memref<32x128xf32, #tpu.memory_space<hbm>>)
      %dma_wait3A_107 = arith.constant 0 : i32
      %dma_wait3A_108 = arith.constant 0 : i32
      %dma_wait3A_109 = tpu.memref_slice %arg4[%rem3A_30, %dma_wait3A_107, %dma_wait3A_108] : memref<4x32x768xf32, #tpu.memory_space<vmem>> -> memref<1x32x128xf32, #tpu.memory_space<vmem>>
      %dma_wait3A_110 = tpu.memref_squeeze %dma_wait3A_109 : memref<1x32x128xf32, #tpu.memory_space<vmem>> -> memref<32x128xf32, #tpu.memory_space<vmem>>
      %dma_wait3A_111 = arith.constant 0 : i32
      %dma_wait3A_112 = arith.constant 0 : i32
      %dma_wait3A_113 = tpu.memref_slice %arg3[%dma_wait3A_111, %dma_wait3A_112] : memref<250016x128xf32, #tpu.memory_space<hbm>> -> memref<32x128xf32, #tpu.memory_space<hbm>>
      %dma_wait3A_114 = arith.constant 0 : i32
      %dma_wait3A_115 = arith.constant 0 : i32
      %dma_wait3A_116 = tpu.memref_slice %arg3[%dma_wait3A_114, %dma_wait3A_115] : memref<250016x128xf32, #tpu.memory_space<hbm>> -> memref<32x128xf32, #tpu.memory_space<hbm>>
      %dma_wait3A_117 = arith.constant 0 : i32
      %dma_wait3A_118 = arith.constant 0 : i32
      %dma_wait3A_119 = tpu.memref_slice %arg4[%rem3A_30, %dma_wait3A_117, %dma_wait3A_118] : memref<4x32x768xf32, #tpu.memory_space<vmem>> -> memref<1x32x128xf32, #tpu.memory_space<vmem>>
      %dma_wait3A_120 = tpu.memref_squeeze %dma_wait3A_119 : memref<1x32x128xf32, #tpu.memory_space<vmem>> -> memref<32x128xf32, #tpu.memory_space<vmem>>
      tpu.wait_dma2 semaphore(%arg7 : memref<!tpu.dma_semaphore, #tpu.memory_space<semaphore_mem>>) src(%dma_wait3A_120 : memref<32x128xf32, #tpu.memory_space<vmem>>) dst(%dma_wait3A_116 : memref<32x128xf32, #tpu.memory_space<hbm>>)
    } else {
    }
    return
  }
}

#map = affine_map<(d0, d1) -> (0)>
#map1 = affine_map<(d0, d1) -> (0, 0)>
module attributes {stable_mosaic.version = 14 : i64} {
  func.func @gather_kernel(%arg0: i32, %arg1: i32, %arg2: memref<16384xi32, #tpu.memory_space<hbm>>, %arg3: memref<32002048xf32, #tpu.memory_space<hbm>>, %arg4: memref<32x16384xf32, #tpu.memory_space<hbm>>, %arg5: memref<512xi32, #tpu.memory_space<vmem>>, %arg6: memref<512xi32, #tpu.memory_space<vmem>>, %arg7: memref<32x512xf32, #tpu.memory_space<vmem>>, %arg8: memref<!tpu.dma_semaphore, #tpu.memory_space<semaphore_mem>>) attributes {dimension_semantics = [#tpu.dimension_semantics<core_parallel>, #tpu.dimension_semantics<subcore_parallel>], iteration_bounds = array<i64: 2, 16>, scalar_prefetch = 0 : i64, scratch_operands = 4 : i64, tpu.core_type = #tpu.core_type<sc_vector_subcore>, window_params = [{transform_indices = #map}, {transform_indices = #map}, {transform_indices = #map1}]} {
    %mul3A = arith.constant 2 : i32
    %mul3A_0 = arith.muli %arg1, %mul3A : i32
    %add3A = arith.addi %mul3A_0, %arg0 : i32
    %mul3A_1 = arith.constant 512 : i32
    %mul3A_2 = arith.muli %add3A, %mul3A_1 : i32
    "tpu.region"() ({
      %run_scoped3A = tpu.sem_alloc : memref<!tpu.dma_semaphore, #tpu.memory_space<semaphore_mem>>
      %dma_start3A_519 = tpu.memref_slice %arg2[%mul3A_2] : memref<16384xi32, #tpu.memory_space<hbm>> -> memref<512xi32, #tpu.memory_space<hbm>>
      %dma_start3A_520 = tpu.memref_slice %arg2[%mul3A_2] : memref<16384xi32, #tpu.memory_space<hbm>> -> memref<512xi32, #tpu.memory_space<hbm>>
      tpu.enqueue_dma source(%dma_start3A_520 : memref<512xi32, #tpu.memory_space<hbm>>) target(%arg5 : memref<512xi32, #tpu.memory_space<vmem>>) target_semaphore(%run_scoped3A : memref<!tpu.dma_semaphore, #tpu.memory_space<semaphore_mem>>)
      %dma_wait3A_521 = tpu.memref_slice %arg2[%mul3A_2] : memref<16384xi32, #tpu.memory_space<hbm>> -> memref<512xi32, #tpu.memory_space<hbm>>
      %dma_wait3A_522 = tpu.memref_slice %arg2[%mul3A_2] : memref<16384xi32, #tpu.memory_space<hbm>> -> memref<512xi32, #tpu.memory_space<hbm>>
      tpu.wait_dma2 semaphore(%run_scoped3A : memref<!tpu.dma_semaphore, #tpu.memory_space<semaphore_mem>>) src(%dma_wait3A_522 : memref<512xi32, #tpu.memory_space<hbm>>) dst(%arg5 : memref<512xi32, #tpu.memory_space<vmem>>)
      tpu.yield
    }) : () -> ()
    %scan3A = arith.constant 0 : i32
    %scan3A_3 = arith.constant 0 : i32
    %scan3A_4 = arith.constant 32 : i32
    %scan3A_5 = arith.addi %scan3A_3, %scan3A_4 : i32
    %scan3A_6 = arith.constant 1 : i32
    %scan3A_7 = scf.for %scan3A_519 = %scan3A_3 to %scan3A_5 step %scan3A_6 iter_args(%scan3A_520 = %scan3A) -> (i32)  : i32 {
      %mul3A_521 = arith.constant 16 : i32
      %mul3A_522 = arith.muli %scan3A_519, %mul3A_521 : i32
      %get3A = arith.index_cast %mul3A_522 : i32 to index
      %get3A_523 = tpu.vector_load %arg5[%get3A] {strides = array<i32>} : memref<512xi32, #tpu.memory_space<vmem>>, vector<16xi32>,
      %get3A_524 = vector.shape_cast %get3A_523 : vector<16xi32> to vector<16xi32>
      %shift_right_logical3A = arith.constant 7 : i32
      %shift_right_logical3A_525 = vector.broadcast %shift_right_logical3A : i32 to vector<16xi32>
      %shift_right_logical3A_526 = arith.shrui %get3A_524, %shift_right_logical3A_525 : vector<16xi32>
      %shift_left3A = arith.constant 12 : i32
      %shift_left3A_527 = vector.broadcast %shift_left3A : i32 to vector<16xi32>
      %shift_left3A_528 = arith.shli %shift_right_logical3A_526, %shift_left3A_527 : vector<16xi32>
      %and3A = arith.constant 127 : i32
      %and3A_529 = vector.broadcast %and3A : i32 to vector<16xi32>
      %and3A_530 = arith.andi %get3A_524, %and3A_529 : vector<16xi32>
      %add3A_531 = arith.addi %shift_left3A_528, %and3A_530 : vector<16xi32>
      %mul3A_532 = arith.constant 16 : i32
      %mul3A_533 = arith.muli %scan3A_519, %mul3A_532 : i32
      %swap3A = arith.index_cast %mul3A_533 : i32 to index
      %swap3A_534 = tpu.vector_load %arg6[%swap3A] {strides = array<i32>} : memref<512xi32, #tpu.memory_space<vmem>>, vector<16xi32>,
      %swap3A_535 = vector.shape_cast %swap3A_534 : vector<16xi32> to vector<16xi32>
      %swap3A_536 = vector.shape_cast %add3A_531 : vector<16xi32> to vector<16xi32>
      tpu.vector_store %arg6[%swap3A], %swap3A_536 {strides = array<i32>} : memref<512xi32, #tpu.memory_space<vmem>>, vector<16xi32>,
      %scan3A_537 = arith.constant 0 : i32
      scf.yield %scan3A_537 : i32
    }
    %scan3A_8 = arith.constant 32 : i32
    %dma_start3A = arith.constant 0 : i32
    %dma_start3A_9 = arith.constant 0 : i32
    %dma_start3A_10 = tpu.memref_slice %arg7[%dma_start3A, %dma_start3A_9] : memref<32x512xf32, #tpu.memory_space<vmem>> -> memref<1x512xf32, #tpu.memory_space<vmem>>
    %dma_start3A_11 = tpu.memref_squeeze %dma_start3A_10 : memref<1x512xf32, #tpu.memory_space<vmem>> -> memref<512xf32, #tpu.memory_space<vmem>>
    %dma_start3A_12 = arith.constant 0 : i32
    %dma_start3A_13 = tpu.memref_slice %arg3[%dma_start3A_12] : memref<32002048xf32, #tpu.memory_space<hbm>> -> memref<32002048xf32, #tpu.memory_space<hbm>>
    %dma_start3A_14 = arith.constant 0 : i32
    %dma_start3A_15 = tpu.memref_slice %dma_start3A_13[%dma_start3A_14] : memref<32002048xf32, #tpu.memory_space<hbm>> -> memref<32002048xf32, #tpu.memory_space<hbm>>
    tpu.enqueue_indirect_dma source(%dma_start3A_15 : memref<32002048xf32, #tpu.memory_space<hbm>>) target(%dma_start3A_11 : memref<512xf32, #tpu.memory_space<vmem>>) offsets(%arg6 : memref<512xi32, #tpu.memory_space<vmem>>) semaphore(%arg8 : memref<!tpu.dma_semaphore, #tpu.memory_space<semaphore_mem>>)
    %dma_start3A_16 = arith.constant 1 : i32
    %dma_start3A_17 = arith.constant 0 : i32
    %dma_start3A_18 = tpu.memref_slice %arg7[%dma_start3A_16, %dma_start3A_17] : memref<32x512xf32, #tpu.memory_space<vmem>> -> memref<1x512xf32, #tpu.memory_space<vmem>>
    %dma_start3A_19 = tpu.memref_squeeze %dma_start3A_18 : memref<1x512xf32, #tpu.memory_space<vmem>> -> memref<512xf32, #tpu.memory_space<vmem>>
    %dma_start3A_20 = arith.constant 128 : i32
    %dma_start3A_21 = tpu.memref_slice %arg3[%dma_start3A_20] : memref<32002048xf32, #tpu.memory_space<hbm>> -> memref<32001920xf32, #tpu.memory_space<hbm>>
    %dma_start3A_22 = arith.constant 0 : i32
    %dma_start3A_23 = tpu.memref_slice %dma_start3A_21[%dma_start3A_22] : memref<32001920xf32, #tpu.memory_space<hbm>> -> memref<32001920xf32, #tpu.memory_space<hbm>>
    tpu.enqueue_indirect_dma source(%dma_start3A_23 : memref<32001920xf32, #tpu.memory_space<hbm>>) target(%dma_start3A_19 : memref<512xf32, #tpu.memory_space<vmem>>) offsets(%arg6 : memref<512xi32, #tpu.memory_space<vmem>>) semaphore(%arg8 : memref<!tpu.dma_semaphore, #tpu.memory_space<semaphore_mem>>)
    %dma_start3A_24 = arith.constant 2 : i32
    %dma_start3A_25 = arith.constant 0 : i32
    %dma_start3A_26 = tpu.memref_slice %arg7[%dma_start3A_24, %dma_start3A_25] : memref<32x512xf32, #tpu.memory_space<vmem>> -> memref<1x512xf32, #tpu.memory_space<vmem>>
    %dma_start3A_27 = tpu.memref_squeeze %dma_start3A_26 : memref<1x512xf32, #tpu.memory_space<vmem>> -> memref<512xf32, #tpu.memory_space<vmem>>
    %dma_start3A_28 = arith.constant 256 : i32
    %dma_start3A_29 = tpu.memref_slice %arg3[%dma_start3A_28] : memref<32002048xf32, #tpu.memory_space<hbm>> -> memref<32001792xf32, #tpu.memory_space<hbm>>
    %dma_start3A_30 = arith.constant 0 : i32
    %dma_start3A_31 = tpu.memref_slice %dma_start3A_29[%dma_start3A_30] : memref<32001792xf32, #tpu.memory_space<hbm>> -> memref<32001792xf32, #tpu.memory_space<hbm>>
    tpu.enqueue_indirect_dma source(%dma_start3A_31 : memref<32001792xf32, #tpu.memory_space<hbm>>) target(%dma_start3A_27 : memref<512xf32, #tpu.memory_space<vmem>>) offsets(%arg6 : memref<512xi32, #tpu.memory_space<vmem>>) semaphore(%arg8 : memref<!tpu.dma_semaphore, #tpu.memory_space<semaphore_mem>>)
    %dma_start3A_32 = arith.constant 3 : i32
    %dma_start3A_33 = arith.constant 0 : i32
    %dma_start3A_34 = tpu.memref_slice %arg7[%dma_start3A_32, %dma_start3A_33] : memref<32x512xf32, #tpu.memory_space<vmem>> -> memref<1x512xf32, #tpu.memory_space<vmem>>
    %dma_start3A_35 = tpu.memref_squeeze %dma_start3A_34 : memref<1x512xf32, #tpu.memory_space<vmem>> -> memref<512xf32, #tpu.memory_space<vmem>>
    %dma_start3A_36 = arith.constant 384 : i32
    %dma_start3A_37 = tpu.memref_slice %arg3[%dma_start3A_36] : memref<32002048xf32, #tpu.memory_space<hbm>> -> memref<32001664xf32, #tpu.memory_space<hbm>>
    %dma_start3A_38 = arith.constant 0 : i32
    %dma_start3A_39 = tpu.memref_slice %dma_start3A_37[%dma_start3A_38] : memref<32001664xf32, #tpu.memory_space<hbm>> -> memref<32001664xf32, #tpu.memory_space<hbm>>
    tpu.enqueue_indirect_dma source(%dma_start3A_39 : memref<32001664xf32, #tpu.memory_space<hbm>>) target(%dma_start3A_35 : memref<512xf32, #tpu.memory_space<vmem>>) offsets(%arg6 : memref<512xi32, #tpu.memory_space<vmem>>) semaphore(%arg8 : memref<!tpu.dma_semaphore, #tpu.memory_space<semaphore_mem>>)
    %dma_start3A_40 = arith.constant 4 : i32
    %dma_start3A_41 = arith.constant 0 : i32
    %dma_start3A_42 = tpu.memref_slice %arg7[%dma_start3A_40, %dma_start3A_41] : memref<32x512xf32, #tpu.memory_space<vmem>> -> memref<1x512xf32, #tpu.memory_space<vmem>>
    %dma_start3A_43 = tpu.memref_squeeze %dma_start3A_42 : memref<1x512xf32, #tpu.memory_space<vmem>> -> memref<512xf32, #tpu.memory_space<vmem>>
    %dma_start3A_44 = arith.constant 512 : i32
    %dma_start3A_45 = tpu.memref_slice %arg3[%dma_start3A_44] : memref<32002048xf32, #tpu.memory_space<hbm>> -> memref<32001536xf32, #tpu.memory_space<hbm>>
    %dma_start3A_46 = arith.constant 0 : i32
    %dma_start3A_47 = tpu.memref_slice %dma_start3A_45[%dma_start3A_46] : memref<32001536xf32, #tpu.memory_space<hbm>> -> memref<32001536xf32, #tpu.memory_space<hbm>>
    tpu.enqueue_indirect_dma source(%dma_start3A_47 : memref<32001536xf32, #tpu.memory_space<hbm>>) target(%dma_start3A_43 : memref<512xf32, #tpu.memory_space<vmem>>) offsets(%arg6 : memref<512xi32, #tpu.memory_space<vmem>>) semaphore(%arg8 : memref<!tpu.dma_semaphore, #tpu.memory_space<semaphore_mem>>)
    %dma_start3A_48 = arith.constant 5 : i32
    %dma_start3A_49 = arith.constant 0 : i32
    %dma_start3A_50 = tpu.memref_slice %arg7[%dma_start3A_48, %dma_start3A_49] : memref<32x512xf32, #tpu.memory_space<vmem>> -> memref<1x512xf32, #tpu.memory_space<vmem>>
    %dma_start3A_51 = tpu.memref_squeeze %dma_start3A_50 : memref<1x512xf32, #tpu.memory_space<vmem>> -> memref<512xf32, #tpu.memory_space<vmem>>
    %dma_start3A_52 = arith.constant 640 : i32
    %dma_start3A_53 = tpu.memref_slice %arg3[%dma_start3A_52] : memref<32002048xf32, #tpu.memory_space<hbm>> -> memref<32001408xf32, #tpu.memory_space<hbm>>
    %dma_start3A_54 = arith.constant 0 : i32
    %dma_start3A_55 = tpu.memref_slice %dma_start3A_53[%dma_start3A_54] : memref<32001408xf32, #tpu.memory_space<hbm>> -> memref<32001408xf32, #tpu.memory_space<hbm>>
    tpu.enqueue_indirect_dma source(%dma_start3A_55 : memref<32001408xf32, #tpu.memory_space<hbm>>) target(%dma_start3A_51 : memref<512xf32, #tpu.memory_space<vmem>>) offsets(%arg6 : memref<512xi32, #tpu.memory_space<vmem>>) semaphore(%arg8 : memref<!tpu.dma_semaphore, #tpu.memory_space<semaphore_mem>>)
    %dma_start3A_56 = arith.constant 6 : i32
    %dma_start3A_57 = arith.constant 0 : i32
    %dma_start3A_58 = tpu.memref_slice %arg7[%dma_start3A_56, %dma_start3A_57] : memref<32x512xf32, #tpu.memory_space<vmem>> -> memref<1x512xf32, #tpu.memory_space<vmem>>
    %dma_start3A_59 = tpu.memref_squeeze %dma_start3A_58 : memref<1x512xf32, #tpu.memory_space<vmem>> -> memref<512xf32, #tpu.memory_space<vmem>>
    %dma_start3A_60 = arith.constant 768 : i32
    %dma_start3A_61 = tpu.memref_slice %arg3[%dma_start3A_60] : memref<32002048xf32, #tpu.memory_space<hbm>> -> memref<32001280xf32, #tpu.memory_space<hbm>>
    %dma_start3A_62 = arith.constant 0 : i32
    %dma_start3A_63 = tpu.memref_slice %dma_start3A_61[%dma_start3A_62] : memref<32001280xf32, #tpu.memory_space<hbm>> -> memref<32001280xf32, #tpu.memory_space<hbm>>
    tpu.enqueue_indirect_dma source(%dma_start3A_63 : memref<32001280xf32, #tpu.memory_space<hbm>>) target(%dma_start3A_59 : memref<512xf32, #tpu.memory_space<vmem>>) offsets(%arg6 : memref<512xi32, #tpu.memory_space<vmem>>) semaphore(%arg8 : memref<!tpu.dma_semaphore, #tpu.memory_space<semaphore_mem>>)
    %dma_start3A_64 = arith.constant 7 : i32
    %dma_start3A_65 = arith.constant 0 : i32
    %dma_start3A_66 = tpu.memref_slice %arg7[%dma_start3A_64, %dma_start3A_65] : memref<32x512xf32, #tpu.memory_space<vmem>> -> memref<1x512xf32, #tpu.memory_space<vmem>>
    %dma_start3A_67 = tpu.memref_squeeze %dma_start3A_66 : memref<1x512xf32, #tpu.memory_space<vmem>> -> memref<512xf32, #tpu.memory_space<vmem>>
    %dma_start3A_68 = arith.constant 896 : i32
    %dma_start3A_69 = tpu.memref_slice %arg3[%dma_start3A_68] : memref<32002048xf32, #tpu.memory_space<hbm>> -> memref<32001152xf32, #tpu.memory_space<hbm>>
    %dma_start3A_70 = arith.constant 0 : i32
    %dma_start3A_71 = tpu.memref_slice %dma_start3A_69[%dma_start3A_70] : memref<32001152xf32, #tpu.memory_space<hbm>> -> memref<32001152xf32, #tpu.memory_space<hbm>>
    tpu.enqueue_indirect_dma source(%dma_start3A_71 : memref<32001152xf32, #tpu.memory_space<hbm>>) target(%dma_start3A_67 : memref<512xf32, #tpu.memory_space<vmem>>) offsets(%arg6 : memref<512xi32, #tpu.memory_space<vmem>>) semaphore(%arg8 : memref<!tpu.dma_semaphore, #tpu.memory_space<semaphore_mem>>)
    %dma_start3A_72 = arith.constant 8 : i32
    %dma_start3A_73 = arith.constant 0 : i32
    %dma_start3A_74 = tpu.memref_slice %arg7[%dma_start3A_72, %dma_start3A_73] : memref<32x512xf32, #tpu.memory_space<vmem>> -> memref<1x512xf32, #tpu.memory_space<vmem>>
    %dma_start3A_75 = tpu.memref_squeeze %dma_start3A_74 : memref<1x512xf32, #tpu.memory_space<vmem>> -> memref<512xf32, #tpu.memory_space<vmem>>
    %dma_start3A_76 = arith.constant 1024 : i32
    %dma_start3A_77 = tpu.memref_slice %arg3[%dma_start3A_76] : memref<32002048xf32, #tpu.memory_space<hbm>> -> memref<32001024xf32, #tpu.memory_space<hbm>>
    %dma_start3A_78 = arith.constant 0 : i32
    %dma_start3A_79 = tpu.memref_slice %dma_start3A_77[%dma_start3A_78] : memref<32001024xf32, #tpu.memory_space<hbm>> -> memref<32001024xf32, #tpu.memory_space<hbm>>
    tpu.enqueue_indirect_dma source(%dma_start3A_79 : memref<32001024xf32, #tpu.memory_space<hbm>>) target(%dma_start3A_75 : memref<512xf32, #tpu.memory_space<vmem>>) offsets(%arg6 : memref<512xi32, #tpu.memory_space<vmem>>) semaphore(%arg8 : memref<!tpu.dma_semaphore, #tpu.memory_space<semaphore_mem>>)
    %dma_start3A_80 = arith.constant 9 : i32
    %dma_start3A_81 = arith.constant 0 : i32
    %dma_start3A_82 = tpu.memref_slice %arg7[%dma_start3A_80, %dma_start3A_81] : memref<32x512xf32, #tpu.memory_space<vmem>> -> memref<1x512xf32, #tpu.memory_space<vmem>>
    %dma_start3A_83 = tpu.memref_squeeze %dma_start3A_82 : memref<1x512xf32, #tpu.memory_space<vmem>> -> memref<512xf32, #tpu.memory_space<vmem>>
    %dma_start3A_84 = arith.constant 1152 : i32
    %dma_start3A_85 = tpu.memref_slice %arg3[%dma_start3A_84] : memref<32002048xf32, #tpu.memory_space<hbm>> -> memref<32000896xf32, #tpu.memory_space<hbm>>
    %dma_start3A_86 = arith.constant 0 : i32
    %dma_start3A_87 = tpu.memref_slice %dma_start3A_85[%dma_start3A_86] : memref<32000896xf32, #tpu.memory_space<hbm>> -> memref<32000896xf32, #tpu.memory_space<hbm>>
    tpu.enqueue_indirect_dma source(%dma_start3A_87 : memref<32000896xf32, #tpu.memory_space<hbm>>) target(%dma_start3A_83 : memref<512xf32, #tpu.memory_space<vmem>>) offsets(%arg6 : memref<512xi32, #tpu.memory_space<vmem>>) semaphore(%arg8 : memref<!tpu.dma_semaphore, #tpu.memory_space<semaphore_mem>>)
    %dma_start3A_88 = arith.constant 10 : i32
    %dma_start3A_89 = arith.constant 0 : i32
    %dma_start3A_90 = tpu.memref_slice %arg7[%dma_start3A_88, %dma_start3A_89] : memref<32x512xf32, #tpu.memory_space<vmem>> -> memref<1x512xf32, #tpu.memory_space<vmem>>
    %dma_start3A_91 = tpu.memref_squeeze %dma_start3A_90 : memref<1x512xf32, #tpu.memory_space<vmem>> -> memref<512xf32, #tpu.memory_space<vmem>>
    %dma_start3A_92 = arith.constant 1280 : i32
    %dma_start3A_93 = tpu.memref_slice %arg3[%dma_start3A_92] : memref<32002048xf32, #tpu.memory_space<hbm>> -> memref<32000768xf32, #tpu.memory_space<hbm>>
    %dma_start3A_94 = arith.constant 0 : i32
    %dma_start3A_95 = tpu.memref_slice %dma_start3A_93[%dma_start3A_94] : memref<32000768xf32, #tpu.memory_space<hbm>> -> memref<32000768xf32, #tpu.memory_space<hbm>>
    tpu.enqueue_indirect_dma source(%dma_start3A_95 : memref<32000768xf32, #tpu.memory_space<hbm>>) target(%dma_start3A_91 : memref<512xf32, #tpu.memory_space<vmem>>) offsets(%arg6 : memref<512xi32, #tpu.memory_space<vmem>>) semaphore(%arg8 : memref<!tpu.dma_semaphore, #tpu.memory_space<semaphore_mem>>)
    %dma_start3A_96 = arith.constant 11 : i32
    %dma_start3A_97 = arith.constant 0 : i32
    %dma_start3A_98 = tpu.memref_slice %arg7[%dma_start3A_96, %dma_start3A_97] : memref<32x512xf32, #tpu.memory_space<vmem>> -> memref<1x512xf32, #tpu.memory_space<vmem>>
    %dma_start3A_99 = tpu.memref_squeeze %dma_start3A_98 : memref<1x512xf32, #tpu.memory_space<vmem>> -> memref<512xf32, #tpu.memory_space<vmem>>
    %dma_start3A_100 = arith.constant 1408 : i32
    %dma_start3A_101 = tpu.memref_slice %arg3[%dma_start3A_100] : memref<32002048xf32, #tpu.memory_space<hbm>> -> memref<32000640xf32, #tpu.memory_space<hbm>>
    %dma_start3A_102 = arith.constant 0 : i32
    %dma_start3A_103 = tpu.memref_slice %dma_start3A_101[%dma_start3A_102] : memref<32000640xf32, #tpu.memory_space<hbm>> -> memref<32000640xf32, #tpu.memory_space<hbm>>
    tpu.enqueue_indirect_dma source(%dma_start3A_103 : memref<32000640xf32, #tpu.memory_space<hbm>>) target(%dma_start3A_99 : memref<512xf32, #tpu.memory_space<vmem>>) offsets(%arg6 : memref<512xi32, #tpu.memory_space<vmem>>) semaphore(%arg8 : memref<!tpu.dma_semaphore, #tpu.memory_space<semaphore_mem>>)
    %dma_start3A_104 = arith.constant 12 : i32
    %dma_start3A_105 = arith.constant 0 : i32
    %dma_start3A_106 = tpu.memref_slice %arg7[%dma_start3A_104, %dma_start3A_105] : memref<32x512xf32, #tpu.memory_space<vmem>> -> memref<1x512xf32, #tpu.memory_space<vmem>>
    %dma_start3A_107 = tpu.memref_squeeze %dma_start3A_106 : memref<1x512xf32, #tpu.memory_space<vmem>> -> memref<512xf32, #tpu.memory_space<vmem>>
    %dma_start3A_108 = arith.constant 1536 : i32
    %dma_start3A_109 = tpu.memref_slice %arg3[%dma_start3A_108] : memref<32002048xf32, #tpu.memory_space<hbm>> -> memref<32000512xf32, #tpu.memory_space<hbm>>
    %dma_start3A_110 = arith.constant 0 : i32
    %dma_start3A_111 = tpu.memref_slice %dma_start3A_109[%dma_start3A_110] : memref<32000512xf32, #tpu.memory_space<hbm>> -> memref<32000512xf32, #tpu.memory_space<hbm>>
    tpu.enqueue_indirect_dma source(%dma_start3A_111 : memref<32000512xf32, #tpu.memory_space<hbm>>) target(%dma_start3A_107 : memref<512xf32, #tpu.memory_space<vmem>>) offsets(%arg6 : memref<512xi32, #tpu.memory_space<vmem>>) semaphore(%arg8 : memref<!tpu.dma_semaphore, #tpu.memory_space<semaphore_mem>>)
    %dma_start3A_112 = arith.constant 13 : i32
    %dma_start3A_113 = arith.constant 0 : i32
    %dma_start3A_114 = tpu.memref_slice %arg7[%dma_start3A_112, %dma_start3A_113] : memref<32x512xf32, #tpu.memory_space<vmem>> -> memref<1x512xf32, #tpu.memory_space<vmem>>
    %dma_start3A_115 = tpu.memref_squeeze %dma_start3A_114 : memref<1x512xf32, #tpu.memory_space<vmem>> -> memref<512xf32, #tpu.memory_space<vmem>>
    %dma_start3A_116 = arith.constant 1664 : i32
    %dma_start3A_117 = tpu.memref_slice %arg3[%dma_start3A_116] : memref<32002048xf32, #tpu.memory_space<hbm>> -> memref<32000384xf32, #tpu.memory_space<hbm>>
    %dma_start3A_118 = arith.constant 0 : i32
    %dma_start3A_119 = tpu.memref_slice %dma_start3A_117[%dma_start3A_118] : memref<32000384xf32, #tpu.memory_space<hbm>> -> memref<32000384xf32, #tpu.memory_space<hbm>>
    tpu.enqueue_indirect_dma source(%dma_start3A_119 : memref<32000384xf32, #tpu.memory_space<hbm>>) target(%dma_start3A_115 : memref<512xf32, #tpu.memory_space<vmem>>) offsets(%arg6 : memref<512xi32, #tpu.memory_space<vmem>>) semaphore(%arg8 : memref<!tpu.dma_semaphore, #tpu.memory_space<semaphore_mem>>)
    %dma_start3A_120 = arith.constant 14 : i32
    %dma_start3A_121 = arith.constant 0 : i32
    %dma_start3A_122 = tpu.memref_slice %arg7[%dma_start3A_120, %dma_start3A_121] : memref<32x512xf32, #tpu.memory_space<vmem>> -> memref<1x512xf32, #tpu.memory_space<vmem>>
    %dma_start3A_123 = tpu.memref_squeeze %dma_start3A_122 : memref<1x512xf32, #tpu.memory_space<vmem>> -> memref<512xf32, #tpu.memory_space<vmem>>
    %dma_start3A_124 = arith.constant 1792 : i32
    %dma_start3A_125 = tpu.memref_slice %arg3[%dma_start3A_124] : memref<32002048xf32, #tpu.memory_space<hbm>> -> memref<32000256xf32, #tpu.memory_space<hbm>>
    %dma_start3A_126 = arith.constant 0 : i32
    %dma_start3A_127 = tpu.memref_slice %dma_start3A_125[%dma_start3A_126] : memref<32000256xf32, #tpu.memory_space<hbm>> -> memref<32000256xf32, #tpu.memory_space<hbm>>
    tpu.enqueue_indirect_dma source(%dma_start3A_127 : memref<32000256xf32, #tpu.memory_space<hbm>>) target(%dma_start3A_123 : memref<512xf32, #tpu.memory_space<vmem>>) offsets(%arg6 : memref<512xi32, #tpu.memory_space<vmem>>) semaphore(%arg8 : memref<!tpu.dma_semaphore, #tpu.memory_space<semaphore_mem>>)
    %dma_start3A_128 = arith.constant 15 : i32
    %dma_start3A_129 = arith.constant 0 : i32
    %dma_start3A_130 = tpu.memref_slice %arg7[%dma_start3A_128, %dma_start3A_129] : memref<32x512xf32, #tpu.memory_space<vmem>> -> memref<1x512xf32, #tpu.memory_space<vmem>>
    %dma_start3A_131 = tpu.memref_squeeze %dma_start3A_130 : memref<1x512xf32, #tpu.memory_space<vmem>> -> memref<512xf32, #tpu.memory_space<vmem>>
    %dma_start3A_132 = arith.constant 1920 : i32
    %dma_start3A_133 = tpu.memref_slice %arg3[%dma_start3A_132] : memref<32002048xf32, #tpu.memory_space<hbm>> -> memref<32000128xf32, #tpu.memory_space<hbm>>
    %dma_start3A_134 = arith.constant 0 : i32
    %dma_start3A_135 = tpu.memref_slice %dma_start3A_133[%dma_start3A_134] : memref<32000128xf32, #tpu.memory_space<hbm>> -> memref<32000128xf32, #tpu.memory_space<hbm>>
    tpu.enqueue_indirect_dma source(%dma_start3A_135 : memref<32000128xf32, #tpu.memory_space<hbm>>) target(%dma_start3A_131 : memref<512xf32, #tpu.memory_space<vmem>>) offsets(%arg6 : memref<512xi32, #tpu.memory_space<vmem>>) semaphore(%arg8 : memref<!tpu.dma_semaphore, #tpu.memory_space<semaphore_mem>>)
    %dma_start3A_136 = arith.constant 16 : i32
    %dma_start3A_137 = arith.constant 0 : i32
    %dma_start3A_138 = tpu.memref_slice %arg7[%dma_start3A_136, %dma_start3A_137] : memref<32x512xf32, #tpu.memory_space<vmem>> -> memref<1x512xf32, #tpu.memory_space<vmem>>
    %dma_start3A_139 = tpu.memref_squeeze %dma_start3A_138 : memref<1x512xf32, #tpu.memory_space<vmem>> -> memref<512xf32, #tpu.memory_space<vmem>>
    %dma_start3A_140 = arith.constant 2048 : i32
    %dma_start3A_141 = tpu.memref_slice %arg3[%dma_start3A_140] : memref<32002048xf32, #tpu.memory_space<hbm>> -> memref<32000000xf32, #tpu.memory_space<hbm>>
    %dma_start3A_142 = arith.constant 0 : i32
    %dma_start3A_143 = tpu.memref_slice %dma_start3A_141[%dma_start3A_142] : memref<32000000xf32, #tpu.memory_space<hbm>> -> memref<32000000xf32, #tpu.memory_space<hbm>>
    tpu.enqueue_indirect_dma source(%dma_start3A_143 : memref<32000000xf32, #tpu.memory_space<hbm>>) target(%dma_start3A_139 : memref<512xf32, #tpu.memory_space<vmem>>) offsets(%arg6 : memref<512xi32, #tpu.memory_space<vmem>>) semaphore(%arg8 : memref<!tpu.dma_semaphore, #tpu.memory_space<semaphore_mem>>)
    %dma_start3A_144 = arith.constant 17 : i32
    %dma_start3A_145 = arith.constant 0 : i32
    %dma_start3A_146 = tpu.memref_slice %arg7[%dma_start3A_144, %dma_start3A_145] : memref<32x512xf32, #tpu.memory_space<vmem>> -> memref<1x512xf32, #tpu.memory_space<vmem>>
    %dma_start3A_147 = tpu.memref_squeeze %dma_start3A_146 : memref<1x512xf32, #tpu.memory_space<vmem>> -> memref<512xf32, #tpu.memory_space<vmem>>
    %dma_start3A_148 = arith.constant 2176 : i32
    %dma_start3A_149 = tpu.memref_slice %arg3[%dma_start3A_148] : memref<32002048xf32, #tpu.memory_space<hbm>> -> memref<31999872xf32, #tpu.memory_space<hbm>>
    %dma_start3A_150 = arith.constant 0 : i32
    %dma_start3A_151 = tpu.memref_slice %dma_start3A_149[%dma_start3A_150] : memref<31999872xf32, #tpu.memory_space<hbm>> -> memref<31999872xf32, #tpu.memory_space<hbm>>
    tpu.enqueue_indirect_dma source(%dma_start3A_151 : memref<31999872xf32, #tpu.memory_space<hbm>>) target(%dma_start3A_147 : memref<512xf32, #tpu.memory_space<vmem>>) offsets(%arg6 : memref<512xi32, #tpu.memory_space<vmem>>) semaphore(%arg8 : memref<!tpu.dma_semaphore, #tpu.memory_space<semaphore_mem>>)
    %dma_start3A_152 = arith.constant 18 : i32
    %dma_start3A_153 = arith.constant 0 : i32
    %dma_start3A_154 = tpu.memref_slice %arg7[%dma_start3A_152, %dma_start3A_153] : memref<32x512xf32, #tpu.memory_space<vmem>> -> memref<1x512xf32, #tpu.memory_space<vmem>>
    %dma_start3A_155 = tpu.memref_squeeze %dma_start3A_154 : memref<1x512xf32, #tpu.memory_space<vmem>> -> memref<512xf32, #tpu.memory_space<vmem>>
    %dma_start3A_156 = arith.constant 2304 : i32
    %dma_start3A_157 = tpu.memref_slice %arg3[%dma_start3A_156] : memref<32002048xf32, #tpu.memory_space<hbm>> -> memref<31999744xf32, #tpu.memory_space<hbm>>
    %dma_start3A_158 = arith.constant 0 : i32
    %dma_start3A_159 = tpu.memref_slice %dma_start3A_157[%dma_start3A_158] : memref<31999744xf32, #tpu.memory_space<hbm>> -> memref<31999744xf32, #tpu.memory_space<hbm>>
    tpu.enqueue_indirect_dma source(%dma_start3A_159 : memref<31999744xf32, #tpu.memory_space<hbm>>) target(%dma_start3A_155 : memref<512xf32, #tpu.memory_space<vmem>>) offsets(%arg6 : memref<512xi32, #tpu.memory_space<vmem>>) semaphore(%arg8 : memref<!tpu.dma_semaphore, #tpu.memory_space<semaphore_mem>>)
    %dma_start3A_160 = arith.constant 19 : i32
    %dma_start3A_161 = arith.constant 0 : i32
    %dma_start3A_162 = tpu.memref_slice %arg7[%dma_start3A_160, %dma_start3A_161] : memref<32x512xf32, #tpu.memory_space<vmem>> -> memref<1x512xf32, #tpu.memory_space<vmem>>
    %dma_start3A_163 = tpu.memref_squeeze %dma_start3A_162 : memref<1x512xf32, #tpu.memory_space<vmem>> -> memref<512xf32, #tpu.memory_space<vmem>>
    %dma_start3A_164 = arith.constant 2432 : i32
    %dma_start3A_165 = tpu.memref_slice %arg3[%dma_start3A_164] : memref<32002048xf32, #tpu.memory_space<hbm>> -> memref<31999616xf32, #tpu.memory_space<hbm>>
    %dma_start3A_166 = arith.constant 0 : i32
    %dma_start3A_167 = tpu.memref_slice %dma_start3A_165[%dma_start3A_166] : memref<31999616xf32, #tpu.memory_space<hbm>> -> memref<31999616xf32, #tpu.memory_space<hbm>>
    tpu.enqueue_indirect_dma source(%dma_start3A_167 : memref<31999616xf32, #tpu.memory_space<hbm>>) target(%dma_start3A_163 : memref<512xf32, #tpu.memory_space<vmem>>) offsets(%arg6 : memref<512xi32, #tpu.memory_space<vmem>>) semaphore(%arg8 : memref<!tpu.dma_semaphore, #tpu.memory_space<semaphore_mem>>)
    %dma_start3A_168 = arith.constant 20 : i32
    %dma_start3A_169 = arith.constant 0 : i32
    %dma_start3A_170 = tpu.memref_slice %arg7[%dma_start3A_168, %dma_start3A_169] : memref<32x512xf32, #tpu.memory_space<vmem>> -> memref<1x512xf32, #tpu.memory_space<vmem>>
    %dma_start3A_171 = tpu.memref_squeeze %dma_start3A_170 : memref<1x512xf32, #tpu.memory_space<vmem>> -> memref<512xf32, #tpu.memory_space<vmem>>
    %dma_start3A_172 = arith.constant 2560 : i32
    %dma_start3A_173 = tpu.memref_slice %arg3[%dma_start3A_172] : memref<32002048xf32, #tpu.memory_space<hbm>> -> memref<31999488xf32, #tpu.memory_space<hbm>>
    %dma_start3A_174 = arith.constant 0 : i32
    %dma_start3A_175 = tpu.memref_slice %dma_start3A_173[%dma_start3A_174] : memref<31999488xf32, #tpu.memory_space<hbm>> -> memref<31999488xf32, #tpu.memory_space<hbm>>
    tpu.enqueue_indirect_dma source(%dma_start3A_175 : memref<31999488xf32, #tpu.memory_space<hbm>>) target(%dma_start3A_171 : memref<512xf32, #tpu.memory_space<vmem>>) offsets(%arg6 : memref<512xi32, #tpu.memory_space<vmem>>) semaphore(%arg8 : memref<!tpu.dma_semaphore, #tpu.memory_space<semaphore_mem>>)
    %dma_start3A_176 = arith.constant 21 : i32
    %dma_start3A_177 = arith.constant 0 : i32
    %dma_start3A_178 = tpu.memref_slice %arg7[%dma_start3A_176, %dma_start3A_177] : memref<32x512xf32, #tpu.memory_space<vmem>> -> memref<1x512xf32, #tpu.memory_space<vmem>>
    %dma_start3A_179 = tpu.memref_squeeze %dma_start3A_178 : memref<1x512xf32, #tpu.memory_space<vmem>> -> memref<512xf32, #tpu.memory_space<vmem>>
    %dma_start3A_180 = arith.constant 2688 : i32
    %dma_start3A_181 = tpu.memref_slice %arg3[%dma_start3A_180] : memref<32002048xf32, #tpu.memory_space<hbm>> -> memref<31999360xf32, #tpu.memory_space<hbm>>
    %dma_start3A_182 = arith.constant 0 : i32
    %dma_start3A_183 = tpu.memref_slice %dma_start3A_181[%dma_start3A_182] : memref<31999360xf32, #tpu.memory_space<hbm>> -> memref<31999360xf32, #tpu.memory_space<hbm>>
    tpu.enqueue_indirect_dma source(%dma_start3A_183 : memref<31999360xf32, #tpu.memory_space<hbm>>) target(%dma_start3A_179 : memref<512xf32, #tpu.memory_space<vmem>>) offsets(%arg6 : memref<512xi32, #tpu.memory_space<vmem>>) semaphore(%arg8 : memref<!tpu.dma_semaphore, #tpu.memory_space<semaphore_mem>>)
    %dma_start3A_184 = arith.constant 22 : i32
    %dma_start3A_185 = arith.constant 0 : i32
    %dma_start3A_186 = tpu.memref_slice %arg7[%dma_start3A_184, %dma_start3A_185] : memref<32x512xf32, #tpu.memory_space<vmem>> -> memref<1x512xf32, #tpu.memory_space<vmem>>
    %dma_start3A_187 = tpu.memref_squeeze %dma_start3A_186 : memref<1x512xf32, #tpu.memory_space<vmem>> -> memref<512xf32, #tpu.memory_space<vmem>>
    %dma_start3A_188 = arith.constant 2816 : i32
    %dma_start3A_189 = tpu.memref_slice %arg3[%dma_start3A_188] : memref<32002048xf32, #tpu.memory_space<hbm>> -> memref<31999232xf32, #tpu.memory_space<hbm>>
    %dma_start3A_190 = arith.constant 0 : i32
    %dma_start3A_191 = tpu.memref_slice %dma_start3A_189[%dma_start3A_190] : memref<31999232xf32, #tpu.memory_space<hbm>> -> memref<31999232xf32, #tpu.memory_space<hbm>>
    tpu.enqueue_indirect_dma source(%dma_start3A_191 : memref<31999232xf32, #tpu.memory_space<hbm>>) target(%dma_start3A_187 : memref<512xf32, #tpu.memory_space<vmem>>) offsets(%arg6 : memref<512xi32, #tpu.memory_space<vmem>>) semaphore(%arg8 : memref<!tpu.dma_semaphore, #tpu.memory_space<semaphore_mem>>)
    %dma_start3A_192 = arith.constant 23 : i32
    %dma_start3A_193 = arith.constant 0 : i32
    %dma_start3A_194 = tpu.memref_slice %arg7[%dma_start3A_192, %dma_start3A_193] : memref<32x512xf32, #tpu.memory_space<vmem>> -> memref<1x512xf32, #tpu.memory_space<vmem>>
    %dma_start3A_195 = tpu.memref_squeeze %dma_start3A_194 : memref<1x512xf32, #tpu.memory_space<vmem>> -> memref<512xf32, #tpu.memory_space<vmem>>
    %dma_start3A_196 = arith.constant 2944 : i32
    %dma_start3A_197 = tpu.memref_slice %arg3[%dma_start3A_196] : memref<32002048xf32, #tpu.memory_space<hbm>> -> memref<31999104xf32, #tpu.memory_space<hbm>>
    %dma_start3A_198 = arith.constant 0 : i32
    %dma_start3A_199 = tpu.memref_slice %dma_start3A_197[%dma_start3A_198] : memref<31999104xf32, #tpu.memory_space<hbm>> -> memref<31999104xf32, #tpu.memory_space<hbm>>
    tpu.enqueue_indirect_dma source(%dma_start3A_199 : memref<31999104xf32, #tpu.memory_space<hbm>>) target(%dma_start3A_195 : memref<512xf32, #tpu.memory_space<vmem>>) offsets(%arg6 : memref<512xi32, #tpu.memory_space<vmem>>) semaphore(%arg8 : memref<!tpu.dma_semaphore, #tpu.memory_space<semaphore_mem>>)
    %dma_start3A_200 = arith.constant 24 : i32
    %dma_start3A_201 = arith.constant 0 : i32
    %dma_start3A_202 = tpu.memref_slice %arg7[%dma_start3A_200, %dma_start3A_201] : memref<32x512xf32, #tpu.memory_space<vmem>> -> memref<1x512xf32, #tpu.memory_space<vmem>>
    %dma_start3A_203 = tpu.memref_squeeze %dma_start3A_202 : memref<1x512xf32, #tpu.memory_space<vmem>> -> memref<512xf32, #tpu.memory_space<vmem>>
    %dma_start3A_204 = arith.constant 3072 : i32
    %dma_start3A_205 = tpu.memref_slice %arg3[%dma_start3A_204] : memref<32002048xf32, #tpu.memory_space<hbm>> -> memref<31998976xf32, #tpu.memory_space<hbm>>
    %dma_start3A_206 = arith.constant 0 : i32
    %dma_start3A_207 = tpu.memref_slice %dma_start3A_205[%dma_start3A_206] : memref<31998976xf32, #tpu.memory_space<hbm>> -> memref<31998976xf32, #tpu.memory_space<hbm>>
    tpu.enqueue_indirect_dma source(%dma_start3A_207 : memref<31998976xf32, #tpu.memory_space<hbm>>) target(%dma_start3A_203 : memref<512xf32, #tpu.memory_space<vmem>>) offsets(%arg6 : memref<512xi32, #tpu.memory_space<vmem>>) semaphore(%arg8 : memref<!tpu.dma_semaphore, #tpu.memory_space<semaphore_mem>>)
    %dma_start3A_208 = arith.constant 25 : i32
    %dma_start3A_209 = arith.constant 0 : i32
    %dma_start3A_210 = tpu.memref_slice %arg7[%dma_start3A_208, %dma_start3A_209] : memref<32x512xf32, #tpu.memory_space<vmem>> -> memref<1x512xf32, #tpu.memory_space<vmem>>
    %dma_start3A_211 = tpu.memref_squeeze %dma_start3A_210 : memref<1x512xf32, #tpu.memory_space<vmem>> -> memref<512xf32, #tpu.memory_space<vmem>>
    %dma_start3A_212 = arith.constant 3200 : i32
    %dma_start3A_213 = tpu.memref_slice %arg3[%dma_start3A_212] : memref<32002048xf32, #tpu.memory_space<hbm>> -> memref<31998848xf32, #tpu.memory_space<hbm>>
    %dma_start3A_214 = arith.constant 0 : i32
    %dma_start3A_215 = tpu.memref_slice %dma_start3A_213[%dma_start3A_214] : memref<31998848xf32, #tpu.memory_space<hbm>> -> memref<31998848xf32, #tpu.memory_space<hbm>>
    tpu.enqueue_indirect_dma source(%dma_start3A_215 : memref<31998848xf32, #tpu.memory_space<hbm>>) target(%dma_start3A_211 : memref<512xf32, #tpu.memory_space<vmem>>) offsets(%arg6 : memref<512xi32, #tpu.memory_space<vmem>>) semaphore(%arg8 : memref<!tpu.dma_semaphore, #tpu.memory_space<semaphore_mem>>)
    %dma_start3A_216 = arith.constant 26 : i32
    %dma_start3A_217 = arith.constant 0 : i32
    %dma_start3A_218 = tpu.memref_slice %arg7[%dma_start3A_216, %dma_start3A_217] : memref<32x512xf32, #tpu.memory_space<vmem>> -> memref<1x512xf32, #tpu.memory_space<vmem>>
    %dma_start3A_219 = tpu.memref_squeeze %dma_start3A_218 : memref<1x512xf32, #tpu.memory_space<vmem>> -> memref<512xf32, #tpu.memory_space<vmem>>
    %dma_start3A_220 = arith.constant 3328 : i32
    %dma_start3A_221 = tpu.memref_slice %arg3[%dma_start3A_220] : memref<32002048xf32, #tpu.memory_space<hbm>> -> memref<31998720xf32, #tpu.memory_space<hbm>>
    %dma_start3A_222 = arith.constant 0 : i32
    %dma_start3A_223 = tpu.memref_slice %dma_start3A_221[%dma_start3A_222] : memref<31998720xf32, #tpu.memory_space<hbm>> -> memref<31998720xf32, #tpu.memory_space<hbm>>
    tpu.enqueue_indirect_dma source(%dma_start3A_223 : memref<31998720xf32, #tpu.memory_space<hbm>>) target(%dma_start3A_219 : memref<512xf32, #tpu.memory_space<vmem>>) offsets(%arg6 : memref<512xi32, #tpu.memory_space<vmem>>) semaphore(%arg8 : memref<!tpu.dma_semaphore, #tpu.memory_space<semaphore_mem>>)
    %dma_start3A_224 = arith.constant 27 : i32
    %dma_start3A_225 = arith.constant 0 : i32
    %dma_start3A_226 = tpu.memref_slice %arg7[%dma_start3A_224, %dma_start3A_225] : memref<32x512xf32, #tpu.memory_space<vmem>> -> memref<1x512xf32, #tpu.memory_space<vmem>>
    %dma_start3A_227 = tpu.memref_squeeze %dma_start3A_226 : memref<1x512xf32, #tpu.memory_space<vmem>> -> memref<512xf32, #tpu.memory_space<vmem>>
    %dma_start3A_228 = arith.constant 3456 : i32
    %dma_start3A_229 = tpu.memref_slice %arg3[%dma_start3A_228] : memref<32002048xf32, #tpu.memory_space<hbm>> -> memref<31998592xf32, #tpu.memory_space<hbm>>
    %dma_start3A_230 = arith.constant 0 : i32
    %dma_start3A_231 = tpu.memref_slice %dma_start3A_229[%dma_start3A_230] : memref<31998592xf32, #tpu.memory_space<hbm>> -> memref<31998592xf32, #tpu.memory_space<hbm>>
    tpu.enqueue_indirect_dma source(%dma_start3A_231 : memref<31998592xf32, #tpu.memory_space<hbm>>) target(%dma_start3A_227 : memref<512xf32, #tpu.memory_space<vmem>>) offsets(%arg6 : memref<512xi32, #tpu.memory_space<vmem>>) semaphore(%arg8 : memref<!tpu.dma_semaphore, #tpu.memory_space<semaphore_mem>>)
    %dma_start3A_232 = arith.constant 28 : i32
    %dma_start3A_233 = arith.constant 0 : i32
    %dma_start3A_234 = tpu.memref_slice %arg7[%dma_start3A_232, %dma_start3A_233] : memref<32x512xf32, #tpu.memory_space<vmem>> -> memref<1x512xf32, #tpu.memory_space<vmem>>
    %dma_start3A_235 = tpu.memref_squeeze %dma_start3A_234 : memref<1x512xf32, #tpu.memory_space<vmem>> -> memref<512xf32, #tpu.memory_space<vmem>>
    %dma_start3A_236 = arith.constant 3584 : i32
    %dma_start3A_237 = tpu.memref_slice %arg3[%dma_start3A_236] : memref<32002048xf32, #tpu.memory_space<hbm>> -> memref<31998464xf32, #tpu.memory_space<hbm>>
    %dma_start3A_238 = arith.constant 0 : i32
    %dma_start3A_239 = tpu.memref_slice %dma_start3A_237[%dma_start3A_238] : memref<31998464xf32, #tpu.memory_space<hbm>> -> memref<31998464xf32, #tpu.memory_space<hbm>>
    tpu.enqueue_indirect_dma source(%dma_start3A_239 : memref<31998464xf32, #tpu.memory_space<hbm>>) target(%dma_start3A_235 : memref<512xf32, #tpu.memory_space<vmem>>) offsets(%arg6 : memref<512xi32, #tpu.memory_space<vmem>>) semaphore(%arg8 : memref<!tpu.dma_semaphore, #tpu.memory_space<semaphore_mem>>)
    %dma_start3A_240 = arith.constant 29 : i32
    %dma_start3A_241 = arith.constant 0 : i32
    %dma_start3A_242 = tpu.memref_slice %arg7[%dma_start3A_240, %dma_start3A_241] : memref<32x512xf32, #tpu.memory_space<vmem>> -> memref<1x512xf32, #tpu.memory_space<vmem>>
    %dma_start3A_243 = tpu.memref_squeeze %dma_start3A_242 : memref<1x512xf32, #tpu.memory_space<vmem>> -> memref<512xf32, #tpu.memory_space<vmem>>
    %dma_start3A_244 = arith.constant 3712 : i32
    %dma_start3A_245 = tpu.memref_slice %arg3[%dma_start3A_244] : memref<32002048xf32, #tpu.memory_space<hbm>> -> memref<31998336xf32, #tpu.memory_space<hbm>>
    %dma_start3A_246 = arith.constant 0 : i32
    %dma_start3A_247 = tpu.memref_slice %dma_start3A_245[%dma_start3A_246] : memref<31998336xf32, #tpu.memory_space<hbm>> -> memref<31998336xf32, #tpu.memory_space<hbm>>
    tpu.enqueue_indirect_dma source(%dma_start3A_247 : memref<31998336xf32, #tpu.memory_space<hbm>>) target(%dma_start3A_243 : memref<512xf32, #tpu.memory_space<vmem>>) offsets(%arg6 : memref<512xi32, #tpu.memory_space<vmem>>) semaphore(%arg8 : memref<!tpu.dma_semaphore, #tpu.memory_space<semaphore_mem>>)
    %dma_start3A_248 = arith.constant 30 : i32
    %dma_start3A_249 = arith.constant 0 : i32
    %dma_start3A_250 = tpu.memref_slice %arg7[%dma_start3A_248, %dma_start3A_249] : memref<32x512xf32, #tpu.memory_space<vmem>> -> memref<1x512xf32, #tpu.memory_space<vmem>>
    %dma_start3A_251 = tpu.memref_squeeze %dma_start3A_250 : memref<1x512xf32, #tpu.memory_space<vmem>> -> memref<512xf32, #tpu.memory_space<vmem>>
    %dma_start3A_252 = arith.constant 3840 : i32
    %dma_start3A_253 = tpu.memref_slice %arg3[%dma_start3A_252] : memref<32002048xf32, #tpu.memory_space<hbm>> -> memref<31998208xf32, #tpu.memory_space<hbm>>
    %dma_start3A_254 = arith.constant 0 : i32
    %dma_start3A_255 = tpu.memref_slice %dma_start3A_253[%dma_start3A_254] : memref<31998208xf32, #tpu.memory_space<hbm>> -> memref<31998208xf32, #tpu.memory_space<hbm>>
    tpu.enqueue_indirect_dma source(%dma_start3A_255 : memref<31998208xf32, #tpu.memory_space<hbm>>) target(%dma_start3A_251 : memref<512xf32, #tpu.memory_space<vmem>>) offsets(%arg6 : memref<512xi32, #tpu.memory_space<vmem>>) semaphore(%arg8 : memref<!tpu.dma_semaphore, #tpu.memory_space<semaphore_mem>>)
    %dma_start3A_256 = arith.constant 31 : i32
    %dma_start3A_257 = arith.constant 0 : i32
    %dma_start3A_258 = tpu.memref_slice %arg7[%dma_start3A_256, %dma_start3A_257] : memref<32x512xf32, #tpu.memory_space<vmem>> -> memref<1x512xf32, #tpu.memory_space<vmem>>
    %dma_start3A_259 = tpu.memref_squeeze %dma_start3A_258 : memref<1x512xf32, #tpu.memory_space<vmem>> -> memref<512xf32, #tpu.memory_space<vmem>>
    %dma_start3A_260 = arith.constant 3968 : i32
    %dma_start3A_261 = tpu.memref_slice %arg3[%dma_start3A_260] : memref<32002048xf32, #tpu.memory_space<hbm>> -> memref<31998080xf32, #tpu.memory_space<hbm>>
    %dma_start3A_262 = arith.constant 0 : i32
    %dma_start3A_263 = tpu.memref_slice %dma_start3A_261[%dma_start3A_262] : memref<31998080xf32, #tpu.memory_space<hbm>> -> memref<31998080xf32, #tpu.memory_space<hbm>>
    tpu.enqueue_indirect_dma source(%dma_start3A_263 : memref<31998080xf32, #tpu.memory_space<hbm>>) target(%dma_start3A_259 : memref<512xf32, #tpu.memory_space<vmem>>) offsets(%arg6 : memref<512xi32, #tpu.memory_space<vmem>>) semaphore(%arg8 : memref<!tpu.dma_semaphore, #tpu.memory_space<semaphore_mem>>)
    %dma_wait3A = arith.constant 0 : i32
    %dma_wait3A_264 = arith.constant 0 : i32
    %dma_wait3A_265 = tpu.memref_slice %arg7[%dma_wait3A, %dma_wait3A_264] : memref<32x512xf32, #tpu.memory_space<vmem>> -> memref<1x512xf32, #tpu.memory_space<vmem>>
    %dma_wait3A_266 = tpu.memref_squeeze %dma_wait3A_265 : memref<1x512xf32, #tpu.memory_space<vmem>> -> memref<512xf32, #tpu.memory_space<vmem>>
    %dma_wait3A_267 = arith.constant 0 : i32
    %dma_wait3A_268 = tpu.memref_slice %arg3[%dma_wait3A_267] : memref<32002048xf32, #tpu.memory_space<hbm>> -> memref<32002048xf32, #tpu.memory_space<hbm>>
    %dma_wait3A_269 = arith.constant 0 : i32
    %dma_wait3A_270 = tpu.memref_slice %dma_wait3A_268[%dma_wait3A_269] : memref<32002048xf32, #tpu.memory_space<hbm>> -> memref<32002048xf32, #tpu.memory_space<hbm>>
    tpu.wait_indirect_dma semaphore(%arg8 : memref<!tpu.dma_semaphore, #tpu.memory_space<semaphore_mem>>) src(%dma_wait3A_270 : memref<32002048xf32, #tpu.memory_space<hbm>>) dst(%dma_wait3A_266 : memref<512xf32, #tpu.memory_space<vmem>>)
    %dma_wait3A_271 = arith.constant 1 : i32
    %dma_wait3A_272 = arith.constant 0 : i32
    %dma_wait3A_273 = tpu.memref_slice %arg7[%dma_wait3A_271, %dma_wait3A_272] : memref<32x512xf32, #tpu.memory_space<vmem>> -> memref<1x512xf32, #tpu.memory_space<vmem>>
    %dma_wait3A_274 = tpu.memref_squeeze %dma_wait3A_273 : memref<1x512xf32, #tpu.memory_space<vmem>> -> memref<512xf32, #tpu.memory_space<vmem>>
    %dma_wait3A_275 = arith.constant 0 : i32
    %dma_wait3A_276 = tpu.memref_slice %arg3[%dma_wait3A_275] : memref<32002048xf32, #tpu.memory_space<hbm>> -> memref<32002048xf32, #tpu.memory_space<hbm>>
    %dma_wait3A_277 = arith.constant 0 : i32
    %dma_wait3A_278 = tpu.memref_slice %dma_wait3A_276[%dma_wait3A_277] : memref<32002048xf32, #tpu.memory_space<hbm>> -> memref<32002048xf32, #tpu.memory_space<hbm>>
    tpu.wait_indirect_dma semaphore(%arg8 : memref<!tpu.dma_semaphore, #tpu.memory_space<semaphore_mem>>) src(%dma_wait3A_278 : memref<32002048xf32, #tpu.memory_space<hbm>>) dst(%dma_wait3A_274 : memref<512xf32, #tpu.memory_space<vmem>>)
    %dma_wait3A_279 = arith.constant 2 : i32
    %dma_wait3A_280 = arith.constant 0 : i32
    %dma_wait3A_281 = tpu.memref_slice %arg7[%dma_wait3A_279, %dma_wait3A_280] : memref<32x512xf32, #tpu.memory_space<vmem>> -> memref<1x512xf32, #tpu.memory_space<vmem>>
    %dma_wait3A_282 = tpu.memref_squeeze %dma_wait3A_281 : memref<1x512xf32, #tpu.memory_space<vmem>> -> memref<512xf32, #tpu.memory_space<vmem>>
    %dma_wait3A_283 = arith.constant 0 : i32
    %dma_wait3A_284 = tpu.memref_slice %arg3[%dma_wait3A_283] : memref<32002048xf32, #tpu.memory_space<hbm>> -> memref<32002048xf32, #tpu.memory_space<hbm>>
    %dma_wait3A_285 = arith.constant 0 : i32
    %dma_wait3A_286 = tpu.memref_slice %dma_wait3A_284[%dma_wait3A_285] : memref<32002048xf32, #tpu.memory_space<hbm>> -> memref<32002048xf32, #tpu.memory_space<hbm>>
    tpu.wait_indirect_dma semaphore(%arg8 : memref<!tpu.dma_semaphore, #tpu.memory_space<semaphore_mem>>) src(%dma_wait3A_286 : memref<32002048xf32, #tpu.memory_space<hbm>>) dst(%dma_wait3A_282 : memref<512xf32, #tpu.memory_space<vmem>>)
    %dma_wait3A_287 = arith.constant 3 : i32
    %dma_wait3A_288 = arith.constant 0 : i32
    %dma_wait3A_289 = tpu.memref_slice %arg7[%dma_wait3A_287, %dma_wait3A_288] : memref<32x512xf32, #tpu.memory_space<vmem>> -> memref<1x512xf32, #tpu.memory_space<vmem>>
    %dma_wait3A_290 = tpu.memref_squeeze %dma_wait3A_289 : memref<1x512xf32, #tpu.memory_space<vmem>> -> memref<512xf32, #tpu.memory_space<vmem>>
    %dma_wait3A_291 = arith.constant 0 : i32
    %dma_wait3A_292 = tpu.memref_slice %arg3[%dma_wait3A_291] : memref<32002048xf32, #tpu.memory_space<hbm>> -> memref<32002048xf32, #tpu.memory_space<hbm>>
    %dma_wait3A_293 = arith.constant 0 : i32
    %dma_wait3A_294 = tpu.memref_slice %dma_wait3A_292[%dma_wait3A_293] : memref<32002048xf32, #tpu.memory_space<hbm>> -> memref<32002048xf32, #tpu.memory_space<hbm>>
    tpu.wait_indirect_dma semaphore(%arg8 : memref<!tpu.dma_semaphore, #tpu.memory_space<semaphore_mem>>) src(%dma_wait3A_294 : memref<32002048xf32, #tpu.memory_space<hbm>>) dst(%dma_wait3A_290 : memref<512xf32, #tpu.memory_space<vmem>>)
    %dma_wait3A_295 = arith.constant 4 : i32
    %dma_wait3A_296 = arith.constant 0 : i32
    %dma_wait3A_297 = tpu.memref_slice %arg7[%dma_wait3A_295, %dma_wait3A_296] : memref<32x512xf32, #tpu.memory_space<vmem>> -> memref<1x512xf32, #tpu.memory_space<vmem>>
    %dma_wait3A_298 = tpu.memref_squeeze %dma_wait3A_297 : memref<1x512xf32, #tpu.memory_space<vmem>> -> memref<512xf32, #tpu.memory_space<vmem>>
    %dma_wait3A_299 = arith.constant 0 : i32
    %dma_wait3A_300 = tpu.memref_slice %arg3[%dma_wait3A_299] : memref<32002048xf32, #tpu.memory_space<hbm>> -> memref<32002048xf32, #tpu.memory_space<hbm>>
    %dma_wait3A_301 = arith.constant 0 : i32
    %dma_wait3A_302 = tpu.memref_slice %dma_wait3A_300[%dma_wait3A_301] : memref<32002048xf32, #tpu.memory_space<hbm>> -> memref<32002048xf32, #tpu.memory_space<hbm>>
    tpu.wait_indirect_dma semaphore(%arg8 : memref<!tpu.dma_semaphore, #tpu.memory_space<semaphore_mem>>) src(%dma_wait3A_302 : memref<32002048xf32, #tpu.memory_space<hbm>>) dst(%dma_wait3A_298 : memref<512xf32, #tpu.memory_space<vmem>>)
    %dma_wait3A_303 = arith.constant 5 : i32
    %dma_wait3A_304 = arith.constant 0 : i32
    %dma_wait3A_305 = tpu.memref_slice %arg7[%dma_wait3A_303, %dma_wait3A_304] : memref<32x512xf32, #tpu.memory_space<vmem>> -> memref<1x512xf32, #tpu.memory_space<vmem>>
    %dma_wait3A_306 = tpu.memref_squeeze %dma_wait3A_305 : memref<1x512xf32, #tpu.memory_space<vmem>> -> memref<512xf32, #tpu.memory_space<vmem>>
    %dma_wait3A_307 = arith.constant 0 : i32
    %dma_wait3A_308 = tpu.memref_slice %arg3[%dma_wait3A_307] : memref<32002048xf32, #tpu.memory_space<hbm>> -> memref<32002048xf32, #tpu.memory_space<hbm>>
    %dma_wait3A_309 = arith.constant 0 : i32
    %dma_wait3A_310 = tpu.memref_slice %dma_wait3A_308[%dma_wait3A_309] : memref<32002048xf32, #tpu.memory_space<hbm>> -> memref<32002048xf32, #tpu.memory_space<hbm>>
    tpu.wait_indirect_dma semaphore(%arg8 : memref<!tpu.dma_semaphore, #tpu.memory_space<semaphore_mem>>) src(%dma_wait3A_310 : memref<32002048xf32, #tpu.memory_space<hbm>>) dst(%dma_wait3A_306 : memref<512xf32, #tpu.memory_space<vmem>>)
    %dma_wait3A_311 = arith.constant 6 : i32
    %dma_wait3A_312 = arith.constant 0 : i32
    %dma_wait3A_313 = tpu.memref_slice %arg7[%dma_wait3A_311, %dma_wait3A_312] : memref<32x512xf32, #tpu.memory_space<vmem>> -> memref<1x512xf32, #tpu.memory_space<vmem>>
    %dma_wait3A_314 = tpu.memref_squeeze %dma_wait3A_313 : memref<1x512xf32, #tpu.memory_space<vmem>> -> memref<512xf32, #tpu.memory_space<vmem>>
    %dma_wait3A_315 = arith.constant 0 : i32
    %dma_wait3A_316 = tpu.memref_slice %arg3[%dma_wait3A_315] : memref<32002048xf32, #tpu.memory_space<hbm>> -> memref<32002048xf32, #tpu.memory_space<hbm>>
    %dma_wait3A_317 = arith.constant 0 : i32
    %dma_wait3A_318 = tpu.memref_slice %dma_wait3A_316[%dma_wait3A_317] : memref<32002048xf32, #tpu.memory_space<hbm>> -> memref<32002048xf32, #tpu.memory_space<hbm>>
    tpu.wait_indirect_dma semaphore(%arg8 : memref<!tpu.dma_semaphore, #tpu.memory_space<semaphore_mem>>) src(%dma_wait3A_318 : memref<32002048xf32, #tpu.memory_space<hbm>>) dst(%dma_wait3A_314 : memref<512xf32, #tpu.memory_space<vmem>>)
    %dma_wait3A_319 = arith.constant 7 : i32
    %dma_wait3A_320 = arith.constant 0 : i32
    %dma_wait3A_321 = tpu.memref_slice %arg7[%dma_wait3A_319, %dma_wait3A_320] : memref<32x512xf32, #tpu.memory_space<vmem>> -> memref<1x512xf32, #tpu.memory_space<vmem>>
    %dma_wait3A_322 = tpu.memref_squeeze %dma_wait3A_321 : memref<1x512xf32, #tpu.memory_space<vmem>> -> memref<512xf32, #tpu.memory_space<vmem>>
    %dma_wait3A_323 = arith.constant 0 : i32
    %dma_wait3A_324 = tpu.memref_slice %arg3[%dma_wait3A_323] : memref<32002048xf32, #tpu.memory_space<hbm>> -> memref<32002048xf32, #tpu.memory_space<hbm>>
    %dma_wait3A_325 = arith.constant 0 : i32
    %dma_wait3A_326 = tpu.memref_slice %dma_wait3A_324[%dma_wait3A_325] : memref<32002048xf32, #tpu.memory_space<hbm>> -> memref<32002048xf32, #tpu.memory_space<hbm>>
    tpu.wait_indirect_dma semaphore(%arg8 : memref<!tpu.dma_semaphore, #tpu.memory_space<semaphore_mem>>) src(%dma_wait3A_326 : memref<32002048xf32, #tpu.memory_space<hbm>>) dst(%dma_wait3A_322 : memref<512xf32, #tpu.memory_space<vmem>>)
    %dma_wait3A_327 = arith.constant 8 : i32
    %dma_wait3A_328 = arith.constant 0 : i32
    %dma_wait3A_329 = tpu.memref_slice %arg7[%dma_wait3A_327, %dma_wait3A_328] : memref<32x512xf32, #tpu.memory_space<vmem>> -> memref<1x512xf32, #tpu.memory_space<vmem>>
    %dma_wait3A_330 = tpu.memref_squeeze %dma_wait3A_329 : memref<1x512xf32, #tpu.memory_space<vmem>> -> memref<512xf32, #tpu.memory_space<vmem>>
    %dma_wait3A_331 = arith.constant 0 : i32
    %dma_wait3A_332 = tpu.memref_slice %arg3[%dma_wait3A_331] : memref<32002048xf32, #tpu.memory_space<hbm>> -> memref<32002048xf32, #tpu.memory_space<hbm>>
    %dma_wait3A_333 = arith.constant 0 : i32
    %dma_wait3A_334 = tpu.memref_slice %dma_wait3A_332[%dma_wait3A_333] : memref<32002048xf32, #tpu.memory_space<hbm>> -> memref<32002048xf32, #tpu.memory_space<hbm>>
    tpu.wait_indirect_dma semaphore(%arg8 : memref<!tpu.dma_semaphore, #tpu.memory_space<semaphore_mem>>) src(%dma_wait3A_334 : memref<32002048xf32, #tpu.memory_space<hbm>>) dst(%dma_wait3A_330 : memref<512xf32, #tpu.memory_space<vmem>>)
    %dma_wait3A_335 = arith.constant 9 : i32
    %dma_wait3A_336 = arith.constant 0 : i32
    %dma_wait3A_337 = tpu.memref_slice %arg7[%dma_wait3A_335, %dma_wait3A_336] : memref<32x512xf32, #tpu.memory_space<vmem>> -> memref<1x512xf32, #tpu.memory_space<vmem>>
    %dma_wait3A_338 = tpu.memref_squeeze %dma_wait3A_337 : memref<1x512xf32, #tpu.memory_space<vmem>> -> memref<512xf32, #tpu.memory_space<vmem>>
    %dma_wait3A_339 = arith.constant 0 : i32
    %dma_wait3A_340 = tpu.memref_slice %arg3[%dma_wait3A_339] : memref<32002048xf32, #tpu.memory_space<hbm>> -> memref<32002048xf32, #tpu.memory_space<hbm>>
    %dma_wait3A_341 = arith.constant 0 : i32
    %dma_wait3A_342 = tpu.memref_slice %dma_wait3A_340[%dma_wait3A_341] : memref<32002048xf32, #tpu.memory_space<hbm>> -> memref<32002048xf32, #tpu.memory_space<hbm>>
    tpu.wait_indirect_dma semaphore(%arg8 : memref<!tpu.dma_semaphore, #tpu.memory_space<semaphore_mem>>) src(%dma_wait3A_342 : memref<32002048xf32, #tpu.memory_space<hbm>>) dst(%dma_wait3A_338 : memref<512xf32, #tpu.memory_space<vmem>>)
    %dma_wait3A_343 = arith.constant 10 : i32
    %dma_wait3A_344 = arith.constant 0 : i32
    %dma_wait3A_345 = tpu.memref_slice %arg7[%dma_wait3A_343, %dma_wait3A_344] : memref<32x512xf32, #tpu.memory_space<vmem>> -> memref<1x512xf32, #tpu.memory_space<vmem>>
    %dma_wait3A_346 = tpu.memref_squeeze %dma_wait3A_345 : memref<1x512xf32, #tpu.memory_space<vmem>> -> memref<512xf32, #tpu.memory_space<vmem>>
    %dma_wait3A_347 = arith.constant 0 : i32
    %dma_wait3A_348 = tpu.memref_slice %arg3[%dma_wait3A_347] : memref<32002048xf32, #tpu.memory_space<hbm>> -> memref<32002048xf32, #tpu.memory_space<hbm>>
    %dma_wait3A_349 = arith.constant 0 : i32
    %dma_wait3A_350 = tpu.memref_slice %dma_wait3A_348[%dma_wait3A_349] : memref<32002048xf32, #tpu.memory_space<hbm>> -> memref<32002048xf32, #tpu.memory_space<hbm>>
    tpu.wait_indirect_dma semaphore(%arg8 : memref<!tpu.dma_semaphore, #tpu.memory_space<semaphore_mem>>) src(%dma_wait3A_350 : memref<32002048xf32, #tpu.memory_space<hbm>>) dst(%dma_wait3A_346 : memref<512xf32, #tpu.memory_space<vmem>>)
    %dma_wait3A_351 = arith.constant 11 : i32
    %dma_wait3A_352 = arith.constant 0 : i32
    %dma_wait3A_353 = tpu.memref_slice %arg7[%dma_wait3A_351, %dma_wait3A_352] : memref<32x512xf32, #tpu.memory_space<vmem>> -> memref<1x512xf32, #tpu.memory_space<vmem>>
    %dma_wait3A_354 = tpu.memref_squeeze %dma_wait3A_353 : memref<1x512xf32, #tpu.memory_space<vmem>> -> memref<512xf32, #tpu.memory_space<vmem>>
    %dma_wait3A_355 = arith.constant 0 : i32
    %dma_wait3A_356 = tpu.memref_slice %arg3[%dma_wait3A_355] : memref<32002048xf32, #tpu.memory_space<hbm>> -> memref<32002048xf32, #tpu.memory_space<hbm>>
    %dma_wait3A_357 = arith.constant 0 : i32
    %dma_wait3A_358 = tpu.memref_slice %dma_wait3A_356[%dma_wait3A_357] : memref<32002048xf32, #tpu.memory_space<hbm>> -> memref<32002048xf32, #tpu.memory_space<hbm>>
    tpu.wait_indirect_dma semaphore(%arg8 : memref<!tpu.dma_semaphore, #tpu.memory_space<semaphore_mem>>) src(%dma_wait3A_358 : memref<32002048xf32, #tpu.memory_space<hbm>>) dst(%dma_wait3A_354 : memref<512xf32, #tpu.memory_space<vmem>>)
    %dma_wait3A_359 = arith.constant 12 : i32
    %dma_wait3A_360 = arith.constant 0 : i32
    %dma_wait3A_361 = tpu.memref_slice %arg7[%dma_wait3A_359, %dma_wait3A_360] : memref<32x512xf32, #tpu.memory_space<vmem>> -> memref<1x512xf32, #tpu.memory_space<vmem>>
    %dma_wait3A_362 = tpu.memref_squeeze %dma_wait3A_361 : memref<1x512xf32, #tpu.memory_space<vmem>> -> memref<512xf32, #tpu.memory_space<vmem>>
    %dma_wait3A_363 = arith.constant 0 : i32
    %dma_wait3A_364 = tpu.memref_slice %arg3[%dma_wait3A_363] : memref<32002048xf32, #tpu.memory_space<hbm>> -> memref<32002048xf32, #tpu.memory_space<hbm>>
    %dma_wait3A_365 = arith.constant 0 : i32
    %dma_wait3A_366 = tpu.memref_slice %dma_wait3A_364[%dma_wait3A_365] : memref<32002048xf32, #tpu.memory_space<hbm>> -> memref<32002048xf32, #tpu.memory_space<hbm>>
    tpu.wait_indirect_dma semaphore(%arg8 : memref<!tpu.dma_semaphore, #tpu.memory_space<semaphore_mem>>) src(%dma_wait3A_366 : memref<32002048xf32, #tpu.memory_space<hbm>>) dst(%dma_wait3A_362 : memref<512xf32, #tpu.memory_space<vmem>>)
    %dma_wait3A_367 = arith.constant 13 : i32
    %dma_wait3A_368 = arith.constant 0 : i32
    %dma_wait3A_369 = tpu.memref_slice %arg7[%dma_wait3A_367, %dma_wait3A_368] : memref<32x512xf32, #tpu.memory_space<vmem>> -> memref<1x512xf32, #tpu.memory_space<vmem>>
    %dma_wait3A_370 = tpu.memref_squeeze %dma_wait3A_369 : memref<1x512xf32, #tpu.memory_space<vmem>> -> memref<512xf32, #tpu.memory_space<vmem>>
    %dma_wait3A_371 = arith.constant 0 : i32
    %dma_wait3A_372 = tpu.memref_slice %arg3[%dma_wait3A_371] : memref<32002048xf32, #tpu.memory_space<hbm>> -> memref<32002048xf32, #tpu.memory_space<hbm>>
    %dma_wait3A_373 = arith.constant 0 : i32
    %dma_wait3A_374 = tpu.memref_slice %dma_wait3A_372[%dma_wait3A_373] : memref<32002048xf32, #tpu.memory_space<hbm>> -> memref<32002048xf32, #tpu.memory_space<hbm>>
    tpu.wait_indirect_dma semaphore(%arg8 : memref<!tpu.dma_semaphore, #tpu.memory_space<semaphore_mem>>) src(%dma_wait3A_374 : memref<32002048xf32, #tpu.memory_space<hbm>>) dst(%dma_wait3A_370 : memref<512xf32, #tpu.memory_space<vmem>>)
    %dma_wait3A_375 = arith.constant 14 : i32
    %dma_wait3A_376 = arith.constant 0 : i32
    %dma_wait3A_377 = tpu.memref_slice %arg7[%dma_wait3A_375, %dma_wait3A_376] : memref<32x512xf32, #tpu.memory_space<vmem>> -> memref<1x512xf32, #tpu.memory_space<vmem>>
    %dma_wait3A_378 = tpu.memref_squeeze %dma_wait3A_377 : memref<1x512xf32, #tpu.memory_space<vmem>> -> memref<512xf32, #tpu.memory_space<vmem>>
    %dma_wait3A_379 = arith.constant 0 : i32
    %dma_wait3A_380 = tpu.memref_slice %arg3[%dma_wait3A_379] : memref<32002048xf32, #tpu.memory_space<hbm>> -> memref<32002048xf32, #tpu.memory_space<hbm>>
    %dma_wait3A_381 = arith.constant 0 : i32
    %dma_wait3A_382 = tpu.memref_slice %dma_wait3A_380[%dma_wait3A_381] : memref<32002048xf32, #tpu.memory_space<hbm>> -> memref<32002048xf32, #tpu.memory_space<hbm>>
    tpu.wait_indirect_dma semaphore(%arg8 : memref<!tpu.dma_semaphore, #tpu.memory_space<semaphore_mem>>) src(%dma_wait3A_382 : memref<32002048xf32, #tpu.memory_space<hbm>>) dst(%dma_wait3A_378 : memref<512xf32, #tpu.memory_space<vmem>>)
    %dma_wait3A_383 = arith.constant 15 : i32
    %dma_wait3A_384 = arith.constant 0 : i32
    %dma_wait3A_385 = tpu.memref_slice %arg7[%dma_wait3A_383, %dma_wait3A_384] : memref<32x512xf32, #tpu.memory_space<vmem>> -> memref<1x512xf32, #tpu.memory_space<vmem>>
    %dma_wait3A_386 = tpu.memref_squeeze %dma_wait3A_385 : memref<1x512xf32, #tpu.memory_space<vmem>> -> memref<512xf32, #tpu.memory_space<vmem>>
    %dma_wait3A_387 = arith.constant 0 : i32
    %dma_wait3A_388 = tpu.memref_slice %arg3[%dma_wait3A_387] : memref<32002048xf32, #tpu.memory_space<hbm>> -> memref<32002048xf32, #tpu.memory_space<hbm>>
    %dma_wait3A_389 = arith.constant 0 : i32
    %dma_wait3A_390 = tpu.memref_slice %dma_wait3A_388[%dma_wait3A_389] : memref<32002048xf32, #tpu.memory_space<hbm>> -> memref<32002048xf32, #tpu.memory_space<hbm>>
    tpu.wait_indirect_dma semaphore(%arg8 : memref<!tpu.dma_semaphore, #tpu.memory_space<semaphore_mem>>) src(%dma_wait3A_390 : memref<32002048xf32, #tpu.memory_space<hbm>>) dst(%dma_wait3A_386 : memref<512xf32, #tpu.memory_space<vmem>>)
    %dma_wait3A_391 = arith.constant 16 : i32
    %dma_wait3A_392 = arith.constant 0 : i32
    %dma_wait3A_393 = tpu.memref_slice %arg7[%dma_wait3A_391, %dma_wait3A_392] : memref<32x512xf32, #tpu.memory_space<vmem>> -> memref<1x512xf32, #tpu.memory_space<vmem>>
    %dma_wait3A_394 = tpu.memref_squeeze %dma_wait3A_393 : memref<1x512xf32, #tpu.memory_space<vmem>> -> memref<512xf32, #tpu.memory_space<vmem>>
    %dma_wait3A_395 = arith.constant 0 : i32
    %dma_wait3A_396 = tpu.memref_slice %arg3[%dma_wait3A_395] : memref<32002048xf32, #tpu.memory_space<hbm>> -> memref<32002048xf32, #tpu.memory_space<hbm>>
    %dma_wait3A_397 = arith.constant 0 : i32
    %dma_wait3A_398 = tpu.memref_slice %dma_wait3A_396[%dma_wait3A_397] : memref<32002048xf32, #tpu.memory_space<hbm>> -> memref<32002048xf32, #tpu.memory_space<hbm>>
    tpu.wait_indirect_dma semaphore(%arg8 : memref<!tpu.dma_semaphore, #tpu.memory_space<semaphore_mem>>) src(%dma_wait3A_398 : memref<32002048xf32, #tpu.memory_space<hbm>>) dst(%dma_wait3A_394 : memref<512xf32, #tpu.memory_space<vmem>>)
    %dma_wait3A_399 = arith.constant 17 : i32
    %dma_wait3A_400 = arith.constant 0 : i32
    %dma_wait3A_401 = tpu.memref_slice %arg7[%dma_wait3A_399, %dma_wait3A_400] : memref<32x512xf32, #tpu.memory_space<vmem>> -> memref<1x512xf32, #tpu.memory_space<vmem>>
    %dma_wait3A_402 = tpu.memref_squeeze %dma_wait3A_401 : memref<1x512xf32, #tpu.memory_space<vmem>> -> memref<512xf32, #tpu.memory_space<vmem>>
    %dma_wait3A_403 = arith.constant 0 : i32
    %dma_wait3A_404 = tpu.memref_slice %arg3[%dma_wait3A_403] : memref<32002048xf32, #tpu.memory_space<hbm>> -> memref<32002048xf32, #tpu.memory_space<hbm>>
    %dma_wait3A_405 = arith.constant 0 : i32
    %dma_wait3A_406 = tpu.memref_slice %dma_wait3A_404[%dma_wait3A_405] : memref<32002048xf32, #tpu.memory_space<hbm>> -> memref<32002048xf32, #tpu.memory_space<hbm>>
    tpu.wait_indirect_dma semaphore(%arg8 : memref<!tpu.dma_semaphore, #tpu.memory_space<semaphore_mem>>) src(%dma_wait3A_406 : memref<32002048xf32, #tpu.memory_space<hbm>>) dst(%dma_wait3A_402 : memref<512xf32, #tpu.memory_space<vmem>>)
    %dma_wait3A_407 = arith.constant 18 : i32
    %dma_wait3A_408 = arith.constant 0 : i32
    %dma_wait3A_409 = tpu.memref_slice %arg7[%dma_wait3A_407, %dma_wait3A_408] : memref<32x512xf32, #tpu.memory_space<vmem>> -> memref<1x512xf32, #tpu.memory_space<vmem>>
    %dma_wait3A_410 = tpu.memref_squeeze %dma_wait3A_409 : memref<1x512xf32, #tpu.memory_space<vmem>> -> memref<512xf32, #tpu.memory_space<vmem>>
    %dma_wait3A_411 = arith.constant 0 : i32
    %dma_wait3A_412 = tpu.memref_slice %arg3[%dma_wait3A_411] : memref<32002048xf32, #tpu.memory_space<hbm>> -> memref<32002048xf32, #tpu.memory_space<hbm>>
    %dma_wait3A_413 = arith.constant 0 : i32
    %dma_wait3A_414 = tpu.memref_slice %dma_wait3A_412[%dma_wait3A_413] : memref<32002048xf32, #tpu.memory_space<hbm>> -> memref<32002048xf32, #tpu.memory_space<hbm>>
    tpu.wait_indirect_dma semaphore(%arg8 : memref<!tpu.dma_semaphore, #tpu.memory_space<semaphore_mem>>) src(%dma_wait3A_414 : memref<32002048xf32, #tpu.memory_space<hbm>>) dst(%dma_wait3A_410 : memref<512xf32, #tpu.memory_space<vmem>>)
    %dma_wait3A_415 = arith.constant 19 : i32
    %dma_wait3A_416 = arith.constant 0 : i32
    %dma_wait3A_417 = tpu.memref_slice %arg7[%dma_wait3A_415, %dma_wait3A_416] : memref<32x512xf32, #tpu.memory_space<vmem>> -> memref<1x512xf32, #tpu.memory_space<vmem>>
    %dma_wait3A_418 = tpu.memref_squeeze %dma_wait3A_417 : memref<1x512xf32, #tpu.memory_space<vmem>> -> memref<512xf32, #tpu.memory_space<vmem>>
    %dma_wait3A_419 = arith.constant 0 : i32
    %dma_wait3A_420 = tpu.memref_slice %arg3[%dma_wait3A_419] : memref<32002048xf32, #tpu.memory_space<hbm>> -> memref<32002048xf32, #tpu.memory_space<hbm>>
    %dma_wait3A_421 = arith.constant 0 : i32
    %dma_wait3A_422 = tpu.memref_slice %dma_wait3A_420[%dma_wait3A_421] : memref<32002048xf32, #tpu.memory_space<hbm>> -> memref<32002048xf32, #tpu.memory_space<hbm>>
    tpu.wait_indirect_dma semaphore(%arg8 : memref<!tpu.dma_semaphore, #tpu.memory_space<semaphore_mem>>) src(%dma_wait3A_422 : memref<32002048xf32, #tpu.memory_space<hbm>>) dst(%dma_wait3A_418 : memref<512xf32, #tpu.memory_space<vmem>>)
    %dma_wait3A_423 = arith.constant 20 : i32
    %dma_wait3A_424 = arith.constant 0 : i32
    %dma_wait3A_425 = tpu.memref_slice %arg7[%dma_wait3A_423, %dma_wait3A_424] : memref<32x512xf32, #tpu.memory_space<vmem>> -> memref<1x512xf32, #tpu.memory_space<vmem>>
    %dma_wait3A_426 = tpu.memref_squeeze %dma_wait3A_425 : memref<1x512xf32, #tpu.memory_space<vmem>> -> memref<512xf32, #tpu.memory_space<vmem>>
    %dma_wait3A_427 = arith.constant 0 : i32
    %dma_wait3A_428 = tpu.memref_slice %arg3[%dma_wait3A_427] : memref<32002048xf32, #tpu.memory_space<hbm>> -> memref<32002048xf32, #tpu.memory_space<hbm>>
    %dma_wait3A_429 = arith.constant 0 : i32
    %dma_wait3A_430 = tpu.memref_slice %dma_wait3A_428[%dma_wait3A_429] : memref<32002048xf32, #tpu.memory_space<hbm>> -> memref<32002048xf32, #tpu.memory_space<hbm>>
    tpu.wait_indirect_dma semaphore(%arg8 : memref<!tpu.dma_semaphore, #tpu.memory_space<semaphore_mem>>) src(%dma_wait3A_430 : memref<32002048xf32, #tpu.memory_space<hbm>>) dst(%dma_wait3A_426 : memref<512xf32, #tpu.memory_space<vmem>>)
    %dma_wait3A_431 = arith.constant 21 : i32
    %dma_wait3A_432 = arith.constant 0 : i32
    %dma_wait3A_433 = tpu.memref_slice %arg7[%dma_wait3A_431, %dma_wait3A_432] : memref<32x512xf32, #tpu.memory_space<vmem>> -> memref<1x512xf32, #tpu.memory_space<vmem>>
    %dma_wait3A_434 = tpu.memref_squeeze %dma_wait3A_433 : memref<1x512xf32, #tpu.memory_space<vmem>> -> memref<512xf32, #tpu.memory_space<vmem>>
    %dma_wait3A_435 = arith.constant 0 : i32
    %dma_wait3A_436 = tpu.memref_slice %arg3[%dma_wait3A_435] : memref<32002048xf32, #tpu.memory_space<hbm>> -> memref<32002048xf32, #tpu.memory_space<hbm>>
    %dma_wait3A_437 = arith.constant 0 : i32
    %dma_wait3A_438 = tpu.memref_slice %dma_wait3A_436[%dma_wait3A_437] : memref<32002048xf32, #tpu.memory_space<hbm>> -> memref<32002048xf32, #tpu.memory_space<hbm>>
    tpu.wait_indirect_dma semaphore(%arg8 : memref<!tpu.dma_semaphore, #tpu.memory_space<semaphore_mem>>) src(%dma_wait3A_438 : memref<32002048xf32, #tpu.memory_space<hbm>>) dst(%dma_wait3A_434 : memref<512xf32, #tpu.memory_space<vmem>>)
    %dma_wait3A_439 = arith.constant 22 : i32
    %dma_wait3A_440 = arith.constant 0 : i32
    %dma_wait3A_441 = tpu.memref_slice %arg7[%dma_wait3A_439, %dma_wait3A_440] : memref<32x512xf32, #tpu.memory_space<vmem>> -> memref<1x512xf32, #tpu.memory_space<vmem>>
    %dma_wait3A_442 = tpu.memref_squeeze %dma_wait3A_441 : memref<1x512xf32, #tpu.memory_space<vmem>> -> memref<512xf32, #tpu.memory_space<vmem>>
    %dma_wait3A_443 = arith.constant 0 : i32
    %dma_wait3A_444 = tpu.memref_slice %arg3[%dma_wait3A_443] : memref<32002048xf32, #tpu.memory_space<hbm>> -> memref<32002048xf32, #tpu.memory_space<hbm>>
    %dma_wait3A_445 = arith.constant 0 : i32
    %dma_wait3A_446 = tpu.memref_slice %dma_wait3A_444[%dma_wait3A_445] : memref<32002048xf32, #tpu.memory_space<hbm>> -> memref<32002048xf32, #tpu.memory_space<hbm>>
    tpu.wait_indirect_dma semaphore(%arg8 : memref<!tpu.dma_semaphore, #tpu.memory_space<semaphore_mem>>) src(%dma_wait3A_446 : memref<32002048xf32, #tpu.memory_space<hbm>>) dst(%dma_wait3A_442 : memref<512xf32, #tpu.memory_space<vmem>>)
    %dma_wait3A_447 = arith.constant 23 : i32
    %dma_wait3A_448 = arith.constant 0 : i32
    %dma_wait3A_449 = tpu.memref_slice %arg7[%dma_wait3A_447, %dma_wait3A_448] : memref<32x512xf32, #tpu.memory_space<vmem>> -> memref<1x512xf32, #tpu.memory_space<vmem>>
    %dma_wait3A_450 = tpu.memref_squeeze %dma_wait3A_449 : memref<1x512xf32, #tpu.memory_space<vmem>> -> memref<512xf32, #tpu.memory_space<vmem>>
    %dma_wait3A_451 = arith.constant 0 : i32
    %dma_wait3A_452 = tpu.memref_slice %arg3[%dma_wait3A_451] : memref<32002048xf32, #tpu.memory_space<hbm>> -> memref<32002048xf32, #tpu.memory_space<hbm>>
    %dma_wait3A_453 = arith.constant 0 : i32
    %dma_wait3A_454 = tpu.memref_slice %dma_wait3A_452[%dma_wait3A_453] : memref<32002048xf32, #tpu.memory_space<hbm>> -> memref<32002048xf32, #tpu.memory_space<hbm>>
    tpu.wait_indirect_dma semaphore(%arg8 : memref<!tpu.dma_semaphore, #tpu.memory_space<semaphore_mem>>) src(%dma_wait3A_454 : memref<32002048xf32, #tpu.memory_space<hbm>>) dst(%dma_wait3A_450 : memref<512xf32, #tpu.memory_space<vmem>>)
    %dma_wait3A_455 = arith.constant 24 : i32
    %dma_wait3A_456 = arith.constant 0 : i32
    %dma_wait3A_457 = tpu.memref_slice %arg7[%dma_wait3A_455, %dma_wait3A_456] : memref<32x512xf32, #tpu.memory_space<vmem>> -> memref<1x512xf32, #tpu.memory_space<vmem>>
    %dma_wait3A_458 = tpu.memref_squeeze %dma_wait3A_457 : memref<1x512xf32, #tpu.memory_space<vmem>> -> memref<512xf32, #tpu.memory_space<vmem>>
    %dma_wait3A_459 = arith.constant 0 : i32
    %dma_wait3A_460 = tpu.memref_slice %arg3[%dma_wait3A_459] : memref<32002048xf32, #tpu.memory_space<hbm>> -> memref<32002048xf32, #tpu.memory_space<hbm>>
    %dma_wait3A_461 = arith.constant 0 : i32
    %dma_wait3A_462 = tpu.memref_slice %dma_wait3A_460[%dma_wait3A_461] : memref<32002048xf32, #tpu.memory_space<hbm>> -> memref<32002048xf32, #tpu.memory_space<hbm>>
    tpu.wait_indirect_dma semaphore(%arg8 : memref<!tpu.dma_semaphore, #tpu.memory_space<semaphore_mem>>) src(%dma_wait3A_462 : memref<32002048xf32, #tpu.memory_space<hbm>>) dst(%dma_wait3A_458 : memref<512xf32, #tpu.memory_space<vmem>>)
    %dma_wait3A_463 = arith.constant 25 : i32
    %dma_wait3A_464 = arith.constant 0 : i32
    %dma_wait3A_465 = tpu.memref_slice %arg7[%dma_wait3A_463, %dma_wait3A_464] : memref<32x512xf32, #tpu.memory_space<vmem>> -> memref<1x512xf32, #tpu.memory_space<vmem>>
    %dma_wait3A_466 = tpu.memref_squeeze %dma_wait3A_465 : memref<1x512xf32, #tpu.memory_space<vmem>> -> memref<512xf32, #tpu.memory_space<vmem>>
    %dma_wait3A_467 = arith.constant 0 : i32
    %dma_wait3A_468 = tpu.memref_slice %arg3[%dma_wait3A_467] : memref<32002048xf32, #tpu.memory_space<hbm>> -> memref<32002048xf32, #tpu.memory_space<hbm>>
    %dma_wait3A_469 = arith.constant 0 : i32
    %dma_wait3A_470 = tpu.memref_slice %dma_wait3A_468[%dma_wait3A_469] : memref<32002048xf32, #tpu.memory_space<hbm>> -> memref<32002048xf32, #tpu.memory_space<hbm>>
    tpu.wait_indirect_dma semaphore(%arg8 : memref<!tpu.dma_semaphore, #tpu.memory_space<semaphore_mem>>) src(%dma_wait3A_470 : memref<32002048xf32, #tpu.memory_space<hbm>>) dst(%dma_wait3A_466 : memref<512xf32, #tpu.memory_space<vmem>>)
    %dma_wait3A_471 = arith.constant 26 : i32
    %dma_wait3A_472 = arith.constant 0 : i32
    %dma_wait3A_473 = tpu.memref_slice %arg7[%dma_wait3A_471, %dma_wait3A_472] : memref<32x512xf32, #tpu.memory_space<vmem>> -> memref<1x512xf32, #tpu.memory_space<vmem>>
    %dma_wait3A_474 = tpu.memref_squeeze %dma_wait3A_473 : memref<1x512xf32, #tpu.memory_space<vmem>> -> memref<512xf32, #tpu.memory_space<vmem>>
    %dma_wait3A_475 = arith.constant 0 : i32
    %dma_wait3A_476 = tpu.memref_slice %arg3[%dma_wait3A_475] : memref<32002048xf32, #tpu.memory_space<hbm>> -> memref<32002048xf32, #tpu.memory_space<hbm>>
    %dma_wait3A_477 = arith.constant 0 : i32
    %dma_wait3A_478 = tpu.memref_slice %dma_wait3A_476[%dma_wait3A_477] : memref<32002048xf32, #tpu.memory_space<hbm>> -> memref<32002048xf32, #tpu.memory_space<hbm>>
    tpu.wait_indirect_dma semaphore(%arg8 : memref<!tpu.dma_semaphore, #tpu.memory_space<semaphore_mem>>) src(%dma_wait3A_478 : memref<32002048xf32, #tpu.memory_space<hbm>>) dst(%dma_wait3A_474 : memref<512xf32, #tpu.memory_space<vmem>>)
    %dma_wait3A_479 = arith.constant 27 : i32
    %dma_wait3A_480 = arith.constant 0 : i32
    %dma_wait3A_481 = tpu.memref_slice %arg7[%dma_wait3A_479, %dma_wait3A_480] : memref<32x512xf32, #tpu.memory_space<vmem>> -> memref<1x512xf32, #tpu.memory_space<vmem>>
    %dma_wait3A_482 = tpu.memref_squeeze %dma_wait3A_481 : memref<1x512xf32, #tpu.memory_space<vmem>> -> memref<512xf32, #tpu.memory_space<vmem>>
    %dma_wait3A_483 = arith.constant 0 : i32
    %dma_wait3A_484 = tpu.memref_slice %arg3[%dma_wait3A_483] : memref<32002048xf32, #tpu.memory_space<hbm>> -> memref<32002048xf32, #tpu.memory_space<hbm>>
    %dma_wait3A_485 = arith.constant 0 : i32
    %dma_wait3A_486 = tpu.memref_slice %dma_wait3A_484[%dma_wait3A_485] : memref<32002048xf32, #tpu.memory_space<hbm>> -> memref<32002048xf32, #tpu.memory_space<hbm>>
    tpu.wait_indirect_dma semaphore(%arg8 : memref<!tpu.dma_semaphore, #tpu.memory_space<semaphore_mem>>) src(%dma_wait3A_486 : memref<32002048xf32, #tpu.memory_space<hbm>>) dst(%dma_wait3A_482 : memref<512xf32, #tpu.memory_space<vmem>>)
    %dma_wait3A_487 = arith.constant 28 : i32
    %dma_wait3A_488 = arith.constant 0 : i32
    %dma_wait3A_489 = tpu.memref_slice %arg7[%dma_wait3A_487, %dma_wait3A_488] : memref<32x512xf32, #tpu.memory_space<vmem>> -> memref<1x512xf32, #tpu.memory_space<vmem>>
    %dma_wait3A_490 = tpu.memref_squeeze %dma_wait3A_489 : memref<1x512xf32, #tpu.memory_space<vmem>> -> memref<512xf32, #tpu.memory_space<vmem>>
    %dma_wait3A_491 = arith.constant 0 : i32
    %dma_wait3A_492 = tpu.memref_slice %arg3[%dma_wait3A_491] : memref<32002048xf32, #tpu.memory_space<hbm>> -> memref<32002048xf32, #tpu.memory_space<hbm>>
    %dma_wait3A_493 = arith.constant 0 : i32
    %dma_wait3A_494 = tpu.memref_slice %dma_wait3A_492[%dma_wait3A_493] : memref<32002048xf32, #tpu.memory_space<hbm>> -> memref<32002048xf32, #tpu.memory_space<hbm>>
    tpu.wait_indirect_dma semaphore(%arg8 : memref<!tpu.dma_semaphore, #tpu.memory_space<semaphore_mem>>) src(%dma_wait3A_494 : memref<32002048xf32, #tpu.memory_space<hbm>>) dst(%dma_wait3A_490 : memref<512xf32, #tpu.memory_space<vmem>>)
    %dma_wait3A_495 = arith.constant 29 : i32
    %dma_wait3A_496 = arith.constant 0 : i32
    %dma_wait3A_497 = tpu.memref_slice %arg7[%dma_wait3A_495, %dma_wait3A_496] : memref<32x512xf32, #tpu.memory_space<vmem>> -> memref<1x512xf32, #tpu.memory_space<vmem>>
    %dma_wait3A_498 = tpu.memref_squeeze %dma_wait3A_497 : memref<1x512xf32, #tpu.memory_space<vmem>> -> memref<512xf32, #tpu.memory_space<vmem>>
    %dma_wait3A_499 = arith.constant 0 : i32
    %dma_wait3A_500 = tpu.memref_slice %arg3[%dma_wait3A_499] : memref<32002048xf32, #tpu.memory_space<hbm>> -> memref<32002048xf32, #tpu.memory_space<hbm>>
    %dma_wait3A_501 = arith.constant 0 : i32
    %dma_wait3A_502 = tpu.memref_slice %dma_wait3A_500[%dma_wait3A_501] : memref<32002048xf32, #tpu.memory_space<hbm>> -> memref<32002048xf32, #tpu.memory_space<hbm>>
    tpu.wait_indirect_dma semaphore(%arg8 : memref<!tpu.dma_semaphore, #tpu.memory_space<semaphore_mem>>) src(%dma_wait3A_502 : memref<32002048xf32, #tpu.memory_space<hbm>>) dst(%dma_wait3A_498 : memref<512xf32, #tpu.memory_space<vmem>>)
    %dma_wait3A_503 = arith.constant 30 : i32
    %dma_wait3A_504 = arith.constant 0 : i32
    %dma_wait3A_505 = tpu.memref_slice %arg7[%dma_wait3A_503, %dma_wait3A_504] : memref<32x512xf32, #tpu.memory_space<vmem>> -> memref<1x512xf32, #tpu.memory_space<vmem>>
    %dma_wait3A_506 = tpu.memref_squeeze %dma_wait3A_505 : memref<1x512xf32, #tpu.memory_space<vmem>> -> memref<512xf32, #tpu.memory_space<vmem>>
    %dma_wait3A_507 = arith.constant 0 : i32
    %dma_wait3A_508 = tpu.memref_slice %arg3[%dma_wait3A_507] : memref<32002048xf32, #tpu.memory_space<hbm>> -> memref<32002048xf32, #tpu.memory_space<hbm>>
    %dma_wait3A_509 = arith.constant 0 : i32
    %dma_wait3A_510 = tpu.memref_slice %dma_wait3A_508[%dma_wait3A_509] : memref<32002048xf32, #tpu.memory_space<hbm>> -> memref<32002048xf32, #tpu.memory_space<hbm>>
    tpu.wait_indirect_dma semaphore(%arg8 : memref<!tpu.dma_semaphore, #tpu.memory_space<semaphore_mem>>) src(%dma_wait3A_510 : memref<32002048xf32, #tpu.memory_space<hbm>>) dst(%dma_wait3A_506 : memref<512xf32, #tpu.memory_space<vmem>>)
    %dma_wait3A_511 = arith.constant 31 : i32
    %dma_wait3A_512 = arith.constant 0 : i32
    %dma_wait3A_513 = tpu.memref_slice %arg7[%dma_wait3A_511, %dma_wait3A_512] : memref<32x512xf32, #tpu.memory_space<vmem>> -> memref<1x512xf32, #tpu.memory_space<vmem>>
    %dma_wait3A_514 = tpu.memref_squeeze %dma_wait3A_513 : memref<1x512xf32, #tpu.memory_space<vmem>> -> memref<512xf32, #tpu.memory_space<vmem>>
    %dma_wait3A_515 = arith.constant 0 : i32
    %dma_wait3A_516 = tpu.memref_slice %arg3[%dma_wait3A_515] : memref<32002048xf32, #tpu.memory_space<hbm>> -> memref<32002048xf32, #tpu.memory_space<hbm>>
    %dma_wait3A_517 = arith.constant 0 : i32
    %dma_wait3A_518 = tpu.memref_slice %dma_wait3A_516[%dma_wait3A_517] : memref<32002048xf32, #tpu.memory_space<hbm>> -> memref<32002048xf32, #tpu.memory_space<hbm>>
    tpu.wait_indirect_dma semaphore(%arg8 : memref<!tpu.dma_semaphore, #tpu.memory_space<semaphore_mem>>) src(%dma_wait3A_518 : memref<32002048xf32, #tpu.memory_space<hbm>>) dst(%dma_wait3A_514 : memref<512xf32, #tpu.memory_space<vmem>>)
    "tpu.region"() ({
      %run_scoped3A = tpu.sem_alloc : memref<!tpu.dma_semaphore, #tpu.memory_space<semaphore_mem>>
      %dma_start3A_519 = arith.constant 0 : i32
      %dma_start3A_520 = tpu.memref_slice %arg4[%dma_start3A_519, %mul3A_2] : memref<32x16384xf32, #tpu.memory_space<hbm>> -> memref<32x512xf32, #tpu.memory_space<hbm>>
      %dma_start3A_521 = arith.constant 0 : i32
      %dma_start3A_522 = tpu.memref_slice %arg4[%dma_start3A_521, %mul3A_2] : memref<32x16384xf32, #tpu.memory_space<hbm>> -> memref<32x512xf32, #tpu.memory_space<hbm>>
      tpu.enqueue_dma source(%arg7 : memref<32x512xf32, #tpu.memory_space<vmem>>) target(%dma_start3A_522 : memref<32x512xf32, #tpu.memory_space<hbm>>) target_semaphore(%run_scoped3A : memref<!tpu.dma_semaphore, #tpu.memory_space<semaphore_mem>>)
      %dma_wait3A_523 = arith.constant 0 : i32
      %dma_wait3A_524 = tpu.memref_slice %arg4[%dma_wait3A_523, %mul3A_2] : memref<32x16384xf32, #tpu.memory_space<hbm>> -> memref<32x512xf32, #tpu.memory_space<hbm>>
      %dma_wait3A_525 = arith.constant 0 : i32
      %dma_wait3A_526 = tpu.memref_slice %arg4[%dma_wait3A_525, %mul3A_2] : memref<32x16384xf32, #tpu.memory_space<hbm>> -> memref<32x512xf32, #tpu.memory_space<hbm>>
      tpu.wait_dma2 semaphore(%run_scoped3A : memref<!tpu.dma_semaphore, #tpu.memory_space<semaphore_mem>>) src(%arg7 : memref<32x512xf32, #tpu.memory_space<vmem>>) dst(%dma_wait3A_526 : memref<32x512xf32, #tpu.memory_space<hbm>>)
      tpu.yield
    }) : () -> ()
    return
  }
}

</mosaic_0001>

<sc_bundles>
// kernel: kernel.4.cloned.1.call-start
scs
__scs_entry_jumppad:
0x0: {  	(pc) =	sbr.rel $0x88, $3  }
0x1: {  	(tag) =	ssettag $0x0;
	lr =	simm.s32 $0x1  }
0x2: {  	[smem:$0x3F9F] =	sst lr;
	_ =	strace $0xD0000000  }
0x3: {  	_ = 	snop  }
0x4: {  	_ = 	snop  }
0x5: {  	_ = 	snop  }
0x6: {  	_ = 	snop  }
0x7: {  	_ = 	snop  }
__scs_overlays_trampoline_lowered:
0x8: {  	[smem:$0x3FAE] =	sst s0  }
0x9: {  	[smem:$0x3FAF] =	sst s1  }
0xa: {  	[smem:$0x3FB0] =	sst s2  }
0xb: {  	[smem:$0x3FB1] =	sst s3  }
0xc: {  	[smem:$0x3FB2] =	sst s4  }
0xd: {  	[smem:$0x3FB3] =	sst s5  }
0xe: {  	[smem:$0x3FB4] =	sst s6  }
0xf: {  	[smem:$0x3FB5] =	sst s7  }
0x10: {  	[smem:$0x3FB6] =	sst s8  }
0x11: {  	[smem:$0x3FB7] =	sst s9;
	s0 =	simm.s32 @!p0 $0x0  }
0x12: {  	s1 =	sld [smem:$0x3F9D];
	s0 =	simm.s32 @p0 $0x1  }
0x13: {  	[smem:$0x3FB8] =	sst s0;
	s0 =	simm.s32 @!p1 $0x0  }
0x14: {  	s2 =	sld [smem:$0x3F9C];
	s0 =	simm.s32 @p1 $0x1  }
0x15: {  	[smem:$0x3FB9] =	sst s0;
	s0 =	simm.s32 @!p2 $0x0  }
0x16: {  	s3 =	sld [smem:$0x3FDB];
	s0 =	simm.s32 @p2 $0x1  }
0x17: {  	s4 =	simm.s32 $0x1BF5;
	[smem:$0x3FBB] =	sst s0  }
0x18: {  	s0 =	sld [smem:$0x3F9E];
	_ =	swait.ge [sflag:s4], $0x0  }
0x19: {  	s7 =	sld [smem:$0x3F9F]  }
0x1a: {  	s8 =	sadd.s32 $0xFFFFE003, lr  }
0x1b: {  	s9 =	sadd.s32 $0xFFFFFEF7, lr;
	s5 =	simm.s32 $0xFFFFFFFF;
	p2 =	slt.u32 s8, $0xFFFFF086  }
0x1c: {  	p1 =	slt.u32 s9, $0xF7A;
	s5 =	simm.s32 @!p2 $0x0  }
0x1d: {  	s5 =	simm.s32 @p1 $0x1;
	p0 =	seq.s32 s7, s2  }
0x1e: {  	s7 =	smul.u32 @!p0 $0xF7A, s2;
	p2 =	seq.s32 @!p0 s5, $0x0  }
0x1f: {  	s9 =	smul.u32 $0xF7A, s1;
	s8 =	simm.s32 @!p0 $0x1BF5;
	p2 =	por !p2, p0  }
0x20: {  	[sflag:s8] =	ssyncset.s32 @!p0 $0xFFFFF086;
	s6 =	sadd.s32 @!p0 s3, s7;
	s7 =	simm.s32 @!p0 $0x108  }
0x21: {  	s3 =	sadd.s32 s3, s9;
	s6 =	sadd.s32 @!p0 $0x88, s6;
	s7 =	simm.s32 @p2 $0x1082  }
0x22: {  	[simem:s7], [sflag:s8] =	dma.local @!p0 [hbm:s6], $0xF7A  }
0x23: {  	s9 =	sor.u32 $0xD0000000, s2;
	s6 =	simm.s32 $0x108;
	_ =	swait.ge @!p0 [sflag:s8], $0x0  }
0x24: {  	s3 =	sadd.s32 $0x88, s3;
	s6 =	simm.s32 @!p1 $0x1082;
	[sflag:s4] =	ssyncset.s32 $0xFFFFF086  }
0x25: {  	[simem:s6], [sflag:s4] =	dma.local [hbm:s3], $0xF7A  }
0x26: {  	[smem:$0x3F9F] =	sst s1;
	(tag) =	ssettag s2;
	_ =	strace s9  }
0x27: {  	s1 =	sld [smem:$0x3FAF]  }
0x28: {  	s2 =	sld [smem:$0x3FB0]  }
0x29: {  	s4 =	sld [smem:$0x3FB2]  }
0x2a: {  	p0 =	seq.s32 s5, $0x0;
	s5 =	sld [smem:$0x3FB3]  }
0x2b: {  	s6 =	sld [smem:$0x3FB4]  }
0x2c: {  	s7 =	sld [smem:$0x3FB5]  }
0x2d: {  	s3 =	simm.s32 $0x108;
	s8 =	sld [smem:$0x3FB6]  }
0x2e: {  	s3 =	simm.s32 @!p0 $0x1082;
	s9 =	sld [smem:$0x3FB7]  }
0x2f: {  	lr =	sadd.s32 s0, s3;
	s0 =	sld [smem:$0x3FAE]  }
0x30: {  	s3 =	sld [smem:$0x3FB1]  }
0x31: {  	[smem:$0x3FBA] =	sst s10  }
0x32: {  	s10 =	sld [smem:$0x3FB8];
	_ =	sdelay $0x3  }
0x33: {  	p0 =	seq.s32 s10, $0x1;
	s10 =	sld [smem:$0x3FBA];
	_ =	sdelay $0x3  }
0x34: {  	[smem:$0x3FBA] =	sst s10  }
0x35: {  	s10 =	sld [smem:$0x3FB9];
	_ =	sdelay $0x3  }
0x36: {  	p1 =	seq.s32 s10, $0x1;
	s10 =	sld [smem:$0x3FBA];
	_ =	sdelay $0x3  }
0x37: {  	[smem:$0x3FBA] =	sst s10  }
0x38: {  	s10 =	sld [smem:$0x3FBB]  }
0x39: {  	_ = 	snop;
	(pc) =	sbr.ind lr, $3  }
0x3a: {  	_ = 	snop  }
0x3b: {  	_ = 	snop  }
0x3c: {  	p2 =	seq.s32 s10, $0x1;
	s10 =	sld [smem:$0x3FBA]  }
0x3d: {  	_ =	shalt  }
0x3e: {  	_ =	shalt  }
0x3f: {  	_ =	shalt  }
0x40: {  	_ =	shalt  }
0x41: {  	_ =	shalt  }
0x42: {  	_ =	shalt  }
0x43: {  	_ =	shalt  }
0x44: {  	_ =	shalt  }
0x45: {  	_ =	shalt  }
0x46: {  	_ =	shalt  }
0x47: {  	_ =	shalt  }
0x48: {  	_ =	shalt  }
0x49: {  	_ =	shalt  }
0x4a: {  	_ =	shalt  }
0x4b: {  	_ =	shalt  }
0x4c: {  	_ =	shalt  }
0x4d: {  	_ =	shalt  }
0x4e: {  	_ =	shalt  }
0x4f: {  	_ =	shalt  }
0x50: {  	_ =	shalt  }
0x51: {  	_ =	shalt  }
0x52: {  	_ =	shalt  }
0x53: {  	_ =	shalt  }
0x54: {  	_ =	shalt  }
0x55: {  	_ =	shalt  }
0x56: {  	_ =	shalt  }
0x57: {  	_ =	shalt  }
0x58: {  	_ =	shalt  }
0x59: {  	_ =	shalt  }
0x5a: {  	_ =	shalt  }
0x5b: {  	_ =	shalt  }
0x5c: {  	_ =	shalt  }
0x5d: {  	_ =	shalt  }
0x5e: {  	_ =	shalt  }
0x5f: {  	_ =	shalt  }
0x60: {  	_ =	shalt  }
0x61: {  	_ =	shalt  }
0x62: {  	_ =	shalt  }
0x63: {  	_ =	shalt  }
0x64: {  	_ =	shalt  }
0x65: {  	_ =	shalt  }
0x66: {  	_ =	shalt  }
0x67: {  	_ =	shalt  }
0x68: {  	_ =	shalt  }
0x69: {  	_ =	shalt  }
0x6a: {  	_ =	shalt  }
0x6b: {  	_ =	shalt  }
0x6c: {  	_ =	shalt  }
0x6d: {  	_ =	shalt  }
0x6e: {  	_ =	shalt  }
0x6f: {  	_ =	shalt  }
0x70: {  	_ =	shalt  }
0x71: {  	_ =	shalt  }
0x72: {  	_ =	shalt  }
0x73: {  	_ =	shalt  }
0x74: {  	_ =	shalt  }
0x75: {  	_ =	shalt  }
0x76: {  	_ =	shalt  }
0x77: {  	_ =	shalt  }
0x78: {  	_ =	shalt  }
0x79: {  	_ =	shalt  }
0x7a: {  	_ =	shalt  }
0x7b: {  	_ =	shalt  }
0x7c: {  	_ =	shalt  }
0x7d: {  	_ =	shalt  }
0x7e: {  	_ =	shalt  }
0x7f: {  	_ =	shalt  }
0x80: {  	_ =	shalt  }
0x81: {  	_ =	shalt  }
0x82: {  	_ =	shalt  }
0x83: {  	_ =	shalt  }
0x84: {  	_ =	shalt  }
0x85: {  	_ =	shalt  }
0x86: {  	_ =	shalt  }
0x87: {  	_ =	shalt  }
.Lfunc_end0:
.L_simem_size_0:
called_computation_lowered:
.L_overlay_start_0:
0x88: {  	s2 =	sld [smem:$0x3FD9]  }
0x89: {  	s3 =	sld [smem:$0x3FFE];
	_ =	sdelay $0x1  }
0x8a: {  	s1 =	srdreg.scid  }
0x8b: {  	s0 =	sand.u32 $0x1, s1  }
0x8c: {  	s17 =	sshll.u32 s0, $0xA;
	s2 =	sadd.s32 s3, s2  }
0x8d: {  	s2 =	sadd.s32 s2, s17  }
0x8e: {  	[smem:$0x3FC6] =	sst s2  }
0x8f: {  	_ = 	snop  }
0x90: {  	s2 =	sld [smem:$0x3FC8];
	(tm) =	ssettm $0x1  }
0x91: {  	s18 =	sld [smem:$0x3FFB];
	_ =	sdelay $0x3  }
0x92: {  	_ =	strace s18  }
0x93: {  	s3 =	sld [smem:$0x3FFC];
	_ =	sdelay $0x3  }
0x94: {  	_ =	strace s3  }
0x95: {  	s3 =	sld [smem:$0x3FFD];
	_ =	sdelay $0x3  }
0x96: {  	_ =	strace s3  }
0x97: {  	_ =	strace $0x8FFFFFFF  }
0x98: {  	s19 =	sld [smem:$0x3FDB];
	_ =	sdelay $0x1  }
0x99: {  	s4 =	simm.s32 $_scs_section_size  }
0x9a: {  	s5 =	simm.s32 $_size__tile_overlayer_lowered;
	s6 =	simm.s32 $_tile_overlayer_lowered  }
0x9b: {  	s22 =	simm.s32 $0x1BFF;
	s21 =	sshll.u32 s6, $0x1;
	s3 =	sadd.s32 s4, s19  }
0x9c: {  	s7 =	simm.s32 $0x0;
	s20 =	sshll.u32 s5, $0x1;
	s5 =	sadd.s32 s21, s3  }
0x9d: {  	[timem:s7], [sflag:s22] =	dma.local [hbm:s5], s20  }
0x9e: {  	_ =	swait.ge [sflag:s22], s20  }
0x9f: {  	s4 =	ssub.s32 $0x0, s20;
	[sflag:s22] =	ssyncset.done $0x0  }
0xa0: {  	[sflag:s22] =	ssyncadd.s32 s4;
	_ =	sdelay $0x1  }
0xa1: {  	s23 =	simm.s32 $0x1B8B  }
0xa2: {  	_ =	swait.ge [sflag:s23], $0x1  }
0xa3: {  	[sflag:s23] =	ssyncset.done $0x0  }
0xa4: {  	s25 =	simm.s32 $0x1B8E;
	s24 =	sld [smem:$0x3FFE];
	[sflag:s23] =	ssyncadd.s32 $0xFFFFFFFF  }
0xa5: {  	s26 =	simm.s32 $execute0_lowered;
	[smem:$0x3FD2] =	sst s25  }
0xa6: {  	s5 =	sshll.u32 s26, $0x1;
	_ =	strace $0x80000046;
	[dreg:$0x1] =	wrdreg $0xFFFFFFFF  }
0xa7: {  	s28 =	simm.s32 $_size_execute0_lowered;
	s3 =	sadd.s32 s3, s5;
	[dreg:$0x0] =	wrdreg $0x0  }
0xa8: {  	s5 =	sshll.u32 s28, $0x1;
	[dreg:$0x2] =	wrdreg s3  }
0xa9: {  	[dreg:$0x3] =	wrdreg s5  }
0xaa: {  	[dreg:$0x4] =	wrdreg $0xC0  }
0xab: {  	_ =	task [dreg:s7], $0x5FFFF  }
0xac: {  	[dreg:$0x1] =	wrdreg $0xFFFFFFFF  }
0xad: {  	[dreg:$0x0] =	wrdreg $0x60  }
0xae: {  	[dreg:$0x2] =	wrdreg s2  }
0xaf: {  	[dreg:$0x3] =	wrdreg s24  }
0xb0: {  	[dreg:$0x4] =	wrdreg $0x9  }
0xb1: {  	_ =	task.clear_ibuf [dreg:s7], $0x5FFFF;
	_ =	strace $0x90000046  }
0xb2: {  	s29 =	simm.s32 $0x9;
	_ =	strace $0x80000048  }
0xb3: {  	_ =	swait.ge [sflag:s29], $0x1  }
0xb4: {  	[sflag:s29] =	ssyncadd.s32 $0xFFFFFFFF  }
0xb5: {  	_ =	strace $0x90000048  }
0xb6: {  	_ =	sfence  }
0xb7: {  	s30 =	sld [smem:$0x0];
	_ =	sdelay $0x2  }
0xb8: {  	s31 =	sshll.u32 s1, $0xD;
	s1 =	sshrl.u32 s1, $0x2  }
0xb9: {  	s3 =	sand.u32 $0x4000, s31;
	s1 =	sadd.s32 s1, s30  }
0xba: {  	s0 =	sor.u32 s3, s0;
	s1 =	sshll.u32 s1, $0x11  }
0xbb: {  	s0 =	sor.u32 s1, s0  }
0xbc: {  	s0 =	sadd.s32 $0x8F2B, s0  }
0xbd: {  	[sflag:s0] =	ssyncadd.remote.s32 $0x1  }
0xbe: {  	_ =	sfence.sel $0xFFFF  }
0xbf: {  	[dreg:$0x0] =	wrdreg $0xFFFFFFFF;
	(pc) =	sbr.abs _section_cstart, $3  }
0xc0: {  	[dreg:$0x1] =	wrdreg $0xFFFFFFFF  }
0xc1: {  	_ =	task.clear_ibuf [dreg:s7], $0x2FFFF;
	_ =	strace $0x9FFFFFFF  }
0xc2: {  	(tm) =	ssettm $0x7FFFFFFF  }
0xc3: {  	_ =	shalt  }
tec
execute0_lowered:
.L_overlay_start_1:
0x0: {  	(tag) =	ssettag $0x1  }
0x1: {  	s0 =	rddreg [dreg:$0x0]  }
0x2: {  	s1 =	rddreg [dreg:$0x1]  }
0x3: {  	s3 =	srdreg.scid;
	s20 =	stileid.u32;
	s2 =	simm.s32 $0x0  }
0x4: {  	s28 =	simm.s32 $0xC000;
	s29 =	simm.s32 $0x1;
	s11 =	smul.u32 $0x600, s20  }
0x5: {  	s30 =	simm.s32 $0x2;
	s9 =	sand.u32 $0x1, s3;
	s19 =	smul.u32 $0x1800, s20  }
0x6: {  	s31 =	simm.s32 $0x0;
	s13 =	sshll.u32 s20, $0x1;
	s12 =	smul.u32 $0x300, s9  }
0x7: {  	[smem:$0x7FF] =	sst s2;
	s10 =	sor.u32 s9, s13;
	s13 =	smul.u32 $0xC000, s20  }
0x8: {  	s15 =	sadd.s32 $0x800, s1;
	s16 =	sadd.s32 $0xF4200, s0;
	s18 =	smul.u32 $0x6000, s9  }
0x9: {  	p1 =	sgt.u32 s20, $0xA;
	s14 =	ssub.s32 $0x2, s9;
	s9 =	smul.u32 $0xC00, s9  }
0xa: {  	_ =	strace $0x80000047;
	[dreg:$0x3] =	wrdreg s16;
	s5 =	smul.u32 $0x300, s10  }
0xb: {  	s4 =	sshrl.u32 s14, $0x1;
	s6 =	smul.u32 $0x1800, s10;
	s21 =	sadd.s32 s19, s15  }
0xc: {  	s16 =	sor.u32 $0x60, s10;
	p0 =	sne.s32 s10, $0x0;
	s19 =	simm.s32 $0x3  }
0xd: {  	s8 =	ssub.s32 s14, s4;
	s4 =	sadd.s32 $0x3D1000, s1;
	s17 =	sshrl.u32 s6, $0x3  }
0xe: {  	s5 =	sadd.s32 s0, s5;
	s8 =	smax.u32 s8, $0x1;
	s1 =	sadd.s32 s0, s17  }
0xf: {  	s0 =	sadd.s32 s11, s0;
	s11 =	sadd.s32 s9, s21;
	s17 =	simm.s32 $0x7A1400  }
0x10: {  	s21 =	sadd.s32 $0x80, s4;
	s6 =	sadd.s32 $0x6000, s1;
	s0 =	sadd.s32 s12, s0  }
0x11: {  	s7 =	sadd.s32 $0xC000, s1;
	s1 =	sadd.s32 s18, s13;
	s18 =	sadd.s32 $0x12000, s0  }
.Ltmp0:
0x12: {  	s22 =	sadd.s32 $0x5000, s1;
	s24 =	sadd.s32 $0x4000, s1;
	(pc) =	sbr.rel .LBB2_1-.Ltmp0, $4  }
0x13: {  	s25 =	sadd.s32 $0x3000, s1;
	s1 =	sadd.s32 $0x2000, s1;
	s23 =	sshrl.u32 s22, $0x3  }
0x14: {  	s0 =	sshrl.u32 s24, $0x3;
	s9 =	sshrl.u32 s25, $0x3;
	s26 =	sshrl.u32 s1, $0x3  }
0x15: {  	s25 =	simm.s32 $0x1800;
	s12 =	sadd.s32 s23, s15;
	s13 =	sadd.s32 s0, s15  }
0x16: {  	s14 =	sadd.s32 s9, s15;
	s15 =	sadd.s32 s26, s15;
	s26 =	simm.s32 $0x6000  }
.LBB2_11:
0x17: {  	s0 =	simm.s32 @!p1 $0x2  }
0x18: {  	_ =	swait.ge @!p1 [sflag:s0], $0x1000  }
0x19: {  	[sflag:s0] =	ssyncset.done @!p1 $0x0  }
0x1a: {  	[sflag:s0] =	ssyncadd.s32 @!p1 $0xFFFFF000  }
0x1b: {  	_ =	swait.ge @!p1 [sflag:s0], $0x1000  }
0x1c: {  	[sflag:s0] =	ssyncset.done @!p1 $0x0  }
0x1d: {  	[sflag:s0] =	ssyncadd.s32 @!p1 $0xFFFFF000  }
0x1e: {  	_ =	swait.ge @!p1 [sflag:s0], $0x1000  }
0x1f: {  	[sflag:s0] =	ssyncset.done @!p1 $0x0  }
0x20: {  	[sflag:s0] =	ssyncadd.s32 @!p1 $0xFFFFF000  }
0x21: {  	_ =	swait.ge @!p1 [sflag:s0], $0x1000  }
0x22: {  	[sflag:s0] =	ssyncset.done @!p1 $0x0  }
0x23: {  	s31 =	sadd.s32 $0x1, s31;
	[sflag:s0] =	ssyncadd.s32 @!p1 $0xFFFFF000  }
0x24: {  	p2 =	sne.s32 s31, s8;
	_ =	swait.ge @!p1 [sflag:s0], $0x1000  }
.Ltmp1:
0x25: {  	[sflag:s0] =	ssyncset.done @!p1 $0x0;
	(pc) =	sbr.rel @!p2 .LBB2_12-.Ltmp1, $4  }
0x26: {  	[sflag:s0] =	ssyncadd.s32 @!p1 $0xFFFFF000  }
0x27: {  	_ =	swait.ge @!p1 [sflag:s0], $0x1000  }
0x28: {  	[sflag:s0] =	ssyncset.done @!p1 $0x0  }
0x29: {  	[sflag:s0] =	ssyncadd.s32 @!p1 $0xFFFFF000  }
.LBB2_1:
.Ltmp2:
0x2a: {  	(pc) =	sbr.rel @p0 .LBB2_3-.Ltmp2, $1  }
0x2b: {  	_ =	sdelay $0x3  }
0x2c: {  	s0 =	rddreg [dreg:$0x3];
	s1 =	simm.s32 $0x400;
	s3 =	simm.s32 $0x18000  }
0x2d: {  	[tilespmem:s3], [sflag:$0x3] =	stream.strided.gather [hbm4b:s0+s1], $0x1000, s17, s1, $0x38;
	[tilespmem:$0x19000] =	vst v63  }
0x2e: {  	_ =	swait.ge [sflag:s19], $0x1000  }
0x2f: {  	[sflag:s19] =	ssyncset.done $0x0  }
0x30: {  	[sflag:s19] =	ssyncadd.s32 $0xFFFFF000  }
0x31: {  	v0 =	vld [tilespmem:$0x18000]  }
0x32: {  	v1 =	vld [tilespmem:$0x18010]  }
0x33: {  	v2 =	vld [tilespmem:$0x18020]  }
0x34: {  	v3 =	vld [tilespmem:$0x18030]  }
0x35: {  	v4 =	vld [tilespmem:$0x18080]  }
0x36: {  	v53 =	vld [tilespmem:$0x18090];
	[tilespmem:$0x12000] =	vst v0  }
0x37: {  	v54 =	vld [tilespmem:$0x180A0];
	[tilespmem:$0x12010] =	vst v1  }
0x38: {  	v55 =	vld [tilespmem:$0x180B0];
	[tilespmem:$0x12020] =	vst v2  }
0x39: {  	v56 =	vld [tilespmem:$0x18100];
	[tilespmem:$0x12030] =	vst v3  }
0x3a: {  	v57 =	vld [tilespmem:$0x18110];
	[tilespmem:$0x12080] =	vst v4  }
0x3b: {  	v58 =	vld [tilespmem:$0x18120];
	[tilespmem:$0x12090] =	vst v53  }
0x3c: {  	v59 =	vld [tilespmem:$0x18130];
	[tilespmem:$0x120A0] =	vst v54  }
0x3d: {  	v60 =	vld [tilespmem:$0x18180];
	[tilespmem:$0x120B0] =	vst v55  }
0x3e: {  	v61 =	vld [tilespmem:$0x18190];
	[tilespmem:$0x12100] =	vst v56  }
0x3f: {  	v62 =	vld [tilespmem:$0x181A0];
	[tilespmem:$0x12110] =	vst v57  }
0x40: {  	v63 =	vld [tilespmem:$0x181B0];
	[tilespmem:$0x12120] =	vst v58  }
0x41: {  	v8 =	vld [tilespmem:$0x18200];
	[tilespmem:$0x12130] =	vst v59  }
0x42: {  	v9 =	vld [tilespmem:$0x18210];
	[tilespmem:$0x12180] =	vst v60  }
0x43: {  	v10 =	vld [tilespmem:$0x18220];
	[tilespmem:$0x12190] =	vst v61  }
0x44: {  	v11 =	vld [tilespmem:$0x18230];
	[tilespmem:$0x121A0] =	vst v62  }
0x45: {  	v12 =	vld [tilespmem:$0x18280];
	[tilespmem:$0x121B0] =	vst v63  }
0x46: {  	v13 =	vld [tilespmem:$0x18290];
	[tilespmem:$0x12200] =	vst v8  }
0x47: {  	v14 =	vld [tilespmem:$0x182A0];
	[tilespmem:$0x12210] =	vst v9  }
0x48: {  	v15 =	vld [tilespmem:$0x182B0];
	[tilespmem:$0x12220] =	vst v10  }
0x49: {  	v16 =	vld [tilespmem:$0x18300];
	[tilespmem:$0x12230] =	vst v11  }
0x4a: {  	v17 =	vld [tilespmem:$0x18310];
	[tilespmem:$0x12280] =	vst v12  }
0x4b: {  	v18 =	vld [tilespmem:$0x18320];
	[tilespmem:$0x12290] =	vst v13  }
0x4c: {  	v19 =	vld [tilespmem:$0x18330];
	[tilespmem:$0x122A0] =	vst v14  }
0x4d: {  	v20 =	vld [tilespmem:$0x18380];
	[tilespmem:$0x122B0] =	vst v15  }
0x4e: {  	v21 =	vld [tilespmem:$0x18390];
	[tilespmem:$0x12300] =	vst v16  }
0x4f: {  	v22 =	vld [tilespmem:$0x183A0];
	[tilespmem:$0x12310] =	vst v17  }
0x50: {  	v23 =	vld [tilespmem:$0x183B0];
	[tilespmem:$0x12320] =	vst v18  }
0x51: {  	v24 =	vld [tilespmem:$0x18400];
	[tilespmem:$0x12330] =	vst v19  }
0x52: {  	v25 =	vld [tilespmem:$0x18410];
	[tilespmem:$0x12380] =	vst v20  }
0x53: {  	v26 =	vld [tilespmem:$0x18420];
	[tilespmem:$0x12390] =	vst v21  }
0x54: {  	v27 =	vld [tilespmem:$0x18430];
	[tilespmem:$0x123A0] =	vst v22  }
0x55: {  	v28 =	vld [tilespmem:$0x18480];
	[tilespmem:$0x123B0] =	vst v23  }
0x56: {  	v29 =	vld [tilespmem:$0x18490];
	[tilespmem:$0x13800] =	vst v24  }
0x57: {  	v30 =	vld [tilespmem:$0x184A0];
	[tilespmem:$0x13810] =	vst v25  }
0x58: {  	v31 =	vld [tilespmem:$0x184B0];
	[tilespmem:$0x13820] =	vst v26  }
0x59: {  	v32 =	vld [tilespmem:$0x18500];
	[tilespmem:$0x13830] =	vst v27  }
0x5a: {  	v33 =	vld [tilespmem:$0x18510];
	[tilespmem:$0x13880] =	vst v28  }
0x5b: {  	v34 =	vld [tilespmem:$0x18520];
	[tilespmem:$0x13890] =	vst v29  }
0x5c: {  	v35 =	vld [tilespmem:$0x18530];
	[tilespmem:$0x138A0] =	vst v30  }
0x5d: {  	v36 =	vld [tilespmem:$0x18580];
	[tilespmem:$0x138B0] =	vst v31  }
0x5e: {  	v37 =	vld [tilespmem:$0x18590];
	[tilespmem:$0x13900] =	vst v32  }
0x5f: {  	v38 =	vld [tilespmem:$0x185A0];
	[tilespmem:$0x13910] =	vst v33  }
0x60: {  	v39 =	vld [tilespmem:$0x185B0];
	[tilespmem:$0x13920] =	vst v34  }
0x61: {  	v40 =	vld [tilespmem:$0x18600];
	[tilespmem:$0x13930] =	vst v35  }
0x62: {  	v41 =	vld [tilespmem:$0x18610];
	[tilespmem:$0x13980] =	vst v36  }
0x63: {  	v42 =	vld [tilespmem:$0x18620];
	[tilespmem:$0x13990] =	vst v37  }
0x64: {  	v43 =	vld [tilespmem:$0x18630];
	[tilespmem:$0x139A0] =	vst v38  }
0x65: {  	v44 =	vld [tilespmem:$0x18680];
	[tilespmem:$0x139B0] =	vst v39  }
0x66: {  	v45 =	vld [tilespmem:$0x18690];
	[tilespmem:$0x13A00] =	vst v40  }
0x67: {  	v46 =	vld [tilespmem:$0x186A0];
	[tilespmem:$0x13A10] =	vst v41  }
0x68: {  	v47 =	vld [tilespmem:$0x186B0];
	[tilespmem:$0x13A20] =	vst v42  }
0x69: {  	v48 =	vld [tilespmem:$0x18700];
	[tilespmem:$0x13A30] =	vst v43  }
0x6a: {  	v49 =	vld [tilespmem:$0x18710];
	[tilespmem:$0x13A80] =	vst v44  }
0x6b: {  	v50 =	vld [tilespmem:$0x18720];
	[tilespmem:$0x13A90] =	vst v45  }
0x6c: {  	v51 =	vld [tilespmem:$0x18730];
	[tilespmem:$0x13AA0] =	vst v46  }
0x6d: {  	v52 =	vld [tilespmem:$0x18780];
	[tilespmem:$0x13AB0] =	vst v47  }
0x6e: {  	[tilespmem:$0x13B00] =	vst v48;
	v53 =	vld [tilespmem:$0x18790]  }
0x6f: {  	[tilespmem:$0x13B10] =	vst v49;
	v54 =	vld [tilespmem:$0x187A0]  }
0x70: {  	[tilespmem:$0x13B20] =	vst v50;
	v55 =	vld [tilespmem:$0x187B0]  }
0x71: {  	[tilespmem:$0x13B30] =	vst v51;
	v56 =	vld [tilespmem:$0x18800]  }
0x72: {  	[tilespmem:$0x13B80] =	vst v52;
	v57 =	vld [tilespmem:$0x18810]  }
0x73: {  	v58 =	vld [tilespmem:$0x18820];
	[tilespmem:$0x13B90] =	vst v53  }
0x74: {  	v59 =	vld [tilespmem:$0x18830];
	[tilespmem:$0x13BA0] =	vst v54  }
0x75: {  	v60 =	vld [tilespmem:$0x18880];
	[tilespmem:$0x13BB0] =	vst v55  }
0x76: {  	v61 =	vld [tilespmem:$0x18890];
	[tilespmem:$0x15000] =	vst v56  }
0x77: {  	v62 =	vld [tilespmem:$0x188A0];
	[tilespmem:$0x15010] =	vst v57  }
0x78: {  	v63 =	vld [tilespmem:$0x188B0];
	[tilespmem:$0x15020] =	vst v58  }
0x79: {  	v8 =	vld [tilespmem:$0x18900];
	[tilespmem:$0x15030] =	vst v59  }
0x7a: {  	v9 =	vld [tilespmem:$0x18910];
	[tilespmem:$0x15080] =	vst v60  }
0x7b: {  	v10 =	vld [tilespmem:$0x18920];
	[tilespmem:$0x15090] =	vst v61  }
0x7c: {  	v11 =	vld [tilespmem:$0x18930];
	[tilespmem:$0x150A0] =	vst v62  }
0x7d: {  	v12 =	vld [tilespmem:$0x18980];
	[tilespmem:$0x150B0] =	vst v63  }
0x7e: {  	v13 =	vld [tilespmem:$0x18990];
	[tilespmem:$0x15100] =	vst v8  }
0x7f: {  	v14 =	vld [tilespmem:$0x189A0];
	[tilespmem:$0x15110] =	vst v9  }
0x80: {  	v15 =	vld [tilespmem:$0x189B0];
	[tilespmem:$0x15120] =	vst v10  }
0x81: {  	v16 =	vld [tilespmem:$0x18A00];
	[tilespmem:$0x15130] =	vst v11  }
0x82: {  	v17 =	vld [tilespmem:$0x18A10];
	[tilespmem:$0x15180] =	vst v12  }
0x83: {  	v18 =	vld [tilespmem:$0x18A20];
	[tilespmem:$0x15190] =	vst v13  }
0x84: {  	v19 =	vld [tilespmem:$0x18A30];
	[tilespmem:$0x151A0] =	vst v14  }
0x85: {  	v20 =	vld [tilespmem:$0x18A80];
	[tilespmem:$0x151B0] =	vst v15  }
0x86: {  	v21 =	vld [tilespmem:$0x18A90];
	[tilespmem:$0x15200] =	vst v16  }
0x87: {  	v22 =	vld [tilespmem:$0x18AA0];
	[tilespmem:$0x15210] =	vst v17  }
0x88: {  	v23 =	vld [tilespmem:$0x18AB0];
	[tilespmem:$0x15220] =	vst v18  }
0x89: {  	v24 =	vld [tilespmem:$0x18B00];
	[tilespmem:$0x15230] =	vst v19  }
0x8a: {  	v25 =	vld [tilespmem:$0x18B10];
	[tilespmem:$0x15280] =	vst v20  }
0x8b: {  	v26 =	vld [tilespmem:$0x18B20];
	[tilespmem:$0x15290] =	vst v21  }
0x8c: {  	v27 =	vld [tilespmem:$0x18B30];
	[tilespmem:$0x152A0] =	vst v22  }
0x8d: {  	v28 =	vld [tilespmem:$0x18B80];
	[tilespmem:$0x152B0] =	vst v23  }
0x8e: {  	v29 =	vld [tilespmem:$0x18B90];
	[tilespmem:$0x15300] =	vst v24  }
0x8f: {  	v30 =	vld [tilespmem:$0x18BA0];
	[tilespmem:$0x15310] =	vst v25  }
0x90: {  	v31 =	vld [tilespmem:$0x18BB0];
	[tilespmem:$0x15320] =	vst v26  }
0x91: {  	v32 =	vld [tilespmem:$0x18C00];
	[tilespmem:$0x15330] =	vst v27  }
0x92: {  	v33 =	vld [tilespmem:$0x18C10];
	[tilespmem:$0x15380] =	vst v28  }
0x93: {  	v34 =	vld [tilespmem:$0x18C20];
	[tilespmem:$0x15390] =	vst v29  }
0x94: {  	v35 =	vld [tilespmem:$0x18C30];
	[tilespmem:$0x153A0] =	vst v30  }
0x95: {  	v36 =	vld [tilespmem:$0x18C80];
	[tilespmem:$0x153B0] =	vst v31  }
0x96: {  	v37 =	vld [tilespmem:$0x18C90];
	[tilespmem:$0x16800] =	vst v32  }
0x97: {  	v38 =	vld [tilespmem:$0x18CA0];
	[tilespmem:$0x16810] =	vst v33  }
0x98: {  	v39 =	vld [tilespmem:$0x18CB0];
	[tilespmem:$0x16820] =	vst v34  }
0x99: {  	v40 =	vld [tilespmem:$0x18D00];
	[tilespmem:$0x16830] =	vst v35  }
0x9a: {  	v41 =	vld [tilespmem:$0x18D10];
	[tilespmem:$0x16880] =	vst v36  }
0x9b: {  	v42 =	vld [tilespmem:$0x18D20];
	[tilespmem:$0x16890] =	vst v37  }
0x9c: {  	v43 =	vld [tilespmem:$0x18D30];
	[tilespmem:$0x168A0] =	vst v38  }
0x9d: {  	v44 =	vld [tilespmem:$0x18D80];
	[tilespmem:$0x168B0] =	vst v39  }
0x9e: {  	v45 =	vld [tilespmem:$0x18D90];
	[tilespmem:$0x16900] =	vst v40  }
0x9f: {  	v46 =	vld [tilespmem:$0x18DA0];
	[tilespmem:$0x16910] =	vst v41  }
0xa0: {  	v47 =	vld [tilespmem:$0x18DB0];
	[tilespmem:$0x16920] =	vst v42  }
0xa1: {  	v48 =	vld [tilespmem:$0x18E00];
	[tilespmem:$0x16930] =	vst v43  }
0xa2: {  	v49 =	vld [tilespmem:$0x18E10];
	[tilespmem:$0x16980] =	vst v44  }
0xa3: {  	v50 =	vld [tilespmem:$0x18E20];
	[tilespmem:$0x16990] =	vst v45  }
0xa4: {  	v51 =	vld [tilespmem:$0x18E30];
	[tilespmem:$0x169A0] =	vst v46  }
0xa5: {  	v52 =	vld [tilespmem:$0x18E80];
	[tilespmem:$0x169B0] =	vst v47  }
0xa6: {  	[tilespmem:$0x16A00] =	vst v48;
	v53 =	vld [tilespmem:$0x18E90]  }
0xa7: {  	[tilespmem:$0x16A10] =	vst v49;
	v54 =	vld [tilespmem:$0x18EA0]  }
0xa8: {  	[tilespmem:$0x16A20] =	vst v50;
	v55 =	vld [tilespmem:$0x18EB0]  }
0xa9: {  	[tilespmem:$0x16A30] =	vst v51;
	v56 =	vld [tilespmem:$0x18F00]  }
0xaa: {  	[tilespmem:$0x16A80] =	vst v52;
	v57 =	vld [tilespmem:$0x18F10]  }
0xab: {  	v58 =	vld [tilespmem:$0x18F20];
	[tilespmem:$0x16A90] =	vst v53  }
0xac: {  	v59 =	vld [tilespmem:$0x18F30];
	[tilespmem:$0x16AA0] =	vst v54  }
0xad: {  	v60 =	vld [tilespmem:$0x18F80];
	[tilespmem:$0x16AB0] =	vst v55  }
0xae: {  	v61 =	vld [tilespmem:$0x18F90];
	[tilespmem:$0x16B00] =	vst v56  }
0xaf: {  	v62 =	vld [tilespmem:$0x18FA0];
	[tilespmem:$0x16B10] =	vst v57  }
0xb0: {  	v63 =	vld [tilespmem:$0x18FB0];
	[tilespmem:$0x16B20] =	vst v58  }
0xb1: {  	[tilespmem:$0x16B30] =	vst v59  }
0xb2: {  	[tilespmem:$0x16B80] =	vst v60  }
0xb3: {  	[tilespmem:$0x16B90] =	vst v61  }
0xb4: {  	[tilespmem:$0x16BA0] =	vst v62  }
0xb5: {  	s9 =	simm.s32 $0x12000;
	[tilespmem:$0x16BB0] =	vst v63  }
0xb6: {  	[hbm4b:s4+s2] =	stream.linear.scatter [tilespmem:s9], [sflag:$0x3], $0x400, $0x38;
	[tilespmem:$0x19000] =	vst v63  }
0xb7: {  	s10 =	simm.s32 $0x13800  }
0xb8: {  	[hbm4b:s21+s2] =	stream.linear.scatter [tilespmem:s10], [sflag:$0x3], $0x400, $0x38;
	[tilespmem:$0x19000] =	vst v63  }
0xb9: {  	s20 =	sadd.s32 $0x100, s4;
	s22 =	simm.s32 $0x15000  }
0xba: {  	[hbm4b:s20+s2] =	stream.linear.scatter [tilespmem:s22], [sflag:$0x3], $0x400, $0x38;
	[tilespmem:$0x19000] =	vst v63  }
0xbb: {  	s23 =	sadd.s32 $0x180, s4;
	s24 =	simm.s32 $0x16800  }
0xbc: {  	[hbm4b:s23+s2] =	stream.linear.scatter [tilespmem:s24], [sflag:$0x3], $0x400, $0x38;
	[tilespmem:$0x19000] =	vst v63  }
0xbd: {  	_ =	swait.ge [sflag:s19], $0x1000  }
0xbe: {  	[sflag:s19] =	ssyncset.done $0x0  }
0xbf: {  	[sflag:s19] =	ssyncadd.s32 $0xFFFFF000  }
.LBB2_3:
0xc0: {  	s0 =	simm.s32 $0x0  }
0xc1: {  	[tilespmem:s0], [sflag:$0x1] =	stream.strided.gather [hbm4b:s5+s25], $0x6000, s17, s25, $0x38;
	[tilespmem:$0x19000] =	vst v63  }
.Ltmp3:
0xc2: {  	_ = 	snop;
	(pc) =	sbr.rel .LBB2_4-.Ltmp3, $4  }
0xc3: {  	_ = 	snop  }
0xc4: {  	[tilespmem:s26], [sflag:$0x1] =	stream.strided.gather [hbm4b:s6+s25], $0x6000, s17, s25, $0x38;
	[tilespmem:$0x19000] =	vst v63  }
0xc5: {  	s1 =	simm.s32 $0x3;
	s10 =	smov.u32 s16;
	s9 =	smov.u32 s18  }
0xc6: {  	[tilespmem:s28], [sflag:$0x1] =	stream.strided.gather [hbm4b:s7+s25], $0x6000, s17, s25, $0x38;
	[tilespmem:$0x19000] =	vst v63  }
.LBB2_9:
0xc7: {  	s3 =	sand.u32 $0x3, s1  }
0xc8: {  	s3 =	smul.u32 $0x18000, s3;
	_ =	sdelay $0x1  }
0xc9: {  	s3 =	sshrl.u32 s3, $0x2  }
0xca: {  	[tilespmem:s3], [sflag:$0x1] =	stream.strided.gather [hbm4b:s9+s25], $0x6000, s17, s25, $0x38;
	[tilespmem:$0x19000] =	vst v63  }
.LBB2_10:
0xcb: {  	s0 =	sadd.s32 $0x18000, s0  }
0xcc: {  	p2 =	sne.s32 s0, $0x3D8000  }
.Ltmp4:
0xcd: {  	_ = 	snop;
	(pc) =	sbr.rel @!p2 .LBB2_11-.Ltmp4, $2  }
0xce: {  	_ =	sdelay $0x2  }
0xcf: {  	s1 =	sadd.s32 $0x1, s1;
	s9 =	sadd.s32 $0x6000, s9;
	s10 =	sadd.s32 $0x20, s10  }
.LBB2_4:
0xd0: {  	s20 =	sadd.s32 $0xFFFFFFA0, s10  }
0xd1: {  	p2 =	sgt.u32 s20, $0x515  }
.Ltmp5:
0xd2: {  	_ = 	snop;
	(pc) =	sbr.rel @p2 .LBB2_6-.Ltmp5, $2  }
0xd3: {  	_ =	sdelay $0x2  }
0xd4: {  	s20 =	sadd.s32 $0xFFFFFFFD, s1  }
0xd5: {  	s22 =	sand.u32 $0x3, s20  }
0xd6: {  	_ =	swait.ge [sflag:s29], $0x6000;
	s22 =	smul.u32 $0x18000, s22  }
0xd7: {  	[sflag:s29] =	ssyncset.done $0x0  }
0xd8: {  	s23 =	sadd.s32 s0, s11;
	[sflag:s29] =	ssyncadd.s32 $0xFFFFA000;
	s22 =	sshrl.u32 s22, $0x2  }
0xd9: {  	[hbm4b:s23+s2] =	stream.linear.scatter [tilespmem:s22], [sflag:$0x2], $0x400, $0x38;
	[tilespmem:$0x19000] =	vst v63  }
0xda: {  	s3 =	sadd.s32 $0x80, s23;
	s24 =	sor.u32 $0x1800, s22  }
0xdb: {  	[hbm4b:s3+s2] =	stream.linear.scatter [tilespmem:s24], [sflag:$0x2], $0x400, $0x38;
	[tilespmem:$0x19000] =	vst v63  }
0xdc: {  	s3 =	sadd.s32 $0x3000, s22;
	s24 =	sadd.s32 $0x100, s23  }
0xdd: {  	[hbm4b:s24+s2] =	stream.linear.scatter [tilespmem:s3], [sflag:$0x2], $0x400, $0x38;
	[tilespmem:$0x19000] =	vst v63  }
0xde: {  	s3 =	sadd.s32 $0x4800, s22;
	s24 =	sadd.s32 $0x180, s23  }
0xdf: {  	[hbm4b:s24+s2] =	stream.linear.scatter [tilespmem:s3], [sflag:$0x2], $0x400, $0x38;
	[tilespmem:$0x19000] =	vst v63  }
0xe0: {  	s3 =	sor.u32 $0x400, s22;
	s24 =	sadd.s32 $0x200, s23  }
0xe1: {  	[hbm4b:s24+s2] =	stream.linear.scatter [tilespmem:s3], [sflag:$0x2], $0x400, $0x38;
	[tilespmem:$0x19000] =	vst v63  }
0xe2: {  	s3 =	sor.u32 $0x1C00, s22;
	s24 =	sadd.s32 $0x280, s23  }
0xe3: {  	[hbm4b:s24+s2] =	stream.linear.scatter [tilespmem:s3], [sflag:$0x2], $0x400, $0x38;
	[tilespmem:$0x19000] =	vst v63  }
0xe4: {  	s3 =	sadd.s32 $0x3400, s22;
	s24 =	sadd.s32 $0x300, s23  }
0xe5: {  	[hbm4b:s24+s2] =	stream.linear.scatter [tilespmem:s3], [sflag:$0x2], $0x400, $0x38;
	[tilespmem:$0x19000] =	vst v63  }
0xe6: {  	s23 =	sadd.s32 $0x380, s23;
	s24 =	sadd.s32 $0x4C00, s22  }
0xe7: {  	[hbm4b:s23+s2] =	stream.linear.scatter [tilespmem:s24], [sflag:$0x2], $0x400, $0x38;
	[tilespmem:$0x19000] =	vst v63  }
0xe8: {  	s24 =	sor.u32 $0x800, s22;
	s23 =	sadd.s32 s0, s15  }
0xe9: {  	[hbm4b:s23+s2] =	stream.linear.scatter [tilespmem:s24], [sflag:$0x2], $0x400, $0x38;
	[tilespmem:$0x19000] =	vst v63  }
0xea: {  	s3 =	sadd.s32 $0x2000, s22;
	s24 =	sadd.s32 $0x80, s23  }
0xeb: {  	[hbm4b:s24+s2] =	stream.linear.scatter [tilespmem:s3], [sflag:$0x2], $0x400, $0x38;
	[tilespmem:$0x19000] =	vst v63  }
0xec: {  	s3 =	sadd.s32 $0x3800, s22;
	s24 =	sadd.s32 $0x100, s23  }
0xed: {  	[hbm4b:s24+s2] =	stream.linear.scatter [tilespmem:s3], [sflag:$0x2], $0x400, $0x38;
	[tilespmem:$0x19000] =	vst v63  }
0xee: {  	s23 =	sadd.s32 $0x180, s23;
	s24 =	sadd.s32 $0x5000, s22  }
0xef: {  	[hbm4b:s23+s2] =	stream.linear.scatter [tilespmem:s24], [sflag:$0x2], $0x400, $0x38;
	[tilespmem:$0x19000] =	vst v63  }
0xf0: {  	s24 =	sor.u32 $0xC00, s22;
	s23 =	sadd.s32 s0, s14  }
0xf1: {  	[hbm4b:s23+s2] =	stream.linear.scatter [tilespmem:s24], [sflag:$0x2], $0x400, $0x38;
	[tilespmem:$0x19000] =	vst v63  }
0xf2: {  	s3 =	sadd.s32 $0x2400, s22;
	s24 =	sadd.s32 $0x80, s23  }
0xf3: {  	[hbm4b:s24+s2] =	stream.linear.scatter [tilespmem:s3], [sflag:$0x2], $0x400, $0x38;
	[tilespmem:$0x19000] =	vst v63  }
0xf4: {  	s3 =	sadd.s32 $0x3C00, s22;
	s24 =	sadd.s32 $0x100, s23  }
0xf5: {  	[hbm4b:s24+s2] =	stream.linear.scatter [tilespmem:s3], [sflag:$0x2], $0x400, $0x38;
	[tilespmem:$0x19000] =	vst v63  }
0xf6: {  	s23 =	sadd.s32 $0x180, s23;
	s24 =	sadd.s32 $0x5400, s22  }
0xf7: {  	[hbm4b:s23+s2] =	stream.linear.scatter [tilespmem:s24], [sflag:$0x2], $0x400, $0x38;
	[tilespmem:$0x19000] =	vst v63  }
0xf8: {  	s24 =	sor.u32 $0x1000, s22;
	s23 =	sadd.s32 s0, s13  }
0xf9: {  	[hbm4b:s23+s2] =	stream.linear.scatter [tilespmem:s24], [sflag:$0x2], $0x400, $0x38;
	[tilespmem:$0x19000] =	vst v63  }
0xfa: {  	s3 =	sadd.s32 $0x2800, s22;
	s24 =	sadd.s32 $0x80, s23  }
0xfb: {  	[hbm4b:s24+s2] =	stream.linear.scatter [tilespmem:s3], [sflag:$0x2], $0x400, $0x38;
	[tilespmem:$0x19000] =	vst v63  }
0xfc: {  	s3 =	sadd.s32 $0x4000, s22;
	s24 =	sadd.s32 $0x100, s23  }
0xfd: {  	[hbm4b:s24+s2] =	stream.linear.scatter [tilespmem:s3], [sflag:$0x2], $0x400, $0x38;
	[tilespmem:$0x19000] =	vst v63  }
0xfe: {  	s23 =	sadd.s32 $0x180, s23;
	s24 =	sadd.s32 $0x5800, s22  }
0xff: {  	[hbm4b:s23+s2] =	stream.linear.scatter [tilespmem:s24], [sflag:$0x2], $0x400, $0x38;
	[tilespmem:$0x19000] =	vst v63  }
0x100: {  	s24 =	sor.u32 $0x1400, s22;
	s23 =	sadd.s32 s0, s12  }
0x101: {  	[hbm4b:s23+s2] =	stream.linear.scatter [tilespmem:s24], [sflag:$0x2], $0x400, $0x38;
	[tilespmem:$0x19000] =	vst v63  }
0x102: {  	s3 =	sadd.s32 $0x2C00, s22;
	s24 =	sadd.s32 $0x80, s23  }
0x103: {  	[hbm4b:s24+s2] =	stream.linear.scatter [tilespmem:s3], [sflag:$0x2], $0x400, $0x38;
	[tilespmem:$0x19000] =	vst v63  }
0x104: {  	s3 =	sadd.s32 $0x4400, s22;
	s24 =	sadd.s32 $0x100, s23  }
0x105: {  	[hbm4b:s24+s2] =	stream.linear.scatter [tilespmem:s3], [sflag:$0x2], $0x400, $0x38;
	[tilespmem:$0x19000] =	vst v63  }
0x106: {  	s22 =	sadd.s32 $0x5C00, s22;
	s24 =	sadd.s32 $0x180, s23  }
0x107: {  	[hbm4b:s24+s2] =	stream.linear.scatter [tilespmem:s22], [sflag:$0x2], $0x400, $0x38;
	[tilespmem:$0x19000] =	vst v63  }
.LBB2_6:
0x108: {  	p2 =	seq.s32 s0, $0x0  }
.Ltmp6:
0x109: {  	_ = 	snop;
	(pc) =	sbr.rel @p2 .LBB2_8-.Ltmp6, $1  }
0x10a: {  	_ =	sdelay $0x3  }
0x10b: {  	_ =	swait.ge [sflag:s30], $0x1000  }
0x10c: {  	[sflag:s30] =	ssyncset.done $0x0  }
0x10d: {  	[sflag:s30] =	ssyncadd.s32 $0xFFFFF000  }
0x10e: {  	_ =	swait.ge [sflag:s30], $0x1000  }
0x10f: {  	[sflag:s30] =	ssyncset.done $0x0  }
0x110: {  	[sflag:s30] =	ssyncadd.s32 $0xFFFFF000  }
0x111: {  	_ =	swait.ge [sflag:s30], $0x1000  }
0x112: {  	[sflag:s30] =	ssyncset.done $0x0  }
0x113: {  	[sflag:s30] =	ssyncadd.s32 $0xFFFFF000  }
0x114: {  	_ =	swait.ge [sflag:s30], $0x1000  }
0x115: {  	p2 =	sgt.u32 s20, $0x25;
	[sflag:s30] =	ssyncset.done $0x0  }
0x116: {  	p3 =	slt.u32 @!p2 s10, $0x516;
	[sflag:s30] =	ssyncadd.s32 $0xFFFFF000  }
0x117: {  	p2 =	por p2, !p3;
	_ =	swait.ge [sflag:s30], $0x1000  }
.Ltmp7:
0x118: {  	[sflag:s30] =	ssyncset.done $0x0;
	(pc) =	sbr.rel @!p2 .LBB2_9-.Ltmp7, $4  }
.Ltmp8:
0x119: {  	[sflag:s30] =	ssyncadd.s32 $0xFFFFF000;
	(pc) =	sbr.rel @p2 .LBB2_10-.Ltmp8, $4  }
0x11a: {  	_ =	swait.ge [sflag:s30], $0x1000  }
0x11b: {  	[sflag:s30] =	ssyncset.done $0x0  }
0x11c: {  	[sflag:s30] =	ssyncadd.s32 $0xFFFFF000  }
0x11d: {  	_ = 	snop  }
.LBB2_8:
0x11e: {  	p2 =	sgt.u32 s10, $0x515  }
.Ltmp9:
0x11f: {  	_ = 	snop;
	(pc) =	sbr.rel @p2 .LBB2_10-.Ltmp9, $4  }
.Ltmp10:
0x120: {  	_ = 	snop;
	(pc) =	sbr.rel @!p2 .LBB2_9-.Ltmp10, $4  }
0x121: {  	_ = 	snop  }
0x122: {  	_ = 	snop  }
0x123: {  	_ = 	snop  }
0x124: {  	_ = 	snop  }
.LBB2_12:
0x125: {  	_ =	sfence.sel $0x180000  }
0x126: {  	[bflag:$0x0] =	sbarrier.arrive $0xFFFF  }
0x127: {  	_ =	strace $0x90000047  }
0x128: {  	s0 =	stileid.u32;
	[bflag:$0x2] =	sbarrier.arrive $0xFFFF  }
0x129: {  	p0 =	sne.s32 s0, $0x0;
	s0 =	rddreg [dreg:$0x2]  }
0x12a: {  	s0 =	sadd.s32 @!p0 $0x100000, s0  }
0x12b: {  	[sflag:s0] =	ssyncadd.tile.s32 @!p0 $0x1;
	_ =	shalt  }
.Lfunc_end2:
_tile_overlayer_lowered:
.L_overlay_start_2:
0x12c: {  	(tag) =	ssettag $0x2  }
0x12d: {  	s0 =	rddreg [dreg:$0x0];
	s2 =	stileid.u32  }
0x12e: {  	s1 =	rddreg [dreg:$0x1];
	p0 =	sne.s32 s2, $0x0  }
0x12f: {  	s3 =	rddreg [dreg:$0x2];
	[bflag:$0x3] =	sbarrier.arrive $0xFFFF;
	s2 =	simm.s32 @!p0 $0x1C03  }
0x130: {  	[timem:s3], [sflag:s2] =	dma.local @!p0 [hbm:s0], s1  }
0x131: {  	s0 =	simm.s32 @!p0 $0x3  }
0x132: {  	_ =	swait.ge @!p0 [sflag:s0], s1  }
0x133: {  	s1 =	ssub.s32 @!p0 $0x0, s1;
	[sflag:s0] =	ssyncset.done @!p0 $0x0  }
0x134: {  	[sflag:s0] =	ssyncadd.s32 @!p0 s1  }
0x135: {  	[bflag:$0x3] =	sbarrier.arrive $0xFFFF  }
0x136: {  	_ =	shalt  }

// kernel: kernel.7.cloned.1.call-start
scs
__scs_entry_jumppad:
0x0: {  	(pc) =	sbr.rel $0x88, $3  }
0x1: {  	(tag) =	ssettag $0x0;
	lr =	simm.s32 $0x1  }
0x2: {  	[smem:$0x3F9F] =	sst lr;
	_ =	strace $0xD0000000  }
0x3: {  	_ = 	snop  }
0x4: {  	_ = 	snop  }
0x5: {  	_ = 	snop  }
0x6: {  	_ = 	snop  }
0x7: {  	_ = 	snop  }
__scs_overlays_trampoline_lowered:
0x8: {  	[smem:$0x3FAE] =	sst s0  }
0x9: {  	[smem:$0x3FAF] =	sst s1  }
0xa: {  	[smem:$0x3FB0] =	sst s2  }
0xb: {  	[smem:$0x3FB1] =	sst s3  }
0xc: {  	[smem:$0x3FB2] =	sst s4  }
0xd: {  	[smem:$0x3FB3] =	sst s5  }
0xe: {  	[smem:$0x3FB4] =	sst s6  }
0xf: {  	[smem:$0x3FB5] =	sst s7  }
0x10: {  	[smem:$0x3FB6] =	sst s8  }
0x11: {  	[smem:$0x3FB7] =	sst s9;
	s0 =	simm.s32 @!p0 $0x0  }
0x12: {  	s1 =	sld [smem:$0x3F9D];
	s0 =	simm.s32 @p0 $0x1  }
0x13: {  	[smem:$0x3FB8] =	sst s0;
	s0 =	simm.s32 @!p1 $0x0  }
0x14: {  	s2 =	sld [smem:$0x3F9C];
	s0 =	simm.s32 @p1 $0x1  }
0x15: {  	[smem:$0x3FB9] =	sst s0;
	s0 =	simm.s32 @!p2 $0x0  }
0x16: {  	s3 =	sld [smem:$0x3FDB];
	s0 =	simm.s32 @p2 $0x1  }
0x17: {  	s4 =	simm.s32 $0x1BF5;
	[smem:$0x3FBB] =	sst s0  }
0x18: {  	s0 =	sld [smem:$0x3F9E];
	_ =	swait.ge [sflag:s4], $0x0  }
0x19: {  	s7 =	sld [smem:$0x3F9F]  }
0x1a: {  	s8 =	sadd.s32 $0xFFFFE003, lr  }
0x1b: {  	s9 =	sadd.s32 $0xFFFFFEF7, lr;
	s5 =	simm.s32 $0xFFFFFFFF;
	p2 =	slt.u32 s8, $0xFFFFF086  }
0x1c: {  	p1 =	slt.u32 s9, $0xF7A;
	s5 =	simm.s32 @!p2 $0x0  }
0x1d: {  	s5 =	simm.s32 @p1 $0x1;
	p0 =	seq.s32 s7, s2  }
0x1e: {  	s7 =	smul.u32 @!p0 $0xF7A, s2;
	p2 =	seq.s32 @!p0 s5, $0x0  }
0x1f: {  	s9 =	smul.u32 $0xF7A, s1;
	s8 =	simm.s32 @!p0 $0x1BF5;
	p2 =	por !p2, p0  }
0x20: {  	[sflag:s8] =	ssyncset.s32 @!p0 $0xFFFFF086;
	s6 =	sadd.s32 @!p0 s3, s7;
	s7 =	simm.s32 @!p0 $0x108  }
0x21: {  	s3 =	sadd.s32 s3, s9;
	s6 =	sadd.s32 @!p0 $0x88, s6;
	s7 =	simm.s32 @p2 $0x1082  }
0x22: {  	[simem:s7], [sflag:s8] =	dma.local @!p0 [hbm:s6], $0xF7A  }
0x23: {  	s9 =	sor.u32 $0xD0000000, s2;
	s6 =	simm.s32 $0x108;
	_ =	swait.ge @!p0 [sflag:s8], $0x0  }
0x24: {  	s3 =	sadd.s32 $0x88, s3;
	s6 =	simm.s32 @!p1 $0x1082;
	[sflag:s4] =	ssyncset.s32 $0xFFFFF086  }
0x25: {  	[simem:s6], [sflag:s4] =	dma.local [hbm:s3], $0xF7A  }
0x26: {  	[smem:$0x3F9F] =	sst s1;
	(tag) =	ssettag s2;
	_ =	strace s9  }
0x27: {  	s1 =	sld [smem:$0x3FAF]  }
0x28: {  	s2 =	sld [smem:$0x3FB0]  }
0x29: {  	s4 =	sld [smem:$0x3FB2]  }
0x2a: {  	p0 =	seq.s32 s5, $0x0;
	s5 =	sld [smem:$0x3FB3]  }
0x2b: {  	s6 =	sld [smem:$0x3FB4]  }
0x2c: {  	s7 =	sld [smem:$0x3FB5]  }
0x2d: {  	s3 =	simm.s32 $0x108;
	s8 =	sld [smem:$0x3FB6]  }
0x2e: {  	s3 =	simm.s32 @!p0 $0x1082;
	s9 =	sld [smem:$0x3FB7]  }
0x2f: {  	lr =	sadd.s32 s0, s3;
	s0 =	sld [smem:$0x3FAE]  }
0x30: {  	s3 =	sld [smem:$0x3FB1]  }
0x31: {  	[smem:$0x3FBA] =	sst s10  }
0x32: {  	s10 =	sld [smem:$0x3FB8];
	_ =	sdelay $0x3  }
0x33: {  	p0 =	seq.s32 s10, $0x1;
	s10 =	sld [smem:$0x3FBA];
	_ =	sdelay $0x3  }
0x34: {  	[smem:$0x3FBA] =	sst s10  }
0x35: {  	s10 =	sld [smem:$0x3FB9];
	_ =	sdelay $0x3  }
0x36: {  	p1 =	seq.s32 s10, $0x1;
	s10 =	sld [smem:$0x3FBA];
	_ =	sdelay $0x3  }
0x37: {  	[smem:$0x3FBA] =	sst s10  }
0x38: {  	s10 =	sld [smem:$0x3FBB]  }
0x39: {  	_ = 	snop;
	(pc) =	sbr.ind lr, $3  }
0x3a: {  	_ = 	snop  }
0x3b: {  	_ = 	snop  }
0x3c: {  	p2 =	seq.s32 s10, $0x1;
	s10 =	sld [smem:$0x3FBA]  }
0x3d: {  	_ =	shalt  }
0x3e: {  	_ =	shalt  }
0x3f: {  	_ =	shalt  }
0x40: {  	_ =	shalt  }
0x41: {  	_ =	shalt  }
0x42: {  	_ =	shalt  }
0x43: {  	_ =	shalt  }
0x44: {  	_ =	shalt  }
0x45: {  	_ =	shalt  }
0x46: {  	_ =	shalt  }
0x47: {  	_ =	shalt  }
0x48: {  	_ =	shalt  }
0x49: {  	_ =	shalt  }
0x4a: {  	_ =	shalt  }
0x4b: {  	_ =	shalt  }
0x4c: {  	_ =	shalt  }
0x4d: {  	_ =	shalt  }
0x4e: {  	_ =	shalt  }
0x4f: {  	_ =	shalt  }
0x50: {  	_ =	shalt  }
0x51: {  	_ =	shalt  }
0x52: {  	_ =	shalt  }
0x53: {  	_ =	shalt  }
0x54: {  	_ =	shalt  }
0x55: {  	_ =	shalt  }
0x56: {  	_ =	shalt  }
0x57: {  	_ =	shalt  }
0x58: {  	_ =	shalt  }
0x59: {  	_ =	shalt  }
0x5a: {  	_ =	shalt  }
0x5b: {  	_ =	shalt  }
0x5c: {  	_ =	shalt  }
0x5d: {  	_ =	shalt  }
0x5e: {  	_ =	shalt  }
0x5f: {  	_ =	shalt  }
0x60: {  	_ =	shalt  }
0x61: {  	_ =	shalt  }
0x62: {  	_ =	shalt  }
0x63: {  	_ =	shalt  }
0x64: {  	_ =	shalt  }
0x65: {  	_ =	shalt  }
0x66: {  	_ =	shalt  }
0x67: {  	_ =	shalt  }
0x68: {  	_ =	shalt  }
0x69: {  	_ =	shalt  }
0x6a: {  	_ =	shalt  }
0x6b: {  	_ =	shalt  }
0x6c: {  	_ =	shalt  }
0x6d: {  	_ =	shalt  }
0x6e: {  	_ =	shalt  }
0x6f: {  	_ =	shalt  }
0x70: {  	_ =	shalt  }
0x71: {  	_ =	shalt  }
0x72: {  	_ =	shalt  }
0x73: {  	_ =	shalt  }
0x74: {  	_ =	shalt  }
0x75: {  	_ =	shalt  }
0x76: {  	_ =	shalt  }
0x77: {  	_ =	shalt  }
0x78: {  	_ =	shalt  }
0x79: {  	_ =	shalt  }
0x7a: {  	_ =	shalt  }
0x7b: {  	_ =	shalt  }
0x7c: {  	_ =	shalt  }
0x7d: {  	_ =	shalt  }
0x7e: {  	_ =	shalt  }
0x7f: {  	_ =	shalt  }
0x80: {  	_ =	shalt  }
0x81: {  	_ =	shalt  }
0x82: {  	_ =	shalt  }
0x83: {  	_ =	shalt  }
0x84: {  	_ =	shalt  }
0x85: {  	_ =	shalt  }
0x86: {  	_ =	shalt  }
0x87: {  	_ =	shalt  }
.Lfunc_end0:
.L_simem_size_0:
called_computation.1_lowered:
.L_overlay_start_0:
0x88: {  	s2 =	sld [smem:$0x3FD9]  }
0x89: {  	s3 =	sld [smem:$0x3FFE];
	_ =	sdelay $0x1  }
0x8a: {  	s1 =	srdreg.scid  }
0x8b: {  	s0 =	sand.u32 $0x1, s1  }
0x8c: {  	s17 =	sshll.u32 s0, $0xA;
	s2 =	sadd.s32 s3, s2  }
0x8d: {  	s2 =	sadd.s32 s2, s17  }
0x8e: {  	[smem:$0x3FC6] =	sst s2  }
0x8f: {  	_ = 	snop  }
0x90: {  	s2 =	sld [smem:$0x3FC9];
	(tm) =	ssettm $0x1  }
0x91: {  	s18 =	sld [smem:$0x3FFB];
	_ =	sdelay $0x3  }
0x92: {  	_ =	strace s18  }
0x93: {  	s3 =	sld [smem:$0x3FFC];
	_ =	sdelay $0x3  }
0x94: {  	_ =	strace s3  }
0x95: {  	s3 =	sld [smem:$0x3FFD];
	_ =	sdelay $0x3  }
0x96: {  	_ =	strace s3  }
0x97: {  	_ =	strace $0x8FFFFFFF  }
0x98: {  	s19 =	sld [smem:$0x3FDB];
	_ =	sdelay $0x1  }
0x99: {  	s4 =	simm.s32 $_scs_section_size  }
0x9a: {  	s5 =	simm.s32 $_size__tile_overlayer_lowered;
	s6 =	simm.s32 $_tile_overlayer_lowered  }
0x9b: {  	s22 =	simm.s32 $0x1BFF;
	s21 =	sshll.u32 s6, $0x1;
	s3 =	sadd.s32 s4, s19  }
0x9c: {  	s7 =	simm.s32 $0x0;
	s20 =	sshll.u32 s5, $0x1;
	s5 =	sadd.s32 s21, s3  }
0x9d: {  	[timem:s7], [sflag:s22] =	dma.local [hbm:s5], s20  }
0x9e: {  	_ =	swait.ge [sflag:s22], s20  }
0x9f: {  	s4 =	ssub.s32 $0x0, s20;
	[sflag:s22] =	ssyncset.done $0x0  }
0xa0: {  	[sflag:s22] =	ssyncadd.s32 s4;
	_ =	sdelay $0x1  }
0xa1: {  	s23 =	simm.s32 $0x1B8B  }
0xa2: {  	_ =	swait.ge [sflag:s23], $0x1  }
0xa3: {  	[sflag:s23] =	ssyncset.done $0x0  }
0xa4: {  	s25 =	simm.s32 $0x1B8E;
	s24 =	sld [smem:$0x3FFE];
	[sflag:s23] =	ssyncadd.s32 $0xFFFFFFFF  }
0xa5: {  	s26 =	simm.s32 $execute0_lowered;
	[smem:$0x3FD2] =	sst s25  }
0xa6: {  	s5 =	sshll.u32 s26, $0x1;
	_ =	strace $0x80000049;
	[dreg:$0x1] =	wrdreg $0xFFFFFFFF  }
0xa7: {  	s28 =	simm.s32 $_size_execute0_lowered;
	s3 =	sadd.s32 s3, s5;
	[dreg:$0x0] =	wrdreg $0x0  }
0xa8: {  	s5 =	sshll.u32 s28, $0x1;
	[dreg:$0x2] =	wrdreg s3  }
0xa9: {  	[dreg:$0x3] =	wrdreg s5  }
0xaa: {  	[dreg:$0x4] =	wrdreg $0xC0  }
0xab: {  	_ =	task [dreg:s7], $0x5FFFF  }
0xac: {  	[dreg:$0x1] =	wrdreg $0xFFFFFFFF  }
0xad: {  	[dreg:$0x0] =	wrdreg $0x60  }
0xae: {  	[dreg:$0x2] =	wrdreg s2  }
0xaf: {  	[dreg:$0x3] =	wrdreg s24  }
0xb0: {  	[dreg:$0x4] =	wrdreg $0x9  }
0xb1: {  	_ =	task.clear_ibuf [dreg:s7], $0x5FFFF;
	_ =	strace $0x90000049  }
0xb2: {  	s29 =	simm.s32 $0x9;
	_ =	strace $0x8000004B  }
0xb3: {  	_ =	swait.ge [sflag:s29], $0x1  }
0xb4: {  	[sflag:s29] =	ssyncadd.s32 $0xFFFFFFFF  }
0xb5: {  	_ =	strace $0x9000004B  }
0xb6: {  	_ =	sfence  }
0xb7: {  	s30 =	sld [smem:$0x0];
	_ =	sdelay $0x2  }
0xb8: {  	s31 =	sshll.u32 s1, $0xD;
	s1 =	sshrl.u32 s1, $0x2  }
0xb9: {  	s3 =	sand.u32 $0x4000, s31;
	s1 =	sadd.s32 s1, s30  }
0xba: {  	s0 =	sor.u32 s3, s0;
	s1 =	sshll.u32 s1, $0x11  }
0xbb: {  	s0 =	sor.u32 s1, s0  }
0xbc: {  	s0 =	sadd.s32 $0x8F2B, s0  }
0xbd: {  	[sflag:s0] =	ssyncadd.remote.s32 $0x1  }
0xbe: {  	_ =	sfence.sel $0xFFFF  }
0xbf: {  	[dreg:$0x0] =	wrdreg $0xFFFFFFFF;
	(pc) =	sbr.abs _section_cstart, $3  }
0xc0: {  	[dreg:$0x1] =	wrdreg $0xFFFFFFFF  }
0xc1: {  	_ =	task.clear_ibuf [dreg:s7], $0x2FFFF;
	_ =	strace $0x9FFFFFFF  }
0xc2: {  	(tm) =	ssettm $0x7FFFFFFF  }
0xc3: {  	_ =	shalt  }
tec
execute0_lowered:
.L_overlay_start_1:
0x0: {  	(tag) =	ssettag $0x1  }
0x1: {  	s0 =	rddreg [dreg:$0x0]  }
0x2: {  	s4 =	rddreg [dreg:$0x1];
	s1 =	simm.s32 $0x0  }
0x3: {  	s13 =	srdreg.scid;
	s2 =	stileid.u32;
	s7 =	simm.s32 $0x2  }
0x4: {  	s8 =	simm.s32 $0x200;
	[smem:$0x7FF] =	sst s1;
	s5 =	sadd.s32 $0x800, s4  }
0x5: {  	s16 =	sadd.s32 $0x810, s4;
	_ =	strace $0x8000004A;
	[dreg:$0x3] =	wrdreg s5  }
0x6: {  	s9 =	simm.s32 $0x400;
	s17 =	sadd.s32 $0x820, s4;
	[dreg:$0x5] =	wrdreg s16  }
0x7: {  	s10 =	simm.s32 $0x4000;
	s18 =	sadd.s32 $0x830, s4;
	[dreg:$0x6] =	wrdreg s17  }
0x8: {  	s11 =	simm.s32 $0x1;
	s19 =	sadd.s32 $0x840, s4;
	[dreg:$0x7] =	wrdreg s18  }
0x9: {  	s12 =	simm.s32 $0x0;
	s20 =	sadd.s32 $0x850, s4;
	[dreg:$0x8] =	wrdreg s19  }
0xa: {  	s1 =	sand.u32 $0x1, s13;
	s21 =	sadd.s32 $0x860, s4;
	[dreg:$0x9] =	wrdreg s20  }
0xb: {  	s2 =	sshll.u32 s2, $0x7;
	s22 =	sadd.s32 $0x870, s4;
	[dreg:$0xa] =	wrdreg s21  }
0xc: {  	s23 =	sadd.s32 $0x880, s4;
	s24 =	sadd.s32 $0x890, s4;
	[dreg:$0xb] =	wrdreg s22  }
0xd: {  	s25 =	sadd.s32 $0x8A0, s4;
	s26 =	sadd.s32 $0x8B0, s4;
	[dreg:$0xc] =	wrdreg s23  }
0xe: {  	s28 =	sadd.s32 $0x970, s4;
	s29 =	sadd.s32 $0x980, s4;
	[dreg:$0xd] =	wrdreg s24  }
0xf: {  	s30 =	sadd.s32 $0x990, s4;
	s31 =	sadd.s32 $0x9A0, s4;
	[dreg:$0xe] =	wrdreg s25  }
0x10: {  	s3 =	sshll.u32 s1, $0x6;
	s1 =	ssub.s32 $0x2, s1;
	[dreg:$0xf] =	wrdreg s26  }
0x11: {  	s16 =	sadd.s32 $0x8C0, s4;
	s17 =	sadd.s32 $0x8D0, s4;
	s18 =	sadd.s32 $0x8E0, s4  }
0x12: {  	s19 =	sadd.s32 $0x8F0, s4;
	s20 =	sadd.s32 $0x900, s4;
	s21 =	sadd.s32 $0x910, s4  }
0x13: {  	s22 =	sadd.s32 $0x920, s4;
	s23 =	sadd.s32 $0x930, s4;
	s24 =	sadd.s32 $0x940, s4  }
0x14: {  	s25 =	sadd.s32 $0x950, s4;
	s26 =	sadd.s32 $0x960, s4;
	s2 =	sor.u32 s3, s2  }
0x15: {  	s14 =	sshrl.u32 s1, $0x1;
	s3 =	sadd.s32 $0x9E0, s4;
	s15 =	sadd.s32 s2, s4  }
0x16: {  	s6 =	ssub.s32 s1, s14;
	s0 =	sadd.s32 s0, s2;
	s1 =	sadd.s32 $0x9C0, s4  }
0x17: {  	s2 =	sadd.s32 $0x9D0, s4;
	[dreg:$0x4] =	wrdreg s0;
	s0 =	sadd.s32 $0x9B0, s4  }
0x18: {  	s4 =	sadd.s32 $0x9F0, s4;
	s5 =	sadd.s32 $0x3D1200, s15;
	s6 =	smax.u32 s6, $0x1  }
.LBB2_1:
0x19: {  	s13 =	simm.s32 $0x0;
	s14 =	rddreg [dreg:$0x4]  }
0x1a: {  	[tilespmem:s13], [sflag:$0x2] =	stream.linear.gather [hbm4b:s14+s13], $0x200, $0x38;
	[tilespmem:$0x4400] =	vst v63  }
0x1b: {  	_ =	swait.ge [sflag:s7], $0x200  }
0x1c: {  	[sflag:s7] =	ssyncset.done $0x0  }
0x1d: {  	s13 =	simm.s32 $0x0;
	[sflag:s7] =	ssyncadd.s32 $0xFFFFFE00  }
0x1e: {  	s14 =	simm.s32 $0x40;
	v0 =	vld [tilespmem:s13+$0x0]  }
.LBB2_2:
0x1f: {  	_ =	sdelay $0x1  }
0x20: {  	p0 =	sne.s32 s14, $0x7C0  }
.Ltmp0:
0x21: {  	_ = 	snop;
	(pc) =	sbr.rel @p0 .LBB2_2-.Ltmp0, $4  }
0x22: {  	v1 =	vshll.u32 v0, $0x5  }
0x23: {  	v2 =	vand.u32 $0x7F, v0;
	v1 =	vand.u32 $0xFFFFF000, v1  }
0x24: {  	s15 =	sshra.s32 s14, $0x2;
	v1 =	vor.u32 v2, v1  }
0x25: {  	s14 =	sadd.s32 $0x40, s14;
	v0 =	vld [tilespmem:s15+$0x0];
	[tilespmem:s13+$0x200] =	vst v1;
	s13 =	smov.u32 s15  }
0x26: {  	_ =	sdelay $0x3  }
0x27: {  	v1 =	vshll.u32 v0, $0x5  }
0x28: {  	v63 =	vand.u32 $0x7F, v0;
	v1 =	vand.u32 $0xFFFFF000, v1  }
0x29: {  	v0 =	vor.u32 v63, v1  }
0x2a: {  	s14 =	rddreg [dreg:$0x3];
	[tilespmem:s13+$0x200] =	vst v0  }
0x2b: {  	[tilespmem:s9], [sflag:$0x1] =	stream.indirect.gather [hbm4b:s14+s8], $0x1, s8, s8, $0xb8;
	[tilespmem:$0x4400] =	vst v63  }
0x2c: {  	s15 =	rddreg [dreg:$0x5];
	s14 =	simm.s32 $0x600  }
0x2d: {  	[tilespmem:s14], [sflag:$0x1] =	stream.indirect.gather [hbm4b:s15+s8], $0x1, s8, s8, $0xb8;
	[tilespmem:$0x4400] =	vst v63  }
0x2e: {  	s14 =	rddreg [dreg:$0x6];
	s15 =	simm.s32 $0x800  }
0x2f: {  	[tilespmem:s15], [sflag:$0x1] =	stream.indirect.gather [hbm4b:s14+s8], $0x1, s8, s8, $0xb8;
	[tilespmem:$0x4400] =	vst v63  }
0x30: {  	s14 =	rddreg [dreg:$0x7];
	s15 =	simm.s32 $0xA00  }
0x31: {  	[tilespmem:s15], [sflag:$0x1] =	stream.indirect.gather [hbm4b:s14+s8], $0x1, s8, s8, $0xb8;
	[tilespmem:$0x4400] =	vst v63  }
0x32: {  	s14 =	rddreg [dreg:$0x8];
	s15 =	simm.s32 $0xC00  }
0x33: {  	[tilespmem:s15], [sflag:$0x1] =	stream.indirect.gather [hbm4b:s14+s8], $0x1, s8, s8, $0xb8;
	[tilespmem:$0x4400] =	vst v63  }
0x34: {  	s14 =	rddreg [dreg:$0x9];
	s15 =	simm.s32 $0xE00  }
0x35: {  	[tilespmem:s15], [sflag:$0x1] =	stream.indirect.gather [hbm4b:s14+s8], $0x1, s8, s8, $0xb8;
	[tilespmem:$0x4400] =	vst v63  }
0x36: {  	s14 =	rddreg [dreg:$0xa];
	s15 =	simm.s32 $0x1000  }
0x37: {  	[tilespmem:s15], [sflag:$0x1] =	stream.indirect.gather [hbm4b:s14+s8], $0x1, s8, s8, $0xb8;
	[tilespmem:$0x4400] =	vst v63  }
0x38: {  	s14 =	rddreg [dreg:$0xb];
	s15 =	simm.s32 $0x1200  }
0x39: {  	[tilespmem:s15], [sflag:$0x1] =	stream.indirect.gather [hbm4b:s14+s8], $0x1, s8, s8, $0xb8;
	[tilespmem:$0x4400] =	vst v63  }
0x3a: {  	s14 =	rddreg [dreg:$0xc];
	s15 =	simm.s32 $0x1400  }
0x3b: {  	[tilespmem:s15], [sflag:$0x1] =	stream.indirect.gather [hbm4b:s14+s8], $0x1, s8, s8, $0xb8;
	[tilespmem:$0x4400] =	vst v63  }
0x3c: {  	s14 =	rddreg [dreg:$0xd];
	s15 =	simm.s32 $0x1600  }
0x3d: {  	[tilespmem:s15], [sflag:$0x1] =	stream.indirect.gather [hbm4b:s14+s8], $0x1, s8, s8, $0xb8;
	[tilespmem:$0x4400] =	vst v63  }
0x3e: {  	s14 =	rddreg [dreg:$0xe];
	s15 =	simm.s32 $0x1800  }
0x3f: {  	[tilespmem:s15], [sflag:$0x1] =	stream.indirect.gather [hbm4b:s14+s8], $0x1, s8, s8, $0xb8;
	[tilespmem:$0x4400] =	vst v63  }
0x40: {  	s14 =	rddreg [dreg:$0xf];
	s15 =	simm.s32 $0x1A00  }
0x41: {  	[tilespmem:s15], [sflag:$0x1] =	stream.indirect.gather [hbm4b:s14+s8], $0x1, s8, s8, $0xb8;
	[tilespmem:$0x4400] =	vst v63  }
0x42: {  	s15 =	simm.s32 $0x1C00  }
0x43: {  	[tilespmem:s15], [sflag:$0x1] =	stream.indirect.gather [hbm4b:s16+s8], $0x1, s8, s8, $0xb8;
	[tilespmem:$0x4400] =	vst v63  }
0x44: {  	s14 =	simm.s32 $0x1E00  }
0x45: {  	[tilespmem:s14], [sflag:$0x1] =	stream.indirect.gather [hbm4b:s17+s8], $0x1, s8, s8, $0xb8;
	[tilespmem:$0x4400] =	vst v63  }
0x46: {  	s15 =	simm.s32 $0x2000  }
0x47: {  	[tilespmem:s15], [sflag:$0x1] =	stream.indirect.gather [hbm4b:s18+s8], $0x1, s8, s8, $0xb8;
	[tilespmem:$0x4400] =	vst v63  }
0x48: {  	s14 =	simm.s32 $0x2200  }
0x49: {  	[tilespmem:s14], [sflag:$0x1] =	stream.indirect.gather [hbm4b:s19+s8], $0x1, s8, s8, $0xb8;
	[tilespmem:$0x4400] =	vst v63  }
0x4a: {  	s15 =	simm.s32 $0x2400  }
0x4b: {  	[tilespmem:s15], [sflag:$0x1] =	stream.indirect.gather [hbm4b:s20+s8], $0x1, s8, s8, $0xb8;
	[tilespmem:$0x4400] =	vst v63  }
0x4c: {  	s14 =	simm.s32 $0x2600  }
0x4d: {  	[tilespmem:s14], [sflag:$0x1] =	stream.indirect.gather [hbm4b:s21+s8], $0x1, s8, s8, $0xb8;
	[tilespmem:$0x4400] =	vst v63  }
0x4e: {  	s15 =	simm.s32 $0x2800  }
0x4f: {  	[tilespmem:s15], [sflag:$0x1] =	stream.indirect.gather [hbm4b:s22+s8], $0x1, s8, s8, $0xb8;
	[tilespmem:$0x4400] =	vst v63  }
0x50: {  	s14 =	simm.s32 $0x2A00  }
0x51: {  	[tilespmem:s14], [sflag:$0x1] =	stream.indirect.gather [hbm4b:s23+s8], $0x1, s8, s8, $0xb8;
	[tilespmem:$0x4400] =	vst v63  }
0x52: {  	s15 =	simm.s32 $0x2C00  }
0x53: {  	[tilespmem:s15], [sflag:$0x1] =	stream.indirect.gather [hbm4b:s24+s8], $0x1, s8, s8, $0xb8;
	[tilespmem:$0x4400] =	vst v63  }
0x54: {  	s14 =	simm.s32 $0x2E00  }
0x55: {  	[tilespmem:s14], [sflag:$0x1] =	stream.indirect.gather [hbm4b:s25+s8], $0x1, s8, s8, $0xb8;
	[tilespmem:$0x4400] =	vst v63  }
0x56: {  	s15 =	simm.s32 $0x3000  }
0x57: {  	[tilespmem:s15], [sflag:$0x1] =	stream.indirect.gather [hbm4b:s26+s8], $0x1, s8, s8, $0xb8;
	[tilespmem:$0x4400] =	vst v63  }
0x58: {  	s14 =	simm.s32 $0x3200  }
0x59: {  	[tilespmem:s14], [sflag:$0x1] =	stream.indirect.gather [hbm4b:s28+s8], $0x1, s8, s8, $0xb8;
	[tilespmem:$0x4400] =	vst v63  }
0x5a: {  	s15 =	simm.s32 $0x3400  }
0x5b: {  	[tilespmem:s15], [sflag:$0x1] =	stream.indirect.gather [hbm4b:s29+s8], $0x1, s8, s8, $0xb8;
	[tilespmem:$0x4400] =	vst v63  }
0x5c: {  	s14 =	simm.s32 $0x3600  }
0x5d: {  	[tilespmem:s14], [sflag:$0x1] =	stream.indirect.gather [hbm4b:s30+s8], $0x1, s8, s8, $0xb8;
	[tilespmem:$0x4400] =	vst v63  }
0x5e: {  	s15 =	simm.s32 $0x3800  }
0x5f: {  	[tilespmem:s15], [sflag:$0x1] =	stream.indirect.gather [hbm4b:s31+s8], $0x1, s8, s8, $0xb8;
	[tilespmem:$0x4400] =	vst v63  }
0x60: {  	s14 =	simm.s32 $0x3A00  }
0x61: {  	[tilespmem:s14], [sflag:$0x1] =	stream.indirect.gather [hbm4b:s0+s8], $0x1, s8, s8, $0xb8;
	[tilespmem:$0x4400] =	vst v63  }
0x62: {  	s15 =	simm.s32 $0x3C00  }
0x63: {  	[tilespmem:s15], [sflag:$0x1] =	stream.indirect.gather [hbm4b:s1+s8], $0x1, s8, s8, $0xb8;
	[tilespmem:$0x4400] =	vst v63  }
0x64: {  	s14 =	simm.s32 $0x3E00  }
0x65: {  	[tilespmem:s14], [sflag:$0x1] =	stream.indirect.gather [hbm4b:s2+s8], $0x1, s8, s8, $0xb8;
	[tilespmem:$0x4400] =	vst v63  }
0x66: {  	_ = 	snop  }
0x67: {  	[tilespmem:s10], [sflag:$0x1] =	stream.indirect.gather [hbm4b:s3+s8], $0x1, s8, s8, $0xb8;
	[tilespmem:$0x4400] =	vst v63  }
0x68: {  	s15 =	simm.s32 $0x4200  }
0x69: {  	[tilespmem:s15], [sflag:$0x1] =	stream.indirect.gather [hbm4b:s4+s8], $0x1, s8, s8, $0xb8;
	[tilespmem:$0x4400] =	vst v63  }
0x6a: {  	_ =	swait.ge [sflag:s11], $0x200  }
0x6b: {  	[sflag:s11] =	ssyncset.done $0x0  }
0x6c: {  	[sflag:s11] =	ssyncadd.s32 $0xFFFFFE00  }
0x6d: {  	_ =	swait.ge [sflag:s11], $0x200  }
0x6e: {  	[sflag:s11] =	ssyncset.done $0x0  }
0x6f: {  	[sflag:s11] =	ssyncadd.s32 $0xFFFFFE00  }
0x70: {  	_ =	swait.ge [sflag:s11], $0x200  }
0x71: {  	[sflag:s11] =	ssyncset.done $0x0  }
0x72: {  	[sflag:s11] =	ssyncadd.s32 $0xFFFFFE00  }
0x73: {  	_ =	swait.ge [sflag:s11], $0x200  }
0x74: {  	[sflag:s11] =	ssyncset.done $0x0  }
0x75: {  	[sflag:s11] =	ssyncadd.s32 $0xFFFFFE00  }
0x76: {  	_ =	swait.ge [sflag:s11], $0x200  }
0x77: {  	[sflag:s11] =	ssyncset.done $0x0  }
0x78: {  	[sflag:s11] =	ssyncadd.s32 $0xFFFFFE00  }
0x79: {  	_ =	swait.ge [sflag:s11], $0x200  }
0x7a: {  	[sflag:s11] =	ssyncset.done $0x0  }
0x7b: {  	[sflag:s11] =	ssyncadd.s32 $0xFFFFFE00  }
0x7c: {  	_ =	swait.ge [sflag:s11], $0x200  }
0x7d: {  	[sflag:s11] =	ssyncset.done $0x0  }
0x7e: {  	[sflag:s11] =	ssyncadd.s32 $0xFFFFFE00  }
0x7f: {  	_ =	swait.ge [sflag:s11], $0x200  }
0x80: {  	[sflag:s11] =	ssyncset.done $0x0  }
0x81: {  	[sflag:s11] =	ssyncadd.s32 $0xFFFFFE00  }
0x82: {  	_ =	swait.ge [sflag:s11], $0x200  }
0x83: {  	[sflag:s11] =	ssyncset.done $0x0  }
0x84: {  	[sflag:s11] =	ssyncadd.s32 $0xFFFFFE00  }
0x85: {  	_ =	swait.ge [sflag:s11], $0x200  }
0x86: {  	[sflag:s11] =	ssyncset.done $0x0  }
0x87: {  	[sflag:s11] =	ssyncadd.s32 $0xFFFFFE00  }
0x88: {  	_ =	swait.ge [sflag:s11], $0x200  }
0x89: {  	[sflag:s11] =	ssyncset.done $0x0  }
0x8a: {  	[sflag:s11] =	ssyncadd.s32 $0xFFFFFE00  }
0x8b: {  	_ =	swait.ge [sflag:s11], $0x200  }
0x8c: {  	[sflag:s11] =	ssyncset.done $0x0  }
0x8d: {  	[sflag:s11] =	ssyncadd.s32 $0xFFFFFE00  }
0x8e: {  	_ =	swait.ge [sflag:s11], $0x200  }
0x8f: {  	[sflag:s11] =	ssyncset.done $0x0  }
0x90: {  	[sflag:s11] =	ssyncadd.s32 $0xFFFFFE00  }
0x91: {  	_ =	swait.ge [sflag:s11], $0x200  }
0x92: {  	[sflag:s11] =	ssyncset.done $0x0  }
0x93: {  	[sflag:s11] =	ssyncadd.s32 $0xFFFFFE00  }
0x94: {  	_ =	swait.ge [sflag:s11], $0x200  }
0x95: {  	[sflag:s11] =	ssyncset.done $0x0  }
0x96: {  	[sflag:s11] =	ssyncadd.s32 $0xFFFFFE00  }
0x97: {  	_ =	swait.ge [sflag:s11], $0x200  }
0x98: {  	[sflag:s11] =	ssyncset.done $0x0  }
0x99: {  	[sflag:s11] =	ssyncadd.s32 $0xFFFFFE00  }
0x9a: {  	_ =	swait.ge [sflag:s11], $0x200  }
0x9b: {  	[sflag:s11] =	ssyncset.done $0x0  }
0x9c: {  	[sflag:s11] =	ssyncadd.s32 $0xFFFFFE00  }
0x9d: {  	_ =	swait.ge [sflag:s11], $0x200  }
0x9e: {  	[sflag:s11] =	ssyncset.done $0x0  }
0x9f: {  	[sflag:s11] =	ssyncadd.s32 $0xFFFFFE00  }
0xa0: {  	_ =	swait.ge [sflag:s11], $0x200  }
0xa1: {  	[sflag:s11] =	ssyncset.done $0x0  }
0xa2: {  	[sflag:s11] =	ssyncadd.s32 $0xFFFFFE00  }
0xa3: {  	_ =	swait.ge [sflag:s11], $0x200  }
0xa4: {  	[sflag:s11] =	ssyncset.done $0x0  }
0xa5: {  	[sflag:s11] =	ssyncadd.s32 $0xFFFFFE00  }
0xa6: {  	_ =	swait.ge [sflag:s11], $0x200  }
0xa7: {  	[sflag:s11] =	ssyncset.done $0x0  }
0xa8: {  	[sflag:s11] =	ssyncadd.s32 $0xFFFFFE00  }
0xa9: {  	_ =	swait.ge [sflag:s11], $0x200  }
0xaa: {  	[sflag:s11] =	ssyncset.done $0x0  }
0xab: {  	[sflag:s11] =	ssyncadd.s32 $0xFFFFFE00  }
0xac: {  	_ =	swait.ge [sflag:s11], $0x200  }
0xad: {  	[sflag:s11] =	ssyncset.done $0x0  }
0xae: {  	[sflag:s11] =	ssyncadd.s32 $0xFFFFFE00  }
0xaf: {  	_ =	swait.ge [sflag:s11], $0x200  }
0xb0: {  	[sflag:s11] =	ssyncset.done $0x0  }
0xb1: {  	[sflag:s11] =	ssyncadd.s32 $0xFFFFFE00  }
0xb2: {  	_ =	swait.ge [sflag:s11], $0x200  }
0xb3: {  	[sflag:s11] =	ssyncset.done $0x0  }
0xb4: {  	[sflag:s11] =	ssyncadd.s32 $0xFFFFFE00  }
0xb5: {  	_ =	swait.ge [sflag:s11], $0x200  }
0xb6: {  	[sflag:s11] =	ssyncset.done $0x0  }
0xb7: {  	[sflag:s11] =	ssyncadd.s32 $0xFFFFFE00  }
0xb8: {  	_ =	swait.ge [sflag:s11], $0x200  }
0xb9: {  	[sflag:s11] =	ssyncset.done $0x0  }
0xba: {  	[sflag:s11] =	ssyncadd.s32 $0xFFFFFE00  }
0xbb: {  	_ =	swait.ge [sflag:s11], $0x200  }
0xbc: {  	[sflag:s11] =	ssyncset.done $0x0  }
0xbd: {  	[sflag:s11] =	ssyncadd.s32 $0xFFFFFE00  }
0xbe: {  	_ =	swait.ge [sflag:s11], $0x200  }
0xbf: {  	[sflag:s11] =	ssyncset.done $0x0  }
0xc0: {  	[sflag:s11] =	ssyncadd.s32 $0xFFFFFE00  }
0xc1: {  	_ =	swait.ge [sflag:s11], $0x200  }
0xc2: {  	[sflag:s11] =	ssyncset.done $0x0  }
0xc3: {  	[sflag:s11] =	ssyncadd.s32 $0xFFFFFE00  }
0xc4: {  	_ =	swait.ge [sflag:s11], $0x200  }
0xc5: {  	[sflag:s11] =	ssyncset.done $0x0  }
0xc6: {  	[sflag:s11] =	ssyncadd.s32 $0xFFFFFE00  }
0xc7: {  	s12 =	sadd.s32 $0x1, s12;
	_ =	swait.ge [sflag:s11], $0x200  }
0xc8: {  	p0 =	sne.s32 s12, s6;
	[sflag:s11] =	ssyncset.done $0x0  }
.Ltmp1:
0xc9: {  	[sflag:s11] =	ssyncadd.s32 $0xFFFFFE00;
	(pc) =	sbr.rel @p0 .LBB2_1-.Ltmp1, $4  }
0xca: {  	[hbm4b:s5+s8] =	stream.strided.scatter [tilespmem:s9], [sflag:$0x2], $0x4000, s10, s8, $0x38;
	[tilespmem:$0x4400] =	vst v63  }
0xcb: {  	_ =	swait.ge [sflag:s7], $0x4000  }
0xcc: {  	[sflag:s7] =	ssyncset.done $0x0  }
0xcd: {  	[sflag:s7] =	ssyncadd.s32 $0xFFFFC000  }
0xce: {  	_ =	sfence.sel $0x180000  }
0xcf: {  	[bflag:$0x0] =	sbarrier.arrive $0xFFFF  }
0xd0: {  	_ =	strace $0x9000004A  }
0xd1: {  	s0 =	stileid.u32;
	[bflag:$0x2] =	sbarrier.arrive $0xFFFF  }
0xd2: {  	p0 =	sne.s32 s0, $0x0;
	s0 =	rddreg [dreg:$0x2]  }
0xd3: {  	s0 =	sadd.s32 @!p0 $0x100000, s0  }
0xd4: {  	[sflag:s0] =	ssyncadd.tile.s32 @!p0 $0x1;
	_ =	shalt  }
.Lfunc_end2:
_tile_overlayer_lowered:
.L_overlay_start_2:
0xd5: {  	(tag) =	ssettag $0x2  }
0xd6: {  	s0 =	rddreg [dreg:$0x0];
	s2 =	stileid.u32  }
0xd7: {  	s1 =	rddreg [dreg:$0x1];
	p0 =	sne.s32 s2, $0x0  }
0xd8: {  	s3 =	rddreg [dreg:$0x2];
	[bflag:$0x3] =	sbarrier.arrive $0xFFFF;
	s2 =	simm.s32 @!p0 $0x1C02  }
0xd9: {  	[timem:s3], [sflag:s2] =	dma.local @!p0 [hbm:s0], s1  }
0xda: {  	s0 =	simm.s32 @!p0 $0x2  }
0xdb: {  	_ =	swait.ge @!p0 [sflag:s0], s1  }
0xdc: {  	s1 =	ssub.s32 @!p0 $0x0, s1;
	[sflag:s0] =	ssyncset.done @!p0 $0x0  }
0xdd: {  	[sflag:s0] =	ssyncadd.s32 @!p0 s1  }
0xde: {  	[bflag:$0x3] =	sbarrier.arrive $0xFFFF  }
0xdf: {  	_ =	shalt  }

</sc_bundles>
